<compile_context>
chip_gen: v7x
topology: tpu7x:2x2x1
jax: 0.10.2.dev20260603
libtpu: 0.0.44.dev20260713+nightly
codegen_flags: <defaults>
</compile_context>

<pallas_src>
import functools

import jax
import jax.numpy as jnp
from jax import lax
from jax.experimental import pallas as pl
from jax.experimental.pallas import tpu as pltpu
from jax.experimental.pallas import tpu_sc as plsc

_H = 512
_W = 512
_C = 3
_PS = 16
_N = 16
_P = 1024

_L = 16
_NC_COMBOS = _N * _C
_ROWS_PER_P = _NC_COMBOS * _PS
_PAIRS_PER_P = 2 * _ROWS_PER_P
_IDX_MINOR = 128
_IDX_MAJOR = _PAIRS_PER_P // _IDX_MINOR
_OUT_PER_P = _ROWS_PER_P * _PS
_CHUNKS_PER_IMROW = _W // _L
_TABLE_ROWS = _N * _C * _H * _CHUNKS_PER_IMROW

_NUM_WORKERS = 32
_P_PER_WORKER = _P // _NUM_WORKERS

_mesh = plsc.VectorSubcoreMesh(core_axis_name="c", subcore_axis_name="s")

@functools.partial(
    pl.kernel,
    mesh=_mesh,
    out_type=jax.ShapeDtypeStruct((_P * _ROWS_PER_P, 128), jnp.float32),
    compiler_params=pltpu.CompilerParams(
        needs_layout_passes=False, use_tc_tiling_on_sc=False
    ),
    scratch_types=[
        pltpu.VMEM((4, 128), jnp.int32),
        pltpu.VMEM((4, 128), jnp.int32),
        pltpu.VMEM((_IDX_MAJOR, _IDX_MINOR), jnp.int32),
        pltpu.VMEM((_IDX_MAJOR, _IDX_MINOR), jnp.int32),
        pltpu.VMEM((_PAIRS_PER_P, _L), jnp.float32),
        pltpu.VMEM((_PAIRS_PER_P, _L), jnp.float32),
        pltpu.VMEM((_ROWS_PER_P, _PS), jnp.float32),
        pltpu.VMEM((_ROWS_PER_P, _PS), jnp.float32),
        pltpu.SemaphoreType.DMA,
        pltpu.SemaphoreType.DMA,
        pltpu.SemaphoreType.DMA,
        pltpu.SemaphoreType.DMA,
    ],
)
def _sc_gather(table, hpos, wpos, out, h_v, w_v, idx_v0, idx_v1,
               pairs_v0, pairs_v1, stage_v0, stage_v1,
               gsem0, gsem1, osem0, osem1):
    wid = lax.axis_index("s") * 2 + lax.axis_index("c")
    sl = pl.ds(wid * 4, 4)
    pltpu.sync_copy(hpos.at[sl], h_v)
    pltpu.sync_copy(wpos.at[sl], w_v)
    iota = lax.iota(jnp.int32, _L)

    bufs = ((idx_v0, pairs_v0, stage_v0, gsem0, osem0),
            (idx_v1, pairs_v1, stage_v1, gsem1, osem1))

    def gather_dmas(d, make_only):
        idx_v, pairs_v, _, gsem, _ = bufs[d]
        mk = pltpu.make_async_copy if make_only else pltpu.async_copy
        return [
            mk(
                table.at[idx_v.at[b]],
                pairs_v.at[pl.ds(b * _IDX_MINOR, _IDX_MINOR)],
                gsem,
            )
            for b in range(_IDX_MAJOR)
        ]

    def out_dma(k, d, make_only):
        _, _, stage_v, _, osem = bufs[d]
        p = wid * _P_PER_WORKER + k
        dst = out.at[pl.ds(p * _ROWS_PER_P, _ROWS_PER_P), pl.ds(0, _PS)]
        if make_only:
            return pltpu.make_async_copy(stage_v, dst, osem)
        return pltpu.async_copy(stage_v, dst, osem)

    def gen_and_fire(k, d):
        idx_v = bufs[d][0]
        hv = h_v[k // 8, pl.ds((k % 8) * _L, _L)]
        wv = w_v[k // 8, pl.ds((k % 8) * _L, _L)]
        hh = (hv + iota) & (_H - 1)
        c0 = wv >> 4
        rowbase = hh * _CHUNKS_PER_IMROW + c0
        delta = jnp.where(c0 == _CHUNKS_PER_IMROW - 1,
                          1 - _CHUNKS_PER_IMROW, 1)
        for nc in range(_NC_COMBOS):
            r0 = rowbase + nc * (_H * _CHUNKS_PER_IMROW)
            r, c = nc // 8, (nc % 8) * _L
            idx_v[r, pl.ds(c, _L)] = r0
            idx_v[r + 6, pl.ds(c, _L)] = r0 + delta
        gather_dmas(d, make_only=False)

    def finish(k, d):
        pairs_v, stage_v = bufs[d][1], bufs[d][2]
        for cp in gather_dmas(d, make_only=True):
            cp.wait()
        out_dma(k, d, make_only=True).wait()
        wv = w_v[k // 8, pl.ds((k % 8) * _L, _L)]
        lane_off = (wv & (_L - 1)) + iota
        roff = (lane_off >> 4) * _ROWS_PER_P
        coff = lane_off & (_L - 1)

        def per_row(t, c2):
            g = plsc.load_gather(pairs_v, [t + roff, coff])
            stage_v[t] = g
            return c2

        lax.fori_loop(0, _ROWS_PER_P, per_row, 0, unroll=8)
        out_dma(k, d, make_only=False)

    out_dma(0, 0, make_only=False)
    out_dma(1, 1, make_only=False)
    gen_and_fire(0, 0)

    def step(g, carry):
        k0 = 2 * g
        gen_and_fire(k0 + 1, 1)
        finish(k0, 0)
        gen_and_fire(jnp.minimum(k0 + 2, _P_PER_WORKER - 1), 0)
        finish(k0 + 1, 1)
        return carry

    lax.fori_loop(0, _P_PER_WORKER // 2, step, 0)
    for cp in gather_dmas(0, make_only=True):
        cp.wait()
    out_dma(0, 0, make_only=True).wait()
    out_dma(0, 1, make_only=True).wait()


_BP = 16


def _inds_body(h_sref, w_sref, o_ref):
    pid = pl.program_id(0)
    shape = (1, _N, _C, _PS, _PS)
    nn = lax.broadcasted_iota(jnp.int32, shape, 1)
    cc = lax.broadcasted_iota(jnp.int32, shape, 2)
    ii = lax.broadcasted_iota(jnp.int32, shape, 3)
    jj = lax.broadcasted_iota(jnp.int32, shape, 4)
    base = _W * _H * cc + _W * _H * _C * nn
    for b in range(_BP):
        h = h_sref[pid * _BP + b]
        w = w_sref[pid * _BP + b]
        o_ref[pl.ds(b, 1)] = (((w + jj) & (_W - 1))
                              + _W * ((h + ii) & (_H - 1)) + base)


def _tc_inds(h, w):
    grid_spec = pltpu.PrefetchScalarGridSpec(
        num_scalar_prefetch=2,
        grid=(_P // _BP,),
        in_specs=[],
        out_specs=pl.BlockSpec(
            (_BP, _N, _C, _PS, _PS), lambda i, h, w: (i, 0, 0, 0, 0)
        ),
    )
    return pl.pallas_call(
        _inds_body,
        grid_spec=grid_spec,
        out_shape=jax.ShapeDtypeStruct((_P, _N, _C, _PS, _PS), jnp.int32),
    )(h, w)


def kernel(imgs, position_inds_height, position_inds_width):
    h = position_inds_height.astype(jnp.int32)
    w = position_inds_width.astype(jnp.int32)
    table = imgs.reshape(_TABLE_ROWS, _L)
    h_rep = jnp.broadcast_to(h[:, None], (_P, _L)).reshape(128, 128)
    w_rep = jnp.broadcast_to(w[:, None], (_P, _L)).reshape(128, 128)
    patches = (
        _sc_gather(table, h_rep, w_rep)[:, :_PS]
        .reshape(_P, _N, _C, _PS, _PS)
    )
    linear_inds = _tc_inds(h, w).reshape(-1)
    return patches, linear_inds

# --- scband reference (transcript-rebuilt; emitter-appended) ---
"""Pipeline reference for scband-cut-patches-periodic-padding-23398981829311 (READ-ONLY COPY).

The authoritative reference and input builder live on the scoring server;
editing this copy changes nothing except your own understanding.
"""

import jax, jax.numpy as jnp
import numpy as np

H = 512
W = 512
C = 3
PS = 16
N = 16
P = 1024


def setup_inputs(seed: int = 0) -> dict:
    key = jax.random.key(seed)
    k1, k2, k3 = jax.random.split(key, 3)
    imgs = jax.random.normal(k1, (N, C, H, W), dtype=jnp.float32)
    position_inds_height = jax.random.randint(k2, (P,), 0, H)
    position_inds_width = jax.random.randint(k3, (P,), 0, W)
    return {
        "imgs": imgs,
        "position_inds_height": position_inds_height,
        "position_inds_width": position_inds_width,
    }


def reference(imgs, position_inds_height, position_inds_width):
    n_proj = position_inds_height.shape[0]
    n_imgs = imgs.shape[0]
    ar = jnp.arange(PS, dtype=jnp.int32)
    patch_width = jnp.zeros((C, PS, PS), dtype=jnp.int32) + ar[None, None, :]
    patch_height = jnp.zeros((C, PS, PS), dtype=jnp.int32) + ar[None, :, None]
    patches_width = (patch_width[None, :, :, :] + position_inds_width[:, None, None, None].astype(jnp.int32)) % W
    patches_height = (patch_height[None, :, :, :] + position_inds_height[:, None, None, None].astype(jnp.int32)) % H
    linear_inds = patches_width + W * patches_height + W * H * jnp.arange(C, dtype=jnp.int32)[None, :, None, None]
    linear_inds = jnp.tile(linear_inds.reshape(n_proj, 1, -1), (1, n_imgs, 1))
    linear_inds = linear_inds + C * H * W * jnp.arange(n_imgs, dtype=jnp.int32)[None, :, None]
    linear_inds = linear_inds.reshape(-1)
    patches = imgs.reshape(-1)[linear_inds].reshape(n_proj, n_imgs, C, PS, PS)
    return (patches, linear_inds)

if __name__ == "__main__":
    import jax
    _d = setup_inputs()
    print(jax.jit(kernel)(*tuple(_d.values())))

</pallas_src>

<mosaic_0001>
#map = affine_map<(d0, d1) -> (0, 0)>
module attributes {stable_mosaic.version = 14 : i64} {
  func.func @_sc_gather(%arg0: i32, %arg1: i32, %arg2: memref<786432x16xf32, #tpu.memory_space<hbm>>, %arg3: memref<128x128xi32, #tpu.memory_space<hbm>>, %arg4: memref<128x128xi32, #tpu.memory_space<hbm>>, %arg5: memref<786432x128xf32, #tpu.memory_space<hbm>>, %arg6: memref<4x128xi32, #tpu.memory_space<vmem>>, %arg7: memref<4x128xi32, #tpu.memory_space<vmem>>, %arg8: memref<12x128xi32, #tpu.memory_space<vmem>>, %arg9: memref<12x128xi32, #tpu.memory_space<vmem>>, %arg10: memref<1536x16xf32, #tpu.memory_space<vmem>>, %arg11: memref<1536x16xf32, #tpu.memory_space<vmem>>, %arg12: memref<768x16xf32, #tpu.memory_space<vmem>>, %arg13: memref<768x16xf32, #tpu.memory_space<vmem>>, %arg14: memref<!tpu.dma_semaphore, #tpu.memory_space<semaphore_mem>>, %arg15: memref<!tpu.dma_semaphore, #tpu.memory_space<semaphore_mem>>, %arg16: memref<!tpu.dma_semaphore, #tpu.memory_space<semaphore_mem>>, %arg17: memref<!tpu.dma_semaphore, #tpu.memory_space<semaphore_mem>>) attributes {dimension_semantics = [#tpu.dimension_semantics<core_parallel>, #tpu.dimension_semantics<subcore_parallel>], iteration_bounds = array<i64: 2, 16>, scalar_prefetch = 0 : i64, scratch_operands = 12 : i64, tpu.core_type = #tpu.core_type<sc_vector_subcore>, window_params = [{transform_indices = #map}, {transform_indices = #map}, {transform_indices = #map}, {transform_indices = #map}]} {
    %mul3A = arith.constant 2 : i32
    %mul3A_0 = arith.muli %arg1, %mul3A : i32
    %add3A = arith.addi %mul3A_0, %arg0 : i32
    %mul3A_1 = arith.constant 4 : i32
    %mul3A_2 = arith.muli %add3A, %mul3A_1 : i32
    "tpu.region"() ({
      %run_scoped3A = tpu.sem_alloc : memref<!tpu.dma_semaphore, #tpu.memory_space<semaphore_mem>>
      %dma_start3A_881 = arith.constant 0 : i32
      %dma_start3A_882 = tpu.memref_slice %arg3[%mul3A_2, %dma_start3A_881] : memref<128x128xi32, #tpu.memory_space<hbm>> -> memref<4x128xi32, #tpu.memory_space<hbm>>
      %dma_start3A_883 = arith.constant 0 : i32
      %dma_start3A_884 = tpu.memref_slice %arg3[%mul3A_2, %dma_start3A_883] : memref<128x128xi32, #tpu.memory_space<hbm>> -> memref<4x128xi32, #tpu.memory_space<hbm>>
      tpu.enqueue_dma source(%dma_start3A_884 : memref<4x128xi32, #tpu.memory_space<hbm>>) target(%arg6 : memref<4x128xi32, #tpu.memory_space<vmem>>) target_semaphore(%run_scoped3A : memref<!tpu.dma_semaphore, #tpu.memory_space<semaphore_mem>>)
      %dma_wait3A_885 = arith.constant 0 : i32
      %dma_wait3A_886 = tpu.memref_slice %arg3[%mul3A_2, %dma_wait3A_885] : memref<128x128xi32, #tpu.memory_space<hbm>> -> memref<4x128xi32, #tpu.memory_space<hbm>>
      %dma_wait3A_887 = arith.constant 0 : i32
      %dma_wait3A_888 = tpu.memref_slice %arg3[%mul3A_2, %dma_wait3A_887] : memref<128x128xi32, #tpu.memory_space<hbm>> -> memref<4x128xi32, #tpu.memory_space<hbm>>
      tpu.wait_dma2 semaphore(%run_scoped3A : memref<!tpu.dma_semaphore, #tpu.memory_space<semaphore_mem>>) src(%dma_wait3A_888 : memref<4x128xi32, #tpu.memory_space<hbm>>) dst(%arg6 : memref<4x128xi32, #tpu.memory_space<vmem>>)
      tpu.yield
    }) : () -> ()
    "tpu.region"() ({
      %run_scoped3A = tpu.sem_alloc : memref<!tpu.dma_semaphore, #tpu.memory_space<semaphore_mem>>
      %dma_start3A_881 = arith.constant 0 : i32
      %dma_start3A_882 = tpu.memref_slice %arg4[%mul3A_2, %dma_start3A_881] : memref<128x128xi32, #tpu.memory_space<hbm>> -> memref<4x128xi32, #tpu.memory_space<hbm>>
      %dma_start3A_883 = arith.constant 0 : i32
      %dma_start3A_884 = tpu.memref_slice %arg4[%mul3A_2, %dma_start3A_883] : memref<128x128xi32, #tpu.memory_space<hbm>> -> memref<4x128xi32, #tpu.memory_space<hbm>>
      tpu.enqueue_dma source(%dma_start3A_884 : memref<4x128xi32, #tpu.memory_space<hbm>>) target(%arg7 : memref<4x128xi32, #tpu.memory_space<vmem>>) target_semaphore(%run_scoped3A : memref<!tpu.dma_semaphore, #tpu.memory_space<semaphore_mem>>)
      %dma_wait3A_885 = arith.constant 0 : i32
      %dma_wait3A_886 = tpu.memref_slice %arg4[%mul3A_2, %dma_wait3A_885] : memref<128x128xi32, #tpu.memory_space<hbm>> -> memref<4x128xi32, #tpu.memory_space<hbm>>
      %dma_wait3A_887 = arith.constant 0 : i32
      %dma_wait3A_888 = tpu.memref_slice %arg4[%mul3A_2, %dma_wait3A_887] : memref<128x128xi32, #tpu.memory_space<hbm>> -> memref<4x128xi32, #tpu.memory_space<hbm>>
      tpu.wait_dma2 semaphore(%run_scoped3A : memref<!tpu.dma_semaphore, #tpu.memory_space<semaphore_mem>>) src(%dma_wait3A_888 : memref<4x128xi32, #tpu.memory_space<hbm>>) dst(%arg7 : memref<4x128xi32, #tpu.memory_space<vmem>>)
      tpu.yield
    }) : () -> ()
    %iota3A = tpu.iota {dimensions = array<i32: 0>} : vector<16xi32>
    %mul3A_3 = arith.constant 32 : i32
    %mul3A_4 = arith.muli %add3A, %mul3A_3 : i32
    %add3A_5 = arith.constant 0 : i32
    %add3A_6 = arith.addi %mul3A_4, %add3A_5 : i32
    %mul3A_7 = arith.constant 768 : i32
    %mul3A_8 = arith.muli %add3A_6, %mul3A_7 : i32
    %dma_start3A = arith.constant 0 : i32
    %dma_start3A_9 = tpu.memref_slice %arg5[%mul3A_8, %dma_start3A] : memref<786432x128xf32, #tpu.memory_space<hbm>> -> memref<768x16xf32, #tpu.memory_space<hbm>>
    %dma_start3A_10 = arith.constant 0 : i32
    %dma_start3A_11 = tpu.memref_slice %arg5[%mul3A_8, %dma_start3A_10] : memref<786432x128xf32, #tpu.memory_space<hbm>> -> memref<768x16xf32, #tpu.memory_space<hbm>>
    tpu.enqueue_dma source(%arg12 : memref<768x16xf32, #tpu.memory_space<vmem>>) target(%dma_start3A_11 : memref<768x16xf32, #tpu.memory_space<hbm>>) target_semaphore(%arg16 : memref<!tpu.dma_semaphore, #tpu.memory_space<semaphore_mem>>)
    %mul3A_12 = arith.constant 32 : i32
    %mul3A_13 = arith.muli %add3A, %mul3A_12 : i32
    %add3A_14 = arith.constant 1 : i32
    %add3A_15 = arith.addi %mul3A_13, %add3A_14 : i32
    %mul3A_16 = arith.constant 768 : i32
    %mul3A_17 = arith.muli %add3A_15, %mul3A_16 : i32
    %dma_start3A_18 = arith.constant 0 : i32
    %dma_start3A_19 = tpu.memref_slice %arg5[%mul3A_17, %dma_start3A_18] : memref<786432x128xf32, #tpu.memory_space<hbm>> -> memref<768x16xf32, #tpu.memory_space<hbm>>
    %dma_start3A_20 = arith.constant 0 : i32
    %dma_start3A_21 = tpu.memref_slice %arg5[%mul3A_17, %dma_start3A_20] : memref<786432x128xf32, #tpu.memory_space<hbm>> -> memref<768x16xf32, #tpu.memory_space<hbm>>
    tpu.enqueue_dma source(%arg13 : memref<768x16xf32, #tpu.memory_space<vmem>>) target(%dma_start3A_21 : memref<768x16xf32, #tpu.memory_space<hbm>>) target_semaphore(%arg17 : memref<!tpu.dma_semaphore, #tpu.memory_space<semaphore_mem>>)
    %get3A = arith.constant 0 : i32
    %get3A_22 = arith.index_cast %get3A : i32 to index
    %get3A_23 = arith.constant 0 : index
    %get3A_24 = tpu.vector_load %arg6[%get3A_22, %get3A_23] {strides = array<i32>} : memref<4x128xi32, #tpu.memory_space<vmem>>, vector<16xi32>,
    %get3A_25 = arith.constant 0 : i32
    %get3A_26 = arith.index_cast %get3A_25 : i32 to index
    %get3A_27 = arith.constant 0 : index
    %get3A_28 = tpu.vector_load %arg7[%get3A_26, %get3A_27] {strides = array<i32>} : memref<4x128xi32, #tpu.memory_space<vmem>>, vector<16xi32>,
    %add3A_29 = arith.addi %get3A_24, %iota3A : vector<16xi32>
    %and3A = arith.constant 511 : i32
    %and3A_30 = vector.broadcast %and3A : i32 to vector<16xi32>
    %and3A_31 = arith.andi %add3A_29, %and3A_30 : vector<16xi32>
    %shift_right_arithmetic3A = arith.constant 4 : i32
    %shift_right_arithmetic3A_32 = vector.broadcast %shift_right_arithmetic3A : i32 to vector<16xi32>
    %shift_right_arithmetic3A_33 = arith.shrsi %get3A_28, %shift_right_arithmetic3A_32 : vector<16xi32>
    %mul3A_34 = arith.constant 32 : i32
    %mul3A_35 = vector.broadcast %mul3A_34 : i32 to vector<16xi32>
    %mul3A_36 = arith.muli %and3A_31, %mul3A_35 : vector<16xi32>
    %add3A_37 = arith.addi %mul3A_36, %shift_right_arithmetic3A_33 : vector<16xi32>
    %eq3A = arith.constant 31 : i32
    %eq3A_38 = vector.broadcast %eq3A : i32 to vector<16xi32>
    %eq3A_39 = arith.cmpi eq, %shift_right_arithmetic3A_33, %eq3A_38 : vector<16xi32>
    %jit3A = arith.constant -31 : i32
    %jit3A_40 = arith.constant 1 : i32
    %broadcast_in_dim3A = vector.broadcast %jit3A : i32 to vector<16xi32>
    %broadcast_in_dim3A_41 = vector.broadcast %jit3A_40 : i32 to vector<16xi32>
    %select_n3A = arith.select %eq3A_39, %broadcast_in_dim3A, %broadcast_in_dim3A_41 : vector<16xi1>, vector<16xi32>
    %add3A_42 = arith.constant 0 : i32
    %add3A_43 = vector.broadcast %add3A_42 : i32 to vector<16xi32>
    %add3A_44 = arith.addi %add3A_37, %add3A_43 : vector<16xi32>
    %swap3A = arith.constant 0 : i32
    %swap3A_45 = arith.index_cast %swap3A : i32 to index
    %swap3A_46 = arith.constant 0 : index
    %swap3A_47 = tpu.vector_load %arg8[%swap3A_45, %swap3A_46] {strides = array<i32>} : memref<12x128xi32, #tpu.memory_space<vmem>>, vector<16xi32>,
    tpu.vector_store %arg8[%swap3A_45, %swap3A_46], %add3A_44 {strides = array<i32>} : memref<12x128xi32, #tpu.memory_space<vmem>>, vector<16xi32>,
    %add3A_48 = arith.addi %add3A_44, %select_n3A : vector<16xi32>
    %swap3A_49 = arith.constant 6 : i32
    %swap3A_50 = arith.index_cast %swap3A_49 : i32 to index
    %swap3A_51 = arith.constant 0 : index
    %swap3A_52 = tpu.vector_load %arg8[%swap3A_50, %swap3A_51] {strides = array<i32>} : memref<12x128xi32, #tpu.memory_space<vmem>>, vector<16xi32>,
    tpu.vector_store %arg8[%swap3A_50, %swap3A_51], %add3A_48 {strides = array<i32>} : memref<12x128xi32, #tpu.memory_space<vmem>>, vector<16xi32>,
    %add3A_53 = arith.constant 16384 : i32
    %add3A_54 = vector.broadcast %add3A_53 : i32 to vector<16xi32>
    %add3A_55 = arith.addi %add3A_37, %add3A_54 : vector<16xi32>
    %swap3A_56 = arith.constant 0 : i32
    %swap3A_57 = arith.index_cast %swap3A_56 : i32 to index
    %swap3A_58 = arith.constant 16 : index
    %swap3A_59 = tpu.vector_load %arg8[%swap3A_57, %swap3A_58] {strides = array<i32>} : memref<12x128xi32, #tpu.memory_space<vmem>>, vector<16xi32>,
    tpu.vector_store %arg8[%swap3A_57, %swap3A_58], %add3A_55 {strides = array<i32>} : memref<12x128xi32, #tpu.memory_space<vmem>>, vector<16xi32>,
    %add3A_60 = arith.addi %add3A_55, %select_n3A : vector<16xi32>
    %swap3A_61 = arith.constant 6 : i32
    %swap3A_62 = arith.index_cast %swap3A_61 : i32 to index
    %swap3A_63 = arith.constant 16 : index
    %swap3A_64 = tpu.vector_load %arg8[%swap3A_62, %swap3A_63] {strides = array<i32>} : memref<12x128xi32, #tpu.memory_space<vmem>>, vector<16xi32>,
    tpu.vector_store %arg8[%swap3A_62, %swap3A_63], %add3A_60 {strides = array<i32>} : memref<12x128xi32, #tpu.memory_space<vmem>>, vector<16xi32>,
    %add3A_65 = arith.constant 32768 : i32
    %add3A_66 = vector.broadcast %add3A_65 : i32 to vector<16xi32>
    %add3A_67 = arith.addi %add3A_37, %add3A_66 : vector<16xi32>
    %swap3A_68 = arith.constant 0 : i32
    %swap3A_69 = arith.index_cast %swap3A_68 : i32 to index
    %swap3A_70 = arith.constant 32 : index
    %swap3A_71 = tpu.vector_load %arg8[%swap3A_69, %swap3A_70] {strides = array<i32>} : memref<12x128xi32, #tpu.memory_space<vmem>>, vector<16xi32>,
    tpu.vector_store %arg8[%swap3A_69, %swap3A_70], %add3A_67 {strides = array<i32>} : memref<12x128xi32, #tpu.memory_space<vmem>>, vector<16xi32>,
    %add3A_72 = arith.addi %add3A_67, %select_n3A : vector<16xi32>
    %swap3A_73 = arith.constant 6 : i32
    %swap3A_74 = arith.index_cast %swap3A_73 : i32 to index
    %swap3A_75 = arith.constant 32 : index
    %swap3A_76 = tpu.vector_load %arg8[%swap3A_74, %swap3A_75] {strides = array<i32>} : memref<12x128xi32, #tpu.memory_space<vmem>>, vector<16xi32>,
    tpu.vector_store %arg8[%swap3A_74, %swap3A_75], %add3A_72 {strides = array<i32>} : memref<12x128xi32, #tpu.memory_space<vmem>>, vector<16xi32>,
    %add3A_77 = arith.constant 49152 : i32
    %add3A_78 = vector.broadcast %add3A_77 : i32 to vector<16xi32>
    %add3A_79 = arith.addi %add3A_37, %add3A_78 : vector<16xi32>
    %swap3A_80 = arith.constant 0 : i32
    %swap3A_81 = arith.index_cast %swap3A_80 : i32 to index
    %swap3A_82 = arith.constant 48 : index
    %swap3A_83 = tpu.vector_load %arg8[%swap3A_81, %swap3A_82] {strides = array<i32>} : memref<12x128xi32, #tpu.memory_space<vmem>>, vector<16xi32>,
    tpu.vector_store %arg8[%swap3A_81, %swap3A_82], %add3A_79 {strides = array<i32>} : memref<12x128xi32, #tpu.memory_space<vmem>>, vector<16xi32>,
    %add3A_84 = arith.addi %add3A_79, %select_n3A : vector<16xi32>
    %swap3A_85 = arith.constant 6 : i32
    %swap3A_86 = arith.index_cast %swap3A_85 : i32 to index
    %swap3A_87 = arith.constant 48 : index
    %swap3A_88 = tpu.vector_load %arg8[%swap3A_86, %swap3A_87] {strides = array<i32>} : memref<12x128xi32, #tpu.memory_space<vmem>>, vector<16xi32>,
    tpu.vector_store %arg8[%swap3A_86, %swap3A_87], %add3A_84 {strides = array<i32>} : memref<12x128xi32, #tpu.memory_space<vmem>>, vector<16xi32>,
    %add3A_89 = arith.constant 65536 : i32
    %add3A_90 = vector.broadcast %add3A_89 : i32 to vector<16xi32>
    %add3A_91 = arith.addi %add3A_37, %add3A_90 : vector<16xi32>
    %swap3A_92 = arith.constant 0 : i32
    %swap3A_93 = arith.index_cast %swap3A_92 : i32 to index
    %swap3A_94 = arith.constant 64 : index
    %swap3A_95 = tpu.vector_load %arg8[%swap3A_93, %swap3A_94] {strides = array<i32>} : memref<12x128xi32, #tpu.memory_space<vmem>>, vector<16xi32>,
    tpu.vector_store %arg8[%swap3A_93, %swap3A_94], %add3A_91 {strides = array<i32>} : memref<12x128xi32, #tpu.memory_space<vmem>>, vector<16xi32>,
    %add3A_96 = arith.addi %add3A_91, %select_n3A : vector<16xi32>
    %swap3A_97 = arith.constant 6 : i32
    %swap3A_98 = arith.index_cast %swap3A_97 : i32 to index
    %swap3A_99 = arith.constant 64 : index
    %swap3A_100 = tpu.vector_load %arg8[%swap3A_98, %swap3A_99] {strides = array<i32>} : memref<12x128xi32, #tpu.memory_space<vmem>>, vector<16xi32>,
    tpu.vector_store %arg8[%swap3A_98, %swap3A_99], %add3A_96 {strides = array<i32>} : memref<12x128xi32, #tpu.memory_space<vmem>>, vector<16xi32>,
    %add3A_101 = arith.constant 81920 : i32
    %add3A_102 = vector.broadcast %add3A_101 : i32 to vector<16xi32>
    %add3A_103 = arith.addi %add3A_37, %add3A_102 : vector<16xi32>
    %swap3A_104 = arith.constant 0 : i32
    %swap3A_105 = arith.index_cast %swap3A_104 : i32 to index
    %swap3A_106 = arith.constant 80 : index
    %swap3A_107 = tpu.vector_load %arg8[%swap3A_105, %swap3A_106] {strides = array<i32>} : memref<12x128xi32, #tpu.memory_space<vmem>>, vector<16xi32>,
    tpu.vector_store %arg8[%swap3A_105, %swap3A_106], %add3A_103 {strides = array<i32>} : memref<12x128xi32, #tpu.memory_space<vmem>>, vector<16xi32>,
    %add3A_108 = arith.addi %add3A_103, %select_n3A : vector<16xi32>
    %swap3A_109 = arith.constant 6 : i32
    %swap3A_110 = arith.index_cast %swap3A_109 : i32 to index
    %swap3A_111 = arith.constant 80 : index
    %swap3A_112 = tpu.vector_load %arg8[%swap3A_110, %swap3A_111] {strides = array<i32>} : memref<12x128xi32, #tpu.memory_space<vmem>>, vector<16xi32>,
    tpu.vector_store %arg8[%swap3A_110, %swap3A_111], %add3A_108 {strides = array<i32>} : memref<12x128xi32, #tpu.memory_space<vmem>>, vector<16xi32>,
    %add3A_113 = arith.constant 98304 : i32
    %add3A_114 = vector.broadcast %add3A_113 : i32 to vector<16xi32>
    %add3A_115 = arith.addi %add3A_37, %add3A_114 : vector<16xi32>
    %swap3A_116 = arith.constant 0 : i32
    %swap3A_117 = arith.index_cast %swap3A_116 : i32 to index
    %swap3A_118 = arith.constant 96 : index
    %swap3A_119 = tpu.vector_load %arg8[%swap3A_117, %swap3A_118] {strides = array<i32>} : memref<12x128xi32, #tpu.memory_space<vmem>>, vector<16xi32>,
    tpu.vector_store %arg8[%swap3A_117, %swap3A_118], %add3A_115 {strides = array<i32>} : memref<12x128xi32, #tpu.memory_space<vmem>>, vector<16xi32>,
    %add3A_120 = arith.addi %add3A_115, %select_n3A : vector<16xi32>
    %swap3A_121 = arith.constant 6 : i32
    %swap3A_122 = arith.index_cast %swap3A_121 : i32 to index
    %swap3A_123 = arith.constant 96 : index
    %swap3A_124 = tpu.vector_load %arg8[%swap3A_122, %swap3A_123] {strides = array<i32>} : memref<12x128xi32, #tpu.memory_space<vmem>>, vector<16xi32>,
    tpu.vector_store %arg8[%swap3A_122, %swap3A_123], %add3A_120 {strides = array<i32>} : memref<12x128xi32, #tpu.memory_space<vmem>>, vector<16xi32>,
    %add3A_125 = arith.constant 114688 : i32
    %add3A_126 = vector.broadcast %add3A_125 : i32 to vector<16xi32>
    %add3A_127 = arith.addi %add3A_37, %add3A_126 : vector<16xi32>
    %swap3A_128 = arith.constant 0 : i32
    %swap3A_129 = arith.index_cast %swap3A_128 : i32 to index
    %swap3A_130 = arith.constant 112 : index
    %swap3A_131 = tpu.vector_load %arg8[%swap3A_129, %swap3A_130] {strides = array<i32>} : memref<12x128xi32, #tpu.memory_space<vmem>>, vector<16xi32>,
    tpu.vector_store %arg8[%swap3A_129, %swap3A_130], %add3A_127 {strides = array<i32>} : memref<12x128xi32, #tpu.memory_space<vmem>>, vector<16xi32>,
    %add3A_132 = arith.addi %add3A_127, %select_n3A : vector<16xi32>
    %swap3A_133 = arith.constant 6 : i32
    %swap3A_134 = arith.index_cast %swap3A_133 : i32 to index
    %swap3A_135 = arith.constant 112 : index
    %swap3A_136 = tpu.vector_load %arg8[%swap3A_134, %swap3A_135] {strides = array<i32>} : memref<12x128xi32, #tpu.memory_space<vmem>>, vector<16xi32>,
    tpu.vector_store %arg8[%swap3A_134, %swap3A_135], %add3A_132 {strides = array<i32>} : memref<12x128xi32, #tpu.memory_space<vmem>>, vector<16xi32>,
    %add3A_137 = arith.constant 131072 : i32
    %add3A_138 = vector.broadcast %add3A_137 : i32 to vector<16xi32>
    %add3A_139 = arith.addi %add3A_37, %add3A_138 : vector<16xi32>
    %swap3A_140 = arith.constant 1 : i32
    %swap3A_141 = arith.index_cast %swap3A_140 : i32 to index
    %swap3A_142 = arith.constant 0 : index
    %swap3A_143 = tpu.vector_load %arg8[%swap3A_141, %swap3A_142] {strides = array<i32>} : memref<12x128xi32, #tpu.memory_space<vmem>>, vector<16xi32>,
    tpu.vector_store %arg8[%swap3A_141, %swap3A_142], %add3A_139 {strides = array<i32>} : memref<12x128xi32, #tpu.memory_space<vmem>>, vector<16xi32>,
    %add3A_144 = arith.addi %add3A_139, %select_n3A : vector<16xi32>
    %swap3A_145 = arith.constant 7 : i32
    %swap3A_146 = arith.index_cast %swap3A_145 : i32 to index
    %swap3A_147 = arith.constant 0 : index
    %swap3A_148 = tpu.vector_load %arg8[%swap3A_146, %swap3A_147] {strides = array<i32>} : memref<12x128xi32, #tpu.memory_space<vmem>>, vector<16xi32>,
    tpu.vector_store %arg8[%swap3A_146, %swap3A_147], %add3A_144 {strides = array<i32>} : memref<12x128xi32, #tpu.memory_space<vmem>>, vector<16xi32>,
    %add3A_149 = arith.constant 147456 : i32
    %add3A_150 = vector.broadcast %add3A_149 : i32 to vector<16xi32>
    %add3A_151 = arith.addi %add3A_37, %add3A_150 : vector<16xi32>
    %swap3A_152 = arith.constant 1 : i32
    %swap3A_153 = arith.index_cast %swap3A_152 : i32 to index
    %swap3A_154 = arith.constant 16 : index
    %swap3A_155 = tpu.vector_load %arg8[%swap3A_153, %swap3A_154] {strides = array<i32>} : memref<12x128xi32, #tpu.memory_space<vmem>>, vector<16xi32>,
    tpu.vector_store %arg8[%swap3A_153, %swap3A_154], %add3A_151 {strides = array<i32>} : memref<12x128xi32, #tpu.memory_space<vmem>>, vector<16xi32>,
    %add3A_156 = arith.addi %add3A_151, %select_n3A : vector<16xi32>
    %swap3A_157 = arith.constant 7 : i32
    %swap3A_158 = arith.index_cast %swap3A_157 : i32 to index
    %swap3A_159 = arith.constant 16 : index
    %swap3A_160 = tpu.vector_load %arg8[%swap3A_158, %swap3A_159] {strides = array<i32>} : memref<12x128xi32, #tpu.memory_space<vmem>>, vector<16xi32>,
    tpu.vector_store %arg8[%swap3A_158, %swap3A_159], %add3A_156 {strides = array<i32>} : memref<12x128xi32, #tpu.memory_space<vmem>>, vector<16xi32>,
    %add3A_161 = arith.constant 163840 : i32
    %add3A_162 = vector.broadcast %add3A_161 : i32 to vector<16xi32>
    %add3A_163 = arith.addi %add3A_37, %add3A_162 : vector<16xi32>
    %swap3A_164 = arith.constant 1 : i32
    %swap3A_165 = arith.index_cast %swap3A_164 : i32 to index
    %swap3A_166 = arith.constant 32 : index
    %swap3A_167 = tpu.vector_load %arg8[%swap3A_165, %swap3A_166] {strides = array<i32>} : memref<12x128xi32, #tpu.memory_space<vmem>>, vector<16xi32>,
    tpu.vector_store %arg8[%swap3A_165, %swap3A_166], %add3A_163 {strides = array<i32>} : memref<12x128xi32, #tpu.memory_space<vmem>>, vector<16xi32>,
    %add3A_168 = arith.addi %add3A_163, %select_n3A : vector<16xi32>
    %swap3A_169 = arith.constant 7 : i32
    %swap3A_170 = arith.index_cast %swap3A_169 : i32 to index
    %swap3A_171 = arith.constant 32 : index
    %swap3A_172 = tpu.vector_load %arg8[%swap3A_170, %swap3A_171] {strides = array<i32>} : memref<12x128xi32, #tpu.memory_space<vmem>>, vector<16xi32>,
    tpu.vector_store %arg8[%swap3A_170, %swap3A_171], %add3A_168 {strides = array<i32>} : memref<12x128xi32, #tpu.memory_space<vmem>>, vector<16xi32>,
    %add3A_173 = arith.constant 180224 : i32
    %add3A_174 = vector.broadcast %add3A_173 : i32 to vector<16xi32>
    %add3A_175 = arith.addi %add3A_37, %add3A_174 : vector<16xi32>
    %swap3A_176 = arith.constant 1 : i32
    %swap3A_177 = arith.index_cast %swap3A_176 : i32 to index
    %swap3A_178 = arith.constant 48 : index
    %swap3A_179 = tpu.vector_load %arg8[%swap3A_177, %swap3A_178] {strides = array<i32>} : memref<12x128xi32, #tpu.memory_space<vmem>>, vector<16xi32>,
    tpu.vector_store %arg8[%swap3A_177, %swap3A_178], %add3A_175 {strides = array<i32>} : memref<12x128xi32, #tpu.memory_space<vmem>>, vector<16xi32>,
    %add3A_180 = arith.addi %add3A_175, %select_n3A : vector<16xi32>
    %swap3A_181 = arith.constant 7 : i32
    %swap3A_182 = arith.index_cast %swap3A_181 : i32 to index
    %swap3A_183 = arith.constant 48 : index
    %swap3A_184 = tpu.vector_load %arg8[%swap3A_182, %swap3A_183] {strides = array<i32>} : memref<12x128xi32, #tpu.memory_space<vmem>>, vector<16xi32>,
    tpu.vector_store %arg8[%swap3A_182, %swap3A_183], %add3A_180 {strides = array<i32>} : memref<12x128xi32, #tpu.memory_space<vmem>>, vector<16xi32>,
    %add3A_185 = arith.constant 196608 : i32
    %add3A_186 = vector.broadcast %add3A_185 : i32 to vector<16xi32>
    %add3A_187 = arith.addi %add3A_37, %add3A_186 : vector<16xi32>
    %swap3A_188 = arith.constant 1 : i32
    %swap3A_189 = arith.index_cast %swap3A_188 : i32 to index
    %swap3A_190 = arith.constant 64 : index
    %swap3A_191 = tpu.vector_load %arg8[%swap3A_189, %swap3A_190] {strides = array<i32>} : memref<12x128xi32, #tpu.memory_space<vmem>>, vector<16xi32>,
    tpu.vector_store %arg8[%swap3A_189, %swap3A_190], %add3A_187 {strides = array<i32>} : memref<12x128xi32, #tpu.memory_space<vmem>>, vector<16xi32>,
    %add3A_192 = arith.addi %add3A_187, %select_n3A : vector<16xi32>
    %swap3A_193 = arith.constant 7 : i32
    %swap3A_194 = arith.index_cast %swap3A_193 : i32 to index
    %swap3A_195 = arith.constant 64 : index
    %swap3A_196 = tpu.vector_load %arg8[%swap3A_194, %swap3A_195] {strides = array<i32>} : memref<12x128xi32, #tpu.memory_space<vmem>>, vector<16xi32>,
    tpu.vector_store %arg8[%swap3A_194, %swap3A_195], %add3A_192 {strides = array<i32>} : memref<12x128xi32, #tpu.memory_space<vmem>>, vector<16xi32>,
    %add3A_197 = arith.constant 212992 : i32
    %add3A_198 = vector.broadcast %add3A_197 : i32 to vector<16xi32>
    %add3A_199 = arith.addi %add3A_37, %add3A_198 : vector<16xi32>
    %swap3A_200 = arith.constant 1 : i32
    %swap3A_201 = arith.index_cast %swap3A_200 : i32 to index
    %swap3A_202 = arith.constant 80 : index
    %swap3A_203 = tpu.vector_load %arg8[%swap3A_201, %swap3A_202] {strides = array<i32>} : memref<12x128xi32, #tpu.memory_space<vmem>>, vector<16xi32>,
    tpu.vector_store %arg8[%swap3A_201, %swap3A_202], %add3A_199 {strides = array<i32>} : memref<12x128xi32, #tpu.memory_space<vmem>>, vector<16xi32>,
    %add3A_204 = arith.addi %add3A_199, %select_n3A : vector<16xi32>
    %swap3A_205 = arith.constant 7 : i32
    %swap3A_206 = arith.index_cast %swap3A_205 : i32 to index
    %swap3A_207 = arith.constant 80 : index
    %swap3A_208 = tpu.vector_load %arg8[%swap3A_206, %swap3A_207] {strides = array<i32>} : memref<12x128xi32, #tpu.memory_space<vmem>>, vector<16xi32>,
    tpu.vector_store %arg8[%swap3A_206, %swap3A_207], %add3A_204 {strides = array<i32>} : memref<12x128xi32, #tpu.memory_space<vmem>>, vector<16xi32>,
    %add3A_209 = arith.constant 229376 : i32
    %add3A_210 = vector.broadcast %add3A_209 : i32 to vector<16xi32>
    %add3A_211 = arith.addi %add3A_37, %add3A_210 : vector<16xi32>
    %swap3A_212 = arith.constant 1 : i32
    %swap3A_213 = arith.index_cast %swap3A_212 : i32 to index
    %swap3A_214 = arith.constant 96 : index
    %swap3A_215 = tpu.vector_load %arg8[%swap3A_213, %swap3A_214] {strides = array<i32>} : memref<12x128xi32, #tpu.memory_space<vmem>>, vector<16xi32>,
    tpu.vector_store %arg8[%swap3A_213, %swap3A_214], %add3A_211 {strides = array<i32>} : memref<12x128xi32, #tpu.memory_space<vmem>>, vector<16xi32>,
    %add3A_216 = arith.addi %add3A_211, %select_n3A : vector<16xi32>
    %swap3A_217 = arith.constant 7 : i32
    %swap3A_218 = arith.index_cast %swap3A_217 : i32 to index
    %swap3A_219 = arith.constant 96 : index
    %swap3A_220 = tpu.vector_load %arg8[%swap3A_218, %swap3A_219] {strides = array<i32>} : memref<12x128xi32, #tpu.memory_space<vmem>>, vector<16xi32>,
    tpu.vector_store %arg8[%swap3A_218, %swap3A_219], %add3A_216 {strides = array<i32>} : memref<12x128xi32, #tpu.memory_space<vmem>>, vector<16xi32>,
    %add3A_221 = arith.constant 245760 : i32
    %add3A_222 = vector.broadcast %add3A_221 : i32 to vector<16xi32>
    %add3A_223 = arith.addi %add3A_37, %add3A_222 : vector<16xi32>
    %swap3A_224 = arith.constant 1 : i32
    %swap3A_225 = arith.index_cast %swap3A_224 : i32 to index
    %swap3A_226 = arith.constant 112 : index
    %swap3A_227 = tpu.vector_load %arg8[%swap3A_225, %swap3A_226] {strides = array<i32>} : memref<12x128xi32, #tpu.memory_space<vmem>>, vector<16xi32>,
    tpu.vector_store %arg8[%swap3A_225, %swap3A_226], %add3A_223 {strides = array<i32>} : memref<12x128xi32, #tpu.memory_space<vmem>>, vector<16xi32>,
    %add3A_228 = arith.addi %add3A_223, %select_n3A : vector<16xi32>
    %swap3A_229 = arith.constant 7 : i32
    %swap3A_230 = arith.index_cast %swap3A_229 : i32 to index
    %swap3A_231 = arith.constant 112 : index
    %swap3A_232 = tpu.vector_load %arg8[%swap3A_230, %swap3A_231] {strides = array<i32>} : memref<12x128xi32, #tpu.memory_space<vmem>>, vector<16xi32>,
    tpu.vector_store %arg8[%swap3A_230, %swap3A_231], %add3A_228 {strides = array<i32>} : memref<12x128xi32, #tpu.memory_space<vmem>>, vector<16xi32>,
    %add3A_233 = arith.constant 262144 : i32
    %add3A_234 = vector.broadcast %add3A_233 : i32 to vector<16xi32>
    %add3A_235 = arith.addi %add3A_37, %add3A_234 : vector<16xi32>
    %swap3A_236 = arith.constant 2 : i32
    %swap3A_237 = arith.index_cast %swap3A_236 : i32 to index
    %swap3A_238 = arith.constant 0 : index
    %swap3A_239 = tpu.vector_load %arg8[%swap3A_237, %swap3A_238] {strides = array<i32>} : memref<12x128xi32, #tpu.memory_space<vmem>>, vector<16xi32>,
    tpu.vector_store %arg8[%swap3A_237, %swap3A_238], %add3A_235 {strides = array<i32>} : memref<12x128xi32, #tpu.memory_space<vmem>>, vector<16xi32>,
    %add3A_240 = arith.addi %add3A_235, %select_n3A : vector<16xi32>
    %swap3A_241 = arith.constant 8 : i32
    %swap3A_242 = arith.index_cast %swap3A_241 : i32 to index
    %swap3A_243 = arith.constant 0 : index
    %swap3A_244 = tpu.vector_load %arg8[%swap3A_242, %swap3A_243] {strides = array<i32>} : memref<12x128xi32, #tpu.memory_space<vmem>>, vector<16xi32>,
    tpu.vector_store %arg8[%swap3A_242, %swap3A_243], %add3A_240 {strides = array<i32>} : memref<12x128xi32, #tpu.memory_space<vmem>>, vector<16xi32>,
    %add3A_245 = arith.constant 278528 : i32
    %add3A_246 = vector.broadcast %add3A_245 : i32 to vector<16xi32>
    %add3A_247 = arith.addi %add3A_37, %add3A_246 : vector<16xi32>
    %swap3A_248 = arith.constant 2 : i32
    %swap3A_249 = arith.index_cast %swap3A_248 : i32 to index
    %swap3A_250 = arith.constant 16 : index
    %swap3A_251 = tpu.vector_load %arg8[%swap3A_249, %swap3A_250] {strides = array<i32>} : memref<12x128xi32, #tpu.memory_space<vmem>>, vector<16xi32>,
    tpu.vector_store %arg8[%swap3A_249, %swap3A_250], %add3A_247 {strides = array<i32>} : memref<12x128xi32, #tpu.memory_space<vmem>>, vector<16xi32>,
    %add3A_252 = arith.addi %add3A_247, %select_n3A : vector<16xi32>
    %swap3A_253 = arith.constant 8 : i32
    %swap3A_254 = arith.index_cast %swap3A_253 : i32 to index
    %swap3A_255 = arith.constant 16 : index
    %swap3A_256 = tpu.vector_load %arg8[%swap3A_254, %swap3A_255] {strides = array<i32>} : memref<12x128xi32, #tpu.memory_space<vmem>>, vector<16xi32>,
    tpu.vector_store %arg8[%swap3A_254, %swap3A_255], %add3A_252 {strides = array<i32>} : memref<12x128xi32, #tpu.memory_space<vmem>>, vector<16xi32>,
    %add3A_257 = arith.constant 294912 : i32
    %add3A_258 = vector.broadcast %add3A_257 : i32 to vector<16xi32>
    %add3A_259 = arith.addi %add3A_37, %add3A_258 : vector<16xi32>
    %swap3A_260 = arith.constant 2 : i32
    %swap3A_261 = arith.index_cast %swap3A_260 : i32 to index
    %swap3A_262 = arith.constant 32 : index
    %swap3A_263 = tpu.vector_load %arg8[%swap3A_261, %swap3A_262] {strides = array<i32>} : memref<12x128xi32, #tpu.memory_space<vmem>>, vector<16xi32>,
    tpu.vector_store %arg8[%swap3A_261, %swap3A_262], %add3A_259 {strides = array<i32>} : memref<12x128xi32, #tpu.memory_space<vmem>>, vector<16xi32>,
    %add3A_264 = arith.addi %add3A_259, %select_n3A : vector<16xi32>
    %swap3A_265 = arith.constant 8 : i32
    %swap3A_266 = arith.index_cast %swap3A_265 : i32 to index
    %swap3A_267 = arith.constant 32 : index
    %swap3A_268 = tpu.vector_load %arg8[%swap3A_266, %swap3A_267] {strides = array<i32>} : memref<12x128xi32, #tpu.memory_space<vmem>>, vector<16xi32>,
    tpu.vector_store %arg8[%swap3A_266, %swap3A_267], %add3A_264 {strides = array<i32>} : memref<12x128xi32, #tpu.memory_space<vmem>>, vector<16xi32>,
    %add3A_269 = arith.constant 311296 : i32
    %add3A_270 = vector.broadcast %add3A_269 : i32 to vector<16xi32>
    %add3A_271 = arith.addi %add3A_37, %add3A_270 : vector<16xi32>
    %swap3A_272 = arith.constant 2 : i32
    %swap3A_273 = arith.index_cast %swap3A_272 : i32 to index
    %swap3A_274 = arith.constant 48 : index
    %swap3A_275 = tpu.vector_load %arg8[%swap3A_273, %swap3A_274] {strides = array<i32>} : memref<12x128xi32, #tpu.memory_space<vmem>>, vector<16xi32>,
    tpu.vector_store %arg8[%swap3A_273, %swap3A_274], %add3A_271 {strides = array<i32>} : memref<12x128xi32, #tpu.memory_space<vmem>>, vector<16xi32>,
    %add3A_276 = arith.addi %add3A_271, %select_n3A : vector<16xi32>
    %swap3A_277 = arith.constant 8 : i32
    %swap3A_278 = arith.index_cast %swap3A_277 : i32 to index
    %swap3A_279 = arith.constant 48 : index
    %swap3A_280 = tpu.vector_load %arg8[%swap3A_278, %swap3A_279] {strides = array<i32>} : memref<12x128xi32, #tpu.memory_space<vmem>>, vector<16xi32>,
    tpu.vector_store %arg8[%swap3A_278, %swap3A_279], %add3A_276 {strides = array<i32>} : memref<12x128xi32, #tpu.memory_space<vmem>>, vector<16xi32>,
    %add3A_281 = arith.constant 327680 : i32
    %add3A_282 = vector.broadcast %add3A_281 : i32 to vector<16xi32>
    %add3A_283 = arith.addi %add3A_37, %add3A_282 : vector<16xi32>
    %swap3A_284 = arith.constant 2 : i32
    %swap3A_285 = arith.index_cast %swap3A_284 : i32 to index
    %swap3A_286 = arith.constant 64 : index
    %swap3A_287 = tpu.vector_load %arg8[%swap3A_285, %swap3A_286] {strides = array<i32>} : memref<12x128xi32, #tpu.memory_space<vmem>>, vector<16xi32>,
    tpu.vector_store %arg8[%swap3A_285, %swap3A_286], %add3A_283 {strides = array<i32>} : memref<12x128xi32, #tpu.memory_space<vmem>>, vector<16xi32>,
    %add3A_288 = arith.addi %add3A_283, %select_n3A : vector<16xi32>
    %swap3A_289 = arith.constant 8 : i32
    %swap3A_290 = arith.index_cast %swap3A_289 : i32 to index
    %swap3A_291 = arith.constant 64 : index
    %swap3A_292 = tpu.vector_load %arg8[%swap3A_290, %swap3A_291] {strides = array<i32>} : memref<12x128xi32, #tpu.memory_space<vmem>>, vector<16xi32>,
    tpu.vector_store %arg8[%swap3A_290, %swap3A_291], %add3A_288 {strides = array<i32>} : memref<12x128xi32, #tpu.memory_space<vmem>>, vector<16xi32>,
    %add3A_293 = arith.constant 344064 : i32
    %add3A_294 = vector.broadcast %add3A_293 : i32 to vector<16xi32>
    %add3A_295 = arith.addi %add3A_37, %add3A_294 : vector<16xi32>
    %swap3A_296 = arith.constant 2 : i32
    %swap3A_297 = arith.index_cast %swap3A_296 : i32 to index
    %swap3A_298 = arith.constant 80 : index
    %swap3A_299 = tpu.vector_load %arg8[%swap3A_297, %swap3A_298] {strides = array<i32>} : memref<12x128xi32, #tpu.memory_space<vmem>>, vector<16xi32>,
    tpu.vector_store %arg8[%swap3A_297, %swap3A_298], %add3A_295 {strides = array<i32>} : memref<12x128xi32, #tpu.memory_space<vmem>>, vector<16xi32>,
    %add3A_300 = arith.addi %add3A_295, %select_n3A : vector<16xi32>
    %swap3A_301 = arith.constant 8 : i32
    %swap3A_302 = arith.index_cast %swap3A_301 : i32 to index
    %swap3A_303 = arith.constant 80 : index
    %swap3A_304 = tpu.vector_load %arg8[%swap3A_302, %swap3A_303] {strides = array<i32>} : memref<12x128xi32, #tpu.memory_space<vmem>>, vector<16xi32>,
    tpu.vector_store %arg8[%swap3A_302, %swap3A_303], %add3A_300 {strides = array<i32>} : memref<12x128xi32, #tpu.memory_space<vmem>>, vector<16xi32>,
    %add3A_305 = arith.constant 360448 : i32
    %add3A_306 = vector.broadcast %add3A_305 : i32 to vector<16xi32>
    %add3A_307 = arith.addi %add3A_37, %add3A_306 : vector<16xi32>
    %swap3A_308 = arith.constant 2 : i32
    %swap3A_309 = arith.index_cast %swap3A_308 : i32 to index
    %swap3A_310 = arith.constant 96 : index
    %swap3A_311 = tpu.vector_load %arg8[%swap3A_309, %swap3A_310] {strides = array<i32>} : memref<12x128xi32, #tpu.memory_space<vmem>>, vector<16xi32>,
    tpu.vector_store %arg8[%swap3A_309, %swap3A_310], %add3A_307 {strides = array<i32>} : memref<12x128xi32, #tpu.memory_space<vmem>>, vector<16xi32>,
    %add3A_312 = arith.addi %add3A_307, %select_n3A : vector<16xi32>
    %swap3A_313 = arith.constant 8 : i32
    %swap3A_314 = arith.index_cast %swap3A_313 : i32 to index
    %swap3A_315 = arith.constant 96 : index
    %swap3A_316 = tpu.vector_load %arg8[%swap3A_314, %swap3A_315] {strides = array<i32>} : memref<12x128xi32, #tpu.memory_space<vmem>>, vector<16xi32>,
    tpu.vector_store %arg8[%swap3A_314, %swap3A_315], %add3A_312 {strides = array<i32>} : memref<12x128xi32, #tpu.memory_space<vmem>>, vector<16xi32>,
    %add3A_317 = arith.constant 376832 : i32
    %add3A_318 = vector.broadcast %add3A_317 : i32 to vector<16xi32>
    %add3A_319 = arith.addi %add3A_37, %add3A_318 : vector<16xi32>
    %swap3A_320 = arith.constant 2 : i32
    %swap3A_321 = arith.index_cast %swap3A_320 : i32 to index
    %swap3A_322 = arith.constant 112 : index
    %swap3A_323 = tpu.vector_load %arg8[%swap3A_321, %swap3A_322] {strides = array<i32>} : memref<12x128xi32, #tpu.memory_space<vmem>>, vector<16xi32>,
    tpu.vector_store %arg8[%swap3A_321, %swap3A_322], %add3A_319 {strides = array<i32>} : memref<12x128xi32, #tpu.memory_space<vmem>>, vector<16xi32>,
    %add3A_324 = arith.addi %add3A_319, %select_n3A : vector<16xi32>
    %swap3A_325 = arith.constant 8 : i32
    %swap3A_326 = arith.index_cast %swap3A_325 : i32 to index
    %swap3A_327 = arith.constant 112 : index
    %swap3A_328 = tpu.vector_load %arg8[%swap3A_326, %swap3A_327] {strides = array<i32>} : memref<12x128xi32, #tpu.memory_space<vmem>>, vector<16xi32>,
    tpu.vector_store %arg8[%swap3A_326, %swap3A_327], %add3A_324 {strides = array<i32>} : memref<12x128xi32, #tpu.memory_space<vmem>>, vector<16xi32>,
    %add3A_329 = arith.constant 393216 : i32
    %add3A_330 = vector.broadcast %add3A_329 : i32 to vector<16xi32>
    %add3A_331 = arith.addi %add3A_37, %add3A_330 : vector<16xi32>
    %swap3A_332 = arith.constant 3 : i32
    %swap3A_333 = arith.index_cast %swap3A_332 : i32 to index
    %swap3A_334 = arith.constant 0 : index
    %swap3A_335 = tpu.vector_load %arg8[%swap3A_333, %swap3A_334] {strides = array<i32>} : memref<12x128xi32, #tpu.memory_space<vmem>>, vector<16xi32>,
    tpu.vector_store %arg8[%swap3A_333, %swap3A_334], %add3A_331 {strides = array<i32>} : memref<12x128xi32, #tpu.memory_space<vmem>>, vector<16xi32>,
    %add3A_336 = arith.addi %add3A_331, %select_n3A : vector<16xi32>
    %swap3A_337 = arith.constant 9 : i32
    %swap3A_338 = arith.index_cast %swap3A_337 : i32 to index
    %swap3A_339 = arith.constant 0 : index
    %swap3A_340 = tpu.vector_load %arg8[%swap3A_338, %swap3A_339] {strides = array<i32>} : memref<12x128xi32, #tpu.memory_space<vmem>>, vector<16xi32>,
    tpu.vector_store %arg8[%swap3A_338, %swap3A_339], %add3A_336 {strides = array<i32>} : memref<12x128xi32, #tpu.memory_space<vmem>>, vector<16xi32>,
    %add3A_341 = arith.constant 409600 : i32
    %add3A_342 = vector.broadcast %add3A_341 : i32 to vector<16xi32>
    %add3A_343 = arith.addi %add3A_37, %add3A_342 : vector<16xi32>
    %swap3A_344 = arith.constant 3 : i32
    %swap3A_345 = arith.index_cast %swap3A_344 : i32 to index
    %swap3A_346 = arith.constant 16 : index
    %swap3A_347 = tpu.vector_load %arg8[%swap3A_345, %swap3A_346] {strides = array<i32>} : memref<12x128xi32, #tpu.memory_space<vmem>>, vector<16xi32>,
    tpu.vector_store %arg8[%swap3A_345, %swap3A_346], %add3A_343 {strides = array<i32>} : memref<12x128xi32, #tpu.memory_space<vmem>>, vector<16xi32>,
    %add3A_348 = arith.addi %add3A_343, %select_n3A : vector<16xi32>
    %swap3A_349 = arith.constant 9 : i32
    %swap3A_350 = arith.index_cast %swap3A_349 : i32 to index
    %swap3A_351 = arith.constant 16 : index
    %swap3A_352 = tpu.vector_load %arg8[%swap3A_350, %swap3A_351] {strides = array<i32>} : memref<12x128xi32, #tpu.memory_space<vmem>>, vector<16xi32>,
    tpu.vector_store %arg8[%swap3A_350, %swap3A_351], %add3A_348 {strides = array<i32>} : memref<12x128xi32, #tpu.memory_space<vmem>>, vector<16xi32>,
    %add3A_353 = arith.constant 425984 : i32
    %add3A_354 = vector.broadcast %add3A_353 : i32 to vector<16xi32>
    %add3A_355 = arith.addi %add3A_37, %add3A_354 : vector<16xi32>
    %swap3A_356 = arith.constant 3 : i32
    %swap3A_357 = arith.index_cast %swap3A_356 : i32 to index
    %swap3A_358 = arith.constant 32 : index
    %swap3A_359 = tpu.vector_load %arg8[%swap3A_357, %swap3A_358] {strides = array<i32>} : memref<12x128xi32, #tpu.memory_space<vmem>>, vector<16xi32>,
    tpu.vector_store %arg8[%swap3A_357, %swap3A_358], %add3A_355 {strides = array<i32>} : memref<12x128xi32, #tpu.memory_space<vmem>>, vector<16xi32>,
    %add3A_360 = arith.addi %add3A_355, %select_n3A : vector<16xi32>
    %swap3A_361 = arith.constant 9 : i32
    %swap3A_362 = arith.index_cast %swap3A_361 : i32 to index
    %swap3A_363 = arith.constant 32 : index
    %swap3A_364 = tpu.vector_load %arg8[%swap3A_362, %swap3A_363] {strides = array<i32>} : memref<12x128xi32, #tpu.memory_space<vmem>>, vector<16xi32>,
    tpu.vector_store %arg8[%swap3A_362, %swap3A_363], %add3A_360 {strides = array<i32>} : memref<12x128xi32, #tpu.memory_space<vmem>>, vector<16xi32>,
    %add3A_365 = arith.constant 442368 : i32
    %add3A_366 = vector.broadcast %add3A_365 : i32 to vector<16xi32>
    %add3A_367 = arith.addi %add3A_37, %add3A_366 : vector<16xi32>
    %swap3A_368 = arith.constant 3 : i32
    %swap3A_369 = arith.index_cast %swap3A_368 : i32 to index
    %swap3A_370 = arith.constant 48 : index
    %swap3A_371 = tpu.vector_load %arg8[%swap3A_369, %swap3A_370] {strides = array<i32>} : memref<12x128xi32, #tpu.memory_space<vmem>>, vector<16xi32>,
    tpu.vector_store %arg8[%swap3A_369, %swap3A_370], %add3A_367 {strides = array<i32>} : memref<12x128xi32, #tpu.memory_space<vmem>>, vector<16xi32>,
    %add3A_372 = arith.addi %add3A_367, %select_n3A : vector<16xi32>
    %swap3A_373 = arith.constant 9 : i32
    %swap3A_374 = arith.index_cast %swap3A_373 : i32 to index
    %swap3A_375 = arith.constant 48 : index
    %swap3A_376 = tpu.vector_load %arg8[%swap3A_374, %swap3A_375] {strides = array<i32>} : memref<12x128xi32, #tpu.memory_space<vmem>>, vector<16xi32>,
    tpu.vector_store %arg8[%swap3A_374, %swap3A_375], %add3A_372 {strides = array<i32>} : memref<12x128xi32, #tpu.memory_space<vmem>>, vector<16xi32>,
    %add3A_377 = arith.constant 458752 : i32
    %add3A_378 = vector.broadcast %add3A_377 : i32 to vector<16xi32>
    %add3A_379 = arith.addi %add3A_37, %add3A_378 : vector<16xi32>
    %swap3A_380 = arith.constant 3 : i32
    %swap3A_381 = arith.index_cast %swap3A_380 : i32 to index
    %swap3A_382 = arith.constant 64 : index
    %swap3A_383 = tpu.vector_load %arg8[%swap3A_381, %swap3A_382] {strides = array<i32>} : memref<12x128xi32, #tpu.memory_space<vmem>>, vector<16xi32>,
    tpu.vector_store %arg8[%swap3A_381, %swap3A_382], %add3A_379 {strides = array<i32>} : memref<12x128xi32, #tpu.memory_space<vmem>>, vector<16xi32>,
    %add3A_384 = arith.addi %add3A_379, %select_n3A : vector<16xi32>
    %swap3A_385 = arith.constant 9 : i32
    %swap3A_386 = arith.index_cast %swap3A_385 : i32 to index
    %swap3A_387 = arith.constant 64 : index
    %swap3A_388 = tpu.vector_load %arg8[%swap3A_386, %swap3A_387] {strides = array<i32>} : memref<12x128xi32, #tpu.memory_space<vmem>>, vector<16xi32>,
    tpu.vector_store %arg8[%swap3A_386, %swap3A_387], %add3A_384 {strides = array<i32>} : memref<12x128xi32, #tpu.memory_space<vmem>>, vector<16xi32>,
    %add3A_389 = arith.constant 475136 : i32
    %add3A_390 = vector.broadcast %add3A_389 : i32 to vector<16xi32>
    %add3A_391 = arith.addi %add3A_37, %add3A_390 : vector<16xi32>
    %swap3A_392 = arith.constant 3 : i32
    %swap3A_393 = arith.index_cast %swap3A_392 : i32 to index
    %swap3A_394 = arith.constant 80 : index
    %swap3A_395 = tpu.vector_load %arg8[%swap3A_393, %swap3A_394] {strides = array<i32>} : memref<12x128xi32, #tpu.memory_space<vmem>>, vector<16xi32>,
    tpu.vector_store %arg8[%swap3A_393, %swap3A_394], %add3A_391 {strides = array<i32>} : memref<12x128xi32, #tpu.memory_space<vmem>>, vector<16xi32>,
    %add3A_396 = arith.addi %add3A_391, %select_n3A : vector<16xi32>
    %swap3A_397 = arith.constant 9 : i32
    %swap3A_398 = arith.index_cast %swap3A_397 : i32 to index
    %swap3A_399 = arith.constant 80 : index
    %swap3A_400 = tpu.vector_load %arg8[%swap3A_398, %swap3A_399] {strides = array<i32>} : memref<12x128xi32, #tpu.memory_space<vmem>>, vector<16xi32>,
    tpu.vector_store %arg8[%swap3A_398, %swap3A_399], %add3A_396 {strides = array<i32>} : memref<12x128xi32, #tpu.memory_space<vmem>>, vector<16xi32>,
    %add3A_401 = arith.constant 491520 : i32
    %add3A_402 = vector.broadcast %add3A_401 : i32 to vector<16xi32>
    %add3A_403 = arith.addi %add3A_37, %add3A_402 : vector<16xi32>
    %swap3A_404 = arith.constant 3 : i32
    %swap3A_405 = arith.index_cast %swap3A_404 : i32 to index
    %swap3A_406 = arith.constant 96 : index
    %swap3A_407 = tpu.vector_load %arg8[%swap3A_405, %swap3A_406] {strides = array<i32>} : memref<12x128xi32, #tpu.memory_space<vmem>>, vector<16xi32>,
    tpu.vector_store %arg8[%swap3A_405, %swap3A_406], %add3A_403 {strides = array<i32>} : memref<12x128xi32, #tpu.memory_space<vmem>>, vector<16xi32>,
    %add3A_408 = arith.addi %add3A_403, %select_n3A : vector<16xi32>
    %swap3A_409 = arith.constant 9 : i32
    %swap3A_410 = arith.index_cast %swap3A_409 : i32 to index
    %swap3A_411 = arith.constant 96 : index
    %swap3A_412 = tpu.vector_load %arg8[%swap3A_410, %swap3A_411] {strides = array<i32>} : memref<12x128xi32, #tpu.memory_space<vmem>>, vector<16xi32>,
    tpu.vector_store %arg8[%swap3A_410, %swap3A_411], %add3A_408 {strides = array<i32>} : memref<12x128xi32, #tpu.memory_space<vmem>>, vector<16xi32>,
    %add3A_413 = arith.constant 507904 : i32
    %add3A_414 = vector.broadcast %add3A_413 : i32 to vector<16xi32>
    %add3A_415 = arith.addi %add3A_37, %add3A_414 : vector<16xi32>
    %swap3A_416 = arith.constant 3 : i32
    %swap3A_417 = arith.index_cast %swap3A_416 : i32 to index
    %swap3A_418 = arith.constant 112 : index
    %swap3A_419 = tpu.vector_load %arg8[%swap3A_417, %swap3A_418] {strides = array<i32>} : memref<12x128xi32, #tpu.memory_space<vmem>>, vector<16xi32>,
    tpu.vector_store %arg8[%swap3A_417, %swap3A_418], %add3A_415 {strides = array<i32>} : memref<12x128xi32, #tpu.memory_space<vmem>>, vector<16xi32>,
    %add3A_420 = arith.addi %add3A_415, %select_n3A : vector<16xi32>
    %swap3A_421 = arith.constant 9 : i32
    %swap3A_422 = arith.index_cast %swap3A_421 : i32 to index
    %swap3A_423 = arith.constant 112 : index
    %swap3A_424 = tpu.vector_load %arg8[%swap3A_422, %swap3A_423] {strides = array<i32>} : memref<12x128xi32, #tpu.memory_space<vmem>>, vector<16xi32>,
    tpu.vector_store %arg8[%swap3A_422, %swap3A_423], %add3A_420 {strides = array<i32>} : memref<12x128xi32, #tpu.memory_space<vmem>>, vector<16xi32>,
    %add3A_425 = arith.constant 524288 : i32
    %add3A_426 = vector.broadcast %add3A_425 : i32 to vector<16xi32>
    %add3A_427 = arith.addi %add3A_37, %add3A_426 : vector<16xi32>
    %swap3A_428 = arith.constant 4 : i32
    %swap3A_429 = arith.index_cast %swap3A_428 : i32 to index
    %swap3A_430 = arith.constant 0 : index
    %swap3A_431 = tpu.vector_load %arg8[%swap3A_429, %swap3A_430] {strides = array<i32>} : memref<12x128xi32, #tpu.memory_space<vmem>>, vector<16xi32>,
    tpu.vector_store %arg8[%swap3A_429, %swap3A_430], %add3A_427 {strides = array<i32>} : memref<12x128xi32, #tpu.memory_space<vmem>>, vector<16xi32>,
    %add3A_432 = arith.addi %add3A_427, %select_n3A : vector<16xi32>
    %swap3A_433 = arith.constant 10 : i32
    %swap3A_434 = arith.index_cast %swap3A_433 : i32 to index
    %swap3A_435 = arith.constant 0 : index
    %swap3A_436 = tpu.vector_load %arg8[%swap3A_434, %swap3A_435] {strides = array<i32>} : memref<12x128xi32, #tpu.memory_space<vmem>>, vector<16xi32>,
    tpu.vector_store %arg8[%swap3A_434, %swap3A_435], %add3A_432 {strides = array<i32>} : memref<12x128xi32, #tpu.memory_space<vmem>>, vector<16xi32>,
    %add3A_437 = arith.constant 540672 : i32
    %add3A_438 = vector.broadcast %add3A_437 : i32 to vector<16xi32>
    %add3A_439 = arith.addi %add3A_37, %add3A_438 : vector<16xi32>
    %swap3A_440 = arith.constant 4 : i32
    %swap3A_441 = arith.index_cast %swap3A_440 : i32 to index
    %swap3A_442 = arith.constant 16 : index
    %swap3A_443 = tpu.vector_load %arg8[%swap3A_441, %swap3A_442] {strides = array<i32>} : memref<12x128xi32, #tpu.memory_space<vmem>>, vector<16xi32>,
    tpu.vector_store %arg8[%swap3A_441, %swap3A_442], %add3A_439 {strides = array<i32>} : memref<12x128xi32, #tpu.memory_space<vmem>>, vector<16xi32>,
    %add3A_444 = arith.addi %add3A_439, %select_n3A : vector<16xi32>
    %swap3A_445 = arith.constant 10 : i32
    %swap3A_446 = arith.index_cast %swap3A_445 : i32 to index
    %swap3A_447 = arith.constant 16 : index
    %swap3A_448 = tpu.vector_load %arg8[%swap3A_446, %swap3A_447] {strides = array<i32>} : memref<12x128xi32, #tpu.memory_space<vmem>>, vector<16xi32>,
    tpu.vector_store %arg8[%swap3A_446, %swap3A_447], %add3A_444 {strides = array<i32>} : memref<12x128xi32, #tpu.memory_space<vmem>>, vector<16xi32>,
    %add3A_449 = arith.constant 557056 : i32
    %add3A_450 = vector.broadcast %add3A_449 : i32 to vector<16xi32>
    %add3A_451 = arith.addi %add3A_37, %add3A_450 : vector<16xi32>
    %swap3A_452 = arith.constant 4 : i32
    %swap3A_453 = arith.index_cast %swap3A_452 : i32 to index
    %swap3A_454 = arith.constant 32 : index
    %swap3A_455 = tpu.vector_load %arg8[%swap3A_453, %swap3A_454] {strides = array<i32>} : memref<12x128xi32, #tpu.memory_space<vmem>>, vector<16xi32>,
    tpu.vector_store %arg8[%swap3A_453, %swap3A_454], %add3A_451 {strides = array<i32>} : memref<12x128xi32, #tpu.memory_space<vmem>>, vector<16xi32>,
    %add3A_456 = arith.addi %add3A_451, %select_n3A : vector<16xi32>
    %swap3A_457 = arith.constant 10 : i32
    %swap3A_458 = arith.index_cast %swap3A_457 : i32 to index
    %swap3A_459 = arith.constant 32 : index
    %swap3A_460 = tpu.vector_load %arg8[%swap3A_458, %swap3A_459] {strides = array<i32>} : memref<12x128xi32, #tpu.memory_space<vmem>>, vector<16xi32>,
    tpu.vector_store %arg8[%swap3A_458, %swap3A_459], %add3A_456 {strides = array<i32>} : memref<12x128xi32, #tpu.memory_space<vmem>>, vector<16xi32>,
    %add3A_461 = arith.constant 573440 : i32
    %add3A_462 = vector.broadcast %add3A_461 : i32 to vector<16xi32>
    %add3A_463 = arith.addi %add3A_37, %add3A_462 : vector<16xi32>
    %swap3A_464 = arith.constant 4 : i32
    %swap3A_465 = arith.index_cast %swap3A_464 : i32 to index
    %swap3A_466 = arith.constant 48 : index
    %swap3A_467 = tpu.vector_load %arg8[%swap3A_465, %swap3A_466] {strides = array<i32>} : memref<12x128xi32, #tpu.memory_space<vmem>>, vector<16xi32>,
    tpu.vector_store %arg8[%swap3A_465, %swap3A_466], %add3A_463 {strides = array<i32>} : memref<12x128xi32, #tpu.memory_space<vmem>>, vector<16xi32>,
    %add3A_468 = arith.addi %add3A_463, %select_n3A : vector<16xi32>
    %swap3A_469 = arith.constant 10 : i32
    %swap3A_470 = arith.index_cast %swap3A_469 : i32 to index
    %swap3A_471 = arith.constant 48 : index
    %swap3A_472 = tpu.vector_load %arg8[%swap3A_470, %swap3A_471] {strides = array<i32>} : memref<12x128xi32, #tpu.memory_space<vmem>>, vector<16xi32>,
    tpu.vector_store %arg8[%swap3A_470, %swap3A_471], %add3A_468 {strides = array<i32>} : memref<12x128xi32, #tpu.memory_space<vmem>>, vector<16xi32>,
    %add3A_473 = arith.constant 589824 : i32
    %add3A_474 = vector.broadcast %add3A_473 : i32 to vector<16xi32>
    %add3A_475 = arith.addi %add3A_37, %add3A_474 : vector<16xi32>
    %swap3A_476 = arith.constant 4 : i32
    %swap3A_477 = arith.index_cast %swap3A_476 : i32 to index
    %swap3A_478 = arith.constant 64 : index
    %swap3A_479 = tpu.vector_load %arg8[%swap3A_477, %swap3A_478] {strides = array<i32>} : memref<12x128xi32, #tpu.memory_space<vmem>>, vector<16xi32>,
    tpu.vector_store %arg8[%swap3A_477, %swap3A_478], %add3A_475 {strides = array<i32>} : memref<12x128xi32, #tpu.memory_space<vmem>>, vector<16xi32>,
    %add3A_480 = arith.addi %add3A_475, %select_n3A : vector<16xi32>
    %swap3A_481 = arith.constant 10 : i32
    %swap3A_482 = arith.index_cast %swap3A_481 : i32 to index
    %swap3A_483 = arith.constant 64 : index
    %swap3A_484 = tpu.vector_load %arg8[%swap3A_482, %swap3A_483] {strides = array<i32>} : memref<12x128xi32, #tpu.memory_space<vmem>>, vector<16xi32>,
    tpu.vector_store %arg8[%swap3A_482, %swap3A_483], %add3A_480 {strides = array<i32>} : memref<12x128xi32, #tpu.memory_space<vmem>>, vector<16xi32>,
    %add3A_485 = arith.constant 606208 : i32
    %add3A_486 = vector.broadcast %add3A_485 : i32 to vector<16xi32>
    %add3A_487 = arith.addi %add3A_37, %add3A_486 : vector<16xi32>
    %swap3A_488 = arith.constant 4 : i32
    %swap3A_489 = arith.index_cast %swap3A_488 : i32 to index
    %swap3A_490 = arith.constant 80 : index
    %swap3A_491 = tpu.vector_load %arg8[%swap3A_489, %swap3A_490] {strides = array<i32>} : memref<12x128xi32, #tpu.memory_space<vmem>>, vector<16xi32>,
    tpu.vector_store %arg8[%swap3A_489, %swap3A_490], %add3A_487 {strides = array<i32>} : memref<12x128xi32, #tpu.memory_space<vmem>>, vector<16xi32>,
    %add3A_492 = arith.addi %add3A_487, %select_n3A : vector<16xi32>
    %swap3A_493 = arith.constant 10 : i32
    %swap3A_494 = arith.index_cast %swap3A_493 : i32 to index
    %swap3A_495 = arith.constant 80 : index
    %swap3A_496 = tpu.vector_load %arg8[%swap3A_494, %swap3A_495] {strides = array<i32>} : memref<12x128xi32, #tpu.memory_space<vmem>>, vector<16xi32>,
    tpu.vector_store %arg8[%swap3A_494, %swap3A_495], %add3A_492 {strides = array<i32>} : memref<12x128xi32, #tpu.memory_space<vmem>>, vector<16xi32>,
    %add3A_497 = arith.constant 622592 : i32
    %add3A_498 = vector.broadcast %add3A_497 : i32 to vector<16xi32>
    %add3A_499 = arith.addi %add3A_37, %add3A_498 : vector<16xi32>
    %swap3A_500 = arith.constant 4 : i32
    %swap3A_501 = arith.index_cast %swap3A_500 : i32 to index
    %swap3A_502 = arith.constant 96 : index
    %swap3A_503 = tpu.vector_load %arg8[%swap3A_501, %swap3A_502] {strides = array<i32>} : memref<12x128xi32, #tpu.memory_space<vmem>>, vector<16xi32>,
    tpu.vector_store %arg8[%swap3A_501, %swap3A_502], %add3A_499 {strides = array<i32>} : memref<12x128xi32, #tpu.memory_space<vmem>>, vector<16xi32>,
    %add3A_504 = arith.addi %add3A_499, %select_n3A : vector<16xi32>
    %swap3A_505 = arith.constant 10 : i32
    %swap3A_506 = arith.index_cast %swap3A_505 : i32 to index
    %swap3A_507 = arith.constant 96 : index
    %swap3A_508 = tpu.vector_load %arg8[%swap3A_506, %swap3A_507] {strides = array<i32>} : memref<12x128xi32, #tpu.memory_space<vmem>>, vector<16xi32>,
    tpu.vector_store %arg8[%swap3A_506, %swap3A_507], %add3A_504 {strides = array<i32>} : memref<12x128xi32, #tpu.memory_space<vmem>>, vector<16xi32>,
    %add3A_509 = arith.constant 638976 : i32
    %add3A_510 = vector.broadcast %add3A_509 : i32 to vector<16xi32>
    %add3A_511 = arith.addi %add3A_37, %add3A_510 : vector<16xi32>
    %swap3A_512 = arith.constant 4 : i32
    %swap3A_513 = arith.index_cast %swap3A_512 : i32 to index
    %swap3A_514 = arith.constant 112 : index
    %swap3A_515 = tpu.vector_load %arg8[%swap3A_513, %swap3A_514] {strides = array<i32>} : memref<12x128xi32, #tpu.memory_space<vmem>>, vector<16xi32>,
    tpu.vector_store %arg8[%swap3A_513, %swap3A_514], %add3A_511 {strides = array<i32>} : memref<12x128xi32, #tpu.memory_space<vmem>>, vector<16xi32>,
    %add3A_516 = arith.addi %add3A_511, %select_n3A : vector<16xi32>
    %swap3A_517 = arith.constant 10 : i32
    %swap3A_518 = arith.index_cast %swap3A_517 : i32 to index
    %swap3A_519 = arith.constant 112 : index
    %swap3A_520 = tpu.vector_load %arg8[%swap3A_518, %swap3A_519] {strides = array<i32>} : memref<12x128xi32, #tpu.memory_space<vmem>>, vector<16xi32>,
    tpu.vector_store %arg8[%swap3A_518, %swap3A_519], %add3A_516 {strides = array<i32>} : memref<12x128xi32, #tpu.memory_space<vmem>>, vector<16xi32>,
    %add3A_521 = arith.constant 655360 : i32
    %add3A_522 = vector.broadcast %add3A_521 : i32 to vector<16xi32>
    %add3A_523 = arith.addi %add3A_37, %add3A_522 : vector<16xi32>
    %swap3A_524 = arith.constant 5 : i32
    %swap3A_525 = arith.index_cast %swap3A_524 : i32 to index
    %swap3A_526 = arith.constant 0 : index
    %swap3A_527 = tpu.vector_load %arg8[%swap3A_525, %swap3A_526] {strides = array<i32>} : memref<12x128xi32, #tpu.memory_space<vmem>>, vector<16xi32>,
    tpu.vector_store %arg8[%swap3A_525, %swap3A_526], %add3A_523 {strides = array<i32>} : memref<12x128xi32, #tpu.memory_space<vmem>>, vector<16xi32>,
    %add3A_528 = arith.addi %add3A_523, %select_n3A : vector<16xi32>
    %swap3A_529 = arith.constant 11 : i32
    %swap3A_530 = arith.index_cast %swap3A_529 : i32 to index
    %swap3A_531 = arith.constant 0 : index
    %swap3A_532 = tpu.vector_load %arg8[%swap3A_530, %swap3A_531] {strides = array<i32>} : memref<12x128xi32, #tpu.memory_space<vmem>>, vector<16xi32>,
    tpu.vector_store %arg8[%swap3A_530, %swap3A_531], %add3A_528 {strides = array<i32>} : memref<12x128xi32, #tpu.memory_space<vmem>>, vector<16xi32>,
    %add3A_533 = arith.constant 671744 : i32
    %add3A_534 = vector.broadcast %add3A_533 : i32 to vector<16xi32>
    %add3A_535 = arith.addi %add3A_37, %add3A_534 : vector<16xi32>
    %swap3A_536 = arith.constant 5 : i32
    %swap3A_537 = arith.index_cast %swap3A_536 : i32 to index
    %swap3A_538 = arith.constant 16 : index
    %swap3A_539 = tpu.vector_load %arg8[%swap3A_537, %swap3A_538] {strides = array<i32>} : memref<12x128xi32, #tpu.memory_space<vmem>>, vector<16xi32>,
    tpu.vector_store %arg8[%swap3A_537, %swap3A_538], %add3A_535 {strides = array<i32>} : memref<12x128xi32, #tpu.memory_space<vmem>>, vector<16xi32>,
    %add3A_540 = arith.addi %add3A_535, %select_n3A : vector<16xi32>
    %swap3A_541 = arith.constant 11 : i32
    %swap3A_542 = arith.index_cast %swap3A_541 : i32 to index
    %swap3A_543 = arith.constant 16 : index
    %swap3A_544 = tpu.vector_load %arg8[%swap3A_542, %swap3A_543] {strides = array<i32>} : memref<12x128xi32, #tpu.memory_space<vmem>>, vector<16xi32>,
    tpu.vector_store %arg8[%swap3A_542, %swap3A_543], %add3A_540 {strides = array<i32>} : memref<12x128xi32, #tpu.memory_space<vmem>>, vector<16xi32>,
    %add3A_545 = arith.constant 688128 : i32
    %add3A_546 = vector.broadcast %add3A_545 : i32 to vector<16xi32>
    %add3A_547 = arith.addi %add3A_37, %add3A_546 : vector<16xi32>
    %swap3A_548 = arith.constant 5 : i32
    %swap3A_549 = arith.index_cast %swap3A_548 : i32 to index
    %swap3A_550 = arith.constant 32 : index
    %swap3A_551 = tpu.vector_load %arg8[%swap3A_549, %swap3A_550] {strides = array<i32>} : memref<12x128xi32, #tpu.memory_space<vmem>>, vector<16xi32>,
    tpu.vector_store %arg8[%swap3A_549, %swap3A_550], %add3A_547 {strides = array<i32>} : memref<12x128xi32, #tpu.memory_space<vmem>>, vector<16xi32>,
    %add3A_552 = arith.addi %add3A_547, %select_n3A : vector<16xi32>
    %swap3A_553 = arith.constant 11 : i32
    %swap3A_554 = arith.index_cast %swap3A_553 : i32 to index
    %swap3A_555 = arith.constant 32 : index
    %swap3A_556 = tpu.vector_load %arg8[%swap3A_554, %swap3A_555] {strides = array<i32>} : memref<12x128xi32, #tpu.memory_space<vmem>>, vector<16xi32>,
    tpu.vector_store %arg8[%swap3A_554, %swap3A_555], %add3A_552 {strides = array<i32>} : memref<12x128xi32, #tpu.memory_space<vmem>>, vector<16xi32>,
    %add3A_557 = arith.constant 704512 : i32
    %add3A_558 = vector.broadcast %add3A_557 : i32 to vector<16xi32>
    %add3A_559 = arith.addi %add3A_37, %add3A_558 : vector<16xi32>
    %swap3A_560 = arith.constant 5 : i32
    %swap3A_561 = arith.index_cast %swap3A_560 : i32 to index
    %swap3A_562 = arith.constant 48 : index
    %swap3A_563 = tpu.vector_load %arg8[%swap3A_561, %swap3A_562] {strides = array<i32>} : memref<12x128xi32, #tpu.memory_space<vmem>>, vector<16xi32>,
    tpu.vector_store %arg8[%swap3A_561, %swap3A_562], %add3A_559 {strides = array<i32>} : memref<12x128xi32, #tpu.memory_space<vmem>>, vector<16xi32>,
    %add3A_564 = arith.addi %add3A_559, %select_n3A : vector<16xi32>
    %swap3A_565 = arith.constant 11 : i32
    %swap3A_566 = arith.index_cast %swap3A_565 : i32 to index
    %swap3A_567 = arith.constant 48 : index
    %swap3A_568 = tpu.vector_load %arg8[%swap3A_566, %swap3A_567] {strides = array<i32>} : memref<12x128xi32, #tpu.memory_space<vmem>>, vector<16xi32>,
    tpu.vector_store %arg8[%swap3A_566, %swap3A_567], %add3A_564 {strides = array<i32>} : memref<12x128xi32, #tpu.memory_space<vmem>>, vector<16xi32>,
    %add3A_569 = arith.constant 720896 : i32
    %add3A_570 = vector.broadcast %add3A_569 : i32 to vector<16xi32>
    %add3A_571 = arith.addi %add3A_37, %add3A_570 : vector<16xi32>
    %swap3A_572 = arith.constant 5 : i32
    %swap3A_573 = arith.index_cast %swap3A_572 : i32 to index
    %swap3A_574 = arith.constant 64 : index
    %swap3A_575 = tpu.vector_load %arg8[%swap3A_573, %swap3A_574] {strides = array<i32>} : memref<12x128xi32, #tpu.memory_space<vmem>>, vector<16xi32>,
    tpu.vector_store %arg8[%swap3A_573, %swap3A_574], %add3A_571 {strides = array<i32>} : memref<12x128xi32, #tpu.memory_space<vmem>>, vector<16xi32>,
    %add3A_576 = arith.addi %add3A_571, %select_n3A : vector<16xi32>
    %swap3A_577 = arith.constant 11 : i32
    %swap3A_578 = arith.index_cast %swap3A_577 : i32 to index
    %swap3A_579 = arith.constant 64 : index
    %swap3A_580 = tpu.vector_load %arg8[%swap3A_578, %swap3A_579] {strides = array<i32>} : memref<12x128xi32, #tpu.memory_space<vmem>>, vector<16xi32>,
    tpu.vector_store %arg8[%swap3A_578, %swap3A_579], %add3A_576 {strides = array<i32>} : memref<12x128xi32, #tpu.memory_space<vmem>>, vector<16xi32>,
    %add3A_581 = arith.constant 737280 : i32
    %add3A_582 = vector.broadcast %add3A_581 : i32 to vector<16xi32>
    %add3A_583 = arith.addi %add3A_37, %add3A_582 : vector<16xi32>
    %swap3A_584 = arith.constant 5 : i32
    %swap3A_585 = arith.index_cast %swap3A_584 : i32 to index
    %swap3A_586 = arith.constant 80 : index
    %swap3A_587 = tpu.vector_load %arg8[%swap3A_585, %swap3A_586] {strides = array<i32>} : memref<12x128xi32, #tpu.memory_space<vmem>>, vector<16xi32>,
    tpu.vector_store %arg8[%swap3A_585, %swap3A_586], %add3A_583 {strides = array<i32>} : memref<12x128xi32, #tpu.memory_space<vmem>>, vector<16xi32>,
    %add3A_588 = arith.addi %add3A_583, %select_n3A : vector<16xi32>
    %swap3A_589 = arith.constant 11 : i32
    %swap3A_590 = arith.index_cast %swap3A_589 : i32 to index
    %swap3A_591 = arith.constant 80 : index
    %swap3A_592 = tpu.vector_load %arg8[%swap3A_590, %swap3A_591] {strides = array<i32>} : memref<12x128xi32, #tpu.memory_space<vmem>>, vector<16xi32>,
    tpu.vector_store %arg8[%swap3A_590, %swap3A_591], %add3A_588 {strides = array<i32>} : memref<12x128xi32, #tpu.memory_space<vmem>>, vector<16xi32>,
    %add3A_593 = arith.constant 753664 : i32
    %add3A_594 = vector.broadcast %add3A_593 : i32 to vector<16xi32>
    %add3A_595 = arith.addi %add3A_37, %add3A_594 : vector<16xi32>
    %swap3A_596 = arith.constant 5 : i32
    %swap3A_597 = arith.index_cast %swap3A_596 : i32 to index
    %swap3A_598 = arith.constant 96 : index
    %swap3A_599 = tpu.vector_load %arg8[%swap3A_597, %swap3A_598] {strides = array<i32>} : memref<12x128xi32, #tpu.memory_space<vmem>>, vector<16xi32>,
    tpu.vector_store %arg8[%swap3A_597, %swap3A_598], %add3A_595 {strides = array<i32>} : memref<12x128xi32, #tpu.memory_space<vmem>>, vector<16xi32>,
    %add3A_600 = arith.addi %add3A_595, %select_n3A : vector<16xi32>
    %swap3A_601 = arith.constant 11 : i32
    %swap3A_602 = arith.index_cast %swap3A_601 : i32 to index
    %swap3A_603 = arith.constant 96 : index
    %swap3A_604 = tpu.vector_load %arg8[%swap3A_602, %swap3A_603] {strides = array<i32>} : memref<12x128xi32, #tpu.memory_space<vmem>>, vector<16xi32>,
    tpu.vector_store %arg8[%swap3A_602, %swap3A_603], %add3A_600 {strides = array<i32>} : memref<12x128xi32, #tpu.memory_space<vmem>>, vector<16xi32>,
    %add3A_605 = arith.constant 770048 : i32
    %add3A_606 = vector.broadcast %add3A_605 : i32 to vector<16xi32>
    %add3A_607 = arith.addi %add3A_37, %add3A_606 : vector<16xi32>
    %swap3A_608 = arith.constant 5 : i32
    %swap3A_609 = arith.index_cast %swap3A_608 : i32 to index
    %swap3A_610 = arith.constant 112 : index
    %swap3A_611 = tpu.vector_load %arg8[%swap3A_609, %swap3A_610] {strides = array<i32>} : memref<12x128xi32, #tpu.memory_space<vmem>>, vector<16xi32>,
    tpu.vector_store %arg8[%swap3A_609, %swap3A_610], %add3A_607 {strides = array<i32>} : memref<12x128xi32, #tpu.memory_space<vmem>>, vector<16xi32>,
    %add3A_612 = arith.addi %add3A_607, %select_n3A : vector<16xi32>
    %swap3A_613 = arith.constant 11 : i32
    %swap3A_614 = arith.index_cast %swap3A_613 : i32 to index
    %swap3A_615 = arith.constant 112 : index
    %swap3A_616 = tpu.vector_load %arg8[%swap3A_614, %swap3A_615] {strides = array<i32>} : memref<12x128xi32, #tpu.memory_space<vmem>>, vector<16xi32>,
    tpu.vector_store %arg8[%swap3A_614, %swap3A_615], %add3A_612 {strides = array<i32>} : memref<12x128xi32, #tpu.memory_space<vmem>>, vector<16xi32>,
    %dma_start3A_617 = arith.constant 0 : i32
    %dma_start3A_618 = arith.constant 0 : i32
    %dma_start3A_619 = arith.constant 0 : i32
    %dma_start3A_620 = tpu.memref_slice %arg10[%dma_start3A_618, %dma_start3A_619] : memref<1536x16xf32, #tpu.memory_space<vmem>> -> memref<128x16xf32, #tpu.memory_space<vmem>>
    %dma_start3A_621 = arith.constant 0 : i32
    %dma_start3A_622 = tpu.memref_slice %arg8[%dma_start3A_617, %dma_start3A_621] : memref<12x128xi32, #tpu.memory_space<vmem>> -> memref<1x128xi32, #tpu.memory_space<vmem>>
    %dma_start3A_623 = tpu.memref_squeeze %dma_start3A_622 : memref<1x128xi32, #tpu.memory_space<vmem>> -> memref<128xi32, #tpu.memory_space<vmem>>
    %dma_start3A_624 = arith.constant 0 : i32
    %dma_start3A_625 = arith.constant 0 : i32
    %dma_start3A_626 = tpu.memref_slice %arg2[%dma_start3A_624, %dma_start3A_625] : memref<786432x16xf32, #tpu.memory_space<hbm>> -> memref<786432x16xf32, #tpu.memory_space<hbm>>
    tpu.enqueue_indirect_dma source(%dma_start3A_626 : memref<786432x16xf32, #tpu.memory_space<hbm>>) target(%dma_start3A_620 : memref<128x16xf32, #tpu.memory_space<vmem>>) offsets(%dma_start3A_623 : memref<128xi32, #tpu.memory_space<vmem>>) semaphore(%arg14 : memref<!tpu.dma_semaphore, #tpu.memory_space<semaphore_mem>>)
    %dma_start3A_627 = arith.constant 1 : i32
    %dma_start3A_628 = arith.constant 128 : i32
    %dma_start3A_629 = arith.constant 0 : i32
    %dma_start3A_630 = tpu.memref_slice %arg10[%dma_start3A_628, %dma_start3A_629] : memref<1536x16xf32, #tpu.memory_space<vmem>> -> memref<128x16xf32, #tpu.memory_space<vmem>>
    %dma_start3A_631 = arith.constant 0 : i32
    %dma_start3A_632 = tpu.memref_slice %arg8[%dma_start3A_627, %dma_start3A_631] : memref<12x128xi32, #tpu.memory_space<vmem>> -> memref<1x128xi32, #tpu.memory_space<vmem>>
    %dma_start3A_633 = tpu.memref_squeeze %dma_start3A_632 : memref<1x128xi32, #tpu.memory_space<vmem>> -> memref<128xi32, #tpu.memory_space<vmem>>
    %dma_start3A_634 = arith.constant 0 : i32
    %dma_start3A_635 = arith.constant 0 : i32
    %dma_start3A_636 = tpu.memref_slice %arg2[%dma_start3A_634, %dma_start3A_635] : memref<786432x16xf32, #tpu.memory_space<hbm>> -> memref<786432x16xf32, #tpu.memory_space<hbm>>
    tpu.enqueue_indirect_dma source(%dma_start3A_636 : memref<786432x16xf32, #tpu.memory_space<hbm>>) target(%dma_start3A_630 : memref<128x16xf32, #tpu.memory_space<vmem>>) offsets(%dma_start3A_633 : memref<128xi32, #tpu.memory_space<vmem>>) semaphore(%arg14 : memref<!tpu.dma_semaphore, #tpu.memory_space<semaphore_mem>>)
    %dma_start3A_637 = arith.constant 2 : i32
    %dma_start3A_638 = arith.constant 256 : i32
    %dma_start3A_639 = arith.constant 0 : i32
    %dma_start3A_640 = tpu.memref_slice %arg10[%dma_start3A_638, %dma_start3A_639] : memref<1536x16xf32, #tpu.memory_space<vmem>> -> memref<128x16xf32, #tpu.memory_space<vmem>>
    %dma_start3A_641 = arith.constant 0 : i32
    %dma_start3A_642 = tpu.memref_slice %arg8[%dma_start3A_637, %dma_start3A_641] : memref<12x128xi32, #tpu.memory_space<vmem>> -> memref<1x128xi32, #tpu.memory_space<vmem>>
    %dma_start3A_643 = tpu.memref_squeeze %dma_start3A_642 : memref<1x128xi32, #tpu.memory_space<vmem>> -> memref<128xi32, #tpu.memory_space<vmem>>
    %dma_start3A_644 = arith.constant 0 : i32
    %dma_start3A_645 = arith.constant 0 : i32
    %dma_start3A_646 = tpu.memref_slice %arg2[%dma_start3A_644, %dma_start3A_645] : memref<786432x16xf32, #tpu.memory_space<hbm>> -> memref<786432x16xf32, #tpu.memory_space<hbm>>
    tpu.enqueue_indirect_dma source(%dma_start3A_646 : memref<786432x16xf32, #tpu.memory_space<hbm>>) target(%dma_start3A_640 : memref<128x16xf32, #tpu.memory_space<vmem>>) offsets(%dma_start3A_643 : memref<128xi32, #tpu.memory_space<vmem>>) semaphore(%arg14 : memref<!tpu.dma_semaphore, #tpu.memory_space<semaphore_mem>>)
    %dma_start3A_647 = arith.constant 3 : i32
    %dma_start3A_648 = arith.constant 384 : i32
    %dma_start3A_649 = arith.constant 0 : i32
    %dma_start3A_650 = tpu.memref_slice %arg10[%dma_start3A_648, %dma_start3A_649] : memref<1536x16xf32, #tpu.memory_space<vmem>> -> memref<128x16xf32, #tpu.memory_space<vmem>>
    %dma_start3A_651 = arith.constant 0 : i32
    %dma_start3A_652 = tpu.memref_slice %arg8[%dma_start3A_647, %dma_start3A_651] : memref<12x128xi32, #tpu.memory_space<vmem>> -> memref<1x128xi32, #tpu.memory_space<vmem>>
    %dma_start3A_653 = tpu.memref_squeeze %dma_start3A_652 : memref<1x128xi32, #tpu.memory_space<vmem>> -> memref<128xi32, #tpu.memory_space<vmem>>
    %dma_start3A_654 = arith.constant 0 : i32
    %dma_start3A_655 = arith.constant 0 : i32
    %dma_start3A_656 = tpu.memref_slice %arg2[%dma_start3A_654, %dma_start3A_655] : memref<786432x16xf32, #tpu.memory_space<hbm>> -> memref<786432x16xf32, #tpu.memory_space<hbm>>
    tpu.enqueue_indirect_dma source(%dma_start3A_656 : memref<786432x16xf32, #tpu.memory_space<hbm>>) target(%dma_start3A_650 : memref<128x16xf32, #tpu.memory_space<vmem>>) offsets(%dma_start3A_653 : memref<128xi32, #tpu.memory_space<vmem>>) semaphore(%arg14 : memref<!tpu.dma_semaphore, #tpu.memory_space<semaphore_mem>>)
    %dma_start3A_657 = arith.constant 4 : i32
    %dma_start3A_658 = arith.constant 512 : i32
    %dma_start3A_659 = arith.constant 0 : i32
    %dma_start3A_660 = tpu.memref_slice %arg10[%dma_start3A_658, %dma_start3A_659] : memref<1536x16xf32, #tpu.memory_space<vmem>> -> memref<128x16xf32, #tpu.memory_space<vmem>>
    %dma_start3A_661 = arith.constant 0 : i32
    %dma_start3A_662 = tpu.memref_slice %arg8[%dma_start3A_657, %dma_start3A_661] : memref<12x128xi32, #tpu.memory_space<vmem>> -> memref<1x128xi32, #tpu.memory_space<vmem>>
    %dma_start3A_663 = tpu.memref_squeeze %dma_start3A_662 : memref<1x128xi32, #tpu.memory_space<vmem>> -> memref<128xi32, #tpu.memory_space<vmem>>
    %dma_start3A_664 = arith.constant 0 : i32
    %dma_start3A_665 = arith.constant 0 : i32
    %dma_start3A_666 = tpu.memref_slice %arg2[%dma_start3A_664, %dma_start3A_665] : memref<786432x16xf32, #tpu.memory_space<hbm>> -> memref<786432x16xf32, #tpu.memory_space<hbm>>
    tpu.enqueue_indirect_dma source(%dma_start3A_666 : memref<786432x16xf32, #tpu.memory_space<hbm>>) target(%dma_start3A_660 : memref<128x16xf32, #tpu.memory_space<vmem>>) offsets(%dma_start3A_663 : memref<128xi32, #tpu.memory_space<vmem>>) semaphore(%arg14 : memref<!tpu.dma_semaphore, #tpu.memory_space<semaphore_mem>>)
    %dma_start3A_667 = arith.constant 5 : i32
    %dma_start3A_668 = arith.constant 640 : i32
    %dma_start3A_669 = arith.constant 0 : i32
    %dma_start3A_670 = tpu.memref_slice %arg10[%dma_start3A_668, %dma_start3A_669] : memref<1536x16xf32, #tpu.memory_space<vmem>> -> memref<128x16xf32, #tpu.memory_space<vmem>>
    %dma_start3A_671 = arith.constant 0 : i32
    %dma_start3A_672 = tpu.memref_slice %arg8[%dma_start3A_667, %dma_start3A_671] : memref<12x128xi32, #tpu.memory_space<vmem>> -> memref<1x128xi32, #tpu.memory_space<vmem>>
    %dma_start3A_673 = tpu.memref_squeeze %dma_start3A_672 : memref<1x128xi32, #tpu.memory_space<vmem>> -> memref<128xi32, #tpu.memory_space<vmem>>
    %dma_start3A_674 = arith.constant 0 : i32
    %dma_start3A_675 = arith.constant 0 : i32
    %dma_start3A_676 = tpu.memref_slice %arg2[%dma_start3A_674, %dma_start3A_675] : memref<786432x16xf32, #tpu.memory_space<hbm>> -> memref<786432x16xf32, #tpu.memory_space<hbm>>
    tpu.enqueue_indirect_dma source(%dma_start3A_676 : memref<786432x16xf32, #tpu.memory_space<hbm>>) target(%dma_start3A_670 : memref<128x16xf32, #tpu.memory_space<vmem>>) offsets(%dma_start3A_673 : memref<128xi32, #tpu.memory_space<vmem>>) semaphore(%arg14 : memref<!tpu.dma_semaphore, #tpu.memory_space<semaphore_mem>>)
    %dma_start3A_677 = arith.constant 6 : i32
    %dma_start3A_678 = arith.constant 768 : i32
    %dma_start3A_679 = arith.constant 0 : i32
    %dma_start3A_680 = tpu.memref_slice %arg10[%dma_start3A_678, %dma_start3A_679] : memref<1536x16xf32, #tpu.memory_space<vmem>> -> memref<128x16xf32, #tpu.memory_space<vmem>>
    %dma_start3A_681 = arith.constant 0 : i32
    %dma_start3A_682 = tpu.memref_slice %arg8[%dma_start3A_677, %dma_start3A_681] : memref<12x128xi32, #tpu.memory_space<vmem>> -> memref<1x128xi32, #tpu.memory_space<vmem>>
    %dma_start3A_683 = tpu.memref_squeeze %dma_start3A_682 : memref<1x128xi32, #tpu.memory_space<vmem>> -> memref<128xi32, #tpu.memory_space<vmem>>
    %dma_start3A_684 = arith.constant 0 : i32
    %dma_start3A_685 = arith.constant 0 : i32
    %dma_start3A_686 = tpu.memref_slice %arg2[%dma_start3A_684, %dma_start3A_685] : memref<786432x16xf32, #tpu.memory_space<hbm>> -> memref<786432x16xf32, #tpu.memory_space<hbm>>
    tpu.enqueue_indirect_dma source(%dma_start3A_686 : memref<786432x16xf32, #tpu.memory_space<hbm>>) target(%dma_start3A_680 : memref<128x16xf32, #tpu.memory_space<vmem>>) offsets(%dma_start3A_683 : memref<128xi32, #tpu.memory_space<vmem>>) semaphore(%arg14 : memref<!tpu.dma_semaphore, #tpu.memory_space<semaphore_mem>>)
    %dma_start3A_687 = arith.constant 7 : i32
    %dma_start3A_688 = arith.constant 896 : i32
    %dma_start3A_689 = arith.constant 0 : i32
    %dma_start3A_690 = tpu.memref_slice %arg10[%dma_start3A_688, %dma_start3A_689] : memref<1536x16xf32, #tpu.memory_space<vmem>> -> memref<128x16xf32, #tpu.memory_space<vmem>>
    %dma_start3A_691 = arith.constant 0 : i32
    %dma_start3A_692 = tpu.memref_slice %arg8[%dma_start3A_687, %dma_start3A_691] : memref<12x128xi32, #tpu.memory_space<vmem>> -> memref<1x128xi32, #tpu.memory_space<vmem>>
    %dma_start3A_693 = tpu.memref_squeeze %dma_start3A_692 : memref<1x128xi32, #tpu.memory_space<vmem>> -> memref<128xi32, #tpu.memory_space<vmem>>
    %dma_start3A_694 = arith.constant 0 : i32
    %dma_start3A_695 = arith.constant 0 : i32
    %dma_start3A_696 = tpu.memref_slice %arg2[%dma_start3A_694, %dma_start3A_695] : memref<786432x16xf32, #tpu.memory_space<hbm>> -> memref<786432x16xf32, #tpu.memory_space<hbm>>
    tpu.enqueue_indirect_dma source(%dma_start3A_696 : memref<786432x16xf32, #tpu.memory_space<hbm>>) target(%dma_start3A_690 : memref<128x16xf32, #tpu.memory_space<vmem>>) offsets(%dma_start3A_693 : memref<128xi32, #tpu.memory_space<vmem>>) semaphore(%arg14 : memref<!tpu.dma_semaphore, #tpu.memory_space<semaphore_mem>>)
    %dma_start3A_697 = arith.constant 8 : i32
    %dma_start3A_698 = arith.constant 1024 : i32
    %dma_start3A_699 = arith.constant 0 : i32
    %dma_start3A_700 = tpu.memref_slice %arg10[%dma_start3A_698, %dma_start3A_699] : memref<1536x16xf32, #tpu.memory_space<vmem>> -> memref<128x16xf32, #tpu.memory_space<vmem>>
    %dma_start3A_701 = arith.constant 0 : i32
    %dma_start3A_702 = tpu.memref_slice %arg8[%dma_start3A_697, %dma_start3A_701] : memref<12x128xi32, #tpu.memory_space<vmem>> -> memref<1x128xi32, #tpu.memory_space<vmem>>
    %dma_start3A_703 = tpu.memref_squeeze %dma_start3A_702 : memref<1x128xi32, #tpu.memory_space<vmem>> -> memref<128xi32, #tpu.memory_space<vmem>>
    %dma_start3A_704 = arith.constant 0 : i32
    %dma_start3A_705 = arith.constant 0 : i32
    %dma_start3A_706 = tpu.memref_slice %arg2[%dma_start3A_704, %dma_start3A_705] : memref<786432x16xf32, #tpu.memory_space<hbm>> -> memref<786432x16xf32, #tpu.memory_space<hbm>>
    tpu.enqueue_indirect_dma source(%dma_start3A_706 : memref<786432x16xf32, #tpu.memory_space<hbm>>) target(%dma_start3A_700 : memref<128x16xf32, #tpu.memory_space<vmem>>) offsets(%dma_start3A_703 : memref<128xi32, #tpu.memory_space<vmem>>) semaphore(%arg14 : memref<!tpu.dma_semaphore, #tpu.memory_space<semaphore_mem>>)
    %dma_start3A_707 = arith.constant 9 : i32
    %dma_start3A_708 = arith.constant 1152 : i32
    %dma_start3A_709 = arith.constant 0 : i32
    %dma_start3A_710 = tpu.memref_slice %arg10[%dma_start3A_708, %dma_start3A_709] : memref<1536x16xf32, #tpu.memory_space<vmem>> -> memref<128x16xf32, #tpu.memory_space<vmem>>
    %dma_start3A_711 = arith.constant 0 : i32
    %dma_start3A_712 = tpu.memref_slice %arg8[%dma_start3A_707, %dma_start3A_711] : memref<12x128xi32, #tpu.memory_space<vmem>> -> memref<1x128xi32, #tpu.memory_space<vmem>>
    %dma_start3A_713 = tpu.memref_squeeze %dma_start3A_712 : memref<1x128xi32, #tpu.memory_space<vmem>> -> memref<128xi32, #tpu.memory_space<vmem>>
    %dma_start3A_714 = arith.constant 0 : i32
    %dma_start3A_715 = arith.constant 0 : i32
    %dma_start3A_716 = tpu.memref_slice %arg2[%dma_start3A_714, %dma_start3A_715] : memref<786432x16xf32, #tpu.memory_space<hbm>> -> memref<786432x16xf32, #tpu.memory_space<hbm>>
    tpu.enqueue_indirect_dma source(%dma_start3A_716 : memref<786432x16xf32, #tpu.memory_space<hbm>>) target(%dma_start3A_710 : memref<128x16xf32, #tpu.memory_space<vmem>>) offsets(%dma_start3A_713 : memref<128xi32, #tpu.memory_space<vmem>>) semaphore(%arg14 : memref<!tpu.dma_semaphore, #tpu.memory_space<semaphore_mem>>)
    %dma_start3A_717 = arith.constant 10 : i32
    %dma_start3A_718 = arith.constant 1280 : i32
    %dma_start3A_719 = arith.constant 0 : i32
    %dma_start3A_720 = tpu.memref_slice %arg10[%dma_start3A_718, %dma_start3A_719] : memref<1536x16xf32, #tpu.memory_space<vmem>> -> memref<128x16xf32, #tpu.memory_space<vmem>>
    %dma_start3A_721 = arith.constant 0 : i32
    %dma_start3A_722 = tpu.memref_slice %arg8[%dma_start3A_717, %dma_start3A_721] : memref<12x128xi32, #tpu.memory_space<vmem>> -> memref<1x128xi32, #tpu.memory_space<vmem>>
    %dma_start3A_723 = tpu.memref_squeeze %dma_start3A_722 : memref<1x128xi32, #tpu.memory_space<vmem>> -> memref<128xi32, #tpu.memory_space<vmem>>
    %dma_start3A_724 = arith.constant 0 : i32
    %dma_start3A_725 = arith.constant 0 : i32
    %dma_start3A_726 = tpu.memref_slice %arg2[%dma_start3A_724, %dma_start3A_725] : memref<786432x16xf32, #tpu.memory_space<hbm>> -> memref<786432x16xf32, #tpu.memory_space<hbm>>
    tpu.enqueue_indirect_dma source(%dma_start3A_726 : memref<786432x16xf32, #tpu.memory_space<hbm>>) target(%dma_start3A_720 : memref<128x16xf32, #tpu.memory_space<vmem>>) offsets(%dma_start3A_723 : memref<128xi32, #tpu.memory_space<vmem>>) semaphore(%arg14 : memref<!tpu.dma_semaphore, #tpu.memory_space<semaphore_mem>>)
    %dma_start3A_727 = arith.constant 11 : i32
    %dma_start3A_728 = arith.constant 1408 : i32
    %dma_start3A_729 = arith.constant 0 : i32
    %dma_start3A_730 = tpu.memref_slice %arg10[%dma_start3A_728, %dma_start3A_729] : memref<1536x16xf32, #tpu.memory_space<vmem>> -> memref<128x16xf32, #tpu.memory_space<vmem>>
    %dma_start3A_731 = arith.constant 0 : i32
    %dma_start3A_732 = tpu.memref_slice %arg8[%dma_start3A_727, %dma_start3A_731] : memref<12x128xi32, #tpu.memory_space<vmem>> -> memref<1x128xi32, #tpu.memory_space<vmem>>
    %dma_start3A_733 = tpu.memref_squeeze %dma_start3A_732 : memref<1x128xi32, #tpu.memory_space<vmem>> -> memref<128xi32, #tpu.memory_space<vmem>>
    %dma_start3A_734 = arith.constant 0 : i32
    %dma_start3A_735 = arith.constant 0 : i32
    %dma_start3A_736 = tpu.memref_slice %arg2[%dma_start3A_734, %dma_start3A_735] : memref<786432x16xf32, #tpu.memory_space<hbm>> -> memref<786432x16xf32, #tpu.memory_space<hbm>>
    tpu.enqueue_indirect_dma source(%dma_start3A_736 : memref<786432x16xf32, #tpu.memory_space<hbm>>) target(%dma_start3A_730 : memref<128x16xf32, #tpu.memory_space<vmem>>) offsets(%dma_start3A_733 : memref<128xi32, #tpu.memory_space<vmem>>) semaphore(%arg14 : memref<!tpu.dma_semaphore, #tpu.memory_space<semaphore_mem>>)
    %scan3A = arith.constant 0 : i32
    %scan3A_737 = arith.constant 0 : i32
    %scan3A_738 = arith.constant 16 : i32
    %scan3A_739 = arith.addi %scan3A_737, %scan3A_738 : i32
    %scan3A_740 = arith.constant 1 : i32
    scf.for %scan3A_881 = %scan3A_737 to %scan3A_739 step %scan3A_740  : i32 {
      %mul3A_882 = arith.constant 2 : i32
      %mul3A_883 = arith.muli %mul3A_882, %scan3A_881 : i32
      %add3A_884 = arith.constant 1 : i32
      %add3A_885 = arith.addi %mul3A_883, %add3A_884 : i32
      %jit3A_886 = arith.constant 8 : i32
      %div3A = arith.divsi %add3A_885, %jit3A_886 : i32
      %sign3A = arith.constant 0 : i32
      %sign3A_887 = arith.cmpi sgt, %add3A_885, %sign3A : i32
      %sign3A_888 = arith.extui %sign3A_887 : i1 to i32
      %sign3A_889 = arith.constant 0 : i32
      %sign3A_890 = arith.cmpi slt, %add3A_885, %sign3A_889 : i32
      %sign3A_891 = arith.extui %sign3A_890 : i1 to i32
      %sign3A_892 = arith.subi %sign3A_888, %sign3A_891 : i32
      %sign3A_893 = arith.constant 0 : i32
      %sign3A_894 = arith.cmpi sgt, %jit3A_886, %sign3A_893 : i32
      %sign3A_895 = arith.extui %sign3A_894 : i1 to i32
      %sign3A_896 = arith.constant 0 : i32
      %sign3A_897 = arith.cmpi slt, %jit3A_886, %sign3A_896 : i32
      %sign3A_898 = arith.extui %sign3A_897 : i1 to i32
      %sign3A_899 = arith.subi %sign3A_895, %sign3A_898 : i32
      %ne3A = arith.cmpi ne, %sign3A_892, %sign3A_899 : i32
      %rem3A = arith.remsi %add3A_885, %jit3A_886 : i32
      %ne3A_900 = arith.constant 0 : i32
      %ne3A_901 = arith.cmpi ne, %rem3A, %ne3A_900 : i32
      %and3A_902 = arith.andi %ne3A, %ne3A_901 : i1
      %sub3A = arith.constant 1 : i32
      %sub3A_903 = arith.subi %div3A, %sub3A : i32
      %select_n3A_904 = arith.select %and3A_902, %sub3A_903, %div3A : i32
      %jit3A_905 = arith.constant 8 : i32
      %eq3A_906 = arith.constant 0 : i32
      %eq3A_907 = arith.cmpi eq, %jit3A_905, %eq3A_906 : i32
      %jit3A_908 = arith.constant 1 : i32
      %select_n3A_909 = arith.select %eq3A_907, %jit3A_908, %jit3A_905 : i32
      %rem3A_910 = arith.remsi %add3A_885, %select_n3A_909 : i32
      %ne3A_911 = arith.constant 0 : i32
      %ne3A_912 = arith.cmpi ne, %rem3A_910, %ne3A_911 : i32
      %lt3A = arith.constant 0 : i32
      %lt3A_913 = arith.cmpi slt, %rem3A_910, %lt3A : i32
      %lt3A_914 = arith.constant 0 : i32
      %lt3A_915 = arith.cmpi slt, %select_n3A_909, %lt3A_914 : i32
      %ne3A_916 = arith.xori %lt3A_913, %lt3A_915 : i1
      %and3A_917 = arith.andi %ne3A_916, %ne3A_912 : i1
      %add3A_918 = arith.addi %rem3A_910, %select_n3A_909 : i32
      %select_n3A_919 = arith.select %and3A_917, %add3A_918, %rem3A_910 : i32
      %mul3A_920 = arith.constant 16 : i32
      %mul3A_921 = arith.muli %select_n3A_919, %mul3A_920 : i32
      %get3A_922 = arith.index_cast %select_n3A_904 : i32 to index
      %get3A_923 = arith.index_cast %mul3A_921 : i32 to index
      %get3A_924 = tpu.vector_load %arg6[%get3A_922, %get3A_923] {strides = array<i32>} : memref<4x128xi32, #tpu.memory_space<vmem>>, vector<16xi32>,
      %jit3A_925 = arith.constant 8 : i32
      %div3A_926 = arith.divsi %add3A_885, %jit3A_925 : i32
      %sign3A_927 = arith.constant 0 : i32
      %sign3A_928 = arith.cmpi sgt, %add3A_885, %sign3A_927 : i32
      %sign3A_929 = arith.extui %sign3A_928 : i1 to i32
      %sign3A_930 = arith.constant 0 : i32
      %sign3A_931 = arith.cmpi slt, %add3A_885, %sign3A_930 : i32
      %sign3A_932 = arith.extui %sign3A_931 : i1 to i32
      %sign3A_933 = arith.subi %sign3A_929, %sign3A_932 : i32
      %sign3A_934 = arith.constant 0 : i32
      %sign3A_935 = arith.cmpi sgt, %jit3A_925, %sign3A_934 : i32
      %sign3A_936 = arith.extui %sign3A_935 : i1 to i32
      %sign3A_937 = arith.constant 0 : i32
      %sign3A_938 = arith.cmpi slt, %jit3A_925, %sign3A_937 : i32
      %sign3A_939 = arith.extui %sign3A_938 : i1 to i32
      %sign3A_940 = arith.subi %sign3A_936, %sign3A_939 : i32
      %ne3A_941 = arith.cmpi ne, %sign3A_933, %sign3A_940 : i32
      %rem3A_942 = arith.remsi %add3A_885, %jit3A_925 : i32
      %ne3A_943 = arith.constant 0 : i32
      %ne3A_944 = arith.cmpi ne, %rem3A_942, %ne3A_943 : i32
      %and3A_945 = arith.andi %ne3A_941, %ne3A_944 : i1
      %sub3A_946 = arith.constant 1 : i32
      %sub3A_947 = arith.subi %div3A_926, %sub3A_946 : i32
      %select_n3A_948 = arith.select %and3A_945, %sub3A_947, %div3A_926 : i32
      %jit3A_949 = arith.constant 8 : i32
      %eq3A_950 = arith.constant 0 : i32
      %eq3A_951 = arith.cmpi eq, %jit3A_949, %eq3A_950 : i32
      %jit3A_952 = arith.constant 1 : i32
      %select_n3A_953 = arith.select %eq3A_951, %jit3A_952, %jit3A_949 : i32
      %rem3A_954 = arith.remsi %add3A_885, %select_n3A_953 : i32
      %ne3A_955 = arith.constant 0 : i32
      %ne3A_956 = arith.cmpi ne, %rem3A_954, %ne3A_955 : i32
      %lt3A_957 = arith.constant 0 : i32
      %lt3A_958 = arith.cmpi slt, %rem3A_954, %lt3A_957 : i32
      %lt3A_959 = arith.constant 0 : i32
      %lt3A_960 = arith.cmpi slt, %select_n3A_953, %lt3A_959 : i32
      %ne3A_961 = arith.xori %lt3A_958, %lt3A_960 : i1
      %and3A_962 = arith.andi %ne3A_961, %ne3A_956 : i1
      %add3A_963 = arith.addi %rem3A_954, %select_n3A_953 : i32
      %select_n3A_964 = arith.select %and3A_962, %add3A_963, %rem3A_954 : i32
      %mul3A_965 = arith.constant 16 : i32
      %mul3A_966 = arith.muli %select_n3A_964, %mul3A_965 : i32
      %get3A_967 = arith.index_cast %select_n3A_948 : i32 to index
      %get3A_968 = arith.index_cast %mul3A_966 : i32 to index
      %get3A_969 = tpu.vector_load %arg7[%get3A_967, %get3A_968] {strides = array<i32>} : memref<4x128xi32, #tpu.memory_space<vmem>>, vector<16xi32>,
      %add3A_970 = arith.addi %get3A_924, %iota3A : vector<16xi32>
      %and3A_971 = arith.constant 511 : i32
      %and3A_972 = vector.broadcast %and3A_971 : i32 to vector<16xi32>
      %and3A_973 = arith.andi %add3A_970, %and3A_972 : vector<16xi32>
      %shift_right_arithmetic3A_974 = arith.constant 4 : i32
      %shift_right_arithmetic3A_975 = vector.broadcast %shift_right_arithmetic3A_974 : i32 to vector<16xi32>
      %shift_right_arithmetic3A_976 = arith.shrsi %get3A_969, %shift_right_arithmetic3A_975 : vector<16xi32>
      %mul3A_977 = arith.constant 32 : i32
      %mul3A_978 = vector.broadcast %mul3A_977 : i32 to vector<16xi32>
      %mul3A_979 = arith.muli %and3A_973, %mul3A_978 : vector<16xi32>
      %add3A_980 = arith.addi %mul3A_979, %shift_right_arithmetic3A_976 : vector<16xi32>
      %eq3A_981 = arith.constant 31 : i32
      %eq3A_982 = vector.broadcast %eq3A_981 : i32 to vector<16xi32>
      %eq3A_983 = arith.cmpi eq, %shift_right_arithmetic3A_976, %eq3A_982 : vector<16xi32>
      %jit3A_984 = arith.constant -31 : i32
      %jit3A_985 = arith.constant 1 : i32
      %broadcast_in_dim3A_986 = vector.broadcast %jit3A_984 : i32 to vector<16xi32>
      %broadcast_in_dim3A_987 = vector.broadcast %jit3A_985 : i32 to vector<16xi32>
      %select_n3A_988 = arith.select %eq3A_983, %broadcast_in_dim3A_986, %broadcast_in_dim3A_987 : vector<16xi1>, vector<16xi32>
      %add3A_989 = arith.constant 0 : i32
      %add3A_990 = vector.broadcast %add3A_989 : i32 to vector<16xi32>
      %add3A_991 = arith.addi %add3A_980, %add3A_990 : vector<16xi32>
      %swap3A_992 = arith.constant 0 : i32
      %swap3A_993 = arith.index_cast %swap3A_992 : i32 to index
      %swap3A_994 = arith.constant 0 : index
      %swap3A_995 = tpu.vector_load %arg9[%swap3A_993, %swap3A_994] {strides = array<i32>} : memref<12x128xi32, #tpu.memory_space<vmem>>, vector<16xi32>,
      tpu.vector_store %arg9[%swap3A_993, %swap3A_994], %add3A_991 {strides = array<i32>} : memref<12x128xi32, #tpu.memory_space<vmem>>, vector<16xi32>,
      %add3A_996 = arith.addi %add3A_991, %select_n3A_988 : vector<16xi32>
      %swap3A_997 = arith.constant 6 : i32
      %swap3A_998 = arith.index_cast %swap3A_997 : i32 to index
      %swap3A_999 = arith.constant 0 : index
      %swap3A_1000 = tpu.vector_load %arg9[%swap3A_998, %swap3A_999] {strides = array<i32>} : memref<12x128xi32, #tpu.memory_space<vmem>>, vector<16xi32>,
      tpu.vector_store %arg9[%swap3A_998, %swap3A_999], %add3A_996 {strides = array<i32>} : memref<12x128xi32, #tpu.memory_space<vmem>>, vector<16xi32>,
      %add3A_1001 = arith.constant 16384 : i32
      %add3A_1002 = vector.broadcast %add3A_1001 : i32 to vector<16xi32>
      %add3A_1003 = arith.addi %add3A_980, %add3A_1002 : vector<16xi32>
      %swap3A_1004 = arith.constant 0 : i32
      %swap3A_1005 = arith.index_cast %swap3A_1004 : i32 to index
      %swap3A_1006 = arith.constant 16 : index
      %swap3A_1007 = tpu.vector_load %arg9[%swap3A_1005, %swap3A_1006] {strides = array<i32>} : memref<12x128xi32, #tpu.memory_space<vmem>>, vector<16xi32>,
      tpu.vector_store %arg9[%swap3A_1005, %swap3A_1006], %add3A_1003 {strides = array<i32>} : memref<12x128xi32, #tpu.memory_space<vmem>>, vector<16xi32>,
      %add3A_1008 = arith.addi %add3A_1003, %select_n3A_988 : vector<16xi32>
      %swap3A_1009 = arith.constant 6 : i32
      %swap3A_1010 = arith.index_cast %swap3A_1009 : i32 to index
      %swap3A_1011 = arith.constant 16 : index
      %swap3A_1012 = tpu.vector_load %arg9[%swap3A_1010, %swap3A_1011] {strides = array<i32>} : memref<12x128xi32, #tpu.memory_space<vmem>>, vector<16xi32>,
      tpu.vector_store %arg9[%swap3A_1010, %swap3A_1011], %add3A_1008 {strides = array<i32>} : memref<12x128xi32, #tpu.memory_space<vmem>>, vector<16xi32>,
      %add3A_1013 = arith.constant 32768 : i32
      %add3A_1014 = vector.broadcast %add3A_1013 : i32 to vector<16xi32>
      %add3A_1015 = arith.addi %add3A_980, %add3A_1014 : vector<16xi32>
      %swap3A_1016 = arith.constant 0 : i32
      %swap3A_1017 = arith.index_cast %swap3A_1016 : i32 to index
      %swap3A_1018 = arith.constant 32 : index
      %swap3A_1019 = tpu.vector_load %arg9[%swap3A_1017, %swap3A_1018] {strides = array<i32>} : memref<12x128xi32, #tpu.memory_space<vmem>>, vector<16xi32>,
      tpu.vector_store %arg9[%swap3A_1017, %swap3A_1018], %add3A_1015 {strides = array<i32>} : memref<12x128xi32, #tpu.memory_space<vmem>>, vector<16xi32>,
      %add3A_1020 = arith.addi %add3A_1015, %select_n3A_988 : vector<16xi32>
      %swap3A_1021 = arith.constant 6 : i32
      %swap3A_1022 = arith.index_cast %swap3A_1021 : i32 to index
      %swap3A_1023 = arith.constant 32 : index
      %swap3A_1024 = tpu.vector_load %arg9[%swap3A_1022, %swap3A_1023] {strides = array<i32>} : memref<12x128xi32, #tpu.memory_space<vmem>>, vector<16xi32>,
      tpu.vector_store %arg9[%swap3A_1022, %swap3A_1023], %add3A_1020 {strides = array<i32>} : memref<12x128xi32, #tpu.memory_space<vmem>>, vector<16xi32>,
      %add3A_1025 = arith.constant 49152 : i32
      %add3A_1026 = vector.broadcast %add3A_1025 : i32 to vector<16xi32>
      %add3A_1027 = arith.addi %add3A_980, %add3A_1026 : vector<16xi32>
      %swap3A_1028 = arith.constant 0 : i32
      %swap3A_1029 = arith.index_cast %swap3A_1028 : i32 to index
      %swap3A_1030 = arith.constant 48 : index
      %swap3A_1031 = tpu.vector_load %arg9[%swap3A_1029, %swap3A_1030] {strides = array<i32>} : memref<12x128xi32, #tpu.memory_space<vmem>>, vector<16xi32>,
      tpu.vector_store %arg9[%swap3A_1029, %swap3A_1030], %add3A_1027 {strides = array<i32>} : memref<12x128xi32, #tpu.memory_space<vmem>>, vector<16xi32>,
      %add3A_1032 = arith.addi %add3A_1027, %select_n3A_988 : vector<16xi32>
      %swap3A_1033 = arith.constant 6 : i32
      %swap3A_1034 = arith.index_cast %swap3A_1033 : i32 to index
      %swap3A_1035 = arith.constant 48 : index
      %swap3A_1036 = tpu.vector_load %arg9[%swap3A_1034, %swap3A_1035] {strides = array<i32>} : memref<12x128xi32, #tpu.memory_space<vmem>>, vector<16xi32>,
      tpu.vector_store %arg9[%swap3A_1034, %swap3A_1035], %add3A_1032 {strides = array<i32>} : memref<12x128xi32, #tpu.memory_space<vmem>>, vector<16xi32>,
      %add3A_1037 = arith.constant 65536 : i32
      %add3A_1038 = vector.broadcast %add3A_1037 : i32 to vector<16xi32>
      %add3A_1039 = arith.addi %add3A_980, %add3A_1038 : vector<16xi32>
      %swap3A_1040 = arith.constant 0 : i32
      %swap3A_1041 = arith.index_cast %swap3A_1040 : i32 to index
      %swap3A_1042 = arith.constant 64 : index
      %swap3A_1043 = tpu.vector_load %arg9[%swap3A_1041, %swap3A_1042] {strides = array<i32>} : memref<12x128xi32, #tpu.memory_space<vmem>>, vector<16xi32>,
      tpu.vector_store %arg9[%swap3A_1041, %swap3A_1042], %add3A_1039 {strides = array<i32>} : memref<12x128xi32, #tpu.memory_space<vmem>>, vector<16xi32>,
      %add3A_1044 = arith.addi %add3A_1039, %select_n3A_988 : vector<16xi32>
      %swap3A_1045 = arith.constant 6 : i32
      %swap3A_1046 = arith.index_cast %swap3A_1045 : i32 to index
      %swap3A_1047 = arith.constant 64 : index
      %swap3A_1048 = tpu.vector_load %arg9[%swap3A_1046, %swap3A_1047] {strides = array<i32>} : memref<12x128xi32, #tpu.memory_space<vmem>>, vector<16xi32>,
      tpu.vector_store %arg9[%swap3A_1046, %swap3A_1047], %add3A_1044 {strides = array<i32>} : memref<12x128xi32, #tpu.memory_space<vmem>>, vector<16xi32>,
      %add3A_1049 = arith.constant 81920 : i32
      %add3A_1050 = vector.broadcast %add3A_1049 : i32 to vector<16xi32>
      %add3A_1051 = arith.addi %add3A_980, %add3A_1050 : vector<16xi32>
      %swap3A_1052 = arith.constant 0 : i32
      %swap3A_1053 = arith.index_cast %swap3A_1052 : i32 to index
      %swap3A_1054 = arith.constant 80 : index
      %swap3A_1055 = tpu.vector_load %arg9[%swap3A_1053, %swap3A_1054] {strides = array<i32>} : memref<12x128xi32, #tpu.memory_space<vmem>>, vector<16xi32>,
      tpu.vector_store %arg9[%swap3A_1053, %swap3A_1054], %add3A_1051 {strides = array<i32>} : memref<12x128xi32, #tpu.memory_space<vmem>>, vector<16xi32>,
      %add3A_1056 = arith.addi %add3A_1051, %select_n3A_988 : vector<16xi32>
      %swap3A_1057 = arith.constant 6 : i32
      %swap3A_1058 = arith.index_cast %swap3A_1057 : i32 to index
      %swap3A_1059 = arith.constant 80 : index
      %swap3A_1060 = tpu.vector_load %arg9[%swap3A_1058, %swap3A_1059] {strides = array<i32>} : memref<12x128xi32, #tpu.memory_space<vmem>>, vector<16xi32>,
      tpu.vector_store %arg9[%swap3A_1058, %swap3A_1059], %add3A_1056 {strides = array<i32>} : memref<12x128xi32, #tpu.memory_space<vmem>>, vector<16xi32>,
      %add3A_1061 = arith.constant 98304 : i32
      %add3A_1062 = vector.broadcast %add3A_1061 : i32 to vector<16xi32>
      %add3A_1063 = arith.addi %add3A_980, %add3A_1062 : vector<16xi32>
      %swap3A_1064 = arith.constant 0 : i32
      %swap3A_1065 = arith.index_cast %swap3A_1064 : i32 to index
      %swap3A_1066 = arith.constant 96 : index
      %swap3A_1067 = tpu.vector_load %arg9[%swap3A_1065, %swap3A_1066] {strides = array<i32>} : memref<12x128xi32, #tpu.memory_space<vmem>>, vector<16xi32>,
      tpu.vector_store %arg9[%swap3A_1065, %swap3A_1066], %add3A_1063 {strides = array<i32>} : memref<12x128xi32, #tpu.memory_space<vmem>>, vector<16xi32>,
      %add3A_1068 = arith.addi %add3A_1063, %select_n3A_988 : vector<16xi32>
      %swap3A_1069 = arith.constant 6 : i32
      %swap3A_1070 = arith.index_cast %swap3A_1069 : i32 to index
      %swap3A_1071 = arith.constant 96 : index
      %swap3A_1072 = tpu.vector_load %arg9[%swap3A_1070, %swap3A_1071] {strides = array<i32>} : memref<12x128xi32, #tpu.memory_space<vmem>>, vector<16xi32>,
      tpu.vector_store %arg9[%swap3A_1070, %swap3A_1071], %add3A_1068 {strides = array<i32>} : memref<12x128xi32, #tpu.memory_space<vmem>>, vector<16xi32>,
      %add3A_1073 = arith.constant 114688 : i32
      %add3A_1074 = vector.broadcast %add3A_1073 : i32 to vector<16xi32>
      %add3A_1075 = arith.addi %add3A_980, %add3A_1074 : vector<16xi32>
      %swap3A_1076 = arith.constant 0 : i32
      %swap3A_1077 = arith.index_cast %swap3A_1076 : i32 to index
      %swap3A_1078 = arith.constant 112 : index
      %swap3A_1079 = tpu.vector_load %arg9[%swap3A_1077, %swap3A_1078] {strides = array<i32>} : memref<12x128xi32, #tpu.memory_space<vmem>>, vector<16xi32>,
      tpu.vector_store %arg9[%swap3A_1077, %swap3A_1078], %add3A_1075 {strides = array<i32>} : memref<12x128xi32, #tpu.memory_space<vmem>>, vector<16xi32>,
      %add3A_1080 = arith.addi %add3A_1075, %select_n3A_988 : vector<16xi32>
      %swap3A_1081 = arith.constant 6 : i32
      %swap3A_1082 = arith.index_cast %swap3A_1081 : i32 to index
      %swap3A_1083 = arith.constant 112 : index
      %swap3A_1084 = tpu.vector_load %arg9[%swap3A_1082, %swap3A_1083] {strides = array<i32>} : memref<12x128xi32, #tpu.memory_space<vmem>>, vector<16xi32>,
      tpu.vector_store %arg9[%swap3A_1082, %swap3A_1083], %add3A_1080 {strides = array<i32>} : memref<12x128xi32, #tpu.memory_space<vmem>>, vector<16xi32>,
      %add3A_1085 = arith.constant 131072 : i32
      %add3A_1086 = vector.broadcast %add3A_1085 : i32 to vector<16xi32>
      %add3A_1087 = arith.addi %add3A_980, %add3A_1086 : vector<16xi32>
      %swap3A_1088 = arith.constant 1 : i32
      %swap3A_1089 = arith.index_cast %swap3A_1088 : i32 to index
      %swap3A_1090 = arith.constant 0 : index
      %swap3A_1091 = tpu.vector_load %arg9[%swap3A_1089, %swap3A_1090] {strides = array<i32>} : memref<12x128xi32, #tpu.memory_space<vmem>>, vector<16xi32>,
      tpu.vector_store %arg9[%swap3A_1089, %swap3A_1090], %add3A_1087 {strides = array<i32>} : memref<12x128xi32, #tpu.memory_space<vmem>>, vector<16xi32>,
      %add3A_1092 = arith.addi %add3A_1087, %select_n3A_988 : vector<16xi32>
      %swap3A_1093 = arith.constant 7 : i32
      %swap3A_1094 = arith.index_cast %swap3A_1093 : i32 to index
      %swap3A_1095 = arith.constant 0 : index
      %swap3A_1096 = tpu.vector_load %arg9[%swap3A_1094, %swap3A_1095] {strides = array<i32>} : memref<12x128xi32, #tpu.memory_space<vmem>>, vector<16xi32>,
      tpu.vector_store %arg9[%swap3A_1094, %swap3A_1095], %add3A_1092 {strides = array<i32>} : memref<12x128xi32, #tpu.memory_space<vmem>>, vector<16xi32>,
      %add3A_1097 = arith.constant 147456 : i32
      %add3A_1098 = vector.broadcast %add3A_1097 : i32 to vector<16xi32>
      %add3A_1099 = arith.addi %add3A_980, %add3A_1098 : vector<16xi32>
      %swap3A_1100 = arith.constant 1 : i32
      %swap3A_1101 = arith.index_cast %swap3A_1100 : i32 to index
      %swap3A_1102 = arith.constant 16 : index
      %swap3A_1103 = tpu.vector_load %arg9[%swap3A_1101, %swap3A_1102] {strides = array<i32>} : memref<12x128xi32, #tpu.memory_space<vmem>>, vector<16xi32>,
      tpu.vector_store %arg9[%swap3A_1101, %swap3A_1102], %add3A_1099 {strides = array<i32>} : memref<12x128xi32, #tpu.memory_space<vmem>>, vector<16xi32>,
      %add3A_1104 = arith.addi %add3A_1099, %select_n3A_988 : vector<16xi32>
      %swap3A_1105 = arith.constant 7 : i32
      %swap3A_1106 = arith.index_cast %swap3A_1105 : i32 to index
      %swap3A_1107 = arith.constant 16 : index
      %swap3A_1108 = tpu.vector_load %arg9[%swap3A_1106, %swap3A_1107] {strides = array<i32>} : memref<12x128xi32, #tpu.memory_space<vmem>>, vector<16xi32>,
      tpu.vector_store %arg9[%swap3A_1106, %swap3A_1107], %add3A_1104 {strides = array<i32>} : memref<12x128xi32, #tpu.memory_space<vmem>>, vector<16xi32>,
      %add3A_1109 = arith.constant 163840 : i32
      %add3A_1110 = vector.broadcast %add3A_1109 : i32 to vector<16xi32>
      %add3A_1111 = arith.addi %add3A_980, %add3A_1110 : vector<16xi32>
      %swap3A_1112 = arith.constant 1 : i32
      %swap3A_1113 = arith.index_cast %swap3A_1112 : i32 to index
      %swap3A_1114 = arith.constant 32 : index
      %swap3A_1115 = tpu.vector_load %arg9[%swap3A_1113, %swap3A_1114] {strides = array<i32>} : memref<12x128xi32, #tpu.memory_space<vmem>>, vector<16xi32>,
      tpu.vector_store %arg9[%swap3A_1113, %swap3A_1114], %add3A_1111 {strides = array<i32>} : memref<12x128xi32, #tpu.memory_space<vmem>>, vector<16xi32>,
      %add3A_1116 = arith.addi %add3A_1111, %select_n3A_988 : vector<16xi32>
      %swap3A_1117 = arith.constant 7 : i32
      %swap3A_1118 = arith.index_cast %swap3A_1117 : i32 to index
      %swap3A_1119 = arith.constant 32 : index
      %swap3A_1120 = tpu.vector_load %arg9[%swap3A_1118, %swap3A_1119] {strides = array<i32>} : memref<12x128xi32, #tpu.memory_space<vmem>>, vector<16xi32>,
      tpu.vector_store %arg9[%swap3A_1118, %swap3A_1119], %add3A_1116 {strides = array<i32>} : memref<12x128xi32, #tpu.memory_space<vmem>>, vector<16xi32>,
      %add3A_1121 = arith.constant 180224 : i32
      %add3A_1122 = vector.broadcast %add3A_1121 : i32 to vector<16xi32>
      %add3A_1123 = arith.addi %add3A_980, %add3A_1122 : vector<16xi32>
      %swap3A_1124 = arith.constant 1 : i32
      %swap3A_1125 = arith.index_cast %swap3A_1124 : i32 to index
      %swap3A_1126 = arith.constant 48 : index
      %swap3A_1127 = tpu.vector_load %arg9[%swap3A_1125, %swap3A_1126] {strides = array<i32>} : memref<12x128xi32, #tpu.memory_space<vmem>>, vector<16xi32>,
      tpu.vector_store %arg9[%swap3A_1125, %swap3A_1126], %add3A_1123 {strides = array<i32>} : memref<12x128xi32, #tpu.memory_space<vmem>>, vector<16xi32>,
      %add3A_1128 = arith.addi %add3A_1123, %select_n3A_988 : vector<16xi32>
      %swap3A_1129 = arith.constant 7 : i32
      %swap3A_1130 = arith.index_cast %swap3A_1129 : i32 to index
      %swap3A_1131 = arith.constant 48 : index
      %swap3A_1132 = tpu.vector_load %arg9[%swap3A_1130, %swap3A_1131] {strides = array<i32>} : memref<12x128xi32, #tpu.memory_space<vmem>>, vector<16xi32>,
      tpu.vector_store %arg9[%swap3A_1130, %swap3A_1131], %add3A_1128 {strides = array<i32>} : memref<12x128xi32, #tpu.memory_space<vmem>>, vector<16xi32>,
      %add3A_1133 = arith.constant 196608 : i32
      %add3A_1134 = vector.broadcast %add3A_1133 : i32 to vector<16xi32>
      %add3A_1135 = arith.addi %add3A_980, %add3A_1134 : vector<16xi32>
      %swap3A_1136 = arith.constant 1 : i32
      %swap3A_1137 = arith.index_cast %swap3A_1136 : i32 to index
      %swap3A_1138 = arith.constant 64 : index
      %swap3A_1139 = tpu.vector_load %arg9[%swap3A_1137, %swap3A_1138] {strides = array<i32>} : memref<12x128xi32, #tpu.memory_space<vmem>>, vector<16xi32>,
      tpu.vector_store %arg9[%swap3A_1137, %swap3A_1138], %add3A_1135 {strides = array<i32>} : memref<12x128xi32, #tpu.memory_space<vmem>>, vector<16xi32>,
      %add3A_1140 = arith.addi %add3A_1135, %select_n3A_988 : vector<16xi32>
      %swap3A_1141 = arith.constant 7 : i32
      %swap3A_1142 = arith.index_cast %swap3A_1141 : i32 to index
      %swap3A_1143 = arith.constant 64 : index
      %swap3A_1144 = tpu.vector_load %arg9[%swap3A_1142, %swap3A_1143] {strides = array<i32>} : memref<12x128xi32, #tpu.memory_space<vmem>>, vector<16xi32>,
      tpu.vector_store %arg9[%swap3A_1142, %swap3A_1143], %add3A_1140 {strides = array<i32>} : memref<12x128xi32, #tpu.memory_space<vmem>>, vector<16xi32>,
      %add3A_1145 = arith.constant 212992 : i32
      %add3A_1146 = vector.broadcast %add3A_1145 : i32 to vector<16xi32>
      %add3A_1147 = arith.addi %add3A_980, %add3A_1146 : vector<16xi32>
      %swap3A_1148 = arith.constant 1 : i32
      %swap3A_1149 = arith.index_cast %swap3A_1148 : i32 to index
      %swap3A_1150 = arith.constant 80 : index
      %swap3A_1151 = tpu.vector_load %arg9[%swap3A_1149, %swap3A_1150] {strides = array<i32>} : memref<12x128xi32, #tpu.memory_space<vmem>>, vector<16xi32>,
      tpu.vector_store %arg9[%swap3A_1149, %swap3A_1150], %add3A_1147 {strides = array<i32>} : memref<12x128xi32, #tpu.memory_space<vmem>>, vector<16xi32>,
      %add3A_1152 = arith.addi %add3A_1147, %select_n3A_988 : vector<16xi32>
      %swap3A_1153 = arith.constant 7 : i32
      %swap3A_1154 = arith.index_cast %swap3A_1153 : i32 to index
      %swap3A_1155 = arith.constant 80 : index
      %swap3A_1156 = tpu.vector_load %arg9[%swap3A_1154, %swap3A_1155] {strides = array<i32>} : memref<12x128xi32, #tpu.memory_space<vmem>>, vector<16xi32>,
      tpu.vector_store %arg9[%swap3A_1154, %swap3A_1155], %add3A_1152 {strides = array<i32>} : memref<12x128xi32, #tpu.memory_space<vmem>>, vector<16xi32>,
      %add3A_1157 = arith.constant 229376 : i32
      %add3A_1158 = vector.broadcast %add3A_1157 : i32 to vector<16xi32>
      %add3A_1159 = arith.addi %add3A_980, %add3A_1158 : vector<16xi32>
      %swap3A_1160 = arith.constant 1 : i32
      %swap3A_1161 = arith.index_cast %swap3A_1160 : i32 to index
      %swap3A_1162 = arith.constant 96 : index
      %swap3A_1163 = tpu.vector_load %arg9[%swap3A_1161, %swap3A_1162] {strides = array<i32>} : memref<12x128xi32, #tpu.memory_space<vmem>>, vector<16xi32>,
      tpu.vector_store %arg9[%swap3A_1161, %swap3A_1162], %add3A_1159 {strides = array<i32>} : memref<12x128xi32, #tpu.memory_space<vmem>>, vector<16xi32>,
      %add3A_1164 = arith.addi %add3A_1159, %select_n3A_988 : vector<16xi32>
      %swap3A_1165 = arith.constant 7 : i32
      %swap3A_1166 = arith.index_cast %swap3A_1165 : i32 to index
      %swap3A_1167 = arith.constant 96 : index
      %swap3A_1168 = tpu.vector_load %arg9[%swap3A_1166, %swap3A_1167] {strides = array<i32>} : memref<12x128xi32, #tpu.memory_space<vmem>>, vector<16xi32>,
      tpu.vector_store %arg9[%swap3A_1166, %swap3A_1167], %add3A_1164 {strides = array<i32>} : memref<12x128xi32, #tpu.memory_space<vmem>>, vector<16xi32>,
      %add3A_1169 = arith.constant 245760 : i32
      %add3A_1170 = vector.broadcast %add3A_1169 : i32 to vector<16xi32>
      %add3A_1171 = arith.addi %add3A_980, %add3A_1170 : vector<16xi32>
      %swap3A_1172 = arith.constant 1 : i32
      %swap3A_1173 = arith.index_cast %swap3A_1172 : i32 to index
      %swap3A_1174 = arith.constant 112 : index
      %swap3A_1175 = tpu.vector_load %arg9[%swap3A_1173, %swap3A_1174] {strides = array<i32>} : memref<12x128xi32, #tpu.memory_space<vmem>>, vector<16xi32>,
      tpu.vector_store %arg9[%swap3A_1173, %swap3A_1174], %add3A_1171 {strides = array<i32>} : memref<12x128xi32, #tpu.memory_space<vmem>>, vector<16xi32>,
      %add3A_1176 = arith.addi %add3A_1171, %select_n3A_988 : vector<16xi32>
      %swap3A_1177 = arith.constant 7 : i32
      %swap3A_1178 = arith.index_cast %swap3A_1177 : i32 to index
      %swap3A_1179 = arith.constant 112 : index
      %swap3A_1180 = tpu.vector_load %arg9[%swap3A_1178, %swap3A_1179] {strides = array<i32>} : memref<12x128xi32, #tpu.memory_space<vmem>>, vector<16xi32>,
      tpu.vector_store %arg9[%swap3A_1178, %swap3A_1179], %add3A_1176 {strides = array<i32>} : memref<12x128xi32, #tpu.memory_space<vmem>>, vector<16xi32>,
      %add3A_1181 = arith.constant 262144 : i32
      %add3A_1182 = vector.broadcast %add3A_1181 : i32 to vector<16xi32>
      %add3A_1183 = arith.addi %add3A_980, %add3A_1182 : vector<16xi32>
      %swap3A_1184 = arith.constant 2 : i32
      %swap3A_1185 = arith.index_cast %swap3A_1184 : i32 to index
      %swap3A_1186 = arith.constant 0 : index
      %swap3A_1187 = tpu.vector_load %arg9[%swap3A_1185, %swap3A_1186] {strides = array<i32>} : memref<12x128xi32, #tpu.memory_space<vmem>>, vector<16xi32>,
      tpu.vector_store %arg9[%swap3A_1185, %swap3A_1186], %add3A_1183 {strides = array<i32>} : memref<12x128xi32, #tpu.memory_space<vmem>>, vector<16xi32>,
      %add3A_1188 = arith.addi %add3A_1183, %select_n3A_988 : vector<16xi32>
      %swap3A_1189 = arith.constant 8 : i32
      %swap3A_1190 = arith.index_cast %swap3A_1189 : i32 to index
      %swap3A_1191 = arith.constant 0 : index
      %swap3A_1192 = tpu.vector_load %arg9[%swap3A_1190, %swap3A_1191] {strides = array<i32>} : memref<12x128xi32, #tpu.memory_space<vmem>>, vector<16xi32>,
      tpu.vector_store %arg9[%swap3A_1190, %swap3A_1191], %add3A_1188 {strides = array<i32>} : memref<12x128xi32, #tpu.memory_space<vmem>>, vector<16xi32>,
      %add3A_1193 = arith.constant 278528 : i32
      %add3A_1194 = vector.broadcast %add3A_1193 : i32 to vector<16xi32>
      %add3A_1195 = arith.addi %add3A_980, %add3A_1194 : vector<16xi32>
      %swap3A_1196 = arith.constant 2 : i32
      %swap3A_1197 = arith.index_cast %swap3A_1196 : i32 to index
      %swap3A_1198 = arith.constant 16 : index
      %swap3A_1199 = tpu.vector_load %arg9[%swap3A_1197, %swap3A_1198] {strides = array<i32>} : memref<12x128xi32, #tpu.memory_space<vmem>>, vector<16xi32>,
      tpu.vector_store %arg9[%swap3A_1197, %swap3A_1198], %add3A_1195 {strides = array<i32>} : memref<12x128xi32, #tpu.memory_space<vmem>>, vector<16xi32>,
      %add3A_1200 = arith.addi %add3A_1195, %select_n3A_988 : vector<16xi32>
      %swap3A_1201 = arith.constant 8 : i32
      %swap3A_1202 = arith.index_cast %swap3A_1201 : i32 to index
      %swap3A_1203 = arith.constant 16 : index
      %swap3A_1204 = tpu.vector_load %arg9[%swap3A_1202, %swap3A_1203] {strides = array<i32>} : memref<12x128xi32, #tpu.memory_space<vmem>>, vector<16xi32>,
      tpu.vector_store %arg9[%swap3A_1202, %swap3A_1203], %add3A_1200 {strides = array<i32>} : memref<12x128xi32, #tpu.memory_space<vmem>>, vector<16xi32>,
      %add3A_1205 = arith.constant 294912 : i32
      %add3A_1206 = vector.broadcast %add3A_1205 : i32 to vector<16xi32>
      %add3A_1207 = arith.addi %add3A_980, %add3A_1206 : vector<16xi32>
      %swap3A_1208 = arith.constant 2 : i32
      %swap3A_1209 = arith.index_cast %swap3A_1208 : i32 to index
      %swap3A_1210 = arith.constant 32 : index
      %swap3A_1211 = tpu.vector_load %arg9[%swap3A_1209, %swap3A_1210] {strides = array<i32>} : memref<12x128xi32, #tpu.memory_space<vmem>>, vector<16xi32>,
      tpu.vector_store %arg9[%swap3A_1209, %swap3A_1210], %add3A_1207 {strides = array<i32>} : memref<12x128xi32, #tpu.memory_space<vmem>>, vector<16xi32>,
      %add3A_1212 = arith.addi %add3A_1207, %select_n3A_988 : vector<16xi32>
      %swap3A_1213 = arith.constant 8 : i32
      %swap3A_1214 = arith.index_cast %swap3A_1213 : i32 to index
      %swap3A_1215 = arith.constant 32 : index
      %swap3A_1216 = tpu.vector_load %arg9[%swap3A_1214, %swap3A_1215] {strides = array<i32>} : memref<12x128xi32, #tpu.memory_space<vmem>>, vector<16xi32>,
      tpu.vector_store %arg9[%swap3A_1214, %swap3A_1215], %add3A_1212 {strides = array<i32>} : memref<12x128xi32, #tpu.memory_space<vmem>>, vector<16xi32>,
      %add3A_1217 = arith.constant 311296 : i32
      %add3A_1218 = vector.broadcast %add3A_1217 : i32 to vector<16xi32>
      %add3A_1219 = arith.addi %add3A_980, %add3A_1218 : vector<16xi32>
      %swap3A_1220 = arith.constant 2 : i32
      %swap3A_1221 = arith.index_cast %swap3A_1220 : i32 to index
      %swap3A_1222 = arith.constant 48 : index
      %swap3A_1223 = tpu.vector_load %arg9[%swap3A_1221, %swap3A_1222] {strides = array<i32>} : memref<12x128xi32, #tpu.memory_space<vmem>>, vector<16xi32>,
      tpu.vector_store %arg9[%swap3A_1221, %swap3A_1222], %add3A_1219 {strides = array<i32>} : memref<12x128xi32, #tpu.memory_space<vmem>>, vector<16xi32>,
      %add3A_1224 = arith.addi %add3A_1219, %select_n3A_988 : vector<16xi32>
      %swap3A_1225 = arith.constant 8 : i32
      %swap3A_1226 = arith.index_cast %swap3A_1225 : i32 to index
      %swap3A_1227 = arith.constant 48 : index
      %swap3A_1228 = tpu.vector_load %arg9[%swap3A_1226, %swap3A_1227] {strides = array<i32>} : memref<12x128xi32, #tpu.memory_space<vmem>>, vector<16xi32>,
      tpu.vector_store %arg9[%swap3A_1226, %swap3A_1227], %add3A_1224 {strides = array<i32>} : memref<12x128xi32, #tpu.memory_space<vmem>>, vector<16xi32>,
      %add3A_1229 = arith.constant 327680 : i32
      %add3A_1230 = vector.broadcast %add3A_1229 : i32 to vector<16xi32>
      %add3A_1231 = arith.addi %add3A_980, %add3A_1230 : vector<16xi32>
      %swap3A_1232 = arith.constant 2 : i32
      %swap3A_1233 = arith.index_cast %swap3A_1232 : i32 to index
      %swap3A_1234 = arith.constant 64 : index
      %swap3A_1235 = tpu.vector_load %arg9[%swap3A_1233, %swap3A_1234] {strides = array<i32>} : memref<12x128xi32, #tpu.memory_space<vmem>>, vector<16xi32>,
      tpu.vector_store %arg9[%swap3A_1233, %swap3A_1234], %add3A_1231 {strides = array<i32>} : memref<12x128xi32, #tpu.memory_space<vmem>>, vector<16xi32>,
      %add3A_1236 = arith.addi %add3A_1231, %select_n3A_988 : vector<16xi32>
      %swap3A_1237 = arith.constant 8 : i32
      %swap3A_1238 = arith.index_cast %swap3A_1237 : i32 to index
      %swap3A_1239 = arith.constant 64 : index
      %swap3A_1240 = tpu.vector_load %arg9[%swap3A_1238, %swap3A_1239] {strides = array<i32>} : memref<12x128xi32, #tpu.memory_space<vmem>>, vector<16xi32>,
      tpu.vector_store %arg9[%swap3A_1238, %swap3A_1239], %add3A_1236 {strides = array<i32>} : memref<12x128xi32, #tpu.memory_space<vmem>>, vector<16xi32>,
      %add3A_1241 = arith.constant 344064 : i32
      %add3A_1242 = vector.broadcast %add3A_1241 : i32 to vector<16xi32>
      %add3A_1243 = arith.addi %add3A_980, %add3A_1242 : vector<16xi32>
      %swap3A_1244 = arith.constant 2 : i32
      %swap3A_1245 = arith.index_cast %swap3A_1244 : i32 to index
      %swap3A_1246 = arith.constant 80 : index
      %swap3A_1247 = tpu.vector_load %arg9[%swap3A_1245, %swap3A_1246] {strides = array<i32>} : memref<12x128xi32, #tpu.memory_space<vmem>>, vector<16xi32>,
      tpu.vector_store %arg9[%swap3A_1245, %swap3A_1246], %add3A_1243 {strides = array<i32>} : memref<12x128xi32, #tpu.memory_space<vmem>>, vector<16xi32>,
      %add3A_1248 = arith.addi %add3A_1243, %select_n3A_988 : vector<16xi32>
      %swap3A_1249 = arith.constant 8 : i32
      %swap3A_1250 = arith.index_cast %swap3A_1249 : i32 to index
      %swap3A_1251 = arith.constant 80 : index
      %swap3A_1252 = tpu.vector_load %arg9[%swap3A_1250, %swap3A_1251] {strides = array<i32>} : memref<12x128xi32, #tpu.memory_space<vmem>>, vector<16xi32>,
      tpu.vector_store %arg9[%swap3A_1250, %swap3A_1251], %add3A_1248 {strides = array<i32>} : memref<12x128xi32, #tpu.memory_space<vmem>>, vector<16xi32>,
      %add3A_1253 = arith.constant 360448 : i32
      %add3A_1254 = vector.broadcast %add3A_1253 : i32 to vector<16xi32>
      %add3A_1255 = arith.addi %add3A_980, %add3A_1254 : vector<16xi32>
      %swap3A_1256 = arith.constant 2 : i32
      %swap3A_1257 = arith.index_cast %swap3A_1256 : i32 to index
      %swap3A_1258 = arith.constant 96 : index
      %swap3A_1259 = tpu.vector_load %arg9[%swap3A_1257, %swap3A_1258] {strides = array<i32>} : memref<12x128xi32, #tpu.memory_space<vmem>>, vector<16xi32>,
      tpu.vector_store %arg9[%swap3A_1257, %swap3A_1258], %add3A_1255 {strides = array<i32>} : memref<12x128xi32, #tpu.memory_space<vmem>>, vector<16xi32>,
      %add3A_1260 = arith.addi %add3A_1255, %select_n3A_988 : vector<16xi32>
      %swap3A_1261 = arith.constant 8 : i32
      %swap3A_1262 = arith.index_cast %swap3A_1261 : i32 to index
      %swap3A_1263 = arith.constant 96 : index
      %swap3A_1264 = tpu.vector_load %arg9[%swap3A_1262, %swap3A_1263] {strides = array<i32>} : memref<12x128xi32, #tpu.memory_space<vmem>>, vector<16xi32>,
      tpu.vector_store %arg9[%swap3A_1262, %swap3A_1263], %add3A_1260 {strides = array<i32>} : memref<12x128xi32, #tpu.memory_space<vmem>>, vector<16xi32>,
      %add3A_1265 = arith.constant 376832 : i32
      %add3A_1266 = vector.broadcast %add3A_1265 : i32 to vector<16xi32>
      %add3A_1267 = arith.addi %add3A_980, %add3A_1266 : vector<16xi32>
      %swap3A_1268 = arith.constant 2 : i32
      %swap3A_1269 = arith.index_cast %swap3A_1268 : i32 to index
      %swap3A_1270 = arith.constant 112 : index
      %swap3A_1271 = tpu.vector_load %arg9[%swap3A_1269, %swap3A_1270] {strides = array<i32>} : memref<12x128xi32, #tpu.memory_space<vmem>>, vector<16xi32>,
      tpu.vector_store %arg9[%swap3A_1269, %swap3A_1270], %add3A_1267 {strides = array<i32>} : memref<12x128xi32, #tpu.memory_space<vmem>>, vector<16xi32>,
      %add3A_1272 = arith.addi %add3A_1267, %select_n3A_988 : vector<16xi32>
      %swap3A_1273 = arith.constant 8 : i32
      %swap3A_1274 = arith.index_cast %swap3A_1273 : i32 to index
      %swap3A_1275 = arith.constant 112 : index
      %swap3A_1276 = tpu.vector_load %arg9[%swap3A_1274, %swap3A_1275] {strides = array<i32>} : memref<12x128xi32, #tpu.memory_space<vmem>>, vector<16xi32>,
      tpu.vector_store %arg9[%swap3A_1274, %swap3A_1275], %add3A_1272 {strides = array<i32>} : memref<12x128xi32, #tpu.memory_space<vmem>>, vector<16xi32>,
      %add3A_1277 = arith.constant 393216 : i32
      %add3A_1278 = vector.broadcast %add3A_1277 : i32 to vector<16xi32>
      %add3A_1279 = arith.addi %add3A_980, %add3A_1278 : vector<16xi32>
      %swap3A_1280 = arith.constant 3 : i32
      %swap3A_1281 = arith.index_cast %swap3A_1280 : i32 to index
      %swap3A_1282 = arith.constant 0 : index
      %swap3A_1283 = tpu.vector_load %arg9[%swap3A_1281, %swap3A_1282] {strides = array<i32>} : memref<12x128xi32, #tpu.memory_space<vmem>>, vector<16xi32>,
      tpu.vector_store %arg9[%swap3A_1281, %swap3A_1282], %add3A_1279 {strides = array<i32>} : memref<12x128xi32, #tpu.memory_space<vmem>>, vector<16xi32>,
      %add3A_1284 = arith.addi %add3A_1279, %select_n3A_988 : vector<16xi32>
      %swap3A_1285 = arith.constant 9 : i32
      %swap3A_1286 = arith.index_cast %swap3A_1285 : i32 to index
      %swap3A_1287 = arith.constant 0 : index
      %swap3A_1288 = tpu.vector_load %arg9[%swap3A_1286, %swap3A_1287] {strides = array<i32>} : memref<12x128xi32, #tpu.memory_space<vmem>>, vector<16xi32>,
      tpu.vector_store %arg9[%swap3A_1286, %swap3A_1287], %add3A_1284 {strides = array<i32>} : memref<12x128xi32, #tpu.memory_space<vmem>>, vector<16xi32>,
      %add3A_1289 = arith.constant 409600 : i32
      %add3A_1290 = vector.broadcast %add3A_1289 : i32 to vector<16xi32>
      %add3A_1291 = arith.addi %add3A_980, %add3A_1290 : vector<16xi32>
      %swap3A_1292 = arith.constant 3 : i32
      %swap3A_1293 = arith.index_cast %swap3A_1292 : i32 to index
      %swap3A_1294 = arith.constant 16 : index
      %swap3A_1295 = tpu.vector_load %arg9[%swap3A_1293, %swap3A_1294] {strides = array<i32>} : memref<12x128xi32, #tpu.memory_space<vmem>>, vector<16xi32>,
      tpu.vector_store %arg9[%swap3A_1293, %swap3A_1294], %add3A_1291 {strides = array<i32>} : memref<12x128xi32, #tpu.memory_space<vmem>>, vector<16xi32>,
      %add3A_1296 = arith.addi %add3A_1291, %select_n3A_988 : vector<16xi32>
      %swap3A_1297 = arith.constant 9 : i32
      %swap3A_1298 = arith.index_cast %swap3A_1297 : i32 to index
      %swap3A_1299 = arith.constant 16 : index
      %swap3A_1300 = tpu.vector_load %arg9[%swap3A_1298, %swap3A_1299] {strides = array<i32>} : memref<12x128xi32, #tpu.memory_space<vmem>>, vector<16xi32>,
      tpu.vector_store %arg9[%swap3A_1298, %swap3A_1299], %add3A_1296 {strides = array<i32>} : memref<12x128xi32, #tpu.memory_space<vmem>>, vector<16xi32>,
      %add3A_1301 = arith.constant 425984 : i32
      %add3A_1302 = vector.broadcast %add3A_1301 : i32 to vector<16xi32>
      %add3A_1303 = arith.addi %add3A_980, %add3A_1302 : vector<16xi32>
      %swap3A_1304 = arith.constant 3 : i32
      %swap3A_1305 = arith.index_cast %swap3A_1304 : i32 to index
      %swap3A_1306 = arith.constant 32 : index
      %swap3A_1307 = tpu.vector_load %arg9[%swap3A_1305, %swap3A_1306] {strides = array<i32>} : memref<12x128xi32, #tpu.memory_space<vmem>>, vector<16xi32>,
      tpu.vector_store %arg9[%swap3A_1305, %swap3A_1306], %add3A_1303 {strides = array<i32>} : memref<12x128xi32, #tpu.memory_space<vmem>>, vector<16xi32>,
      %add3A_1308 = arith.addi %add3A_1303, %select_n3A_988 : vector<16xi32>
      %swap3A_1309 = arith.constant 9 : i32
      %swap3A_1310 = arith.index_cast %swap3A_1309 : i32 to index
      %swap3A_1311 = arith.constant 32 : index
      %swap3A_1312 = tpu.vector_load %arg9[%swap3A_1310, %swap3A_1311] {strides = array<i32>} : memref<12x128xi32, #tpu.memory_space<vmem>>, vector<16xi32>,
      tpu.vector_store %arg9[%swap3A_1310, %swap3A_1311], %add3A_1308 {strides = array<i32>} : memref<12x128xi32, #tpu.memory_space<vmem>>, vector<16xi32>,
      %add3A_1313 = arith.constant 442368 : i32
      %add3A_1314 = vector.broadcast %add3A_1313 : i32 to vector<16xi32>
      %add3A_1315 = arith.addi %add3A_980, %add3A_1314 : vector<16xi32>
      %swap3A_1316 = arith.constant 3 : i32
      %swap3A_1317 = arith.index_cast %swap3A_1316 : i32 to index
      %swap3A_1318 = arith.constant 48 : index
      %swap3A_1319 = tpu.vector_load %arg9[%swap3A_1317, %swap3A_1318] {strides = array<i32>} : memref<12x128xi32, #tpu.memory_space<vmem>>, vector<16xi32>,
      tpu.vector_store %arg9[%swap3A_1317, %swap3A_1318], %add3A_1315 {strides = array<i32>} : memref<12x128xi32, #tpu.memory_space<vmem>>, vector<16xi32>,
      %add3A_1320 = arith.addi %add3A_1315, %select_n3A_988 : vector<16xi32>
      %swap3A_1321 = arith.constant 9 : i32
      %swap3A_1322 = arith.index_cast %swap3A_1321 : i32 to index
      %swap3A_1323 = arith.constant 48 : index
      %swap3A_1324 = tpu.vector_load %arg9[%swap3A_1322, %swap3A_1323] {strides = array<i32>} : memref<12x128xi32, #tpu.memory_space<vmem>>, vector<16xi32>,
      tpu.vector_store %arg9[%swap3A_1322, %swap3A_1323], %add3A_1320 {strides = array<i32>} : memref<12x128xi32, #tpu.memory_space<vmem>>, vector<16xi32>,
      %add3A_1325 = arith.constant 458752 : i32
      %add3A_1326 = vector.broadcast %add3A_1325 : i32 to vector<16xi32>
      %add3A_1327 = arith.addi %add3A_980, %add3A_1326 : vector<16xi32>
      %swap3A_1328 = arith.constant 3 : i32
      %swap3A_1329 = arith.index_cast %swap3A_1328 : i32 to index
      %swap3A_1330 = arith.constant 64 : index
      %swap3A_1331 = tpu.vector_load %arg9[%swap3A_1329, %swap3A_1330] {strides = array<i32>} : memref<12x128xi32, #tpu.memory_space<vmem>>, vector<16xi32>,
      tpu.vector_store %arg9[%swap3A_1329, %swap3A_1330], %add3A_1327 {strides = array<i32>} : memref<12x128xi32, #tpu.memory_space<vmem>>, vector<16xi32>,
      %add3A_1332 = arith.addi %add3A_1327, %select_n3A_988 : vector<16xi32>
      %swap3A_1333 = arith.constant 9 : i32
      %swap3A_1334 = arith.index_cast %swap3A_1333 : i32 to index
      %swap3A_1335 = arith.constant 64 : index
      %swap3A_1336 = tpu.vector_load %arg9[%swap3A_1334, %swap3A_1335] {strides = array<i32>} : memref<12x128xi32, #tpu.memory_space<vmem>>, vector<16xi32>,
      tpu.vector_store %arg9[%swap3A_1334, %swap3A_1335], %add3A_1332 {strides = array<i32>} : memref<12x128xi32, #tpu.memory_space<vmem>>, vector<16xi32>,
      %add3A_1337 = arith.constant 475136 : i32
      %add3A_1338 = vector.broadcast %add3A_1337 : i32 to vector<16xi32>
      %add3A_1339 = arith.addi %add3A_980, %add3A_1338 : vector<16xi32>
      %swap3A_1340 = arith.constant 3 : i32
      %swap3A_1341 = arith.index_cast %swap3A_1340 : i32 to index
      %swap3A_1342 = arith.constant 80 : index
      %swap3A_1343 = tpu.vector_load %arg9[%swap3A_1341, %swap3A_1342] {strides = array<i32>} : memref<12x128xi32, #tpu.memory_space<vmem>>, vector<16xi32>,
      tpu.vector_store %arg9[%swap3A_1341, %swap3A_1342], %add3A_1339 {strides = array<i32>} : memref<12x128xi32, #tpu.memory_space<vmem>>, vector<16xi32>,
      %add3A_1344 = arith.addi %add3A_1339, %select_n3A_988 : vector<16xi32>
      %swap3A_1345 = arith.constant 9 : i32
      %swap3A_1346 = arith.index_cast %swap3A_1345 : i32 to index
      %swap3A_1347 = arith.constant 80 : index
      %swap3A_1348 = tpu.vector_load %arg9[%swap3A_1346, %swap3A_1347] {strides = array<i32>} : memref<12x128xi32, #tpu.memory_space<vmem>>, vector<16xi32>,
      tpu.vector_store %arg9[%swap3A_1346, %swap3A_1347], %add3A_1344 {strides = array<i32>} : memref<12x128xi32, #tpu.memory_space<vmem>>, vector<16xi32>,
      %add3A_1349 = arith.constant 491520 : i32
      %add3A_1350 = vector.broadcast %add3A_1349 : i32 to vector<16xi32>
      %add3A_1351 = arith.addi %add3A_980, %add3A_1350 : vector<16xi32>
      %swap3A_1352 = arith.constant 3 : i32
      %swap3A_1353 = arith.index_cast %swap3A_1352 : i32 to index
      %swap3A_1354 = arith.constant 96 : index
      %swap3A_1355 = tpu.vector_load %arg9[%swap3A_1353, %swap3A_1354] {strides = array<i32>} : memref<12x128xi32, #tpu.memory_space<vmem>>, vector<16xi32>,
      tpu.vector_store %arg9[%swap3A_1353, %swap3A_1354], %add3A_1351 {strides = array<i32>} : memref<12x128xi32, #tpu.memory_space<vmem>>, vector<16xi32>,
      %add3A_1356 = arith.addi %add3A_1351, %select_n3A_988 : vector<16xi32>
      %swap3A_1357 = arith.constant 9 : i32
      %swap3A_1358 = arith.index_cast %swap3A_1357 : i32 to index
      %swap3A_1359 = arith.constant 96 : index
      %swap3A_1360 = tpu.vector_load %arg9[%swap3A_1358, %swap3A_1359] {strides = array<i32>} : memref<12x128xi32, #tpu.memory_space<vmem>>, vector<16xi32>,
      tpu.vector_store %arg9[%swap3A_1358, %swap3A_1359], %add3A_1356 {strides = array<i32>} : memref<12x128xi32, #tpu.memory_space<vmem>>, vector<16xi32>,
      %add3A_1361 = arith.constant 507904 : i32
      %add3A_1362 = vector.broadcast %add3A_1361 : i32 to vector<16xi32>
      %add3A_1363 = arith.addi %add3A_980, %add3A_1362 : vector<16xi32>
      %swap3A_1364 = arith.constant 3 : i32
      %swap3A_1365 = arith.index_cast %swap3A_1364 : i32 to index
      %swap3A_1366 = arith.constant 112 : index
      %swap3A_1367 = tpu.vector_load %arg9[%swap3A_1365, %swap3A_1366] {strides = array<i32>} : memref<12x128xi32, #tpu.memory_space<vmem>>, vector<16xi32>,
      tpu.vector_store %arg9[%swap3A_1365, %swap3A_1366], %add3A_1363 {strides = array<i32>} : memref<12x128xi32, #tpu.memory_space<vmem>>, vector<16xi32>,
      %add3A_1368 = arith.addi %add3A_1363, %select_n3A_988 : vector<16xi32>
      %swap3A_1369 = arith.constant 9 : i32
      %swap3A_1370 = arith.index_cast %swap3A_1369 : i32 to index
      %swap3A_1371 = arith.constant 112 : index
      %swap3A_1372 = tpu.vector_load %arg9[%swap3A_1370, %swap3A_1371] {strides = array<i32>} : memref<12x128xi32, #tpu.memory_space<vmem>>, vector<16xi32>,
      tpu.vector_store %arg9[%swap3A_1370, %swap3A_1371], %add3A_1368 {strides = array<i32>} : memref<12x128xi32, #tpu.memory_space<vmem>>, vector<16xi32>,
      %add3A_1373 = arith.constant 524288 : i32
      %add3A_1374 = vector.broadcast %add3A_1373 : i32 to vector<16xi32>
      %add3A_1375 = arith.addi %add3A_980, %add3A_1374 : vector<16xi32>
      %swap3A_1376 = arith.constant 4 : i32
      %swap3A_1377 = arith.index_cast %swap3A_1376 : i32 to index
      %swap3A_1378 = arith.constant 0 : index
      %swap3A_1379 = tpu.vector_load %arg9[%swap3A_1377, %swap3A_1378] {strides = array<i32>} : memref<12x128xi32, #tpu.memory_space<vmem>>, vector<16xi32>,
      tpu.vector_store %arg9[%swap3A_1377, %swap3A_1378], %add3A_1375 {strides = array<i32>} : memref<12x128xi32, #tpu.memory_space<vmem>>, vector<16xi32>,
      %add3A_1380 = arith.addi %add3A_1375, %select_n3A_988 : vector<16xi32>
      %swap3A_1381 = arith.constant 10 : i32
      %swap3A_1382 = arith.index_cast %swap3A_1381 : i32 to index
      %swap3A_1383 = arith.constant 0 : index
      %swap3A_1384 = tpu.vector_load %arg9[%swap3A_1382, %swap3A_1383] {strides = array<i32>} : memref<12x128xi32, #tpu.memory_space<vmem>>, vector<16xi32>,
      tpu.vector_store %arg9[%swap3A_1382, %swap3A_1383], %add3A_1380 {strides = array<i32>} : memref<12x128xi32, #tpu.memory_space<vmem>>, vector<16xi32>,
      %add3A_1385 = arith.constant 540672 : i32
      %add3A_1386 = vector.broadcast %add3A_1385 : i32 to vector<16xi32>
      %add3A_1387 = arith.addi %add3A_980, %add3A_1386 : vector<16xi32>
      %swap3A_1388 = arith.constant 4 : i32
      %swap3A_1389 = arith.index_cast %swap3A_1388 : i32 to index
      %swap3A_1390 = arith.constant 16 : index
      %swap3A_1391 = tpu.vector_load %arg9[%swap3A_1389, %swap3A_1390] {strides = array<i32>} : memref<12x128xi32, #tpu.memory_space<vmem>>, vector<16xi32>,
      tpu.vector_store %arg9[%swap3A_1389, %swap3A_1390], %add3A_1387 {strides = array<i32>} : memref<12x128xi32, #tpu.memory_space<vmem>>, vector<16xi32>,
      %add3A_1392 = arith.addi %add3A_1387, %select_n3A_988 : vector<16xi32>
      %swap3A_1393 = arith.constant 10 : i32
      %swap3A_1394 = arith.index_cast %swap3A_1393 : i32 to index
      %swap3A_1395 = arith.constant 16 : index
      %swap3A_1396 = tpu.vector_load %arg9[%swap3A_1394, %swap3A_1395] {strides = array<i32>} : memref<12x128xi32, #tpu.memory_space<vmem>>, vector<16xi32>,
      tpu.vector_store %arg9[%swap3A_1394, %swap3A_1395], %add3A_1392 {strides = array<i32>} : memref<12x128xi32, #tpu.memory_space<vmem>>, vector<16xi32>,
      %add3A_1397 = arith.constant 557056 : i32
      %add3A_1398 = vector.broadcast %add3A_1397 : i32 to vector<16xi32>
      %add3A_1399 = arith.addi %add3A_980, %add3A_1398 : vector<16xi32>
      %swap3A_1400 = arith.constant 4 : i32
      %swap3A_1401 = arith.index_cast %swap3A_1400 : i32 to index
      %swap3A_1402 = arith.constant 32 : index
      %swap3A_1403 = tpu.vector_load %arg9[%swap3A_1401, %swap3A_1402] {strides = array<i32>} : memref<12x128xi32, #tpu.memory_space<vmem>>, vector<16xi32>,
      tpu.vector_store %arg9[%swap3A_1401, %swap3A_1402], %add3A_1399 {strides = array<i32>} : memref<12x128xi32, #tpu.memory_space<vmem>>, vector<16xi32>,
      %add3A_1404 = arith.addi %add3A_1399, %select_n3A_988 : vector<16xi32>
      %swap3A_1405 = arith.constant 10 : i32
      %swap3A_1406 = arith.index_cast %swap3A_1405 : i32 to index
      %swap3A_1407 = arith.constant 32 : index
      %swap3A_1408 = tpu.vector_load %arg9[%swap3A_1406, %swap3A_1407] {strides = array<i32>} : memref<12x128xi32, #tpu.memory_space<vmem>>, vector<16xi32>,
      tpu.vector_store %arg9[%swap3A_1406, %swap3A_1407], %add3A_1404 {strides = array<i32>} : memref<12x128xi32, #tpu.memory_space<vmem>>, vector<16xi32>,
      %add3A_1409 = arith.constant 573440 : i32
      %add3A_1410 = vector.broadcast %add3A_1409 : i32 to vector<16xi32>
      %add3A_1411 = arith.addi %add3A_980, %add3A_1410 : vector<16xi32>
      %swap3A_1412 = arith.constant 4 : i32
      %swap3A_1413 = arith.index_cast %swap3A_1412 : i32 to index
      %swap3A_1414 = arith.constant 48 : index
      %swap3A_1415 = tpu.vector_load %arg9[%swap3A_1413, %swap3A_1414] {strides = array<i32>} : memref<12x128xi32, #tpu.memory_space<vmem>>, vector<16xi32>,
      tpu.vector_store %arg9[%swap3A_1413, %swap3A_1414], %add3A_1411 {strides = array<i32>} : memref<12x128xi32, #tpu.memory_space<vmem>>, vector<16xi32>,
      %add3A_1416 = arith.addi %add3A_1411, %select_n3A_988 : vector<16xi32>
      %swap3A_1417 = arith.constant 10 : i32
      %swap3A_1418 = arith.index_cast %swap3A_1417 : i32 to index
      %swap3A_1419 = arith.constant 48 : index
      %swap3A_1420 = tpu.vector_load %arg9[%swap3A_1418, %swap3A_1419] {strides = array<i32>} : memref<12x128xi32, #tpu.memory_space<vmem>>, vector<16xi32>,
      tpu.vector_store %arg9[%swap3A_1418, %swap3A_1419], %add3A_1416 {strides = array<i32>} : memref<12x128xi32, #tpu.memory_space<vmem>>, vector<16xi32>,
      %add3A_1421 = arith.constant 589824 : i32
      %add3A_1422 = vector.broadcast %add3A_1421 : i32 to vector<16xi32>
      %add3A_1423 = arith.addi %add3A_980, %add3A_1422 : vector<16xi32>
      %swap3A_1424 = arith.constant 4 : i32
      %swap3A_1425 = arith.index_cast %swap3A_1424 : i32 to index
      %swap3A_1426 = arith.constant 64 : index
      %swap3A_1427 = tpu.vector_load %arg9[%swap3A_1425, %swap3A_1426] {strides = array<i32>} : memref<12x128xi32, #tpu.memory_space<vmem>>, vector<16xi32>,
      tpu.vector_store %arg9[%swap3A_1425, %swap3A_1426], %add3A_1423 {strides = array<i32>} : memref<12x128xi32, #tpu.memory_space<vmem>>, vector<16xi32>,
      %add3A_1428 = arith.addi %add3A_1423, %select_n3A_988 : vector<16xi32>
      %swap3A_1429 = arith.constant 10 : i32
      %swap3A_1430 = arith.index_cast %swap3A_1429 : i32 to index
      %swap3A_1431 = arith.constant 64 : index
      %swap3A_1432 = tpu.vector_load %arg9[%swap3A_1430, %swap3A_1431] {strides = array<i32>} : memref<12x128xi32, #tpu.memory_space<vmem>>, vector<16xi32>,
      tpu.vector_store %arg9[%swap3A_1430, %swap3A_1431], %add3A_1428 {strides = array<i32>} : memref<12x128xi32, #tpu.memory_space<vmem>>, vector<16xi32>,
      %add3A_1433 = arith.constant 606208 : i32
      %add3A_1434 = vector.broadcast %add3A_1433 : i32 to vector<16xi32>
      %add3A_1435 = arith.addi %add3A_980, %add3A_1434 : vector<16xi32>
      %swap3A_1436 = arith.constant 4 : i32
      %swap3A_1437 = arith.index_cast %swap3A_1436 : i32 to index
      %swap3A_1438 = arith.constant 80 : index
      %swap3A_1439 = tpu.vector_load %arg9[%swap3A_1437, %swap3A_1438] {strides = array<i32>} : memref<12x128xi32, #tpu.memory_space<vmem>>, vector<16xi32>,
      tpu.vector_store %arg9[%swap3A_1437, %swap3A_1438], %add3A_1435 {strides = array<i32>} : memref<12x128xi32, #tpu.memory_space<vmem>>, vector<16xi32>,
      %add3A_1440 = arith.addi %add3A_1435, %select_n3A_988 : vector<16xi32>
      %swap3A_1441 = arith.constant 10 : i32
      %swap3A_1442 = arith.index_cast %swap3A_1441 : i32 to index
      %swap3A_1443 = arith.constant 80 : index
      %swap3A_1444 = tpu.vector_load %arg9[%swap3A_1442, %swap3A_1443] {strides = array<i32>} : memref<12x128xi32, #tpu.memory_space<vmem>>, vector<16xi32>,
      tpu.vector_store %arg9[%swap3A_1442, %swap3A_1443], %add3A_1440 {strides = array<i32>} : memref<12x128xi32, #tpu.memory_space<vmem>>, vector<16xi32>,
      %add3A_1445 = arith.constant 622592 : i32
      %add3A_1446 = vector.broadcast %add3A_1445 : i32 to vector<16xi32>
      %add3A_1447 = arith.addi %add3A_980, %add3A_1446 : vector<16xi32>
      %swap3A_1448 = arith.constant 4 : i32
      %swap3A_1449 = arith.index_cast %swap3A_1448 : i32 to index
      %swap3A_1450 = arith.constant 96 : index
      %swap3A_1451 = tpu.vector_load %arg9[%swap3A_1449, %swap3A_1450] {strides = array<i32>} : memref<12x128xi32, #tpu.memory_space<vmem>>, vector<16xi32>,
      tpu.vector_store %arg9[%swap3A_1449, %swap3A_1450], %add3A_1447 {strides = array<i32>} : memref<12x128xi32, #tpu.memory_space<vmem>>, vector<16xi32>,
      %add3A_1452 = arith.addi %add3A_1447, %select_n3A_988 : vector<16xi32>
      %swap3A_1453 = arith.constant 10 : i32
      %swap3A_1454 = arith.index_cast %swap3A_1453 : i32 to index
      %swap3A_1455 = arith.constant 96 : index
      %swap3A_1456 = tpu.vector_load %arg9[%swap3A_1454, %swap3A_1455] {strides = array<i32>} : memref<12x128xi32, #tpu.memory_space<vmem>>, vector<16xi32>,
      tpu.vector_store %arg9[%swap3A_1454, %swap3A_1455], %add3A_1452 {strides = array<i32>} : memref<12x128xi32, #tpu.memory_space<vmem>>, vector<16xi32>,
      %add3A_1457 = arith.constant 638976 : i32
      %add3A_1458 = vector.broadcast %add3A_1457 : i32 to vector<16xi32>
      %add3A_1459 = arith.addi %add3A_980, %add3A_1458 : vector<16xi32>
      %swap3A_1460 = arith.constant 4 : i32
      %swap3A_1461 = arith.index_cast %swap3A_1460 : i32 to index
      %swap3A_1462 = arith.constant 112 : index
      %swap3A_1463 = tpu.vector_load %arg9[%swap3A_1461, %swap3A_1462] {strides = array<i32>} : memref<12x128xi32, #tpu.memory_space<vmem>>, vector<16xi32>,
      tpu.vector_store %arg9[%swap3A_1461, %swap3A_1462], %add3A_1459 {strides = array<i32>} : memref<12x128xi32, #tpu.memory_space<vmem>>, vector<16xi32>,
      %add3A_1464 = arith.addi %add3A_1459, %select_n3A_988 : vector<16xi32>
      %swap3A_1465 = arith.constant 10 : i32
      %swap3A_1466 = arith.index_cast %swap3A_1465 : i32 to index
      %swap3A_1467 = arith.constant 112 : index
      %swap3A_1468 = tpu.vector_load %arg9[%swap3A_1466, %swap3A_1467] {strides = array<i32>} : memref<12x128xi32, #tpu.memory_space<vmem>>, vector<16xi32>,
      tpu.vector_store %arg9[%swap3A_1466, %swap3A_1467], %add3A_1464 {strides = array<i32>} : memref<12x128xi32, #tpu.memory_space<vmem>>, vector<16xi32>,
      %add3A_1469 = arith.constant 655360 : i32
      %add3A_1470 = vector.broadcast %add3A_1469 : i32 to vector<16xi32>
      %add3A_1471 = arith.addi %add3A_980, %add3A_1470 : vector<16xi32>
      %swap3A_1472 = arith.constant 5 : i32
      %swap3A_1473 = arith.index_cast %swap3A_1472 : i32 to index
      %swap3A_1474 = arith.constant 0 : index
      %swap3A_1475 = tpu.vector_load %arg9[%swap3A_1473, %swap3A_1474] {strides = array<i32>} : memref<12x128xi32, #tpu.memory_space<vmem>>, vector<16xi32>,
      tpu.vector_store %arg9[%swap3A_1473, %swap3A_1474], %add3A_1471 {strides = array<i32>} : memref<12x128xi32, #tpu.memory_space<vmem>>, vector<16xi32>,
      %add3A_1476 = arith.addi %add3A_1471, %select_n3A_988 : vector<16xi32>
      %swap3A_1477 = arith.constant 11 : i32
      %swap3A_1478 = arith.index_cast %swap3A_1477 : i32 to index
      %swap3A_1479 = arith.constant 0 : index
      %swap3A_1480 = tpu.vector_load %arg9[%swap3A_1478, %swap3A_1479] {strides = array<i32>} : memref<12x128xi32, #tpu.memory_space<vmem>>, vector<16xi32>,
      tpu.vector_store %arg9[%swap3A_1478, %swap3A_1479], %add3A_1476 {strides = array<i32>} : memref<12x128xi32, #tpu.memory_space<vmem>>, vector<16xi32>,
      %add3A_1481 = arith.constant 671744 : i32
      %add3A_1482 = vector.broadcast %add3A_1481 : i32 to vector<16xi32>
      %add3A_1483 = arith.addi %add3A_980, %add3A_1482 : vector<16xi32>
      %swap3A_1484 = arith.constant 5 : i32
      %swap3A_1485 = arith.index_cast %swap3A_1484 : i32 to index
      %swap3A_1486 = arith.constant 16 : index
      %swap3A_1487 = tpu.vector_load %arg9[%swap3A_1485, %swap3A_1486] {strides = array<i32>} : memref<12x128xi32, #tpu.memory_space<vmem>>, vector<16xi32>,
      tpu.vector_store %arg9[%swap3A_1485, %swap3A_1486], %add3A_1483 {strides = array<i32>} : memref<12x128xi32, #tpu.memory_space<vmem>>, vector<16xi32>,
      %add3A_1488 = arith.addi %add3A_1483, %select_n3A_988 : vector<16xi32>
      %swap3A_1489 = arith.constant 11 : i32
      %swap3A_1490 = arith.index_cast %swap3A_1489 : i32 to index
      %swap3A_1491 = arith.constant 16 : index
      %swap3A_1492 = tpu.vector_load %arg9[%swap3A_1490, %swap3A_1491] {strides = array<i32>} : memref<12x128xi32, #tpu.memory_space<vmem>>, vector<16xi32>,
      tpu.vector_store %arg9[%swap3A_1490, %swap3A_1491], %add3A_1488 {strides = array<i32>} : memref<12x128xi32, #tpu.memory_space<vmem>>, vector<16xi32>,
      %add3A_1493 = arith.constant 688128 : i32
      %add3A_1494 = vector.broadcast %add3A_1493 : i32 to vector<16xi32>
      %add3A_1495 = arith.addi %add3A_980, %add3A_1494 : vector<16xi32>
      %swap3A_1496 = arith.constant 5 : i32
      %swap3A_1497 = arith.index_cast %swap3A_1496 : i32 to index
      %swap3A_1498 = arith.constant 32 : index
      %swap3A_1499 = tpu.vector_load %arg9[%swap3A_1497, %swap3A_1498] {strides = array<i32>} : memref<12x128xi32, #tpu.memory_space<vmem>>, vector<16xi32>,
      tpu.vector_store %arg9[%swap3A_1497, %swap3A_1498], %add3A_1495 {strides = array<i32>} : memref<12x128xi32, #tpu.memory_space<vmem>>, vector<16xi32>,
      %add3A_1500 = arith.addi %add3A_1495, %select_n3A_988 : vector<16xi32>
      %swap3A_1501 = arith.constant 11 : i32
      %swap3A_1502 = arith.index_cast %swap3A_1501 : i32 to index
      %swap3A_1503 = arith.constant 32 : index
      %swap3A_1504 = tpu.vector_load %arg9[%swap3A_1502, %swap3A_1503] {strides = array<i32>} : memref<12x128xi32, #tpu.memory_space<vmem>>, vector<16xi32>,
      tpu.vector_store %arg9[%swap3A_1502, %swap3A_1503], %add3A_1500 {strides = array<i32>} : memref<12x128xi32, #tpu.memory_space<vmem>>, vector<16xi32>,
      %add3A_1505 = arith.constant 704512 : i32
      %add3A_1506 = vector.broadcast %add3A_1505 : i32 to vector<16xi32>
      %add3A_1507 = arith.addi %add3A_980, %add3A_1506 : vector<16xi32>
      %swap3A_1508 = arith.constant 5 : i32
      %swap3A_1509 = arith.index_cast %swap3A_1508 : i32 to index
      %swap3A_1510 = arith.constant 48 : index
      %swap3A_1511 = tpu.vector_load %arg9[%swap3A_1509, %swap3A_1510] {strides = array<i32>} : memref<12x128xi32, #tpu.memory_space<vmem>>, vector<16xi32>,
      tpu.vector_store %arg9[%swap3A_1509, %swap3A_1510], %add3A_1507 {strides = array<i32>} : memref<12x128xi32, #tpu.memory_space<vmem>>, vector<16xi32>,
      %add3A_1512 = arith.addi %add3A_1507, %select_n3A_988 : vector<16xi32>
      %swap3A_1513 = arith.constant 11 : i32
      %swap3A_1514 = arith.index_cast %swap3A_1513 : i32 to index
      %swap3A_1515 = arith.constant 48 : index
      %swap3A_1516 = tpu.vector_load %arg9[%swap3A_1514, %swap3A_1515] {strides = array<i32>} : memref<12x128xi32, #tpu.memory_space<vmem>>, vector<16xi32>,
      tpu.vector_store %arg9[%swap3A_1514, %swap3A_1515], %add3A_1512 {strides = array<i32>} : memref<12x128xi32, #tpu.memory_space<vmem>>, vector<16xi32>,
      %add3A_1517 = arith.constant 720896 : i32
      %add3A_1518 = vector.broadcast %add3A_1517 : i32 to vector<16xi32>
      %add3A_1519 = arith.addi %add3A_980, %add3A_1518 : vector<16xi32>
      %swap3A_1520 = arith.constant 5 : i32
      %swap3A_1521 = arith.index_cast %swap3A_1520 : i32 to index
      %swap3A_1522 = arith.constant 64 : index
      %swap3A_1523 = tpu.vector_load %arg9[%swap3A_1521, %swap3A_1522] {strides = array<i32>} : memref<12x128xi32, #tpu.memory_space<vmem>>, vector<16xi32>,
      tpu.vector_store %arg9[%swap3A_1521, %swap3A_1522], %add3A_1519 {strides = array<i32>} : memref<12x128xi32, #tpu.memory_space<vmem>>, vector<16xi32>,
      %add3A_1524 = arith.addi %add3A_1519, %select_n3A_988 : vector<16xi32>
      %swap3A_1525 = arith.constant 11 : i32
      %swap3A_1526 = arith.index_cast %swap3A_1525 : i32 to index
      %swap3A_1527 = arith.constant 64 : index
      %swap3A_1528 = tpu.vector_load %arg9[%swap3A_1526, %swap3A_1527] {strides = array<i32>} : memref<12x128xi32, #tpu.memory_space<vmem>>, vector<16xi32>,
      tpu.vector_store %arg9[%swap3A_1526, %swap3A_1527], %add3A_1524 {strides = array<i32>} : memref<12x128xi32, #tpu.memory_space<vmem>>, vector<16xi32>,
      %add3A_1529 = arith.constant 737280 : i32
      %add3A_1530 = vector.broadcast %add3A_1529 : i32 to vector<16xi32>
      %add3A_1531 = arith.addi %add3A_980, %add3A_1530 : vector<16xi32>
      %swap3A_1532 = arith.constant 5 : i32
      %swap3A_1533 = arith.index_cast %swap3A_1532 : i32 to index
      %swap3A_1534 = arith.constant 80 : index
      %swap3A_1535 = tpu.vector_load %arg9[%swap3A_1533, %swap3A_1534] {strides = array<i32>} : memref<12x128xi32, #tpu.memory_space<vmem>>, vector<16xi32>,
      tpu.vector_store %arg9[%swap3A_1533, %swap3A_1534], %add3A_1531 {strides = array<i32>} : memref<12x128xi32, #tpu.memory_space<vmem>>, vector<16xi32>,
      %add3A_1536 = arith.addi %add3A_1531, %select_n3A_988 : vector<16xi32>
      %swap3A_1537 = arith.constant 11 : i32
      %swap3A_1538 = arith.index_cast %swap3A_1537 : i32 to index
      %swap3A_1539 = arith.constant 80 : index
      %swap3A_1540 = tpu.vector_load %arg9[%swap3A_1538, %swap3A_1539] {strides = array<i32>} : memref<12x128xi32, #tpu.memory_space<vmem>>, vector<16xi32>,
      tpu.vector_store %arg9[%swap3A_1538, %swap3A_1539], %add3A_1536 {strides = array<i32>} : memref<12x128xi32, #tpu.memory_space<vmem>>, vector<16xi32>,
      %add3A_1541 = arith.constant 753664 : i32
      %add3A_1542 = vector.broadcast %add3A_1541 : i32 to vector<16xi32>
      %add3A_1543 = arith.addi %add3A_980, %add3A_1542 : vector<16xi32>
      %swap3A_1544 = arith.constant 5 : i32
      %swap3A_1545 = arith.index_cast %swap3A_1544 : i32 to index
      %swap3A_1546 = arith.constant 96 : index
      %swap3A_1547 = tpu.vector_load %arg9[%swap3A_1545, %swap3A_1546] {strides = array<i32>} : memref<12x128xi32, #tpu.memory_space<vmem>>, vector<16xi32>,
      tpu.vector_store %arg9[%swap3A_1545, %swap3A_1546], %add3A_1543 {strides = array<i32>} : memref<12x128xi32, #tpu.memory_space<vmem>>, vector<16xi32>,
      %add3A_1548 = arith.addi %add3A_1543, %select_n3A_988 : vector<16xi32>
      %swap3A_1549 = arith.constant 11 : i32
      %swap3A_1550 = arith.index_cast %swap3A_1549 : i32 to index
      %swap3A_1551 = arith.constant 96 : index
      %swap3A_1552 = tpu.vector_load %arg9[%swap3A_1550, %swap3A_1551] {strides = array<i32>} : memref<12x128xi32, #tpu.memory_space<vmem>>, vector<16xi32>,
      tpu.vector_store %arg9[%swap3A_1550, %swap3A_1551], %add3A_1548 {strides = array<i32>} : memref<12x128xi32, #tpu.memory_space<vmem>>, vector<16xi32>,
      %add3A_1553 = arith.constant 770048 : i32
      %add3A_1554 = vector.broadcast %add3A_1553 : i32 to vector<16xi32>
      %add3A_1555 = arith.addi %add3A_980, %add3A_1554 : vector<16xi32>
      %swap3A_1556 = arith.constant 5 : i32
      %swap3A_1557 = arith.index_cast %swap3A_1556 : i32 to index
      %swap3A_1558 = arith.constant 112 : index
      %swap3A_1559 = tpu.vector_load %arg9[%swap3A_1557, %swap3A_1558] {strides = array<i32>} : memref<12x128xi32, #tpu.memory_space<vmem>>, vector<16xi32>,
      tpu.vector_store %arg9[%swap3A_1557, %swap3A_1558], %add3A_1555 {strides = array<i32>} : memref<12x128xi32, #tpu.memory_space<vmem>>, vector<16xi32>,
      %add3A_1560 = arith.addi %add3A_1555, %select_n3A_988 : vector<16xi32>
      %swap3A_1561 = arith.constant 11 : i32
      %swap3A_1562 = arith.index_cast %swap3A_1561 : i32 to index
      %swap3A_1563 = arith.constant 112 : index
      %swap3A_1564 = tpu.vector_load %arg9[%swap3A_1562, %swap3A_1563] {strides = array<i32>} : memref<12x128xi32, #tpu.memory_space<vmem>>, vector<16xi32>,
      tpu.vector_store %arg9[%swap3A_1562, %swap3A_1563], %add3A_1560 {strides = array<i32>} : memref<12x128xi32, #tpu.memory_space<vmem>>, vector<16xi32>,
      %dma_start3A_1565 = arith.constant 0 : i32
      %dma_start3A_1566 = arith.constant 0 : i32
      %dma_start3A_1567 = arith.constant 0 : i32
      %dma_start3A_1568 = tpu.memref_slice %arg11[%dma_start3A_1566, %dma_start3A_1567] : memref<1536x16xf32, #tpu.memory_space<vmem>> -> memref<128x16xf32, #tpu.memory_space<vmem>>
      %dma_start3A_1569 = arith.constant 0 : i32
      %dma_start3A_1570 = tpu.memref_slice %arg9[%dma_start3A_1565, %dma_start3A_1569] : memref<12x128xi32, #tpu.memory_space<vmem>> -> memref<1x128xi32, #tpu.memory_space<vmem>>
      %dma_start3A_1571 = tpu.memref_squeeze %dma_start3A_1570 : memref<1x128xi32, #tpu.memory_space<vmem>> -> memref<128xi32, #tpu.memory_space<vmem>>
      %dma_start3A_1572 = arith.constant 0 : i32
      %dma_start3A_1573 = arith.constant 0 : i32
      %dma_start3A_1574 = tpu.memref_slice %arg2[%dma_start3A_1572, %dma_start3A_1573] : memref<786432x16xf32, #tpu.memory_space<hbm>> -> memref<786432x16xf32, #tpu.memory_space<hbm>>
      tpu.enqueue_indirect_dma source(%dma_start3A_1574 : memref<786432x16xf32, #tpu.memory_space<hbm>>) target(%dma_start3A_1568 : memref<128x16xf32, #tpu.memory_space<vmem>>) offsets(%dma_start3A_1571 : memref<128xi32, #tpu.memory_space<vmem>>) semaphore(%arg15 : memref<!tpu.dma_semaphore, #tpu.memory_space<semaphore_mem>>)
      %dma_start3A_1575 = arith.constant 1 : i32
      %dma_start3A_1576 = arith.constant 128 : i32
      %dma_start3A_1577 = arith.constant 0 : i32
      %dma_start3A_1578 = tpu.memref_slice %arg11[%dma_start3A_1576, %dma_start3A_1577] : memref<1536x16xf32, #tpu.memory_space<vmem>> -> memref<128x16xf32, #tpu.memory_space<vmem>>
      %dma_start3A_1579 = arith.constant 0 : i32
      %dma_start3A_1580 = tpu.memref_slice %arg9[%dma_start3A_1575, %dma_start3A_1579] : memref<12x128xi32, #tpu.memory_space<vmem>> -> memref<1x128xi32, #tpu.memory_space<vmem>>
      %dma_start3A_1581 = tpu.memref_squeeze %dma_start3A_1580 : memref<1x128xi32, #tpu.memory_space<vmem>> -> memref<128xi32, #tpu.memory_space<vmem>>
      %dma_start3A_1582 = arith.constant 0 : i32
      %dma_start3A_1583 = arith.constant 0 : i32
      %dma_start3A_1584 = tpu.memref_slice %arg2[%dma_start3A_1582, %dma_start3A_1583] : memref<786432x16xf32, #tpu.memory_space<hbm>> -> memref<786432x16xf32, #tpu.memory_space<hbm>>
      tpu.enqueue_indirect_dma source(%dma_start3A_1584 : memref<786432x16xf32, #tpu.memory_space<hbm>>) target(%dma_start3A_1578 : memref<128x16xf32, #tpu.memory_space<vmem>>) offsets(%dma_start3A_1581 : memref<128xi32, #tpu.memory_space<vmem>>) semaphore(%arg15 : memref<!tpu.dma_semaphore, #tpu.memory_space<semaphore_mem>>)
      %dma_start3A_1585 = arith.constant 2 : i32
      %dma_start3A_1586 = arith.constant 256 : i32
      %dma_start3A_1587 = arith.constant 0 : i32
      %dma_start3A_1588 = tpu.memref_slice %arg11[%dma_start3A_1586, %dma_start3A_1587] : memref<1536x16xf32, #tpu.memory_space<vmem>> -> memref<128x16xf32, #tpu.memory_space<vmem>>
      %dma_start3A_1589 = arith.constant 0 : i32
      %dma_start3A_1590 = tpu.memref_slice %arg9[%dma_start3A_1585, %dma_start3A_1589] : memref<12x128xi32, #tpu.memory_space<vmem>> -> memref<1x128xi32, #tpu.memory_space<vmem>>
      %dma_start3A_1591 = tpu.memref_squeeze %dma_start3A_1590 : memref<1x128xi32, #tpu.memory_space<vmem>> -> memref<128xi32, #tpu.memory_space<vmem>>
      %dma_start3A_1592 = arith.constant 0 : i32
      %dma_start3A_1593 = arith.constant 0 : i32
      %dma_start3A_1594 = tpu.memref_slice %arg2[%dma_start3A_1592, %dma_start3A_1593] : memref<786432x16xf32, #tpu.memory_space<hbm>> -> memref<786432x16xf32, #tpu.memory_space<hbm>>
      tpu.enqueue_indirect_dma source(%dma_start3A_1594 : memref<786432x16xf32, #tpu.memory_space<hbm>>) target(%dma_start3A_1588 : memref<128x16xf32, #tpu.memory_space<vmem>>) offsets(%dma_start3A_1591 : memref<128xi32, #tpu.memory_space<vmem>>) semaphore(%arg15 : memref<!tpu.dma_semaphore, #tpu.memory_space<semaphore_mem>>)
      %dma_start3A_1595 = arith.constant 3 : i32
      %dma_start3A_1596 = arith.constant 384 : i32
      %dma_start3A_1597 = arith.constant 0 : i32
      %dma_start3A_1598 = tpu.memref_slice %arg11[%dma_start3A_1596, %dma_start3A_1597] : memref<1536x16xf32, #tpu.memory_space<vmem>> -> memref<128x16xf32, #tpu.memory_space<vmem>>
      %dma_start3A_1599 = arith.constant 0 : i32
      %dma_start3A_1600 = tpu.memref_slice %arg9[%dma_start3A_1595, %dma_start3A_1599] : memref<12x128xi32, #tpu.memory_space<vmem>> -> memref<1x128xi32, #tpu.memory_space<vmem>>
      %dma_start3A_1601 = tpu.memref_squeeze %dma_start3A_1600 : memref<1x128xi32, #tpu.memory_space<vmem>> -> memref<128xi32, #tpu.memory_space<vmem>>
      %dma_start3A_1602 = arith.constant 0 : i32
      %dma_start3A_1603 = arith.constant 0 : i32
      %dma_start3A_1604 = tpu.memref_slice %arg2[%dma_start3A_1602, %dma_start3A_1603] : memref<786432x16xf32, #tpu.memory_space<hbm>> -> memref<786432x16xf32, #tpu.memory_space<hbm>>
      tpu.enqueue_indirect_dma source(%dma_start3A_1604 : memref<786432x16xf32, #tpu.memory_space<hbm>>) target(%dma_start3A_1598 : memref<128x16xf32, #tpu.memory_space<vmem>>) offsets(%dma_start3A_1601 : memref<128xi32, #tpu.memory_space<vmem>>) semaphore(%arg15 : memref<!tpu.dma_semaphore, #tpu.memory_space<semaphore_mem>>)
      %dma_start3A_1605 = arith.constant 4 : i32
      %dma_start3A_1606 = arith.constant 512 : i32
      %dma_start3A_1607 = arith.constant 0 : i32
      %dma_start3A_1608 = tpu.memref_slice %arg11[%dma_start3A_1606, %dma_start3A_1607] : memref<1536x16xf32, #tpu.memory_space<vmem>> -> memref<128x16xf32, #tpu.memory_space<vmem>>
      %dma_start3A_1609 = arith.constant 0 : i32
      %dma_start3A_1610 = tpu.memref_slice %arg9[%dma_start3A_1605, %dma_start3A_1609] : memref<12x128xi32, #tpu.memory_space<vmem>> -> memref<1x128xi32, #tpu.memory_space<vmem>>
      %dma_start3A_1611 = tpu.memref_squeeze %dma_start3A_1610 : memref<1x128xi32, #tpu.memory_space<vmem>> -> memref<128xi32, #tpu.memory_space<vmem>>
      %dma_start3A_1612 = arith.constant 0 : i32
      %dma_start3A_1613 = arith.constant 0 : i32
      %dma_start3A_1614 = tpu.memref_slice %arg2[%dma_start3A_1612, %dma_start3A_1613] : memref<786432x16xf32, #tpu.memory_space<hbm>> -> memref<786432x16xf32, #tpu.memory_space<hbm>>
      tpu.enqueue_indirect_dma source(%dma_start3A_1614 : memref<786432x16xf32, #tpu.memory_space<hbm>>) target(%dma_start3A_1608 : memref<128x16xf32, #tpu.memory_space<vmem>>) offsets(%dma_start3A_1611 : memref<128xi32, #tpu.memory_space<vmem>>) semaphore(%arg15 : memref<!tpu.dma_semaphore, #tpu.memory_space<semaphore_mem>>)
      %dma_start3A_1615 = arith.constant 5 : i32
      %dma_start3A_1616 = arith.constant 640 : i32
      %dma_start3A_1617 = arith.constant 0 : i32
      %dma_start3A_1618 = tpu.memref_slice %arg11[%dma_start3A_1616, %dma_start3A_1617] : memref<1536x16xf32, #tpu.memory_space<vmem>> -> memref<128x16xf32, #tpu.memory_space<vmem>>
      %dma_start3A_1619 = arith.constant 0 : i32
      %dma_start3A_1620 = tpu.memref_slice %arg9[%dma_start3A_1615, %dma_start3A_1619] : memref<12x128xi32, #tpu.memory_space<vmem>> -> memref<1x128xi32, #tpu.memory_space<vmem>>
      %dma_start3A_1621 = tpu.memref_squeeze %dma_start3A_1620 : memref<1x128xi32, #tpu.memory_space<vmem>> -> memref<128xi32, #tpu.memory_space<vmem>>
      %dma_start3A_1622 = arith.constant 0 : i32
      %dma_start3A_1623 = arith.constant 0 : i32
      %dma_start3A_1624 = tpu.memref_slice %arg2[%dma_start3A_1622, %dma_start3A_1623] : memref<786432x16xf32, #tpu.memory_space<hbm>> -> memref<786432x16xf32, #tpu.memory_space<hbm>>
      tpu.enqueue_indirect_dma source(%dma_start3A_1624 : memref<786432x16xf32, #tpu.memory_space<hbm>>) target(%dma_start3A_1618 : memref<128x16xf32, #tpu.memory_space<vmem>>) offsets(%dma_start3A_1621 : memref<128xi32, #tpu.memory_space<vmem>>) semaphore(%arg15 : memref<!tpu.dma_semaphore, #tpu.memory_space<semaphore_mem>>)
      %dma_start3A_1625 = arith.constant 6 : i32
      %dma_start3A_1626 = arith.constant 768 : i32
      %dma_start3A_1627 = arith.constant 0 : i32
      %dma_start3A_1628 = tpu.memref_slice %arg11[%dma_start3A_1626, %dma_start3A_1627] : memref<1536x16xf32, #tpu.memory_space<vmem>> -> memref<128x16xf32, #tpu.memory_space<vmem>>
      %dma_start3A_1629 = arith.constant 0 : i32
      %dma_start3A_1630 = tpu.memref_slice %arg9[%dma_start3A_1625, %dma_start3A_1629] : memref<12x128xi32, #tpu.memory_space<vmem>> -> memref<1x128xi32, #tpu.memory_space<vmem>>
      %dma_start3A_1631 = tpu.memref_squeeze %dma_start3A_1630 : memref<1x128xi32, #tpu.memory_space<vmem>> -> memref<128xi32, #tpu.memory_space<vmem>>
      %dma_start3A_1632 = arith.constant 0 : i32
      %dma_start3A_1633 = arith.constant 0 : i32
      %dma_start3A_1634 = tpu.memref_slice %arg2[%dma_start3A_1632, %dma_start3A_1633] : memref<786432x16xf32, #tpu.memory_space<hbm>> -> memref<786432x16xf32, #tpu.memory_space<hbm>>
      tpu.enqueue_indirect_dma source(%dma_start3A_1634 : memref<786432x16xf32, #tpu.memory_space<hbm>>) target(%dma_start3A_1628 : memref<128x16xf32, #tpu.memory_space<vmem>>) offsets(%dma_start3A_1631 : memref<128xi32, #tpu.memory_space<vmem>>) semaphore(%arg15 : memref<!tpu.dma_semaphore, #tpu.memory_space<semaphore_mem>>)
      %dma_start3A_1635 = arith.constant 7 : i32
      %dma_start3A_1636 = arith.constant 896 : i32
      %dma_start3A_1637 = arith.constant 0 : i32
      %dma_start3A_1638 = tpu.memref_slice %arg11[%dma_start3A_1636, %dma_start3A_1637] : memref<1536x16xf32, #tpu.memory_space<vmem>> -> memref<128x16xf32, #tpu.memory_space<vmem>>
      %dma_start3A_1639 = arith.constant 0 : i32
      %dma_start3A_1640 = tpu.memref_slice %arg9[%dma_start3A_1635, %dma_start3A_1639] : memref<12x128xi32, #tpu.memory_space<vmem>> -> memref<1x128xi32, #tpu.memory_space<vmem>>
      %dma_start3A_1641 = tpu.memref_squeeze %dma_start3A_1640 : memref<1x128xi32, #tpu.memory_space<vmem>> -> memref<128xi32, #tpu.memory_space<vmem>>
      %dma_start3A_1642 = arith.constant 0 : i32
      %dma_start3A_1643 = arith.constant 0 : i32
      %dma_start3A_1644 = tpu.memref_slice %arg2[%dma_start3A_1642, %dma_start3A_1643] : memref<786432x16xf32, #tpu.memory_space<hbm>> -> memref<786432x16xf32, #tpu.memory_space<hbm>>
      tpu.enqueue_indirect_dma source(%dma_start3A_1644 : memref<786432x16xf32, #tpu.memory_space<hbm>>) target(%dma_start3A_1638 : memref<128x16xf32, #tpu.memory_space<vmem>>) offsets(%dma_start3A_1641 : memref<128xi32, #tpu.memory_space<vmem>>) semaphore(%arg15 : memref<!tpu.dma_semaphore, #tpu.memory_space<semaphore_mem>>)
      %dma_start3A_1645 = arith.constant 8 : i32
      %dma_start3A_1646 = arith.constant 1024 : i32
      %dma_start3A_1647 = arith.constant 0 : i32
      %dma_start3A_1648 = tpu.memref_slice %arg11[%dma_start3A_1646, %dma_start3A_1647] : memref<1536x16xf32, #tpu.memory_space<vmem>> -> memref<128x16xf32, #tpu.memory_space<vmem>>
      %dma_start3A_1649 = arith.constant 0 : i32
      %dma_start3A_1650 = tpu.memref_slice %arg9[%dma_start3A_1645, %dma_start3A_1649] : memref<12x128xi32, #tpu.memory_space<vmem>> -> memref<1x128xi32, #tpu.memory_space<vmem>>
      %dma_start3A_1651 = tpu.memref_squeeze %dma_start3A_1650 : memref<1x128xi32, #tpu.memory_space<vmem>> -> memref<128xi32, #tpu.memory_space<vmem>>
      %dma_start3A_1652 = arith.constant 0 : i32
      %dma_start3A_1653 = arith.constant 0 : i32
      %dma_start3A_1654 = tpu.memref_slice %arg2[%dma_start3A_1652, %dma_start3A_1653] : memref<786432x16xf32, #tpu.memory_space<hbm>> -> memref<786432x16xf32, #tpu.memory_space<hbm>>
      tpu.enqueue_indirect_dma source(%dma_start3A_1654 : memref<786432x16xf32, #tpu.memory_space<hbm>>) target(%dma_start3A_1648 : memref<128x16xf32, #tpu.memory_space<vmem>>) offsets(%dma_start3A_1651 : memref<128xi32, #tpu.memory_space<vmem>>) semaphore(%arg15 : memref<!tpu.dma_semaphore, #tpu.memory_space<semaphore_mem>>)
      %dma_start3A_1655 = arith.constant 9 : i32
      %dma_start3A_1656 = arith.constant 1152 : i32
      %dma_start3A_1657 = arith.constant 0 : i32
      %dma_start3A_1658 = tpu.memref_slice %arg11[%dma_start3A_1656, %dma_start3A_1657] : memref<1536x16xf32, #tpu.memory_space<vmem>> -> memref<128x16xf32, #tpu.memory_space<vmem>>
      %dma_start3A_1659 = arith.constant 0 : i32
      %dma_start3A_1660 = tpu.memref_slice %arg9[%dma_start3A_1655, %dma_start3A_1659] : memref<12x128xi32, #tpu.memory_space<vmem>> -> memref<1x128xi32, #tpu.memory_space<vmem>>
      %dma_start3A_1661 = tpu.memref_squeeze %dma_start3A_1660 : memref<1x128xi32, #tpu.memory_space<vmem>> -> memref<128xi32, #tpu.memory_space<vmem>>
      %dma_start3A_1662 = arith.constant 0 : i32
      %dma_start3A_1663 = arith.constant 0 : i32
      %dma_start3A_1664 = tpu.memref_slice %arg2[%dma_start3A_1662, %dma_start3A_1663] : memref<786432x16xf32, #tpu.memory_space<hbm>> -> memref<786432x16xf32, #tpu.memory_space<hbm>>
      tpu.enqueue_indirect_dma source(%dma_start3A_1664 : memref<786432x16xf32, #tpu.memory_space<hbm>>) target(%dma_start3A_1658 : memref<128x16xf32, #tpu.memory_space<vmem>>) offsets(%dma_start3A_1661 : memref<128xi32, #tpu.memory_space<vmem>>) semaphore(%arg15 : memref<!tpu.dma_semaphore, #tpu.memory_space<semaphore_mem>>)
      %dma_start3A_1665 = arith.constant 10 : i32
      %dma_start3A_1666 = arith.constant 1280 : i32
      %dma_start3A_1667 = arith.constant 0 : i32
      %dma_start3A_1668 = tpu.memref_slice %arg11[%dma_start3A_1666, %dma_start3A_1667] : memref<1536x16xf32, #tpu.memory_space<vmem>> -> memref<128x16xf32, #tpu.memory_space<vmem>>
      %dma_start3A_1669 = arith.constant 0 : i32
      %dma_start3A_1670 = tpu.memref_slice %arg9[%dma_start3A_1665, %dma_start3A_1669] : memref<12x128xi32, #tpu.memory_space<vmem>> -> memref<1x128xi32, #tpu.memory_space<vmem>>
      %dma_start3A_1671 = tpu.memref_squeeze %dma_start3A_1670 : memref<1x128xi32, #tpu.memory_space<vmem>> -> memref<128xi32, #tpu.memory_space<vmem>>
      %dma_start3A_1672 = arith.constant 0 : i32
      %dma_start3A_1673 = arith.constant 0 : i32
      %dma_start3A_1674 = tpu.memref_slice %arg2[%dma_start3A_1672, %dma_start3A_1673] : memref<786432x16xf32, #tpu.memory_space<hbm>> -> memref<786432x16xf32, #tpu.memory_space<hbm>>
      tpu.enqueue_indirect_dma source(%dma_start3A_1674 : memref<786432x16xf32, #tpu.memory_space<hbm>>) target(%dma_start3A_1668 : memref<128x16xf32, #tpu.memory_space<vmem>>) offsets(%dma_start3A_1671 : memref<128xi32, #tpu.memory_space<vmem>>) semaphore(%arg15 : memref<!tpu.dma_semaphore, #tpu.memory_space<semaphore_mem>>)
      %dma_start3A_1675 = arith.constant 11 : i32
      %dma_start3A_1676 = arith.constant 1408 : i32
      %dma_start3A_1677 = arith.constant 0 : i32
      %dma_start3A_1678 = tpu.memref_slice %arg11[%dma_start3A_1676, %dma_start3A_1677] : memref<1536x16xf32, #tpu.memory_space<vmem>> -> memref<128x16xf32, #tpu.memory_space<vmem>>
      %dma_start3A_1679 = arith.constant 0 : i32
      %dma_start3A_1680 = tpu.memref_slice %arg9[%dma_start3A_1675, %dma_start3A_1679] : memref<12x128xi32, #tpu.memory_space<vmem>> -> memref<1x128xi32, #tpu.memory_space<vmem>>
      %dma_start3A_1681 = tpu.memref_squeeze %dma_start3A_1680 : memref<1x128xi32, #tpu.memory_space<vmem>> -> memref<128xi32, #tpu.memory_space<vmem>>
      %dma_start3A_1682 = arith.constant 0 : i32
      %dma_start3A_1683 = arith.constant 0 : i32
      %dma_start3A_1684 = tpu.memref_slice %arg2[%dma_start3A_1682, %dma_start3A_1683] : memref<786432x16xf32, #tpu.memory_space<hbm>> -> memref<786432x16xf32, #tpu.memory_space<hbm>>
      tpu.enqueue_indirect_dma source(%dma_start3A_1684 : memref<786432x16xf32, #tpu.memory_space<hbm>>) target(%dma_start3A_1678 : memref<128x16xf32, #tpu.memory_space<vmem>>) offsets(%dma_start3A_1681 : memref<128xi32, #tpu.memory_space<vmem>>) semaphore(%arg15 : memref<!tpu.dma_semaphore, #tpu.memory_space<semaphore_mem>>)
      %dma_wait3A_1685 = arith.constant 0 : i32
      %dma_wait3A_1686 = arith.constant 0 : i32
      %dma_wait3A_1687 = arith.constant 0 : i32
      %dma_wait3A_1688 = tpu.memref_slice %arg10[%dma_wait3A_1686, %dma_wait3A_1687] : memref<1536x16xf32, #tpu.memory_space<vmem>> -> memref<128x16xf32, #tpu.memory_space<vmem>>
      %dma_wait3A_1689 = arith.constant 0 : i32
      %dma_wait3A_1690 = tpu.memref_slice %arg8[%dma_wait3A_1685, %dma_wait3A_1689] : memref<12x128xi32, #tpu.memory_space<vmem>> -> memref<1x128xi32, #tpu.memory_space<vmem>>
      %dma_wait3A_1691 = tpu.memref_squeeze %dma_wait3A_1690 : memref<1x128xi32, #tpu.memory_space<vmem>> -> memref<128xi32, #tpu.memory_space<vmem>>
      %dma_wait3A_1692 = arith.constant 0 : i32
      %dma_wait3A_1693 = arith.constant 0 : i32
      %dma_wait3A_1694 = tpu.memref_slice %arg2[%dma_wait3A_1692, %dma_wait3A_1693] : memref<786432x16xf32, #tpu.memory_space<hbm>> -> memref<786432x16xf32, #tpu.memory_space<hbm>>
      tpu.wait_indirect_dma semaphore(%arg14 : memref<!tpu.dma_semaphore, #tpu.memory_space<semaphore_mem>>) src(%dma_wait3A_1694 : memref<786432x16xf32, #tpu.memory_space<hbm>>) dst(%dma_wait3A_1688 : memref<128x16xf32, #tpu.memory_space<vmem>>)
      %dma_wait3A_1695 = arith.constant 1 : i32
      %dma_wait3A_1696 = arith.constant 128 : i32
      %dma_wait3A_1697 = arith.constant 0 : i32
      %dma_wait3A_1698 = tpu.memref_slice %arg10[%dma_wait3A_1696, %dma_wait3A_1697] : memref<1536x16xf32, #tpu.memory_space<vmem>> -> memref<128x16xf32, #tpu.memory_space<vmem>>
      %dma_wait3A_1699 = arith.constant 0 : i32
      %dma_wait3A_1700 = tpu.memref_slice %arg8[%dma_wait3A_1695, %dma_wait3A_1699] : memref<12x128xi32, #tpu.memory_space<vmem>> -> memref<1x128xi32, #tpu.memory_space<vmem>>
      %dma_wait3A_1701 = tpu.memref_squeeze %dma_wait3A_1700 : memref<1x128xi32, #tpu.memory_space<vmem>> -> memref<128xi32, #tpu.memory_space<vmem>>
      %dma_wait3A_1702 = arith.constant 0 : i32
      %dma_wait3A_1703 = arith.constant 0 : i32
      %dma_wait3A_1704 = tpu.memref_slice %arg2[%dma_wait3A_1702, %dma_wait3A_1703] : memref<786432x16xf32, #tpu.memory_space<hbm>> -> memref<786432x16xf32, #tpu.memory_space<hbm>>
      tpu.wait_indirect_dma semaphore(%arg14 : memref<!tpu.dma_semaphore, #tpu.memory_space<semaphore_mem>>) src(%dma_wait3A_1704 : memref<786432x16xf32, #tpu.memory_space<hbm>>) dst(%dma_wait3A_1698 : memref<128x16xf32, #tpu.memory_space<vmem>>)
      %dma_wait3A_1705 = arith.constant 2 : i32
      %dma_wait3A_1706 = arith.constant 256 : i32
      %dma_wait3A_1707 = arith.constant 0 : i32
      %dma_wait3A_1708 = tpu.memref_slice %arg10[%dma_wait3A_1706, %dma_wait3A_1707] : memref<1536x16xf32, #tpu.memory_space<vmem>> -> memref<128x16xf32, #tpu.memory_space<vmem>>
      %dma_wait3A_1709 = arith.constant 0 : i32
      %dma_wait3A_1710 = tpu.memref_slice %arg8[%dma_wait3A_1705, %dma_wait3A_1709] : memref<12x128xi32, #tpu.memory_space<vmem>> -> memref<1x128xi32, #tpu.memory_space<vmem>>
      %dma_wait3A_1711 = tpu.memref_squeeze %dma_wait3A_1710 : memref<1x128xi32, #tpu.memory_space<vmem>> -> memref<128xi32, #tpu.memory_space<vmem>>
      %dma_wait3A_1712 = arith.constant 0 : i32
      %dma_wait3A_1713 = arith.constant 0 : i32
      %dma_wait3A_1714 = tpu.memref_slice %arg2[%dma_wait3A_1712, %dma_wait3A_1713] : memref<786432x16xf32, #tpu.memory_space<hbm>> -> memref<786432x16xf32, #tpu.memory_space<hbm>>
      tpu.wait_indirect_dma semaphore(%arg14 : memref<!tpu.dma_semaphore, #tpu.memory_space<semaphore_mem>>) src(%dma_wait3A_1714 : memref<786432x16xf32, #tpu.memory_space<hbm>>) dst(%dma_wait3A_1708 : memref<128x16xf32, #tpu.memory_space<vmem>>)
      %dma_wait3A_1715 = arith.constant 3 : i32
      %dma_wait3A_1716 = arith.constant 384 : i32
      %dma_wait3A_1717 = arith.constant 0 : i32
      %dma_wait3A_1718 = tpu.memref_slice %arg10[%dma_wait3A_1716, %dma_wait3A_1717] : memref<1536x16xf32, #tpu.memory_space<vmem>> -> memref<128x16xf32, #tpu.memory_space<vmem>>
      %dma_wait3A_1719 = arith.constant 0 : i32
      %dma_wait3A_1720 = tpu.memref_slice %arg8[%dma_wait3A_1715, %dma_wait3A_1719] : memref<12x128xi32, #tpu.memory_space<vmem>> -> memref<1x128xi32, #tpu.memory_space<vmem>>
      %dma_wait3A_1721 = tpu.memref_squeeze %dma_wait3A_1720 : memref<1x128xi32, #tpu.memory_space<vmem>> -> memref<128xi32, #tpu.memory_space<vmem>>
      %dma_wait3A_1722 = arith.constant 0 : i32
      %dma_wait3A_1723 = arith.constant 0 : i32
      %dma_wait3A_1724 = tpu.memref_slice %arg2[%dma_wait3A_1722, %dma_wait3A_1723] : memref<786432x16xf32, #tpu.memory_space<hbm>> -> memref<786432x16xf32, #tpu.memory_space<hbm>>
      tpu.wait_indirect_dma semaphore(%arg14 : memref<!tpu.dma_semaphore, #tpu.memory_space<semaphore_mem>>) src(%dma_wait3A_1724 : memref<786432x16xf32, #tpu.memory_space<hbm>>) dst(%dma_wait3A_1718 : memref<128x16xf32, #tpu.memory_space<vmem>>)
      %dma_wait3A_1725 = arith.constant 4 : i32
      %dma_wait3A_1726 = arith.constant 512 : i32
      %dma_wait3A_1727 = arith.constant 0 : i32
      %dma_wait3A_1728 = tpu.memref_slice %arg10[%dma_wait3A_1726, %dma_wait3A_1727] : memref<1536x16xf32, #tpu.memory_space<vmem>> -> memref<128x16xf32, #tpu.memory_space<vmem>>
      %dma_wait3A_1729 = arith.constant 0 : i32
      %dma_wait3A_1730 = tpu.memref_slice %arg8[%dma_wait3A_1725, %dma_wait3A_1729] : memref<12x128xi32, #tpu.memory_space<vmem>> -> memref<1x128xi32, #tpu.memory_space<vmem>>
      %dma_wait3A_1731 = tpu.memref_squeeze %dma_wait3A_1730 : memref<1x128xi32, #tpu.memory_space<vmem>> -> memref<128xi32, #tpu.memory_space<vmem>>
      %dma_wait3A_1732 = arith.constant 0 : i32
      %dma_wait3A_1733 = arith.constant 0 : i32
      %dma_wait3A_1734 = tpu.memref_slice %arg2[%dma_wait3A_1732, %dma_wait3A_1733] : memref<786432x16xf32, #tpu.memory_space<hbm>> -> memref<786432x16xf32, #tpu.memory_space<hbm>>
      tpu.wait_indirect_dma semaphore(%arg14 : memref<!tpu.dma_semaphore, #tpu.memory_space<semaphore_mem>>) src(%dma_wait3A_1734 : memref<786432x16xf32, #tpu.memory_space<hbm>>) dst(%dma_wait3A_1728 : memref<128x16xf32, #tpu.memory_space<vmem>>)
      %dma_wait3A_1735 = arith.constant 5 : i32
      %dma_wait3A_1736 = arith.constant 640 : i32
      %dma_wait3A_1737 = arith.constant 0 : i32
      %dma_wait3A_1738 = tpu.memref_slice %arg10[%dma_wait3A_1736, %dma_wait3A_1737] : memref<1536x16xf32, #tpu.memory_space<vmem>> -> memref<128x16xf32, #tpu.memory_space<vmem>>
      %dma_wait3A_1739 = arith.constant 0 : i32
      %dma_wait3A_1740 = tpu.memref_slice %arg8[%dma_wait3A_1735, %dma_wait3A_1739] : memref<12x128xi32, #tpu.memory_space<vmem>> -> memref<1x128xi32, #tpu.memory_space<vmem>>
      %dma_wait3A_1741 = tpu.memref_squeeze %dma_wait3A_1740 : memref<1x128xi32, #tpu.memory_space<vmem>> -> memref<128xi32, #tpu.memory_space<vmem>>
      %dma_wait3A_1742 = arith.constant 0 : i32
      %dma_wait3A_1743 = arith.constant 0 : i32
      %dma_wait3A_1744 = tpu.memref_slice %arg2[%dma_wait3A_1742, %dma_wait3A_1743] : memref<786432x16xf32, #tpu.memory_space<hbm>> -> memref<786432x16xf32, #tpu.memory_space<hbm>>
      tpu.wait_indirect_dma semaphore(%arg14 : memref<!tpu.dma_semaphore, #tpu.memory_space<semaphore_mem>>) src(%dma_wait3A_1744 : memref<786432x16xf32, #tpu.memory_space<hbm>>) dst(%dma_wait3A_1738 : memref<128x16xf32, #tpu.memory_space<vmem>>)
      %dma_wait3A_1745 = arith.constant 6 : i32
      %dma_wait3A_1746 = arith.constant 768 : i32
      %dma_wait3A_1747 = arith.constant 0 : i32
      %dma_wait3A_1748 = tpu.memref_slice %arg10[%dma_wait3A_1746, %dma_wait3A_1747] : memref<1536x16xf32, #tpu.memory_space<vmem>> -> memref<128x16xf32, #tpu.memory_space<vmem>>
      %dma_wait3A_1749 = arith.constant 0 : i32
      %dma_wait3A_1750 = tpu.memref_slice %arg8[%dma_wait3A_1745, %dma_wait3A_1749] : memref<12x128xi32, #tpu.memory_space<vmem>> -> memref<1x128xi32, #tpu.memory_space<vmem>>
      %dma_wait3A_1751 = tpu.memref_squeeze %dma_wait3A_1750 : memref<1x128xi32, #tpu.memory_space<vmem>> -> memref<128xi32, #tpu.memory_space<vmem>>
      %dma_wait3A_1752 = arith.constant 0 : i32
      %dma_wait3A_1753 = arith.constant 0 : i32
      %dma_wait3A_1754 = tpu.memref_slice %arg2[%dma_wait3A_1752, %dma_wait3A_1753] : memref<786432x16xf32, #tpu.memory_space<hbm>> -> memref<786432x16xf32, #tpu.memory_space<hbm>>
      tpu.wait_indirect_dma semaphore(%arg14 : memref<!tpu.dma_semaphore, #tpu.memory_space<semaphore_mem>>) src(%dma_wait3A_1754 : memref<786432x16xf32, #tpu.memory_space<hbm>>) dst(%dma_wait3A_1748 : memref<128x16xf32, #tpu.memory_space<vmem>>)
      %dma_wait3A_1755 = arith.constant 7 : i32
      %dma_wait3A_1756 = arith.constant 896 : i32
      %dma_wait3A_1757 = arith.constant 0 : i32
      %dma_wait3A_1758 = tpu.memref_slice %arg10[%dma_wait3A_1756, %dma_wait3A_1757] : memref<1536x16xf32, #tpu.memory_space<vmem>> -> memref<128x16xf32, #tpu.memory_space<vmem>>
      %dma_wait3A_1759 = arith.constant 0 : i32
      %dma_wait3A_1760 = tpu.memref_slice %arg8[%dma_wait3A_1755, %dma_wait3A_1759] : memref<12x128xi32, #tpu.memory_space<vmem>> -> memref<1x128xi32, #tpu.memory_space<vmem>>
      %dma_wait3A_1761 = tpu.memref_squeeze %dma_wait3A_1760 : memref<1x128xi32, #tpu.memory_space<vmem>> -> memref<128xi32, #tpu.memory_space<vmem>>
      %dma_wait3A_1762 = arith.constant 0 : i32
      %dma_wait3A_1763 = arith.constant 0 : i32
      %dma_wait3A_1764 = tpu.memref_slice %arg2[%dma_wait3A_1762, %dma_wait3A_1763] : memref<786432x16xf32, #tpu.memory_space<hbm>> -> memref<786432x16xf32, #tpu.memory_space<hbm>>
      tpu.wait_indirect_dma semaphore(%arg14 : memref<!tpu.dma_semaphore, #tpu.memory_space<semaphore_mem>>) src(%dma_wait3A_1764 : memref<786432x16xf32, #tpu.memory_space<hbm>>) dst(%dma_wait3A_1758 : memref<128x16xf32, #tpu.memory_space<vmem>>)
      %dma_wait3A_1765 = arith.constant 8 : i32
      %dma_wait3A_1766 = arith.constant 1024 : i32
      %dma_wait3A_1767 = arith.constant 0 : i32
      %dma_wait3A_1768 = tpu.memref_slice %arg10[%dma_wait3A_1766, %dma_wait3A_1767] : memref<1536x16xf32, #tpu.memory_space<vmem>> -> memref<128x16xf32, #tpu.memory_space<vmem>>
      %dma_wait3A_1769 = arith.constant 0 : i32
      %dma_wait3A_1770 = tpu.memref_slice %arg8[%dma_wait3A_1765, %dma_wait3A_1769] : memref<12x128xi32, #tpu.memory_space<vmem>> -> memref<1x128xi32, #tpu.memory_space<vmem>>
      %dma_wait3A_1771 = tpu.memref_squeeze %dma_wait3A_1770 : memref<1x128xi32, #tpu.memory_space<vmem>> -> memref<128xi32, #tpu.memory_space<vmem>>
      %dma_wait3A_1772 = arith.constant 0 : i32
      %dma_wait3A_1773 = arith.constant 0 : i32
      %dma_wait3A_1774 = tpu.memref_slice %arg2[%dma_wait3A_1772, %dma_wait3A_1773] : memref<786432x16xf32, #tpu.memory_space<hbm>> -> memref<786432x16xf32, #tpu.memory_space<hbm>>
      tpu.wait_indirect_dma semaphore(%arg14 : memref<!tpu.dma_semaphore, #tpu.memory_space<semaphore_mem>>) src(%dma_wait3A_1774 : memref<786432x16xf32, #tpu.memory_space<hbm>>) dst(%dma_wait3A_1768 : memref<128x16xf32, #tpu.memory_space<vmem>>)
      %dma_wait3A_1775 = arith.constant 9 : i32
      %dma_wait3A_1776 = arith.constant 1152 : i32
      %dma_wait3A_1777 = arith.constant 0 : i32
      %dma_wait3A_1778 = tpu.memref_slice %arg10[%dma_wait3A_1776, %dma_wait3A_1777] : memref<1536x16xf32, #tpu.memory_space<vmem>> -> memref<128x16xf32, #tpu.memory_space<vmem>>
      %dma_wait3A_1779 = arith.constant 0 : i32
      %dma_wait3A_1780 = tpu.memref_slice %arg8[%dma_wait3A_1775, %dma_wait3A_1779] : memref<12x128xi32, #tpu.memory_space<vmem>> -> memref<1x128xi32, #tpu.memory_space<vmem>>
      %dma_wait3A_1781 = tpu.memref_squeeze %dma_wait3A_1780 : memref<1x128xi32, #tpu.memory_space<vmem>> -> memref<128xi32, #tpu.memory_space<vmem>>
      %dma_wait3A_1782 = arith.constant 0 : i32
      %dma_wait3A_1783 = arith.constant 0 : i32
      %dma_wait3A_1784 = tpu.memref_slice %arg2[%dma_wait3A_1782, %dma_wait3A_1783] : memref<786432x16xf32, #tpu.memory_space<hbm>> -> memref<786432x16xf32, #tpu.memory_space<hbm>>
      tpu.wait_indirect_dma semaphore(%arg14 : memref<!tpu.dma_semaphore, #tpu.memory_space<semaphore_mem>>) src(%dma_wait3A_1784 : memref<786432x16xf32, #tpu.memory_space<hbm>>) dst(%dma_wait3A_1778 : memref<128x16xf32, #tpu.memory_space<vmem>>)
      %dma_wait3A_1785 = arith.constant 10 : i32
      %dma_wait3A_1786 = arith.constant 1280 : i32
      %dma_wait3A_1787 = arith.constant 0 : i32
      %dma_wait3A_1788 = tpu.memref_slice %arg10[%dma_wait3A_1786, %dma_wait3A_1787] : memref<1536x16xf32, #tpu.memory_space<vmem>> -> memref<128x16xf32, #tpu.memory_space<vmem>>
      %dma_wait3A_1789 = arith.constant 0 : i32
      %dma_wait3A_1790 = tpu.memref_slice %arg8[%dma_wait3A_1785, %dma_wait3A_1789] : memref<12x128xi32, #tpu.memory_space<vmem>> -> memref<1x128xi32, #tpu.memory_space<vmem>>
      %dma_wait3A_1791 = tpu.memref_squeeze %dma_wait3A_1790 : memref<1x128xi32, #tpu.memory_space<vmem>> -> memref<128xi32, #tpu.memory_space<vmem>>
      %dma_wait3A_1792 = arith.constant 0 : i32
      %dma_wait3A_1793 = arith.constant 0 : i32
      %dma_wait3A_1794 = tpu.memref_slice %arg2[%dma_wait3A_1792, %dma_wait3A_1793] : memref<786432x16xf32, #tpu.memory_space<hbm>> -> memref<786432x16xf32, #tpu.memory_space<hbm>>
      tpu.wait_indirect_dma semaphore(%arg14 : memref<!tpu.dma_semaphore, #tpu.memory_space<semaphore_mem>>) src(%dma_wait3A_1794 : memref<786432x16xf32, #tpu.memory_space<hbm>>) dst(%dma_wait3A_1788 : memref<128x16xf32, #tpu.memory_space<vmem>>)
      %dma_wait3A_1795 = arith.constant 11 : i32
      %dma_wait3A_1796 = arith.constant 1408 : i32
      %dma_wait3A_1797 = arith.constant 0 : i32
      %dma_wait3A_1798 = tpu.memref_slice %arg10[%dma_wait3A_1796, %dma_wait3A_1797] : memref<1536x16xf32, #tpu.memory_space<vmem>> -> memref<128x16xf32, #tpu.memory_space<vmem>>
      %dma_wait3A_1799 = arith.constant 0 : i32
      %dma_wait3A_1800 = tpu.memref_slice %arg8[%dma_wait3A_1795, %dma_wait3A_1799] : memref<12x128xi32, #tpu.memory_space<vmem>> -> memref<1x128xi32, #tpu.memory_space<vmem>>
      %dma_wait3A_1801 = tpu.memref_squeeze %dma_wait3A_1800 : memref<1x128xi32, #tpu.memory_space<vmem>> -> memref<128xi32, #tpu.memory_space<vmem>>
      %dma_wait3A_1802 = arith.constant 0 : i32
      %dma_wait3A_1803 = arith.constant 0 : i32
      %dma_wait3A_1804 = tpu.memref_slice %arg2[%dma_wait3A_1802, %dma_wait3A_1803] : memref<786432x16xf32, #tpu.memory_space<hbm>> -> memref<786432x16xf32, #tpu.memory_space<hbm>>
      tpu.wait_indirect_dma semaphore(%arg14 : memref<!tpu.dma_semaphore, #tpu.memory_space<semaphore_mem>>) src(%dma_wait3A_1804 : memref<786432x16xf32, #tpu.memory_space<hbm>>) dst(%dma_wait3A_1798 : memref<128x16xf32, #tpu.memory_space<vmem>>)
      %mul3A_1805 = arith.constant 32 : i32
      %mul3A_1806 = arith.muli %add3A, %mul3A_1805 : i32
      %add3A_1807 = arith.addi %mul3A_1806, %mul3A_883 : i32
      %mul3A_1808 = arith.constant 768 : i32
      %mul3A_1809 = arith.muli %add3A_1807, %mul3A_1808 : i32
      %dma_wait3A_1810 = arith.constant 0 : i32
      %dma_wait3A_1811 = tpu.memref_slice %arg5[%mul3A_1809, %dma_wait3A_1810] : memref<786432x128xf32, #tpu.memory_space<hbm>> -> memref<768x16xf32, #tpu.memory_space<hbm>>
      %dma_wait3A_1812 = arith.constant 0 : i32
      %dma_wait3A_1813 = tpu.memref_slice %arg5[%mul3A_1809, %dma_wait3A_1812] : memref<786432x128xf32, #tpu.memory_space<hbm>> -> memref<768x16xf32, #tpu.memory_space<hbm>>
      tpu.wait_dma2 semaphore(%arg16 : memref<!tpu.dma_semaphore, #tpu.memory_space<semaphore_mem>>) src(%arg12 : memref<768x16xf32, #tpu.memory_space<vmem>>) dst(%dma_wait3A_1813 : memref<768x16xf32, #tpu.memory_space<hbm>>)
      %jit3A_1814 = arith.constant 8 : i32
      %div3A_1815 = arith.divsi %mul3A_883, %jit3A_1814 : i32
      %sign3A_1816 = arith.constant 0 : i32
      %sign3A_1817 = arith.cmpi sgt, %mul3A_883, %sign3A_1816 : i32
      %sign3A_1818 = arith.extui %sign3A_1817 : i1 to i32
      %sign3A_1819 = arith.constant 0 : i32
      %sign3A_1820 = arith.cmpi slt, %mul3A_883, %sign3A_1819 : i32
      %sign3A_1821 = arith.extui %sign3A_1820 : i1 to i32
      %sign3A_1822 = arith.subi %sign3A_1818, %sign3A_1821 : i32
      %sign3A_1823 = arith.constant 0 : i32
      %sign3A_1824 = arith.cmpi sgt, %jit3A_1814, %sign3A_1823 : i32
      %sign3A_1825 = arith.extui %sign3A_1824 : i1 to i32
      %sign3A_1826 = arith.constant 0 : i32
      %sign3A_1827 = arith.cmpi slt, %jit3A_1814, %sign3A_1826 : i32
      %sign3A_1828 = arith.extui %sign3A_1827 : i1 to i32
      %sign3A_1829 = arith.subi %sign3A_1825, %sign3A_1828 : i32
      %ne3A_1830 = arith.cmpi ne, %sign3A_1822, %sign3A_1829 : i32
      %rem3A_1831 = arith.remsi %mul3A_883, %jit3A_1814 : i32
      %ne3A_1832 = arith.constant 0 : i32
      %ne3A_1833 = arith.cmpi ne, %rem3A_1831, %ne3A_1832 : i32
      %and3A_1834 = arith.andi %ne3A_1830, %ne3A_1833 : i1
      %sub3A_1835 = arith.constant 1 : i32
      %sub3A_1836 = arith.subi %div3A_1815, %sub3A_1835 : i32
      %select_n3A_1837 = arith.select %and3A_1834, %sub3A_1836, %div3A_1815 : i32
      %jit3A_1838 = arith.constant 8 : i32
      %eq3A_1839 = arith.constant 0 : i32
      %eq3A_1840 = arith.cmpi eq, %jit3A_1838, %eq3A_1839 : i32
      %jit3A_1841 = arith.constant 1 : i32
      %select_n3A_1842 = arith.select %eq3A_1840, %jit3A_1841, %jit3A_1838 : i32
      %rem3A_1843 = arith.remsi %mul3A_883, %select_n3A_1842 : i32
      %ne3A_1844 = arith.constant 0 : i32
      %ne3A_1845 = arith.cmpi ne, %rem3A_1843, %ne3A_1844 : i32
      %lt3A_1846 = arith.constant 0 : i32
      %lt3A_1847 = arith.cmpi slt, %rem3A_1843, %lt3A_1846 : i32
      %lt3A_1848 = arith.constant 0 : i32
      %lt3A_1849 = arith.cmpi slt, %select_n3A_1842, %lt3A_1848 : i32
      %ne3A_1850 = arith.xori %lt3A_1847, %lt3A_1849 : i1
      %and3A_1851 = arith.andi %ne3A_1850, %ne3A_1845 : i1
      %add3A_1852 = arith.addi %rem3A_1843, %select_n3A_1842 : i32
      %select_n3A_1853 = arith.select %and3A_1851, %add3A_1852, %rem3A_1843 : i32
      %mul3A_1854 = arith.constant 16 : i32
      %mul3A_1855 = arith.muli %select_n3A_1853, %mul3A_1854 : i32
      %get3A_1856 = arith.index_cast %select_n3A_1837 : i32 to index
      %get3A_1857 = arith.index_cast %mul3A_1855 : i32 to index
      %get3A_1858 = tpu.vector_load %arg7[%get3A_1856, %get3A_1857] {strides = array<i32>} : memref<4x128xi32, #tpu.memory_space<vmem>>, vector<16xi32>,
      %and3A_1859 = arith.constant 15 : i32
      %and3A_1860 = vector.broadcast %and3A_1859 : i32 to vector<16xi32>
      %and3A_1861 = arith.andi %get3A_1858, %and3A_1860 : vector<16xi32>
      %add3A_1862 = arith.addi %and3A_1861, %iota3A : vector<16xi32>
      %shift_right_arithmetic3A_1863 = arith.constant 4 : i32
      %shift_right_arithmetic3A_1864 = vector.broadcast %shift_right_arithmetic3A_1863 : i32 to vector<16xi32>
      %shift_right_arithmetic3A_1865 = arith.shrsi %add3A_1862, %shift_right_arithmetic3A_1864 : vector<16xi32>
      %mul3A_1866 = arith.constant 768 : i32
      %mul3A_1867 = vector.broadcast %mul3A_1866 : i32 to vector<16xi32>
      %mul3A_1868 = arith.muli %shift_right_arithmetic3A_1865, %mul3A_1867 : vector<16xi32>
      %and3A_1869 = arith.constant 15 : i32
      %and3A_1870 = vector.broadcast %and3A_1869 : i32 to vector<16xi32>
      %and3A_1871 = arith.andi %add3A_1862, %and3A_1870 : vector<16xi32>
      %scan3A_1872 = arith.constant 0 : i32
      %scan3A_1873 = arith.constant 0 : i32
      %scan3A_1874 = arith.constant 768 : i32
      %scan3A_1875 = arith.addi %scan3A_1873, %scan3A_1874 : i32
      %scan3A_1876 = arith.constant 8 : i32
      scf.for %scan3A_2899 = %scan3A_1873 to %scan3A_1875 step %scan3A_1876  : i32 {
        %add3A_2900 = vector.broadcast %scan3A_2899 : i32 to vector<16xi32>
        %add3A_2901 = arith.addi %add3A_2900, %mul3A_1868 : vector<16xi32>
        %gather3A = tpu.vector_load_idx %arg10[%add3A_2901, %and3A_1871] : memref<1536x16xf32, #tpu.memory_space<vmem>>[vector<16xi32>, vector<16xi32>], vector<16xf32>,
        %swap3A_2902 = arith.index_cast %scan3A_2899 : i32 to index
        %swap3A_2903 = arith.constant 0 : index
        %swap3A_2904 = tpu.vector_load %arg12[%swap3A_2902, %swap3A_2903] {strides = array<i32>} : memref<768x16xf32, #tpu.memory_space<vmem>>, vector<16xf32>,
        tpu.vector_store %arg12[%swap3A_2902, %swap3A_2903], %gather3A {strides = array<i32>} : memref<768x16xf32, #tpu.memory_space<vmem>>, vector<16xf32>,
        %scan3A_2905 = arith.constant 1 : i32
        %scan3A_2906 = arith.addi %scan3A_2899, %scan3A_2905 : i32
        %add3A_2907 = vector.broadcast %scan3A_2906 : i32 to vector<16xi32>
        %add3A_2908 = arith.addi %add3A_2907, %mul3A_1868 : vector<16xi32>
        %gather3A_2909 = tpu.vector_load_idx %arg10[%add3A_2908, %and3A_1871] : memref<1536x16xf32, #tpu.memory_space<vmem>>[vector<16xi32>, vector<16xi32>], vector<16xf32>,
        %swap3A_2910 = arith.index_cast %scan3A_2906 : i32 to index
        %swap3A_2911 = arith.constant 0 : index
        %swap3A_2912 = tpu.vector_load %arg12[%swap3A_2910, %swap3A_2911] {strides = array<i32>} : memref<768x16xf32, #tpu.memory_space<vmem>>, vector<16xf32>,
        tpu.vector_store %arg12[%swap3A_2910, %swap3A_2911], %gather3A_2909 {strides = array<i32>} : memref<768x16xf32, #tpu.memory_space<vmem>>, vector<16xf32>,
        %scan3A_2913 = arith.constant 2 : i32
        %scan3A_2914 = arith.addi %scan3A_2899, %scan3A_2913 : i32
        %add3A_2915 = vector.broadcast %scan3A_2914 : i32 to vector<16xi32>
        %add3A_2916 = arith.addi %add3A_2915, %mul3A_1868 : vector<16xi32>
        %gather3A_2917 = tpu.vector_load_idx %arg10[%add3A_2916, %and3A_1871] : memref<1536x16xf32, #tpu.memory_space<vmem>>[vector<16xi32>, vector<16xi32>], vector<16xf32>,
        %swap3A_2918 = arith.index_cast %scan3A_2914 : i32 to index
        %swap3A_2919 = arith.constant 0 : index
        %swap3A_2920 = tpu.vector_load %arg12[%swap3A_2918, %swap3A_2919] {strides = array<i32>} : memref<768x16xf32, #tpu.memory_space<vmem>>, vector<16xf32>,
        tpu.vector_store %arg12[%swap3A_2918, %swap3A_2919], %gather3A_2917 {strides = array<i32>} : memref<768x16xf32, #tpu.memory_space<vmem>>, vector<16xf32>,
        %scan3A_2921 = arith.constant 3 : i32
        %scan3A_2922 = arith.addi %scan3A_2899, %scan3A_2921 : i32
        %add3A_2923 = vector.broadcast %scan3A_2922 : i32 to vector<16xi32>
        %add3A_2924 = arith.addi %add3A_2923, %mul3A_1868 : vector<16xi32>
        %gather3A_2925 = tpu.vector_load_idx %arg10[%add3A_2924, %and3A_1871] : memref<1536x16xf32, #tpu.memory_space<vmem>>[vector<16xi32>, vector<16xi32>], vector<16xf32>,
        %swap3A_2926 = arith.index_cast %scan3A_2922 : i32 to index
        %swap3A_2927 = arith.constant 0 : index
        %swap3A_2928 = tpu.vector_load %arg12[%swap3A_2926, %swap3A_2927] {strides = array<i32>} : memref<768x16xf32, #tpu.memory_space<vmem>>, vector<16xf32>,
        tpu.vector_store %arg12[%swap3A_2926, %swap3A_2927], %gather3A_2925 {strides = array<i32>} : memref<768x16xf32, #tpu.memory_space<vmem>>, vector<16xf32>,
        %scan3A_2929 = arith.constant 4 : i32
        %scan3A_2930 = arith.addi %scan3A_2899, %scan3A_2929 : i32
        %add3A_2931 = vector.broadcast %scan3A_2930 : i32 to vector<16xi32>
        %add3A_2932 = arith.addi %add3A_2931, %mul3A_1868 : vector<16xi32>
        %gather3A_2933 = tpu.vector_load_idx %arg10[%add3A_2932, %and3A_1871] : memref<1536x16xf32, #tpu.memory_space<vmem>>[vector<16xi32>, vector<16xi32>], vector<16xf32>,
        %swap3A_2934 = arith.index_cast %scan3A_2930 : i32 to index
        %swap3A_2935 = arith.constant 0 : index
        %swap3A_2936 = tpu.vector_load %arg12[%swap3A_2934, %swap3A_2935] {strides = array<i32>} : memref<768x16xf32, #tpu.memory_space<vmem>>, vector<16xf32>,
        tpu.vector_store %arg12[%swap3A_2934, %swap3A_2935], %gather3A_2933 {strides = array<i32>} : memref<768x16xf32, #tpu.memory_space<vmem>>, vector<16xf32>,
        %scan3A_2937 = arith.constant 5 : i32
        %scan3A_2938 = arith.addi %scan3A_2899, %scan3A_2937 : i32
        %add3A_2939 = vector.broadcast %scan3A_2938 : i32 to vector<16xi32>
        %add3A_2940 = arith.addi %add3A_2939, %mul3A_1868 : vector<16xi32>
        %gather3A_2941 = tpu.vector_load_idx %arg10[%add3A_2940, %and3A_1871] : memref<1536x16xf32, #tpu.memory_space<vmem>>[vector<16xi32>, vector<16xi32>], vector<16xf32>,
        %swap3A_2942 = arith.index_cast %scan3A_2938 : i32 to index
        %swap3A_2943 = arith.constant 0 : index
        %swap3A_2944 = tpu.vector_load %arg12[%swap3A_2942, %swap3A_2943] {strides = array<i32>} : memref<768x16xf32, #tpu.memory_space<vmem>>, vector<16xf32>,
        tpu.vector_store %arg12[%swap3A_2942, %swap3A_2943], %gather3A_2941 {strides = array<i32>} : memref<768x16xf32, #tpu.memory_space<vmem>>, vector<16xf32>,
        %scan3A_2945 = arith.constant 6 : i32
        %scan3A_2946 = arith.addi %scan3A_2899, %scan3A_2945 : i32
        %add3A_2947 = vector.broadcast %scan3A_2946 : i32 to vector<16xi32>
        %add3A_2948 = arith.addi %add3A_2947, %mul3A_1868 : vector<16xi32>
        %gather3A_2949 = tpu.vector_load_idx %arg10[%add3A_2948, %and3A_1871] : memref<1536x16xf32, #tpu.memory_space<vmem>>[vector<16xi32>, vector<16xi32>], vector<16xf32>,
        %swap3A_2950 = arith.index_cast %scan3A_2946 : i32 to index
        %swap3A_2951 = arith.constant 0 : index
        %swap3A_2952 = tpu.vector_load %arg12[%swap3A_2950, %swap3A_2951] {strides = array<i32>} : memref<768x16xf32, #tpu.memory_space<vmem>>, vector<16xf32>,
        tpu.vector_store %arg12[%swap3A_2950, %swap3A_2951], %gather3A_2949 {strides = array<i32>} : memref<768x16xf32, #tpu.memory_space<vmem>>, vector<16xf32>,
        %scan3A_2953 = arith.constant 7 : i32
        %scan3A_2954 = arith.addi %scan3A_2899, %scan3A_2953 : i32
        %add3A_2955 = vector.broadcast %scan3A_2954 : i32 to vector<16xi32>
        %add3A_2956 = arith.addi %add3A_2955, %mul3A_1868 : vector<16xi32>
        %gather3A_2957 = tpu.vector_load_idx %arg10[%add3A_2956, %and3A_1871] : memref<1536x16xf32, #tpu.memory_space<vmem>>[vector<16xi32>, vector<16xi32>], vector<16xf32>,
        %swap3A_2958 = arith.index_cast %scan3A_2954 : i32 to index
        %swap3A_2959 = arith.constant 0 : index
        %swap3A_2960 = tpu.vector_load %arg12[%swap3A_2958, %swap3A_2959] {strides = array<i32>} : memref<768x16xf32, #tpu.memory_space<vmem>>, vector<16xf32>,
        tpu.vector_store %arg12[%swap3A_2958, %swap3A_2959], %gather3A_2957 {strides = array<i32>} : memref<768x16xf32, #tpu.memory_space<vmem>>, vector<16xf32>,
      }
      %scan3A_1877 = arith.constant 768 : i32
      %mul3A_1878 = arith.constant 32 : i32
      %mul3A_1879 = arith.muli %add3A, %mul3A_1878 : i32
      %add3A_1880 = arith.addi %mul3A_1879, %mul3A_883 : i32
      %mul3A_1881 = arith.constant 768 : i32
      %mul3A_1882 = arith.muli %add3A_1880, %mul3A_1881 : i32
      %dma_start3A_1883 = arith.constant 0 : i32
      %dma_start3A_1884 = tpu.memref_slice %arg5[%mul3A_1882, %dma_start3A_1883] : memref<786432x128xf32, #tpu.memory_space<hbm>> -> memref<768x16xf32, #tpu.memory_space<hbm>>
      %dma_start3A_1885 = arith.constant 0 : i32
      %dma_start3A_1886 = tpu.memref_slice %arg5[%mul3A_1882, %dma_start3A_1885] : memref<786432x128xf32, #tpu.memory_space<hbm>> -> memref<768x16xf32, #tpu.memory_space<hbm>>
      tpu.enqueue_dma source(%arg12 : memref<768x16xf32, #tpu.memory_space<vmem>>) target(%dma_start3A_1886 : memref<768x16xf32, #tpu.memory_space<hbm>>) target_semaphore(%arg16 : memref<!tpu.dma_semaphore, #tpu.memory_space<semaphore_mem>>)
      %add3A_1887 = arith.constant 2 : i32
      %add3A_1888 = arith.addi %mul3A_883, %add3A_1887 : i32
      %min3A = arith.constant 31 : i32
      %min3A_1889 = arith.minsi %add3A_1888, %min3A : i32
      %jit3A_1890 = arith.constant 8 : i32
      %div3A_1891 = arith.divsi %min3A_1889, %jit3A_1890 : i32
      %sign3A_1892 = arith.constant 0 : i32
      %sign3A_1893 = arith.cmpi sgt, %min3A_1889, %sign3A_1892 : i32
      %sign3A_1894 = arith.extui %sign3A_1893 : i1 to i32
      %sign3A_1895 = arith.constant 0 : i32
      %sign3A_1896 = arith.cmpi slt, %min3A_1889, %sign3A_1895 : i32
      %sign3A_1897 = arith.extui %sign3A_1896 : i1 to i32
      %sign3A_1898 = arith.subi %sign3A_1894, %sign3A_1897 : i32
      %sign3A_1899 = arith.constant 0 : i32
      %sign3A_1900 = arith.cmpi sgt, %jit3A_1890, %sign3A_1899 : i32
      %sign3A_1901 = arith.extui %sign3A_1900 : i1 to i32
      %sign3A_1902 = arith.constant 0 : i32
      %sign3A_1903 = arith.cmpi slt, %jit3A_1890, %sign3A_1902 : i32
      %sign3A_1904 = arith.extui %sign3A_1903 : i1 to i32
      %sign3A_1905 = arith.subi %sign3A_1901, %sign3A_1904 : i32
      %ne3A_1906 = arith.cmpi ne, %sign3A_1898, %sign3A_1905 : i32
      %rem3A_1907 = arith.remsi %min3A_1889, %jit3A_1890 : i32
      %ne3A_1908 = arith.constant 0 : i32
      %ne3A_1909 = arith.cmpi ne, %rem3A_1907, %ne3A_1908 : i32
      %and3A_1910 = arith.andi %ne3A_1906, %ne3A_1909 : i1
      %sub3A_1911 = arith.constant 1 : i32
      %sub3A_1912 = arith.subi %div3A_1891, %sub3A_1911 : i32
      %select_n3A_1913 = arith.select %and3A_1910, %sub3A_1912, %div3A_1891 : i32
      %jit3A_1914 = arith.constant 8 : i32
      %eq3A_1915 = arith.constant 0 : i32
      %eq3A_1916 = arith.cmpi eq, %jit3A_1914, %eq3A_1915 : i32
      %jit3A_1917 = arith.constant 1 : i32
      %select_n3A_1918 = arith.select %eq3A_1916, %jit3A_1917, %jit3A_1914 : i32
      %rem3A_1919 = arith.remsi %min3A_1889, %select_n3A_1918 : i32
      %ne3A_1920 = arith.constant 0 : i32
      %ne3A_1921 = arith.cmpi ne, %rem3A_1919, %ne3A_1920 : i32
      %lt3A_1922 = arith.constant 0 : i32
      %lt3A_1923 = arith.cmpi slt, %rem3A_1919, %lt3A_1922 : i32
      %lt3A_1924 = arith.constant 0 : i32
      %lt3A_1925 = arith.cmpi slt, %select_n3A_1918, %lt3A_1924 : i32
      %ne3A_1926 = arith.xori %lt3A_1923, %lt3A_1925 : i1
      %and3A_1927 = arith.andi %ne3A_1926, %ne3A_1921 : i1
      %add3A_1928 = arith.addi %rem3A_1919, %select_n3A_1918 : i32
      %select_n3A_1929 = arith.select %and3A_1927, %add3A_1928, %rem3A_1919 : i32
      %mul3A_1930 = arith.constant 16 : i32
      %mul3A_1931 = arith.muli %select_n3A_1929, %mul3A_1930 : i32
      %get3A_1932 = arith.index_cast %select_n3A_1913 : i32 to index
      %get3A_1933 = arith.index_cast %mul3A_1931 : i32 to index
      %get3A_1934 = tpu.vector_load %arg6[%get3A_1932, %get3A_1933] {strides = array<i32>} : memref<4x128xi32, #tpu.memory_space<vmem>>, vector<16xi32>,
      %jit3A_1935 = arith.constant 8 : i32
      %div3A_1936 = arith.divsi %min3A_1889, %jit3A_1935 : i32
      %sign3A_1937 = arith.constant 0 : i32
      %sign3A_1938 = arith.cmpi sgt, %min3A_1889, %sign3A_1937 : i32
      %sign3A_1939 = arith.extui %sign3A_1938 : i1 to i32
      %sign3A_1940 = arith.constant 0 : i32
      %sign3A_1941 = arith.cmpi slt, %min3A_1889, %sign3A_1940 : i32
      %sign3A_1942 = arith.extui %sign3A_1941 : i1 to i32
      %sign3A_1943 = arith.subi %sign3A_1939, %sign3A_1942 : i32
      %sign3A_1944 = arith.constant 0 : i32
      %sign3A_1945 = arith.cmpi sgt, %jit3A_1935, %sign3A_1944 : i32
      %sign3A_1946 = arith.extui %sign3A_1945 : i1 to i32
      %sign3A_1947 = arith.constant 0 : i32
      %sign3A_1948 = arith.cmpi slt, %jit3A_1935, %sign3A_1947 : i32
      %sign3A_1949 = arith.extui %sign3A_1948 : i1 to i32
      %sign3A_1950 = arith.subi %sign3A_1946, %sign3A_1949 : i32
      %ne3A_1951 = arith.cmpi ne, %sign3A_1943, %sign3A_1950 : i32
      %rem3A_1952 = arith.remsi %min3A_1889, %jit3A_1935 : i32
      %ne3A_1953 = arith.constant 0 : i32
      %ne3A_1954 = arith.cmpi ne, %rem3A_1952, %ne3A_1953 : i32
      %and3A_1955 = arith.andi %ne3A_1951, %ne3A_1954 : i1
      %sub3A_1956 = arith.constant 1 : i32
      %sub3A_1957 = arith.subi %div3A_1936, %sub3A_1956 : i32
      %select_n3A_1958 = arith.select %and3A_1955, %sub3A_1957, %div3A_1936 : i32
      %jit3A_1959 = arith.constant 8 : i32
      %eq3A_1960 = arith.constant 0 : i32
      %eq3A_1961 = arith.cmpi eq, %jit3A_1959, %eq3A_1960 : i32
      %jit3A_1962 = arith.constant 1 : i32
      %select_n3A_1963 = arith.select %eq3A_1961, %jit3A_1962, %jit3A_1959 : i32
      %rem3A_1964 = arith.remsi %min3A_1889, %select_n3A_1963 : i32
      %ne3A_1965 = arith.constant 0 : i32
      %ne3A_1966 = arith.cmpi ne, %rem3A_1964, %ne3A_1965 : i32
      %lt3A_1967 = arith.constant 0 : i32
      %lt3A_1968 = arith.cmpi slt, %rem3A_1964, %lt3A_1967 : i32
      %lt3A_1969 = arith.constant 0 : i32
      %lt3A_1970 = arith.cmpi slt, %select_n3A_1963, %lt3A_1969 : i32
      %ne3A_1971 = arith.xori %lt3A_1968, %lt3A_1970 : i1
      %and3A_1972 = arith.andi %ne3A_1971, %ne3A_1966 : i1
      %add3A_1973 = arith.addi %rem3A_1964, %select_n3A_1963 : i32
      %select_n3A_1974 = arith.select %and3A_1972, %add3A_1973, %rem3A_1964 : i32
      %mul3A_1975 = arith.constant 16 : i32
      %mul3A_1976 = arith.muli %select_n3A_1974, %mul3A_1975 : i32
      %get3A_1977 = arith.index_cast %select_n3A_1958 : i32 to index
      %get3A_1978 = arith.index_cast %mul3A_1976 : i32 to index
      %get3A_1979 = tpu.vector_load %arg7[%get3A_1977, %get3A_1978] {strides = array<i32>} : memref<4x128xi32, #tpu.memory_space<vmem>>, vector<16xi32>,
      %add3A_1980 = arith.addi %get3A_1934, %iota3A : vector<16xi32>
      %and3A_1981 = arith.constant 511 : i32
      %and3A_1982 = vector.broadcast %and3A_1981 : i32 to vector<16xi32>
      %and3A_1983 = arith.andi %add3A_1980, %and3A_1982 : vector<16xi32>
      %shift_right_arithmetic3A_1984 = arith.constant 4 : i32
      %shift_right_arithmetic3A_1985 = vector.broadcast %shift_right_arithmetic3A_1984 : i32 to vector<16xi32>
      %shift_right_arithmetic3A_1986 = arith.shrsi %get3A_1979, %shift_right_arithmetic3A_1985 : vector<16xi32>
      %mul3A_1987 = arith.constant 32 : i32
      %mul3A_1988 = vector.broadcast %mul3A_1987 : i32 to vector<16xi32>
      %mul3A_1989 = arith.muli %and3A_1983, %mul3A_1988 : vector<16xi32>
      %add3A_1990 = arith.addi %mul3A_1989, %shift_right_arithmetic3A_1986 : vector<16xi32>
      %eq3A_1991 = arith.constant 31 : i32
      %eq3A_1992 = vector.broadcast %eq3A_1991 : i32 to vector<16xi32>
      %eq3A_1993 = arith.cmpi eq, %shift_right_arithmetic3A_1986, %eq3A_1992 : vector<16xi32>
      %jit3A_1994 = arith.constant -31 : i32
      %jit3A_1995 = arith.constant 1 : i32
      %broadcast_in_dim3A_1996 = vector.broadcast %jit3A_1994 : i32 to vector<16xi32>
      %broadcast_in_dim3A_1997 = vector.broadcast %jit3A_1995 : i32 to vector<16xi32>
      %select_n3A_1998 = arith.select %eq3A_1993, %broadcast_in_dim3A_1996, %broadcast_in_dim3A_1997 : vector<16xi1>, vector<16xi32>
      %add3A_1999 = arith.constant 0 : i32
      %add3A_2000 = vector.broadcast %add3A_1999 : i32 to vector<16xi32>
      %add3A_2001 = arith.addi %add3A_1990, %add3A_2000 : vector<16xi32>
      %swap3A_2002 = arith.constant 0 : i32
      %swap3A_2003 = arith.index_cast %swap3A_2002 : i32 to index
      %swap3A_2004 = arith.constant 0 : index
      %swap3A_2005 = tpu.vector_load %arg8[%swap3A_2003, %swap3A_2004] {strides = array<i32>} : memref<12x128xi32, #tpu.memory_space<vmem>>, vector<16xi32>,
      tpu.vector_store %arg8[%swap3A_2003, %swap3A_2004], %add3A_2001 {strides = array<i32>} : memref<12x128xi32, #tpu.memory_space<vmem>>, vector<16xi32>,
      %add3A_2006 = arith.addi %add3A_2001, %select_n3A_1998 : vector<16xi32>
      %swap3A_2007 = arith.constant 6 : i32
      %swap3A_2008 = arith.index_cast %swap3A_2007 : i32 to index
      %swap3A_2009 = arith.constant 0 : index
      %swap3A_2010 = tpu.vector_load %arg8[%swap3A_2008, %swap3A_2009] {strides = array<i32>} : memref<12x128xi32, #tpu.memory_space<vmem>>, vector<16xi32>,
      tpu.vector_store %arg8[%swap3A_2008, %swap3A_2009], %add3A_2006 {strides = array<i32>} : memref<12x128xi32, #tpu.memory_space<vmem>>, vector<16xi32>,
      %add3A_2011 = arith.constant 16384 : i32
      %add3A_2012 = vector.broadcast %add3A_2011 : i32 to vector<16xi32>
      %add3A_2013 = arith.addi %add3A_1990, %add3A_2012 : vector<16xi32>
      %swap3A_2014 = arith.constant 0 : i32
      %swap3A_2015 = arith.index_cast %swap3A_2014 : i32 to index
      %swap3A_2016 = arith.constant 16 : index
      %swap3A_2017 = tpu.vector_load %arg8[%swap3A_2015, %swap3A_2016] {strides = array<i32>} : memref<12x128xi32, #tpu.memory_space<vmem>>, vector<16xi32>,
      tpu.vector_store %arg8[%swap3A_2015, %swap3A_2016], %add3A_2013 {strides = array<i32>} : memref<12x128xi32, #tpu.memory_space<vmem>>, vector<16xi32>,
      %add3A_2018 = arith.addi %add3A_2013, %select_n3A_1998 : vector<16xi32>
      %swap3A_2019 = arith.constant 6 : i32
      %swap3A_2020 = arith.index_cast %swap3A_2019 : i32 to index
      %swap3A_2021 = arith.constant 16 : index
      %swap3A_2022 = tpu.vector_load %arg8[%swap3A_2020, %swap3A_2021] {strides = array<i32>} : memref<12x128xi32, #tpu.memory_space<vmem>>, vector<16xi32>,
      tpu.vector_store %arg8[%swap3A_2020, %swap3A_2021], %add3A_2018 {strides = array<i32>} : memref<12x128xi32, #tpu.memory_space<vmem>>, vector<16xi32>,
      %add3A_2023 = arith.constant 32768 : i32
      %add3A_2024 = vector.broadcast %add3A_2023 : i32 to vector<16xi32>
      %add3A_2025 = arith.addi %add3A_1990, %add3A_2024 : vector<16xi32>
      %swap3A_2026 = arith.constant 0 : i32
      %swap3A_2027 = arith.index_cast %swap3A_2026 : i32 to index
      %swap3A_2028 = arith.constant 32 : index
      %swap3A_2029 = tpu.vector_load %arg8[%swap3A_2027, %swap3A_2028] {strides = array<i32>} : memref<12x128xi32, #tpu.memory_space<vmem>>, vector<16xi32>,
      tpu.vector_store %arg8[%swap3A_2027, %swap3A_2028], %add3A_2025 {strides = array<i32>} : memref<12x128xi32, #tpu.memory_space<vmem>>, vector<16xi32>,
      %add3A_2030 = arith.addi %add3A_2025, %select_n3A_1998 : vector<16xi32>
      %swap3A_2031 = arith.constant 6 : i32
      %swap3A_2032 = arith.index_cast %swap3A_2031 : i32 to index
      %swap3A_2033 = arith.constant 32 : index
      %swap3A_2034 = tpu.vector_load %arg8[%swap3A_2032, %swap3A_2033] {strides = array<i32>} : memref<12x128xi32, #tpu.memory_space<vmem>>, vector<16xi32>,
      tpu.vector_store %arg8[%swap3A_2032, %swap3A_2033], %add3A_2030 {strides = array<i32>} : memref<12x128xi32, #tpu.memory_space<vmem>>, vector<16xi32>,
      %add3A_2035 = arith.constant 49152 : i32
      %add3A_2036 = vector.broadcast %add3A_2035 : i32 to vector<16xi32>
      %add3A_2037 = arith.addi %add3A_1990, %add3A_2036 : vector<16xi32>
      %swap3A_2038 = arith.constant 0 : i32
      %swap3A_2039 = arith.index_cast %swap3A_2038 : i32 to index
      %swap3A_2040 = arith.constant 48 : index
      %swap3A_2041 = tpu.vector_load %arg8[%swap3A_2039, %swap3A_2040] {strides = array<i32>} : memref<12x128xi32, #tpu.memory_space<vmem>>, vector<16xi32>,
      tpu.vector_store %arg8[%swap3A_2039, %swap3A_2040], %add3A_2037 {strides = array<i32>} : memref<12x128xi32, #tpu.memory_space<vmem>>, vector<16xi32>,
      %add3A_2042 = arith.addi %add3A_2037, %select_n3A_1998 : vector<16xi32>
      %swap3A_2043 = arith.constant 6 : i32
      %swap3A_2044 = arith.index_cast %swap3A_2043 : i32 to index
      %swap3A_2045 = arith.constant 48 : index
      %swap3A_2046 = tpu.vector_load %arg8[%swap3A_2044, %swap3A_2045] {strides = array<i32>} : memref<12x128xi32, #tpu.memory_space<vmem>>, vector<16xi32>,
      tpu.vector_store %arg8[%swap3A_2044, %swap3A_2045], %add3A_2042 {strides = array<i32>} : memref<12x128xi32, #tpu.memory_space<vmem>>, vector<16xi32>,
      %add3A_2047 = arith.constant 65536 : i32
      %add3A_2048 = vector.broadcast %add3A_2047 : i32 to vector<16xi32>
      %add3A_2049 = arith.addi %add3A_1990, %add3A_2048 : vector<16xi32>
      %swap3A_2050 = arith.constant 0 : i32
      %swap3A_2051 = arith.index_cast %swap3A_2050 : i32 to index
      %swap3A_2052 = arith.constant 64 : index
      %swap3A_2053 = tpu.vector_load %arg8[%swap3A_2051, %swap3A_2052] {strides = array<i32>} : memref<12x128xi32, #tpu.memory_space<vmem>>, vector<16xi32>,
      tpu.vector_store %arg8[%swap3A_2051, %swap3A_2052], %add3A_2049 {strides = array<i32>} : memref<12x128xi32, #tpu.memory_space<vmem>>, vector<16xi32>,
      %add3A_2054 = arith.addi %add3A_2049, %select_n3A_1998 : vector<16xi32>
      %swap3A_2055 = arith.constant 6 : i32
      %swap3A_2056 = arith.index_cast %swap3A_2055 : i32 to index
      %swap3A_2057 = arith.constant 64 : index
      %swap3A_2058 = tpu.vector_load %arg8[%swap3A_2056, %swap3A_2057] {strides = array<i32>} : memref<12x128xi32, #tpu.memory_space<vmem>>, vector<16xi32>,
      tpu.vector_store %arg8[%swap3A_2056, %swap3A_2057], %add3A_2054 {strides = array<i32>} : memref<12x128xi32, #tpu.memory_space<vmem>>, vector<16xi32>,
      %add3A_2059 = arith.constant 81920 : i32
      %add3A_2060 = vector.broadcast %add3A_2059 : i32 to vector<16xi32>
      %add3A_2061 = arith.addi %add3A_1990, %add3A_2060 : vector<16xi32>
      %swap3A_2062 = arith.constant 0 : i32
      %swap3A_2063 = arith.index_cast %swap3A_2062 : i32 to index
      %swap3A_2064 = arith.constant 80 : index
      %swap3A_2065 = tpu.vector_load %arg8[%swap3A_2063, %swap3A_2064] {strides = array<i32>} : memref<12x128xi32, #tpu.memory_space<vmem>>, vector<16xi32>,
      tpu.vector_store %arg8[%swap3A_2063, %swap3A_2064], %add3A_2061 {strides = array<i32>} : memref<12x128xi32, #tpu.memory_space<vmem>>, vector<16xi32>,
      %add3A_2066 = arith.addi %add3A_2061, %select_n3A_1998 : vector<16xi32>
      %swap3A_2067 = arith.constant 6 : i32
      %swap3A_2068 = arith.index_cast %swap3A_2067 : i32 to index
      %swap3A_2069 = arith.constant 80 : index
      %swap3A_2070 = tpu.vector_load %arg8[%swap3A_2068, %swap3A_2069] {strides = array<i32>} : memref<12x128xi32, #tpu.memory_space<vmem>>, vector<16xi32>,
      tpu.vector_store %arg8[%swap3A_2068, %swap3A_2069], %add3A_2066 {strides = array<i32>} : memref<12x128xi32, #tpu.memory_space<vmem>>, vector<16xi32>,
      %add3A_2071 = arith.constant 98304 : i32
      %add3A_2072 = vector.broadcast %add3A_2071 : i32 to vector<16xi32>
      %add3A_2073 = arith.addi %add3A_1990, %add3A_2072 : vector<16xi32>
      %swap3A_2074 = arith.constant 0 : i32
      %swap3A_2075 = arith.index_cast %swap3A_2074 : i32 to index
      %swap3A_2076 = arith.constant 96 : index
      %swap3A_2077 = tpu.vector_load %arg8[%swap3A_2075, %swap3A_2076] {strides = array<i32>} : memref<12x128xi32, #tpu.memory_space<vmem>>, vector<16xi32>,
      tpu.vector_store %arg8[%swap3A_2075, %swap3A_2076], %add3A_2073 {strides = array<i32>} : memref<12x128xi32, #tpu.memory_space<vmem>>, vector<16xi32>,
      %add3A_2078 = arith.addi %add3A_2073, %select_n3A_1998 : vector<16xi32>
      %swap3A_2079 = arith.constant 6 : i32
      %swap3A_2080 = arith.index_cast %swap3A_2079 : i32 to index
      %swap3A_2081 = arith.constant 96 : index
      %swap3A_2082 = tpu.vector_load %arg8[%swap3A_2080, %swap3A_2081] {strides = array<i32>} : memref<12x128xi32, #tpu.memory_space<vmem>>, vector<16xi32>,
      tpu.vector_store %arg8[%swap3A_2080, %swap3A_2081], %add3A_2078 {strides = array<i32>} : memref<12x128xi32, #tpu.memory_space<vmem>>, vector<16xi32>,
      %add3A_2083 = arith.constant 114688 : i32
      %add3A_2084 = vector.broadcast %add3A_2083 : i32 to vector<16xi32>
      %add3A_2085 = arith.addi %add3A_1990, %add3A_2084 : vector<16xi32>
      %swap3A_2086 = arith.constant 0 : i32
      %swap3A_2087 = arith.index_cast %swap3A_2086 : i32 to index
      %swap3A_2088 = arith.constant 112 : index
      %swap3A_2089 = tpu.vector_load %arg8[%swap3A_2087, %swap3A_2088] {strides = array<i32>} : memref<12x128xi32, #tpu.memory_space<vmem>>, vector<16xi32>,
      tpu.vector_store %arg8[%swap3A_2087, %swap3A_2088], %add3A_2085 {strides = array<i32>} : memref<12x128xi32, #tpu.memory_space<vmem>>, vector<16xi32>,
      %add3A_2090 = arith.addi %add3A_2085, %select_n3A_1998 : vector<16xi32>
      %swap3A_2091 = arith.constant 6 : i32
      %swap3A_2092 = arith.index_cast %swap3A_2091 : i32 to index
      %swap3A_2093 = arith.constant 112 : index
      %swap3A_2094 = tpu.vector_load %arg8[%swap3A_2092, %swap3A_2093] {strides = array<i32>} : memref<12x128xi32, #tpu.memory_space<vmem>>, vector<16xi32>,
      tpu.vector_store %arg8[%swap3A_2092, %swap3A_2093], %add3A_2090 {strides = array<i32>} : memref<12x128xi32, #tpu.memory_space<vmem>>, vector<16xi32>,
      %add3A_2095 = arith.constant 131072 : i32
      %add3A_2096 = vector.broadcast %add3A_2095 : i32 to vector<16xi32>
      %add3A_2097 = arith.addi %add3A_1990, %add3A_2096 : vector<16xi32>
      %swap3A_2098 = arith.constant 1 : i32
      %swap3A_2099 = arith.index_cast %swap3A_2098 : i32 to index
      %swap3A_2100 = arith.constant 0 : index
      %swap3A_2101 = tpu.vector_load %arg8[%swap3A_2099, %swap3A_2100] {strides = array<i32>} : memref<12x128xi32, #tpu.memory_space<vmem>>, vector<16xi32>,
      tpu.vector_store %arg8[%swap3A_2099, %swap3A_2100], %add3A_2097 {strides = array<i32>} : memref<12x128xi32, #tpu.memory_space<vmem>>, vector<16xi32>,
      %add3A_2102 = arith.addi %add3A_2097, %select_n3A_1998 : vector<16xi32>
      %swap3A_2103 = arith.constant 7 : i32
      %swap3A_2104 = arith.index_cast %swap3A_2103 : i32 to index
      %swap3A_2105 = arith.constant 0 : index
      %swap3A_2106 = tpu.vector_load %arg8[%swap3A_2104, %swap3A_2105] {strides = array<i32>} : memref<12x128xi32, #tpu.memory_space<vmem>>, vector<16xi32>,
      tpu.vector_store %arg8[%swap3A_2104, %swap3A_2105], %add3A_2102 {strides = array<i32>} : memref<12x128xi32, #tpu.memory_space<vmem>>, vector<16xi32>,
      %add3A_2107 = arith.constant 147456 : i32
      %add3A_2108 = vector.broadcast %add3A_2107 : i32 to vector<16xi32>
      %add3A_2109 = arith.addi %add3A_1990, %add3A_2108 : vector<16xi32>
      %swap3A_2110 = arith.constant 1 : i32
      %swap3A_2111 = arith.index_cast %swap3A_2110 : i32 to index
      %swap3A_2112 = arith.constant 16 : index
      %swap3A_2113 = tpu.vector_load %arg8[%swap3A_2111, %swap3A_2112] {strides = array<i32>} : memref<12x128xi32, #tpu.memory_space<vmem>>, vector<16xi32>,
      tpu.vector_store %arg8[%swap3A_2111, %swap3A_2112], %add3A_2109 {strides = array<i32>} : memref<12x128xi32, #tpu.memory_space<vmem>>, vector<16xi32>,
      %add3A_2114 = arith.addi %add3A_2109, %select_n3A_1998 : vector<16xi32>
      %swap3A_2115 = arith.constant 7 : i32
      %swap3A_2116 = arith.index_cast %swap3A_2115 : i32 to index
      %swap3A_2117 = arith.constant 16 : index
      %swap3A_2118 = tpu.vector_load %arg8[%swap3A_2116, %swap3A_2117] {strides = array<i32>} : memref<12x128xi32, #tpu.memory_space<vmem>>, vector<16xi32>,
      tpu.vector_store %arg8[%swap3A_2116, %swap3A_2117], %add3A_2114 {strides = array<i32>} : memref<12x128xi32, #tpu.memory_space<vmem>>, vector<16xi32>,
      %add3A_2119 = arith.constant 163840 : i32
      %add3A_2120 = vector.broadcast %add3A_2119 : i32 to vector<16xi32>
      %add3A_2121 = arith.addi %add3A_1990, %add3A_2120 : vector<16xi32>
      %swap3A_2122 = arith.constant 1 : i32
      %swap3A_2123 = arith.index_cast %swap3A_2122 : i32 to index
      %swap3A_2124 = arith.constant 32 : index
      %swap3A_2125 = tpu.vector_load %arg8[%swap3A_2123, %swap3A_2124] {strides = array<i32>} : memref<12x128xi32, #tpu.memory_space<vmem>>, vector<16xi32>,
      tpu.vector_store %arg8[%swap3A_2123, %swap3A_2124], %add3A_2121 {strides = array<i32>} : memref<12x128xi32, #tpu.memory_space<vmem>>, vector<16xi32>,
      %add3A_2126 = arith.addi %add3A_2121, %select_n3A_1998 : vector<16xi32>
      %swap3A_2127 = arith.constant 7 : i32
      %swap3A_2128 = arith.index_cast %swap3A_2127 : i32 to index
      %swap3A_2129 = arith.constant 32 : index
      %swap3A_2130 = tpu.vector_load %arg8[%swap3A_2128, %swap3A_2129] {strides = array<i32>} : memref<12x128xi32, #tpu.memory_space<vmem>>, vector<16xi32>,
      tpu.vector_store %arg8[%swap3A_2128, %swap3A_2129], %add3A_2126 {strides = array<i32>} : memref<12x128xi32, #tpu.memory_space<vmem>>, vector<16xi32>,
      %add3A_2131 = arith.constant 180224 : i32
      %add3A_2132 = vector.broadcast %add3A_2131 : i32 to vector<16xi32>
      %add3A_2133 = arith.addi %add3A_1990, %add3A_2132 : vector<16xi32>
      %swap3A_2134 = arith.constant 1 : i32
      %swap3A_2135 = arith.index_cast %swap3A_2134 : i32 to index
      %swap3A_2136 = arith.constant 48 : index
      %swap3A_2137 = tpu.vector_load %arg8[%swap3A_2135, %swap3A_2136] {strides = array<i32>} : memref<12x128xi32, #tpu.memory_space<vmem>>, vector<16xi32>,
      tpu.vector_store %arg8[%swap3A_2135, %swap3A_2136], %add3A_2133 {strides = array<i32>} : memref<12x128xi32, #tpu.memory_space<vmem>>, vector<16xi32>,
      %add3A_2138 = arith.addi %add3A_2133, %select_n3A_1998 : vector<16xi32>
      %swap3A_2139 = arith.constant 7 : i32
      %swap3A_2140 = arith.index_cast %swap3A_2139 : i32 to index
      %swap3A_2141 = arith.constant 48 : index
      %swap3A_2142 = tpu.vector_load %arg8[%swap3A_2140, %swap3A_2141] {strides = array<i32>} : memref<12x128xi32, #tpu.memory_space<vmem>>, vector<16xi32>,
      tpu.vector_store %arg8[%swap3A_2140, %swap3A_2141], %add3A_2138 {strides = array<i32>} : memref<12x128xi32, #tpu.memory_space<vmem>>, vector<16xi32>,
      %add3A_2143 = arith.constant 196608 : i32
      %add3A_2144 = vector.broadcast %add3A_2143 : i32 to vector<16xi32>
      %add3A_2145 = arith.addi %add3A_1990, %add3A_2144 : vector<16xi32>
      %swap3A_2146 = arith.constant 1 : i32
      %swap3A_2147 = arith.index_cast %swap3A_2146 : i32 to index
      %swap3A_2148 = arith.constant 64 : index
      %swap3A_2149 = tpu.vector_load %arg8[%swap3A_2147, %swap3A_2148] {strides = array<i32>} : memref<12x128xi32, #tpu.memory_space<vmem>>, vector<16xi32>,
      tpu.vector_store %arg8[%swap3A_2147, %swap3A_2148], %add3A_2145 {strides = array<i32>} : memref<12x128xi32, #tpu.memory_space<vmem>>, vector<16xi32>,
      %add3A_2150 = arith.addi %add3A_2145, %select_n3A_1998 : vector<16xi32>
      %swap3A_2151 = arith.constant 7 : i32
      %swap3A_2152 = arith.index_cast %swap3A_2151 : i32 to index
      %swap3A_2153 = arith.constant 64 : index
      %swap3A_2154 = tpu.vector_load %arg8[%swap3A_2152, %swap3A_2153] {strides = array<i32>} : memref<12x128xi32, #tpu.memory_space<vmem>>, vector<16xi32>,
      tpu.vector_store %arg8[%swap3A_2152, %swap3A_2153], %add3A_2150 {strides = array<i32>} : memref<12x128xi32, #tpu.memory_space<vmem>>, vector<16xi32>,
      %add3A_2155 = arith.constant 212992 : i32
      %add3A_2156 = vector.broadcast %add3A_2155 : i32 to vector<16xi32>
      %add3A_2157 = arith.addi %add3A_1990, %add3A_2156 : vector<16xi32>
      %swap3A_2158 = arith.constant 1 : i32
      %swap3A_2159 = arith.index_cast %swap3A_2158 : i32 to index
      %swap3A_2160 = arith.constant 80 : index
      %swap3A_2161 = tpu.vector_load %arg8[%swap3A_2159, %swap3A_2160] {strides = array<i32>} : memref<12x128xi32, #tpu.memory_space<vmem>>, vector<16xi32>,
      tpu.vector_store %arg8[%swap3A_2159, %swap3A_2160], %add3A_2157 {strides = array<i32>} : memref<12x128xi32, #tpu.memory_space<vmem>>, vector<16xi32>,
      %add3A_2162 = arith.addi %add3A_2157, %select_n3A_1998 : vector<16xi32>
      %swap3A_2163 = arith.constant 7 : i32
      %swap3A_2164 = arith.index_cast %swap3A_2163 : i32 to index
      %swap3A_2165 = arith.constant 80 : index
      %swap3A_2166 = tpu.vector_load %arg8[%swap3A_2164, %swap3A_2165] {strides = array<i32>} : memref<12x128xi32, #tpu.memory_space<vmem>>, vector<16xi32>,
      tpu.vector_store %arg8[%swap3A_2164, %swap3A_2165], %add3A_2162 {strides = array<i32>} : memref<12x128xi32, #tpu.memory_space<vmem>>, vector<16xi32>,
      %add3A_2167 = arith.constant 229376 : i32
      %add3A_2168 = vector.broadcast %add3A_2167 : i32 to vector<16xi32>
      %add3A_2169 = arith.addi %add3A_1990, %add3A_2168 : vector<16xi32>
      %swap3A_2170 = arith.constant 1 : i32
      %swap3A_2171 = arith.index_cast %swap3A_2170 : i32 to index
      %swap3A_2172 = arith.constant 96 : index
      %swap3A_2173 = tpu.vector_load %arg8[%swap3A_2171, %swap3A_2172] {strides = array<i32>} : memref<12x128xi32, #tpu.memory_space<vmem>>, vector<16xi32>,
      tpu.vector_store %arg8[%swap3A_2171, %swap3A_2172], %add3A_2169 {strides = array<i32>} : memref<12x128xi32, #tpu.memory_space<vmem>>, vector<16xi32>,
      %add3A_2174 = arith.addi %add3A_2169, %select_n3A_1998 : vector<16xi32>
      %swap3A_2175 = arith.constant 7 : i32
      %swap3A_2176 = arith.index_cast %swap3A_2175 : i32 to index
      %swap3A_2177 = arith.constant 96 : index
      %swap3A_2178 = tpu.vector_load %arg8[%swap3A_2176, %swap3A_2177] {strides = array<i32>} : memref<12x128xi32, #tpu.memory_space<vmem>>, vector<16xi32>,
      tpu.vector_store %arg8[%swap3A_2176, %swap3A_2177], %add3A_2174 {strides = array<i32>} : memref<12x128xi32, #tpu.memory_space<vmem>>, vector<16xi32>,
      %add3A_2179 = arith.constant 245760 : i32
      %add3A_2180 = vector.broadcast %add3A_2179 : i32 to vector<16xi32>
      %add3A_2181 = arith.addi %add3A_1990, %add3A_2180 : vector<16xi32>
      %swap3A_2182 = arith.constant 1 : i32
      %swap3A_2183 = arith.index_cast %swap3A_2182 : i32 to index
      %swap3A_2184 = arith.constant 112 : index
      %swap3A_2185 = tpu.vector_load %arg8[%swap3A_2183, %swap3A_2184] {strides = array<i32>} : memref<12x128xi32, #tpu.memory_space<vmem>>, vector<16xi32>,
      tpu.vector_store %arg8[%swap3A_2183, %swap3A_2184], %add3A_2181 {strides = array<i32>} : memref<12x128xi32, #tpu.memory_space<vmem>>, vector<16xi32>,
      %add3A_2186 = arith.addi %add3A_2181, %select_n3A_1998 : vector<16xi32>
      %swap3A_2187 = arith.constant 7 : i32
      %swap3A_2188 = arith.index_cast %swap3A_2187 : i32 to index
      %swap3A_2189 = arith.constant 112 : index
      %swap3A_2190 = tpu.vector_load %arg8[%swap3A_2188, %swap3A_2189] {strides = array<i32>} : memref<12x128xi32, #tpu.memory_space<vmem>>, vector<16xi32>,
      tpu.vector_store %arg8[%swap3A_2188, %swap3A_2189], %add3A_2186 {strides = array<i32>} : memref<12x128xi32, #tpu.memory_space<vmem>>, vector<16xi32>,
      %add3A_2191 = arith.constant 262144 : i32
      %add3A_2192 = vector.broadcast %add3A_2191 : i32 to vector<16xi32>
      %add3A_2193 = arith.addi %add3A_1990, %add3A_2192 : vector<16xi32>
      %swap3A_2194 = arith.constant 2 : i32
      %swap3A_2195 = arith.index_cast %swap3A_2194 : i32 to index
      %swap3A_2196 = arith.constant 0 : index
      %swap3A_2197 = tpu.vector_load %arg8[%swap3A_2195, %swap3A_2196] {strides = array<i32>} : memref<12x128xi32, #tpu.memory_space<vmem>>, vector<16xi32>,
      tpu.vector_store %arg8[%swap3A_2195, %swap3A_2196], %add3A_2193 {strides = array<i32>} : memref<12x128xi32, #tpu.memory_space<vmem>>, vector<16xi32>,
      %add3A_2198 = arith.addi %add3A_2193, %select_n3A_1998 : vector<16xi32>
      %swap3A_2199 = arith.constant 8 : i32
      %swap3A_2200 = arith.index_cast %swap3A_2199 : i32 to index
      %swap3A_2201 = arith.constant 0 : index
      %swap3A_2202 = tpu.vector_load %arg8[%swap3A_2200, %swap3A_2201] {strides = array<i32>} : memref<12x128xi32, #tpu.memory_space<vmem>>, vector<16xi32>,
      tpu.vector_store %arg8[%swap3A_2200, %swap3A_2201], %add3A_2198 {strides = array<i32>} : memref<12x128xi32, #tpu.memory_space<vmem>>, vector<16xi32>,
      %add3A_2203 = arith.constant 278528 : i32
      %add3A_2204 = vector.broadcast %add3A_2203 : i32 to vector<16xi32>
      %add3A_2205 = arith.addi %add3A_1990, %add3A_2204 : vector<16xi32>
      %swap3A_2206 = arith.constant 2 : i32
      %swap3A_2207 = arith.index_cast %swap3A_2206 : i32 to index
      %swap3A_2208 = arith.constant 16 : index
      %swap3A_2209 = tpu.vector_load %arg8[%swap3A_2207, %swap3A_2208] {strides = array<i32>} : memref<12x128xi32, #tpu.memory_space<vmem>>, vector<16xi32>,
      tpu.vector_store %arg8[%swap3A_2207, %swap3A_2208], %add3A_2205 {strides = array<i32>} : memref<12x128xi32, #tpu.memory_space<vmem>>, vector<16xi32>,
      %add3A_2210 = arith.addi %add3A_2205, %select_n3A_1998 : vector<16xi32>
      %swap3A_2211 = arith.constant 8 : i32
      %swap3A_2212 = arith.index_cast %swap3A_2211 : i32 to index
      %swap3A_2213 = arith.constant 16 : index
      %swap3A_2214 = tpu.vector_load %arg8[%swap3A_2212, %swap3A_2213] {strides = array<i32>} : memref<12x128xi32, #tpu.memory_space<vmem>>, vector<16xi32>,
      tpu.vector_store %arg8[%swap3A_2212, %swap3A_2213], %add3A_2210 {strides = array<i32>} : memref<12x128xi32, #tpu.memory_space<vmem>>, vector<16xi32>,
      %add3A_2215 = arith.constant 294912 : i32
      %add3A_2216 = vector.broadcast %add3A_2215 : i32 to vector<16xi32>
      %add3A_2217 = arith.addi %add3A_1990, %add3A_2216 : vector<16xi32>
      %swap3A_2218 = arith.constant 2 : i32
      %swap3A_2219 = arith.index_cast %swap3A_2218 : i32 to index
      %swap3A_2220 = arith.constant 32 : index
      %swap3A_2221 = tpu.vector_load %arg8[%swap3A_2219, %swap3A_2220] {strides = array<i32>} : memref<12x128xi32, #tpu.memory_space<vmem>>, vector<16xi32>,
      tpu.vector_store %arg8[%swap3A_2219, %swap3A_2220], %add3A_2217 {strides = array<i32>} : memref<12x128xi32, #tpu.memory_space<vmem>>, vector<16xi32>,
      %add3A_2222 = arith.addi %add3A_2217, %select_n3A_1998 : vector<16xi32>
      %swap3A_2223 = arith.constant 8 : i32
      %swap3A_2224 = arith.index_cast %swap3A_2223 : i32 to index
      %swap3A_2225 = arith.constant 32 : index
      %swap3A_2226 = tpu.vector_load %arg8[%swap3A_2224, %swap3A_2225] {strides = array<i32>} : memref<12x128xi32, #tpu.memory_space<vmem>>, vector<16xi32>,
      tpu.vector_store %arg8[%swap3A_2224, %swap3A_2225], %add3A_2222 {strides = array<i32>} : memref<12x128xi32, #tpu.memory_space<vmem>>, vector<16xi32>,
      %add3A_2227 = arith.constant 311296 : i32
      %add3A_2228 = vector.broadcast %add3A_2227 : i32 to vector<16xi32>
      %add3A_2229 = arith.addi %add3A_1990, %add3A_2228 : vector<16xi32>
      %swap3A_2230 = arith.constant 2 : i32
      %swap3A_2231 = arith.index_cast %swap3A_2230 : i32 to index
      %swap3A_2232 = arith.constant 48 : index
      %swap3A_2233 = tpu.vector_load %arg8[%swap3A_2231, %swap3A_2232] {strides = array<i32>} : memref<12x128xi32, #tpu.memory_space<vmem>>, vector<16xi32>,
      tpu.vector_store %arg8[%swap3A_2231, %swap3A_2232], %add3A_2229 {strides = array<i32>} : memref<12x128xi32, #tpu.memory_space<vmem>>, vector<16xi32>,
      %add3A_2234 = arith.addi %add3A_2229, %select_n3A_1998 : vector<16xi32>
      %swap3A_2235 = arith.constant 8 : i32
      %swap3A_2236 = arith.index_cast %swap3A_2235 : i32 to index
      %swap3A_2237 = arith.constant 48 : index
      %swap3A_2238 = tpu.vector_load %arg8[%swap3A_2236, %swap3A_2237] {strides = array<i32>} : memref<12x128xi32, #tpu.memory_space<vmem>>, vector<16xi32>,
      tpu.vector_store %arg8[%swap3A_2236, %swap3A_2237], %add3A_2234 {strides = array<i32>} : memref<12x128xi32, #tpu.memory_space<vmem>>, vector<16xi32>,
      %add3A_2239 = arith.constant 327680 : i32
      %add3A_2240 = vector.broadcast %add3A_2239 : i32 to vector<16xi32>
      %add3A_2241 = arith.addi %add3A_1990, %add3A_2240 : vector<16xi32>
      %swap3A_2242 = arith.constant 2 : i32
      %swap3A_2243 = arith.index_cast %swap3A_2242 : i32 to index
      %swap3A_2244 = arith.constant 64 : index
      %swap3A_2245 = tpu.vector_load %arg8[%swap3A_2243, %swap3A_2244] {strides = array<i32>} : memref<12x128xi32, #tpu.memory_space<vmem>>, vector<16xi32>,
      tpu.vector_store %arg8[%swap3A_2243, %swap3A_2244], %add3A_2241 {strides = array<i32>} : memref<12x128xi32, #tpu.memory_space<vmem>>, vector<16xi32>,
      %add3A_2246 = arith.addi %add3A_2241, %select_n3A_1998 : vector<16xi32>
      %swap3A_2247 = arith.constant 8 : i32
      %swap3A_2248 = arith.index_cast %swap3A_2247 : i32 to index
      %swap3A_2249 = arith.constant 64 : index
      %swap3A_2250 = tpu.vector_load %arg8[%swap3A_2248, %swap3A_2249] {strides = array<i32>} : memref<12x128xi32, #tpu.memory_space<vmem>>, vector<16xi32>,
      tpu.vector_store %arg8[%swap3A_2248, %swap3A_2249], %add3A_2246 {strides = array<i32>} : memref<12x128xi32, #tpu.memory_space<vmem>>, vector<16xi32>,
      %add3A_2251 = arith.constant 344064 : i32
      %add3A_2252 = vector.broadcast %add3A_2251 : i32 to vector<16xi32>
      %add3A_2253 = arith.addi %add3A_1990, %add3A_2252 : vector<16xi32>
      %swap3A_2254 = arith.constant 2 : i32
      %swap3A_2255 = arith.index_cast %swap3A_2254 : i32 to index
      %swap3A_2256 = arith.constant 80 : index
      %swap3A_2257 = tpu.vector_load %arg8[%swap3A_2255, %swap3A_2256] {strides = array<i32>} : memref<12x128xi32, #tpu.memory_space<vmem>>, vector<16xi32>,
      tpu.vector_store %arg8[%swap3A_2255, %swap3A_2256], %add3A_2253 {strides = array<i32>} : memref<12x128xi32, #tpu.memory_space<vmem>>, vector<16xi32>,
      %add3A_2258 = arith.addi %add3A_2253, %select_n3A_1998 : vector<16xi32>
      %swap3A_2259 = arith.constant 8 : i32
      %swap3A_2260 = arith.index_cast %swap3A_2259 : i32 to index
      %swap3A_2261 = arith.constant 80 : index
      %swap3A_2262 = tpu.vector_load %arg8[%swap3A_2260, %swap3A_2261] {strides = array<i32>} : memref<12x128xi32, #tpu.memory_space<vmem>>, vector<16xi32>,
      tpu.vector_store %arg8[%swap3A_2260, %swap3A_2261], %add3A_2258 {strides = array<i32>} : memref<12x128xi32, #tpu.memory_space<vmem>>, vector<16xi32>,
      %add3A_2263 = arith.constant 360448 : i32
      %add3A_2264 = vector.broadcast %add3A_2263 : i32 to vector<16xi32>
      %add3A_2265 = arith.addi %add3A_1990, %add3A_2264 : vector<16xi32>
      %swap3A_2266 = arith.constant 2 : i32
      %swap3A_2267 = arith.index_cast %swap3A_2266 : i32 to index
      %swap3A_2268 = arith.constant 96 : index
      %swap3A_2269 = tpu.vector_load %arg8[%swap3A_2267, %swap3A_2268] {strides = array<i32>} : memref<12x128xi32, #tpu.memory_space<vmem>>, vector<16xi32>,
      tpu.vector_store %arg8[%swap3A_2267, %swap3A_2268], %add3A_2265 {strides = array<i32>} : memref<12x128xi32, #tpu.memory_space<vmem>>, vector<16xi32>,
      %add3A_2270 = arith.addi %add3A_2265, %select_n3A_1998 : vector<16xi32>
      %swap3A_2271 = arith.constant 8 : i32
      %swap3A_2272 = arith.index_cast %swap3A_2271 : i32 to index
      %swap3A_2273 = arith.constant 96 : index
      %swap3A_2274 = tpu.vector_load %arg8[%swap3A_2272, %swap3A_2273] {strides = array<i32>} : memref<12x128xi32, #tpu.memory_space<vmem>>, vector<16xi32>,
      tpu.vector_store %arg8[%swap3A_2272, %swap3A_2273], %add3A_2270 {strides = array<i32>} : memref<12x128xi32, #tpu.memory_space<vmem>>, vector<16xi32>,
      %add3A_2275 = arith.constant 376832 : i32
      %add3A_2276 = vector.broadcast %add3A_2275 : i32 to vector<16xi32>
      %add3A_2277 = arith.addi %add3A_1990, %add3A_2276 : vector<16xi32>
      %swap3A_2278 = arith.constant 2 : i32
      %swap3A_2279 = arith.index_cast %swap3A_2278 : i32 to index
      %swap3A_2280 = arith.constant 112 : index
      %swap3A_2281 = tpu.vector_load %arg8[%swap3A_2279, %swap3A_2280] {strides = array<i32>} : memref<12x128xi32, #tpu.memory_space<vmem>>, vector<16xi32>,
      tpu.vector_store %arg8[%swap3A_2279, %swap3A_2280], %add3A_2277 {strides = array<i32>} : memref<12x128xi32, #tpu.memory_space<vmem>>, vector<16xi32>,
      %add3A_2282 = arith.addi %add3A_2277, %select_n3A_1998 : vector<16xi32>
      %swap3A_2283 = arith.constant 8 : i32
      %swap3A_2284 = arith.index_cast %swap3A_2283 : i32 to index
      %swap3A_2285 = arith.constant 112 : index
      %swap3A_2286 = tpu.vector_load %arg8[%swap3A_2284, %swap3A_2285] {strides = array<i32>} : memref<12x128xi32, #tpu.memory_space<vmem>>, vector<16xi32>,
      tpu.vector_store %arg8[%swap3A_2284, %swap3A_2285], %add3A_2282 {strides = array<i32>} : memref<12x128xi32, #tpu.memory_space<vmem>>, vector<16xi32>,
      %add3A_2287 = arith.constant 393216 : i32
      %add3A_2288 = vector.broadcast %add3A_2287 : i32 to vector<16xi32>
      %add3A_2289 = arith.addi %add3A_1990, %add3A_2288 : vector<16xi32>
      %swap3A_2290 = arith.constant 3 : i32
      %swap3A_2291 = arith.index_cast %swap3A_2290 : i32 to index
      %swap3A_2292 = arith.constant 0 : index
      %swap3A_2293 = tpu.vector_load %arg8[%swap3A_2291, %swap3A_2292] {strides = array<i32>} : memref<12x128xi32, #tpu.memory_space<vmem>>, vector<16xi32>,
      tpu.vector_store %arg8[%swap3A_2291, %swap3A_2292], %add3A_2289 {strides = array<i32>} : memref<12x128xi32, #tpu.memory_space<vmem>>, vector<16xi32>,
      %add3A_2294 = arith.addi %add3A_2289, %select_n3A_1998 : vector<16xi32>
      %swap3A_2295 = arith.constant 9 : i32
      %swap3A_2296 = arith.index_cast %swap3A_2295 : i32 to index
      %swap3A_2297 = arith.constant 0 : index
      %swap3A_2298 = tpu.vector_load %arg8[%swap3A_2296, %swap3A_2297] {strides = array<i32>} : memref<12x128xi32, #tpu.memory_space<vmem>>, vector<16xi32>,
      tpu.vector_store %arg8[%swap3A_2296, %swap3A_2297], %add3A_2294 {strides = array<i32>} : memref<12x128xi32, #tpu.memory_space<vmem>>, vector<16xi32>,
      %add3A_2299 = arith.constant 409600 : i32
      %add3A_2300 = vector.broadcast %add3A_2299 : i32 to vector<16xi32>
      %add3A_2301 = arith.addi %add3A_1990, %add3A_2300 : vector<16xi32>
      %swap3A_2302 = arith.constant 3 : i32
      %swap3A_2303 = arith.index_cast %swap3A_2302 : i32 to index
      %swap3A_2304 = arith.constant 16 : index
      %swap3A_2305 = tpu.vector_load %arg8[%swap3A_2303, %swap3A_2304] {strides = array<i32>} : memref<12x128xi32, #tpu.memory_space<vmem>>, vector<16xi32>,
      tpu.vector_store %arg8[%swap3A_2303, %swap3A_2304], %add3A_2301 {strides = array<i32>} : memref<12x128xi32, #tpu.memory_space<vmem>>, vector<16xi32>,
      %add3A_2306 = arith.addi %add3A_2301, %select_n3A_1998 : vector<16xi32>
      %swap3A_2307 = arith.constant 9 : i32
      %swap3A_2308 = arith.index_cast %swap3A_2307 : i32 to index
      %swap3A_2309 = arith.constant 16 : index
      %swap3A_2310 = tpu.vector_load %arg8[%swap3A_2308, %swap3A_2309] {strides = array<i32>} : memref<12x128xi32, #tpu.memory_space<vmem>>, vector<16xi32>,
      tpu.vector_store %arg8[%swap3A_2308, %swap3A_2309], %add3A_2306 {strides = array<i32>} : memref<12x128xi32, #tpu.memory_space<vmem>>, vector<16xi32>,
      %add3A_2311 = arith.constant 425984 : i32
      %add3A_2312 = vector.broadcast %add3A_2311 : i32 to vector<16xi32>
      %add3A_2313 = arith.addi %add3A_1990, %add3A_2312 : vector<16xi32>
      %swap3A_2314 = arith.constant 3 : i32
      %swap3A_2315 = arith.index_cast %swap3A_2314 : i32 to index
      %swap3A_2316 = arith.constant 32 : index
      %swap3A_2317 = tpu.vector_load %arg8[%swap3A_2315, %swap3A_2316] {strides = array<i32>} : memref<12x128xi32, #tpu.memory_space<vmem>>, vector<16xi32>,
      tpu.vector_store %arg8[%swap3A_2315, %swap3A_2316], %add3A_2313 {strides = array<i32>} : memref<12x128xi32, #tpu.memory_space<vmem>>, vector<16xi32>,
      %add3A_2318 = arith.addi %add3A_2313, %select_n3A_1998 : vector<16xi32>
      %swap3A_2319 = arith.constant 9 : i32
      %swap3A_2320 = arith.index_cast %swap3A_2319 : i32 to index
      %swap3A_2321 = arith.constant 32 : index
      %swap3A_2322 = tpu.vector_load %arg8[%swap3A_2320, %swap3A_2321] {strides = array<i32>} : memref<12x128xi32, #tpu.memory_space<vmem>>, vector<16xi32>,
      tpu.vector_store %arg8[%swap3A_2320, %swap3A_2321], %add3A_2318 {strides = array<i32>} : memref<12x128xi32, #tpu.memory_space<vmem>>, vector<16xi32>,
      %add3A_2323 = arith.constant 442368 : i32
      %add3A_2324 = vector.broadcast %add3A_2323 : i32 to vector<16xi32>
      %add3A_2325 = arith.addi %add3A_1990, %add3A_2324 : vector<16xi32>
      %swap3A_2326 = arith.constant 3 : i32
      %swap3A_2327 = arith.index_cast %swap3A_2326 : i32 to index
      %swap3A_2328 = arith.constant 48 : index
      %swap3A_2329 = tpu.vector_load %arg8[%swap3A_2327, %swap3A_2328] {strides = array<i32>} : memref<12x128xi32, #tpu.memory_space<vmem>>, vector<16xi32>,
      tpu.vector_store %arg8[%swap3A_2327, %swap3A_2328], %add3A_2325 {strides = array<i32>} : memref<12x128xi32, #tpu.memory_space<vmem>>, vector<16xi32>,
      %add3A_2330 = arith.addi %add3A_2325, %select_n3A_1998 : vector<16xi32>
      %swap3A_2331 = arith.constant 9 : i32
      %swap3A_2332 = arith.index_cast %swap3A_2331 : i32 to index
      %swap3A_2333 = arith.constant 48 : index
      %swap3A_2334 = tpu.vector_load %arg8[%swap3A_2332, %swap3A_2333] {strides = array<i32>} : memref<12x128xi32, #tpu.memory_space<vmem>>, vector<16xi32>,
      tpu.vector_store %arg8[%swap3A_2332, %swap3A_2333], %add3A_2330 {strides = array<i32>} : memref<12x128xi32, #tpu.memory_space<vmem>>, vector<16xi32>,
      %add3A_2335 = arith.constant 458752 : i32
      %add3A_2336 = vector.broadcast %add3A_2335 : i32 to vector<16xi32>
      %add3A_2337 = arith.addi %add3A_1990, %add3A_2336 : vector<16xi32>
      %swap3A_2338 = arith.constant 3 : i32
      %swap3A_2339 = arith.index_cast %swap3A_2338 : i32 to index
      %swap3A_2340 = arith.constant 64 : index
      %swap3A_2341 = tpu.vector_load %arg8[%swap3A_2339, %swap3A_2340] {strides = array<i32>} : memref<12x128xi32, #tpu.memory_space<vmem>>, vector<16xi32>,
      tpu.vector_store %arg8[%swap3A_2339, %swap3A_2340], %add3A_2337 {strides = array<i32>} : memref<12x128xi32, #tpu.memory_space<vmem>>, vector<16xi32>,
      %add3A_2342 = arith.addi %add3A_2337, %select_n3A_1998 : vector<16xi32>
      %swap3A_2343 = arith.constant 9 : i32
      %swap3A_2344 = arith.index_cast %swap3A_2343 : i32 to index
      %swap3A_2345 = arith.constant 64 : index
      %swap3A_2346 = tpu.vector_load %arg8[%swap3A_2344, %swap3A_2345] {strides = array<i32>} : memref<12x128xi32, #tpu.memory_space<vmem>>, vector<16xi32>,
      tpu.vector_store %arg8[%swap3A_2344, %swap3A_2345], %add3A_2342 {strides = array<i32>} : memref<12x128xi32, #tpu.memory_space<vmem>>, vector<16xi32>,
      %add3A_2347 = arith.constant 475136 : i32
      %add3A_2348 = vector.broadcast %add3A_2347 : i32 to vector<16xi32>
      %add3A_2349 = arith.addi %add3A_1990, %add3A_2348 : vector<16xi32>
      %swap3A_2350 = arith.constant 3 : i32
      %swap3A_2351 = arith.index_cast %swap3A_2350 : i32 to index
      %swap3A_2352 = arith.constant 80 : index
      %swap3A_2353 = tpu.vector_load %arg8[%swap3A_2351, %swap3A_2352] {strides = array<i32>} : memref<12x128xi32, #tpu.memory_space<vmem>>, vector<16xi32>,
      tpu.vector_store %arg8[%swap3A_2351, %swap3A_2352], %add3A_2349 {strides = array<i32>} : memref<12x128xi32, #tpu.memory_space<vmem>>, vector<16xi32>,
      %add3A_2354 = arith.addi %add3A_2349, %select_n3A_1998 : vector<16xi32>
      %swap3A_2355 = arith.constant 9 : i32
      %swap3A_2356 = arith.index_cast %swap3A_2355 : i32 to index
      %swap3A_2357 = arith.constant 80 : index
      %swap3A_2358 = tpu.vector_load %arg8[%swap3A_2356, %swap3A_2357] {strides = array<i32>} : memref<12x128xi32, #tpu.memory_space<vmem>>, vector<16xi32>,
      tpu.vector_store %arg8[%swap3A_2356, %swap3A_2357], %add3A_2354 {strides = array<i32>} : memref<12x128xi32, #tpu.memory_space<vmem>>, vector<16xi32>,
      %add3A_2359 = arith.constant 491520 : i32
      %add3A_2360 = vector.broadcast %add3A_2359 : i32 to vector<16xi32>
      %add3A_2361 = arith.addi %add3A_1990, %add3A_2360 : vector<16xi32>
      %swap3A_2362 = arith.constant 3 : i32
      %swap3A_2363 = arith.index_cast %swap3A_2362 : i32 to index
      %swap3A_2364 = arith.constant 96 : index
      %swap3A_2365 = tpu.vector_load %arg8[%swap3A_2363, %swap3A_2364] {strides = array<i32>} : memref<12x128xi32, #tpu.memory_space<vmem>>, vector<16xi32>,
      tpu.vector_store %arg8[%swap3A_2363, %swap3A_2364], %add3A_2361 {strides = array<i32>} : memref<12x128xi32, #tpu.memory_space<vmem>>, vector<16xi32>,
      %add3A_2366 = arith.addi %add3A_2361, %select_n3A_1998 : vector<16xi32>
      %swap3A_2367 = arith.constant 9 : i32
      %swap3A_2368 = arith.index_cast %swap3A_2367 : i32 to index
      %swap3A_2369 = arith.constant 96 : index
      %swap3A_2370 = tpu.vector_load %arg8[%swap3A_2368, %swap3A_2369] {strides = array<i32>} : memref<12x128xi32, #tpu.memory_space<vmem>>, vector<16xi32>,
      tpu.vector_store %arg8[%swap3A_2368, %swap3A_2369], %add3A_2366 {strides = array<i32>} : memref<12x128xi32, #tpu.memory_space<vmem>>, vector<16xi32>,
      %add3A_2371 = arith.constant 507904 : i32
      %add3A_2372 = vector.broadcast %add3A_2371 : i32 to vector<16xi32>
      %add3A_2373 = arith.addi %add3A_1990, %add3A_2372 : vector<16xi32>
      %swap3A_2374 = arith.constant 3 : i32
      %swap3A_2375 = arith.index_cast %swap3A_2374 : i32 to index
      %swap3A_2376 = arith.constant 112 : index
      %swap3A_2377 = tpu.vector_load %arg8[%swap3A_2375, %swap3A_2376] {strides = array<i32>} : memref<12x128xi32, #tpu.memory_space<vmem>>, vector<16xi32>,
      tpu.vector_store %arg8[%swap3A_2375, %swap3A_2376], %add3A_2373 {strides = array<i32>} : memref<12x128xi32, #tpu.memory_space<vmem>>, vector<16xi32>,
      %add3A_2378 = arith.addi %add3A_2373, %select_n3A_1998 : vector<16xi32>
      %swap3A_2379 = arith.constant 9 : i32
      %swap3A_2380 = arith.index_cast %swap3A_2379 : i32 to index
      %swap3A_2381 = arith.constant 112 : index
      %swap3A_2382 = tpu.vector_load %arg8[%swap3A_2380, %swap3A_2381] {strides = array<i32>} : memref<12x128xi32, #tpu.memory_space<vmem>>, vector<16xi32>,
      tpu.vector_store %arg8[%swap3A_2380, %swap3A_2381], %add3A_2378 {strides = array<i32>} : memref<12x128xi32, #tpu.memory_space<vmem>>, vector<16xi32>,
      %add3A_2383 = arith.constant 524288 : i32
      %add3A_2384 = vector.broadcast %add3A_2383 : i32 to vector<16xi32>
      %add3A_2385 = arith.addi %add3A_1990, %add3A_2384 : vector<16xi32>
      %swap3A_2386 = arith.constant 4 : i32
      %swap3A_2387 = arith.index_cast %swap3A_2386 : i32 to index
      %swap3A_2388 = arith.constant 0 : index
      %swap3A_2389 = tpu.vector_load %arg8[%swap3A_2387, %swap3A_2388] {strides = array<i32>} : memref<12x128xi32, #tpu.memory_space<vmem>>, vector<16xi32>,
      tpu.vector_store %arg8[%swap3A_2387, %swap3A_2388], %add3A_2385 {strides = array<i32>} : memref<12x128xi32, #tpu.memory_space<vmem>>, vector<16xi32>,
      %add3A_2390 = arith.addi %add3A_2385, %select_n3A_1998 : vector<16xi32>
      %swap3A_2391 = arith.constant 10 : i32
      %swap3A_2392 = arith.index_cast %swap3A_2391 : i32 to index
      %swap3A_2393 = arith.constant 0 : index
      %swap3A_2394 = tpu.vector_load %arg8[%swap3A_2392, %swap3A_2393] {strides = array<i32>} : memref<12x128xi32, #tpu.memory_space<vmem>>, vector<16xi32>,
      tpu.vector_store %arg8[%swap3A_2392, %swap3A_2393], %add3A_2390 {strides = array<i32>} : memref<12x128xi32, #tpu.memory_space<vmem>>, vector<16xi32>,
      %add3A_2395 = arith.constant 540672 : i32
      %add3A_2396 = vector.broadcast %add3A_2395 : i32 to vector<16xi32>
      %add3A_2397 = arith.addi %add3A_1990, %add3A_2396 : vector<16xi32>
      %swap3A_2398 = arith.constant 4 : i32
      %swap3A_2399 = arith.index_cast %swap3A_2398 : i32 to index
      %swap3A_2400 = arith.constant 16 : index
      %swap3A_2401 = tpu.vector_load %arg8[%swap3A_2399, %swap3A_2400] {strides = array<i32>} : memref<12x128xi32, #tpu.memory_space<vmem>>, vector<16xi32>,
      tpu.vector_store %arg8[%swap3A_2399, %swap3A_2400], %add3A_2397 {strides = array<i32>} : memref<12x128xi32, #tpu.memory_space<vmem>>, vector<16xi32>,
      %add3A_2402 = arith.addi %add3A_2397, %select_n3A_1998 : vector<16xi32>
      %swap3A_2403 = arith.constant 10 : i32
      %swap3A_2404 = arith.index_cast %swap3A_2403 : i32 to index
      %swap3A_2405 = arith.constant 16 : index
      %swap3A_2406 = tpu.vector_load %arg8[%swap3A_2404, %swap3A_2405] {strides = array<i32>} : memref<12x128xi32, #tpu.memory_space<vmem>>, vector<16xi32>,
      tpu.vector_store %arg8[%swap3A_2404, %swap3A_2405], %add3A_2402 {strides = array<i32>} : memref<12x128xi32, #tpu.memory_space<vmem>>, vector<16xi32>,
      %add3A_2407 = arith.constant 557056 : i32
      %add3A_2408 = vector.broadcast %add3A_2407 : i32 to vector<16xi32>
      %add3A_2409 = arith.addi %add3A_1990, %add3A_2408 : vector<16xi32>
      %swap3A_2410 = arith.constant 4 : i32
      %swap3A_2411 = arith.index_cast %swap3A_2410 : i32 to index
      %swap3A_2412 = arith.constant 32 : index
      %swap3A_2413 = tpu.vector_load %arg8[%swap3A_2411, %swap3A_2412] {strides = array<i32>} : memref<12x128xi32, #tpu.memory_space<vmem>>, vector<16xi32>,
      tpu.vector_store %arg8[%swap3A_2411, %swap3A_2412], %add3A_2409 {strides = array<i32>} : memref<12x128xi32, #tpu.memory_space<vmem>>, vector<16xi32>,
      %add3A_2414 = arith.addi %add3A_2409, %select_n3A_1998 : vector<16xi32>
      %swap3A_2415 = arith.constant 10 : i32
      %swap3A_2416 = arith.index_cast %swap3A_2415 : i32 to index
      %swap3A_2417 = arith.constant 32 : index
      %swap3A_2418 = tpu.vector_load %arg8[%swap3A_2416, %swap3A_2417] {strides = array<i32>} : memref<12x128xi32, #tpu.memory_space<vmem>>, vector<16xi32>,
      tpu.vector_store %arg8[%swap3A_2416, %swap3A_2417], %add3A_2414 {strides = array<i32>} : memref<12x128xi32, #tpu.memory_space<vmem>>, vector<16xi32>,
      %add3A_2419 = arith.constant 573440 : i32
      %add3A_2420 = vector.broadcast %add3A_2419 : i32 to vector<16xi32>
      %add3A_2421 = arith.addi %add3A_1990, %add3A_2420 : vector<16xi32>
      %swap3A_2422 = arith.constant 4 : i32
      %swap3A_2423 = arith.index_cast %swap3A_2422 : i32 to index
      %swap3A_2424 = arith.constant 48 : index
      %swap3A_2425 = tpu.vector_load %arg8[%swap3A_2423, %swap3A_2424] {strides = array<i32>} : memref<12x128xi32, #tpu.memory_space<vmem>>, vector<16xi32>,
      tpu.vector_store %arg8[%swap3A_2423, %swap3A_2424], %add3A_2421 {strides = array<i32>} : memref<12x128xi32, #tpu.memory_space<vmem>>, vector<16xi32>,
      %add3A_2426 = arith.addi %add3A_2421, %select_n3A_1998 : vector<16xi32>
      %swap3A_2427 = arith.constant 10 : i32
      %swap3A_2428 = arith.index_cast %swap3A_2427 : i32 to index
      %swap3A_2429 = arith.constant 48 : index
      %swap3A_2430 = tpu.vector_load %arg8[%swap3A_2428, %swap3A_2429] {strides = array<i32>} : memref<12x128xi32, #tpu.memory_space<vmem>>, vector<16xi32>,
      tpu.vector_store %arg8[%swap3A_2428, %swap3A_2429], %add3A_2426 {strides = array<i32>} : memref<12x128xi32, #tpu.memory_space<vmem>>, vector<16xi32>,
      %add3A_2431 = arith.constant 589824 : i32
      %add3A_2432 = vector.broadcast %add3A_2431 : i32 to vector<16xi32>
      %add3A_2433 = arith.addi %add3A_1990, %add3A_2432 : vector<16xi32>
      %swap3A_2434 = arith.constant 4 : i32
      %swap3A_2435 = arith.index_cast %swap3A_2434 : i32 to index
      %swap3A_2436 = arith.constant 64 : index
      %swap3A_2437 = tpu.vector_load %arg8[%swap3A_2435, %swap3A_2436] {strides = array<i32>} : memref<12x128xi32, #tpu.memory_space<vmem>>, vector<16xi32>,
      tpu.vector_store %arg8[%swap3A_2435, %swap3A_2436], %add3A_2433 {strides = array<i32>} : memref<12x128xi32, #tpu.memory_space<vmem>>, vector<16xi32>,
      %add3A_2438 = arith.addi %add3A_2433, %select_n3A_1998 : vector<16xi32>
      %swap3A_2439 = arith.constant 10 : i32
      %swap3A_2440 = arith.index_cast %swap3A_2439 : i32 to index
      %swap3A_2441 = arith.constant 64 : index
      %swap3A_2442 = tpu.vector_load %arg8[%swap3A_2440, %swap3A_2441] {strides = array<i32>} : memref<12x128xi32, #tpu.memory_space<vmem>>, vector<16xi32>,
      tpu.vector_store %arg8[%swap3A_2440, %swap3A_2441], %add3A_2438 {strides = array<i32>} : memref<12x128xi32, #tpu.memory_space<vmem>>, vector<16xi32>,
      %add3A_2443 = arith.constant 606208 : i32
      %add3A_2444 = vector.broadcast %add3A_2443 : i32 to vector<16xi32>
      %add3A_2445 = arith.addi %add3A_1990, %add3A_2444 : vector<16xi32>
      %swap3A_2446 = arith.constant 4 : i32
      %swap3A_2447 = arith.index_cast %swap3A_2446 : i32 to index
      %swap3A_2448 = arith.constant 80 : index
      %swap3A_2449 = tpu.vector_load %arg8[%swap3A_2447, %swap3A_2448] {strides = array<i32>} : memref<12x128xi32, #tpu.memory_space<vmem>>, vector<16xi32>,
      tpu.vector_store %arg8[%swap3A_2447, %swap3A_2448], %add3A_2445 {strides = array<i32>} : memref<12x128xi32, #tpu.memory_space<vmem>>, vector<16xi32>,
      %add3A_2450 = arith.addi %add3A_2445, %select_n3A_1998 : vector<16xi32>
      %swap3A_2451 = arith.constant 10 : i32
      %swap3A_2452 = arith.index_cast %swap3A_2451 : i32 to index
      %swap3A_2453 = arith.constant 80 : index
      %swap3A_2454 = tpu.vector_load %arg8[%swap3A_2452, %swap3A_2453] {strides = array<i32>} : memref<12x128xi32, #tpu.memory_space<vmem>>, vector<16xi32>,
      tpu.vector_store %arg8[%swap3A_2452, %swap3A_2453], %add3A_2450 {strides = array<i32>} : memref<12x128xi32, #tpu.memory_space<vmem>>, vector<16xi32>,
      %add3A_2455 = arith.constant 622592 : i32
      %add3A_2456 = vector.broadcast %add3A_2455 : i32 to vector<16xi32>
      %add3A_2457 = arith.addi %add3A_1990, %add3A_2456 : vector<16xi32>
      %swap3A_2458 = arith.constant 4 : i32
      %swap3A_2459 = arith.index_cast %swap3A_2458 : i32 to index
      %swap3A_2460 = arith.constant 96 : index
      %swap3A_2461 = tpu.vector_load %arg8[%swap3A_2459, %swap3A_2460] {strides = array<i32>} : memref<12x128xi32, #tpu.memory_space<vmem>>, vector<16xi32>,
      tpu.vector_store %arg8[%swap3A_2459, %swap3A_2460], %add3A_2457 {strides = array<i32>} : memref<12x128xi32, #tpu.memory_space<vmem>>, vector<16xi32>,
      %add3A_2462 = arith.addi %add3A_2457, %select_n3A_1998 : vector<16xi32>
      %swap3A_2463 = arith.constant 10 : i32
      %swap3A_2464 = arith.index_cast %swap3A_2463 : i32 to index
      %swap3A_2465 = arith.constant 96 : index
      %swap3A_2466 = tpu.vector_load %arg8[%swap3A_2464, %swap3A_2465] {strides = array<i32>} : memref<12x128xi32, #tpu.memory_space<vmem>>, vector<16xi32>,
      tpu.vector_store %arg8[%swap3A_2464, %swap3A_2465], %add3A_2462 {strides = array<i32>} : memref<12x128xi32, #tpu.memory_space<vmem>>, vector<16xi32>,
      %add3A_2467 = arith.constant 638976 : i32
      %add3A_2468 = vector.broadcast %add3A_2467 : i32 to vector<16xi32>
      %add3A_2469 = arith.addi %add3A_1990, %add3A_2468 : vector<16xi32>
      %swap3A_2470 = arith.constant 4 : i32
      %swap3A_2471 = arith.index_cast %swap3A_2470 : i32 to index
      %swap3A_2472 = arith.constant 112 : index
      %swap3A_2473 = tpu.vector_load %arg8[%swap3A_2471, %swap3A_2472] {strides = array<i32>} : memref<12x128xi32, #tpu.memory_space<vmem>>, vector<16xi32>,
      tpu.vector_store %arg8[%swap3A_2471, %swap3A_2472], %add3A_2469 {strides = array<i32>} : memref<12x128xi32, #tpu.memory_space<vmem>>, vector<16xi32>,
      %add3A_2474 = arith.addi %add3A_2469, %select_n3A_1998 : vector<16xi32>
      %swap3A_2475 = arith.constant 10 : i32
      %swap3A_2476 = arith.index_cast %swap3A_2475 : i32 to index
      %swap3A_2477 = arith.constant 112 : index
      %swap3A_2478 = tpu.vector_load %arg8[%swap3A_2476, %swap3A_2477] {strides = array<i32>} : memref<12x128xi32, #tpu.memory_space<vmem>>, vector<16xi32>,
      tpu.vector_store %arg8[%swap3A_2476, %swap3A_2477], %add3A_2474 {strides = array<i32>} : memref<12x128xi32, #tpu.memory_space<vmem>>, vector<16xi32>,
      %add3A_2479 = arith.constant 655360 : i32
      %add3A_2480 = vector.broadcast %add3A_2479 : i32 to vector<16xi32>
      %add3A_2481 = arith.addi %add3A_1990, %add3A_2480 : vector<16xi32>
      %swap3A_2482 = arith.constant 5 : i32
      %swap3A_2483 = arith.index_cast %swap3A_2482 : i32 to index
      %swap3A_2484 = arith.constant 0 : index
      %swap3A_2485 = tpu.vector_load %arg8[%swap3A_2483, %swap3A_2484] {strides = array<i32>} : memref<12x128xi32, #tpu.memory_space<vmem>>, vector<16xi32>,
      tpu.vector_store %arg8[%swap3A_2483, %swap3A_2484], %add3A_2481 {strides = array<i32>} : memref<12x128xi32, #tpu.memory_space<vmem>>, vector<16xi32>,
      %add3A_2486 = arith.addi %add3A_2481, %select_n3A_1998 : vector<16xi32>
      %swap3A_2487 = arith.constant 11 : i32
      %swap3A_2488 = arith.index_cast %swap3A_2487 : i32 to index
      %swap3A_2489 = arith.constant 0 : index
      %swap3A_2490 = tpu.vector_load %arg8[%swap3A_2488, %swap3A_2489] {strides = array<i32>} : memref<12x128xi32, #tpu.memory_space<vmem>>, vector<16xi32>,
      tpu.vector_store %arg8[%swap3A_2488, %swap3A_2489], %add3A_2486 {strides = array<i32>} : memref<12x128xi32, #tpu.memory_space<vmem>>, vector<16xi32>,
      %add3A_2491 = arith.constant 671744 : i32
      %add3A_2492 = vector.broadcast %add3A_2491 : i32 to vector<16xi32>
      %add3A_2493 = arith.addi %add3A_1990, %add3A_2492 : vector<16xi32>
      %swap3A_2494 = arith.constant 5 : i32
      %swap3A_2495 = arith.index_cast %swap3A_2494 : i32 to index
      %swap3A_2496 = arith.constant 16 : index
      %swap3A_2497 = tpu.vector_load %arg8[%swap3A_2495, %swap3A_2496] {strides = array<i32>} : memref<12x128xi32, #tpu.memory_space<vmem>>, vector<16xi32>,
      tpu.vector_store %arg8[%swap3A_2495, %swap3A_2496], %add3A_2493 {strides = array<i32>} : memref<12x128xi32, #tpu.memory_space<vmem>>, vector<16xi32>,
      %add3A_2498 = arith.addi %add3A_2493, %select_n3A_1998 : vector<16xi32>
      %swap3A_2499 = arith.constant 11 : i32
      %swap3A_2500 = arith.index_cast %swap3A_2499 : i32 to index
      %swap3A_2501 = arith.constant 16 : index
      %swap3A_2502 = tpu.vector_load %arg8[%swap3A_2500, %swap3A_2501] {strides = array<i32>} : memref<12x128xi32, #tpu.memory_space<vmem>>, vector<16xi32>,
      tpu.vector_store %arg8[%swap3A_2500, %swap3A_2501], %add3A_2498 {strides = array<i32>} : memref<12x128xi32, #tpu.memory_space<vmem>>, vector<16xi32>,
      %add3A_2503 = arith.constant 688128 : i32
      %add3A_2504 = vector.broadcast %add3A_2503 : i32 to vector<16xi32>
      %add3A_2505 = arith.addi %add3A_1990, %add3A_2504 : vector<16xi32>
      %swap3A_2506 = arith.constant 5 : i32
      %swap3A_2507 = arith.index_cast %swap3A_2506 : i32 to index
      %swap3A_2508 = arith.constant 32 : index
      %swap3A_2509 = tpu.vector_load %arg8[%swap3A_2507, %swap3A_2508] {strides = array<i32>} : memref<12x128xi32, #tpu.memory_space<vmem>>, vector<16xi32>,
      tpu.vector_store %arg8[%swap3A_2507, %swap3A_2508], %add3A_2505 {strides = array<i32>} : memref<12x128xi32, #tpu.memory_space<vmem>>, vector<16xi32>,
      %add3A_2510 = arith.addi %add3A_2505, %select_n3A_1998 : vector<16xi32>
      %swap3A_2511 = arith.constant 11 : i32
      %swap3A_2512 = arith.index_cast %swap3A_2511 : i32 to index
      %swap3A_2513 = arith.constant 32 : index
      %swap3A_2514 = tpu.vector_load %arg8[%swap3A_2512, %swap3A_2513] {strides = array<i32>} : memref<12x128xi32, #tpu.memory_space<vmem>>, vector<16xi32>,
      tpu.vector_store %arg8[%swap3A_2512, %swap3A_2513], %add3A_2510 {strides = array<i32>} : memref<12x128xi32, #tpu.memory_space<vmem>>, vector<16xi32>,
      %add3A_2515 = arith.constant 704512 : i32
      %add3A_2516 = vector.broadcast %add3A_2515 : i32 to vector<16xi32>
      %add3A_2517 = arith.addi %add3A_1990, %add3A_2516 : vector<16xi32>
      %swap3A_2518 = arith.constant 5 : i32
      %swap3A_2519 = arith.index_cast %swap3A_2518 : i32 to index
      %swap3A_2520 = arith.constant 48 : index
      %swap3A_2521 = tpu.vector_load %arg8[%swap3A_2519, %swap3A_2520] {strides = array<i32>} : memref<12x128xi32, #tpu.memory_space<vmem>>, vector<16xi32>,
      tpu.vector_store %arg8[%swap3A_2519, %swap3A_2520], %add3A_2517 {strides = array<i32>} : memref<12x128xi32, #tpu.memory_space<vmem>>, vector<16xi32>,
      %add3A_2522 = arith.addi %add3A_2517, %select_n3A_1998 : vector<16xi32>
      %swap3A_2523 = arith.constant 11 : i32
      %swap3A_2524 = arith.index_cast %swap3A_2523 : i32 to index
      %swap3A_2525 = arith.constant 48 : index
      %swap3A_2526 = tpu.vector_load %arg8[%swap3A_2524, %swap3A_2525] {strides = array<i32>} : memref<12x128xi32, #tpu.memory_space<vmem>>, vector<16xi32>,
      tpu.vector_store %arg8[%swap3A_2524, %swap3A_2525], %add3A_2522 {strides = array<i32>} : memref<12x128xi32, #tpu.memory_space<vmem>>, vector<16xi32>,
      %add3A_2527 = arith.constant 720896 : i32
      %add3A_2528 = vector.broadcast %add3A_2527 : i32 to vector<16xi32>
      %add3A_2529 = arith.addi %add3A_1990, %add3A_2528 : vector<16xi32>
      %swap3A_2530 = arith.constant 5 : i32
      %swap3A_2531 = arith.index_cast %swap3A_2530 : i32 to index
      %swap3A_2532 = arith.constant 64 : index
      %swap3A_2533 = tpu.vector_load %arg8[%swap3A_2531, %swap3A_2532] {strides = array<i32>} : memref<12x128xi32, #tpu.memory_space<vmem>>, vector<16xi32>,
      tpu.vector_store %arg8[%swap3A_2531, %swap3A_2532], %add3A_2529 {strides = array<i32>} : memref<12x128xi32, #tpu.memory_space<vmem>>, vector<16xi32>,
      %add3A_2534 = arith.addi %add3A_2529, %select_n3A_1998 : vector<16xi32>
      %swap3A_2535 = arith.constant 11 : i32
      %swap3A_2536 = arith.index_cast %swap3A_2535 : i32 to index
      %swap3A_2537 = arith.constant 64 : index
      %swap3A_2538 = tpu.vector_load %arg8[%swap3A_2536, %swap3A_2537] {strides = array<i32>} : memref<12x128xi32, #tpu.memory_space<vmem>>, vector<16xi32>,
      tpu.vector_store %arg8[%swap3A_2536, %swap3A_2537], %add3A_2534 {strides = array<i32>} : memref<12x128xi32, #tpu.memory_space<vmem>>, vector<16xi32>,
      %add3A_2539 = arith.constant 737280 : i32
      %add3A_2540 = vector.broadcast %add3A_2539 : i32 to vector<16xi32>
      %add3A_2541 = arith.addi %add3A_1990, %add3A_2540 : vector<16xi32>
      %swap3A_2542 = arith.constant 5 : i32
      %swap3A_2543 = arith.index_cast %swap3A_2542 : i32 to index
      %swap3A_2544 = arith.constant 80 : index
      %swap3A_2545 = tpu.vector_load %arg8[%swap3A_2543, %swap3A_2544] {strides = array<i32>} : memref<12x128xi32, #tpu.memory_space<vmem>>, vector<16xi32>,
      tpu.vector_store %arg8[%swap3A_2543, %swap3A_2544], %add3A_2541 {strides = array<i32>} : memref<12x128xi32, #tpu.memory_space<vmem>>, vector<16xi32>,
      %add3A_2546 = arith.addi %add3A_2541, %select_n3A_1998 : vector<16xi32>
      %swap3A_2547 = arith.constant 11 : i32
      %swap3A_2548 = arith.index_cast %swap3A_2547 : i32 to index
      %swap3A_2549 = arith.constant 80 : index
      %swap3A_2550 = tpu.vector_load %arg8[%swap3A_2548, %swap3A_2549] {strides = array<i32>} : memref<12x128xi32, #tpu.memory_space<vmem>>, vector<16xi32>,
      tpu.vector_store %arg8[%swap3A_2548, %swap3A_2549], %add3A_2546 {strides = array<i32>} : memref<12x128xi32, #tpu.memory_space<vmem>>, vector<16xi32>,
      %add3A_2551 = arith.constant 753664 : i32
      %add3A_2552 = vector.broadcast %add3A_2551 : i32 to vector<16xi32>
      %add3A_2553 = arith.addi %add3A_1990, %add3A_2552 : vector<16xi32>
      %swap3A_2554 = arith.constant 5 : i32
      %swap3A_2555 = arith.index_cast %swap3A_2554 : i32 to index
      %swap3A_2556 = arith.constant 96 : index
      %swap3A_2557 = tpu.vector_load %arg8[%swap3A_2555, %swap3A_2556] {strides = array<i32>} : memref<12x128xi32, #tpu.memory_space<vmem>>, vector<16xi32>,
      tpu.vector_store %arg8[%swap3A_2555, %swap3A_2556], %add3A_2553 {strides = array<i32>} : memref<12x128xi32, #tpu.memory_space<vmem>>, vector<16xi32>,
      %add3A_2558 = arith.addi %add3A_2553, %select_n3A_1998 : vector<16xi32>
      %swap3A_2559 = arith.constant 11 : i32
      %swap3A_2560 = arith.index_cast %swap3A_2559 : i32 to index
      %swap3A_2561 = arith.constant 96 : index
      %swap3A_2562 = tpu.vector_load %arg8[%swap3A_2560, %swap3A_2561] {strides = array<i32>} : memref<12x128xi32, #tpu.memory_space<vmem>>, vector<16xi32>,
      tpu.vector_store %arg8[%swap3A_2560, %swap3A_2561], %add3A_2558 {strides = array<i32>} : memref<12x128xi32, #tpu.memory_space<vmem>>, vector<16xi32>,
      %add3A_2563 = arith.constant 770048 : i32
      %add3A_2564 = vector.broadcast %add3A_2563 : i32 to vector<16xi32>
      %add3A_2565 = arith.addi %add3A_1990, %add3A_2564 : vector<16xi32>
      %swap3A_2566 = arith.constant 5 : i32
      %swap3A_2567 = arith.index_cast %swap3A_2566 : i32 to index
      %swap3A_2568 = arith.constant 112 : index
      %swap3A_2569 = tpu.vector_load %arg8[%swap3A_2567, %swap3A_2568] {strides = array<i32>} : memref<12x128xi32, #tpu.memory_space<vmem>>, vector<16xi32>,
      tpu.vector_store %arg8[%swap3A_2567, %swap3A_2568], %add3A_2565 {strides = array<i32>} : memref<12x128xi32, #tpu.memory_space<vmem>>, vector<16xi32>,
      %add3A_2570 = arith.addi %add3A_2565, %select_n3A_1998 : vector<16xi32>
      %swap3A_2571 = arith.constant 11 : i32
      %swap3A_2572 = arith.index_cast %swap3A_2571 : i32 to index
      %swap3A_2573 = arith.constant 112 : index
      %swap3A_2574 = tpu.vector_load %arg8[%swap3A_2572, %swap3A_2573] {strides = array<i32>} : memref<12x128xi32, #tpu.memory_space<vmem>>, vector<16xi32>,
      tpu.vector_store %arg8[%swap3A_2572, %swap3A_2573], %add3A_2570 {strides = array<i32>} : memref<12x128xi32, #tpu.memory_space<vmem>>, vector<16xi32>,
      %dma_start3A_2575 = arith.constant 0 : i32
      %dma_start3A_2576 = arith.constant 0 : i32
      %dma_start3A_2577 = arith.constant 0 : i32
      %dma_start3A_2578 = tpu.memref_slice %arg10[%dma_start3A_2576, %dma_start3A_2577] : memref<1536x16xf32, #tpu.memory_space<vmem>> -> memref<128x16xf32, #tpu.memory_space<vmem>>
      %dma_start3A_2579 = arith.constant 0 : i32
      %dma_start3A_2580 = tpu.memref_slice %arg8[%dma_start3A_2575, %dma_start3A_2579] : memref<12x128xi32, #tpu.memory_space<vmem>> -> memref<1x128xi32, #tpu.memory_space<vmem>>
      %dma_start3A_2581 = tpu.memref_squeeze %dma_start3A_2580 : memref<1x128xi32, #tpu.memory_space<vmem>> -> memref<128xi32, #tpu.memory_space<vmem>>
      %dma_start3A_2582 = arith.constant 0 : i32
      %dma_start3A_2583 = arith.constant 0 : i32
      %dma_start3A_2584 = tpu.memref_slice %arg2[%dma_start3A_2582, %dma_start3A_2583] : memref<786432x16xf32, #tpu.memory_space<hbm>> -> memref<786432x16xf32, #tpu.memory_space<hbm>>
      tpu.enqueue_indirect_dma source(%dma_start3A_2584 : memref<786432x16xf32, #tpu.memory_space<hbm>>) target(%dma_start3A_2578 : memref<128x16xf32, #tpu.memory_space<vmem>>) offsets(%dma_start3A_2581 : memref<128xi32, #tpu.memory_space<vmem>>) semaphore(%arg14 : memref<!tpu.dma_semaphore, #tpu.memory_space<semaphore_mem>>)
      %dma_start3A_2585 = arith.constant 1 : i32
      %dma_start3A_2586 = arith.constant 128 : i32
      %dma_start3A_2587 = arith.constant 0 : i32
      %dma_start3A_2588 = tpu.memref_slice %arg10[%dma_start3A_2586, %dma_start3A_2587] : memref<1536x16xf32, #tpu.memory_space<vmem>> -> memref<128x16xf32, #tpu.memory_space<vmem>>
      %dma_start3A_2589 = arith.constant 0 : i32
      %dma_start3A_2590 = tpu.memref_slice %arg8[%dma_start3A_2585, %dma_start3A_2589] : memref<12x128xi32, #tpu.memory_space<vmem>> -> memref<1x128xi32, #tpu.memory_space<vmem>>
      %dma_start3A_2591 = tpu.memref_squeeze %dma_start3A_2590 : memref<1x128xi32, #tpu.memory_space<vmem>> -> memref<128xi32, #tpu.memory_space<vmem>>
      %dma_start3A_2592 = arith.constant 0 : i32
      %dma_start3A_2593 = arith.constant 0 : i32
      %dma_start3A_2594 = tpu.memref_slice %arg2[%dma_start3A_2592, %dma_start3A_2593] : memref<786432x16xf32, #tpu.memory_space<hbm>> -> memref<786432x16xf32, #tpu.memory_space<hbm>>
      tpu.enqueue_indirect_dma source(%dma_start3A_2594 : memref<786432x16xf32, #tpu.memory_space<hbm>>) target(%dma_start3A_2588 : memref<128x16xf32, #tpu.memory_space<vmem>>) offsets(%dma_start3A_2591 : memref<128xi32, #tpu.memory_space<vmem>>) semaphore(%arg14 : memref<!tpu.dma_semaphore, #tpu.memory_space<semaphore_mem>>)
      %dma_start3A_2595 = arith.constant 2 : i32
      %dma_start3A_2596 = arith.constant 256 : i32
      %dma_start3A_2597 = arith.constant 0 : i32
      %dma_start3A_2598 = tpu.memref_slice %arg10[%dma_start3A_2596, %dma_start3A_2597] : memref<1536x16xf32, #tpu.memory_space<vmem>> -> memref<128x16xf32, #tpu.memory_space<vmem>>
      %dma_start3A_2599 = arith.constant 0 : i32
      %dma_start3A_2600 = tpu.memref_slice %arg8[%dma_start3A_2595, %dma_start3A_2599] : memref<12x128xi32, #tpu.memory_space<vmem>> -> memref<1x128xi32, #tpu.memory_space<vmem>>
      %dma_start3A_2601 = tpu.memref_squeeze %dma_start3A_2600 : memref<1x128xi32, #tpu.memory_space<vmem>> -> memref<128xi32, #tpu.memory_space<vmem>>
      %dma_start3A_2602 = arith.constant 0 : i32
      %dma_start3A_2603 = arith.constant 0 : i32
      %dma_start3A_2604 = tpu.memref_slice %arg2[%dma_start3A_2602, %dma_start3A_2603] : memref<786432x16xf32, #tpu.memory_space<hbm>> -> memref<786432x16xf32, #tpu.memory_space<hbm>>
      tpu.enqueue_indirect_dma source(%dma_start3A_2604 : memref<786432x16xf32, #tpu.memory_space<hbm>>) target(%dma_start3A_2598 : memref<128x16xf32, #tpu.memory_space<vmem>>) offsets(%dma_start3A_2601 : memref<128xi32, #tpu.memory_space<vmem>>) semaphore(%arg14 : memref<!tpu.dma_semaphore, #tpu.memory_space<semaphore_mem>>)
      %dma_start3A_2605 = arith.constant 3 : i32
      %dma_start3A_2606 = arith.constant 384 : i32
      %dma_start3A_2607 = arith.constant 0 : i32
      %dma_start3A_2608 = tpu.memref_slice %arg10[%dma_start3A_2606, %dma_start3A_2607] : memref<1536x16xf32, #tpu.memory_space<vmem>> -> memref<128x16xf32, #tpu.memory_space<vmem>>
      %dma_start3A_2609 = arith.constant 0 : i32
      %dma_start3A_2610 = tpu.memref_slice %arg8[%dma_start3A_2605, %dma_start3A_2609] : memref<12x128xi32, #tpu.memory_space<vmem>> -> memref<1x128xi32, #tpu.memory_space<vmem>>
      %dma_start3A_2611 = tpu.memref_squeeze %dma_start3A_2610 : memref<1x128xi32, #tpu.memory_space<vmem>> -> memref<128xi32, #tpu.memory_space<vmem>>
      %dma_start3A_2612 = arith.constant 0 : i32
      %dma_start3A_2613 = arith.constant 0 : i32
      %dma_start3A_2614 = tpu.memref_slice %arg2[%dma_start3A_2612, %dma_start3A_2613] : memref<786432x16xf32, #tpu.memory_space<hbm>> -> memref<786432x16xf32, #tpu.memory_space<hbm>>
      tpu.enqueue_indirect_dma source(%dma_start3A_2614 : memref<786432x16xf32, #tpu.memory_space<hbm>>) target(%dma_start3A_2608 : memref<128x16xf32, #tpu.memory_space<vmem>>) offsets(%dma_start3A_2611 : memref<128xi32, #tpu.memory_space<vmem>>) semaphore(%arg14 : memref<!tpu.dma_semaphore, #tpu.memory_space<semaphore_mem>>)
      %dma_start3A_2615 = arith.constant 4 : i32
      %dma_start3A_2616 = arith.constant 512 : i32
      %dma_start3A_2617 = arith.constant 0 : i32
      %dma_start3A_2618 = tpu.memref_slice %arg10[%dma_start3A_2616, %dma_start3A_2617] : memref<1536x16xf32, #tpu.memory_space<vmem>> -> memref<128x16xf32, #tpu.memory_space<vmem>>
      %dma_start3A_2619 = arith.constant 0 : i32
      %dma_start3A_2620 = tpu.memref_slice %arg8[%dma_start3A_2615, %dma_start3A_2619] : memref<12x128xi32, #tpu.memory_space<vmem>> -> memref<1x128xi32, #tpu.memory_space<vmem>>
      %dma_start3A_2621 = tpu.memref_squeeze %dma_start3A_2620 : memref<1x128xi32, #tpu.memory_space<vmem>> -> memref<128xi32, #tpu.memory_space<vmem>>
      %dma_start3A_2622 = arith.constant 0 : i32
      %dma_start3A_2623 = arith.constant 0 : i32
      %dma_start3A_2624 = tpu.memref_slice %arg2[%dma_start3A_2622, %dma_start3A_2623] : memref<786432x16xf32, #tpu.memory_space<hbm>> -> memref<786432x16xf32, #tpu.memory_space<hbm>>
      tpu.enqueue_indirect_dma source(%dma_start3A_2624 : memref<786432x16xf32, #tpu.memory_space<hbm>>) target(%dma_start3A_2618 : memref<128x16xf32, #tpu.memory_space<vmem>>) offsets(%dma_start3A_2621 : memref<128xi32, #tpu.memory_space<vmem>>) semaphore(%arg14 : memref<!tpu.dma_semaphore, #tpu.memory_space<semaphore_mem>>)
      %dma_start3A_2625 = arith.constant 5 : i32
      %dma_start3A_2626 = arith.constant 640 : i32
      %dma_start3A_2627 = arith.constant 0 : i32
      %dma_start3A_2628 = tpu.memref_slice %arg10[%dma_start3A_2626, %dma_start3A_2627] : memref<1536x16xf32, #tpu.memory_space<vmem>> -> memref<128x16xf32, #tpu.memory_space<vmem>>
      %dma_start3A_2629 = arith.constant 0 : i32
      %dma_start3A_2630 = tpu.memref_slice %arg8[%dma_start3A_2625, %dma_start3A_2629] : memref<12x128xi32, #tpu.memory_space<vmem>> -> memref<1x128xi32, #tpu.memory_space<vmem>>
      %dma_start3A_2631 = tpu.memref_squeeze %dma_start3A_2630 : memref<1x128xi32, #tpu.memory_space<vmem>> -> memref<128xi32, #tpu.memory_space<vmem>>
      %dma_start3A_2632 = arith.constant 0 : i32
      %dma_start3A_2633 = arith.constant 0 : i32
      %dma_start3A_2634 = tpu.memref_slice %arg2[%dma_start3A_2632, %dma_start3A_2633] : memref<786432x16xf32, #tpu.memory_space<hbm>> -> memref<786432x16xf32, #tpu.memory_space<hbm>>
      tpu.enqueue_indirect_dma source(%dma_start3A_2634 : memref<786432x16xf32, #tpu.memory_space<hbm>>) target(%dma_start3A_2628 : memref<128x16xf32, #tpu.memory_space<vmem>>) offsets(%dma_start3A_2631 : memref<128xi32, #tpu.memory_space<vmem>>) semaphore(%arg14 : memref<!tpu.dma_semaphore, #tpu.memory_space<semaphore_mem>>)
      %dma_start3A_2635 = arith.constant 6 : i32
      %dma_start3A_2636 = arith.constant 768 : i32
      %dma_start3A_2637 = arith.constant 0 : i32
      %dma_start3A_2638 = tpu.memref_slice %arg10[%dma_start3A_2636, %dma_start3A_2637] : memref<1536x16xf32, #tpu.memory_space<vmem>> -> memref<128x16xf32, #tpu.memory_space<vmem>>
      %dma_start3A_2639 = arith.constant 0 : i32
      %dma_start3A_2640 = tpu.memref_slice %arg8[%dma_start3A_2635, %dma_start3A_2639] : memref<12x128xi32, #tpu.memory_space<vmem>> -> memref<1x128xi32, #tpu.memory_space<vmem>>
      %dma_start3A_2641 = tpu.memref_squeeze %dma_start3A_2640 : memref<1x128xi32, #tpu.memory_space<vmem>> -> memref<128xi32, #tpu.memory_space<vmem>>
      %dma_start3A_2642 = arith.constant 0 : i32
      %dma_start3A_2643 = arith.constant 0 : i32
      %dma_start3A_2644 = tpu.memref_slice %arg2[%dma_start3A_2642, %dma_start3A_2643] : memref<786432x16xf32, #tpu.memory_space<hbm>> -> memref<786432x16xf32, #tpu.memory_space<hbm>>
      tpu.enqueue_indirect_dma source(%dma_start3A_2644 : memref<786432x16xf32, #tpu.memory_space<hbm>>) target(%dma_start3A_2638 : memref<128x16xf32, #tpu.memory_space<vmem>>) offsets(%dma_start3A_2641 : memref<128xi32, #tpu.memory_space<vmem>>) semaphore(%arg14 : memref<!tpu.dma_semaphore, #tpu.memory_space<semaphore_mem>>)
      %dma_start3A_2645 = arith.constant 7 : i32
      %dma_start3A_2646 = arith.constant 896 : i32
      %dma_start3A_2647 = arith.constant 0 : i32
      %dma_start3A_2648 = tpu.memref_slice %arg10[%dma_start3A_2646, %dma_start3A_2647] : memref<1536x16xf32, #tpu.memory_space<vmem>> -> memref<128x16xf32, #tpu.memory_space<vmem>>
      %dma_start3A_2649 = arith.constant 0 : i32
      %dma_start3A_2650 = tpu.memref_slice %arg8[%dma_start3A_2645, %dma_start3A_2649] : memref<12x128xi32, #tpu.memory_space<vmem>> -> memref<1x128xi32, #tpu.memory_space<vmem>>
      %dma_start3A_2651 = tpu.memref_squeeze %dma_start3A_2650 : memref<1x128xi32, #tpu.memory_space<vmem>> -> memref<128xi32, #tpu.memory_space<vmem>>
      %dma_start3A_2652 = arith.constant 0 : i32
      %dma_start3A_2653 = arith.constant 0 : i32
      %dma_start3A_2654 = tpu.memref_slice %arg2[%dma_start3A_2652, %dma_start3A_2653] : memref<786432x16xf32, #tpu.memory_space<hbm>> -> memref<786432x16xf32, #tpu.memory_space<hbm>>
      tpu.enqueue_indirect_dma source(%dma_start3A_2654 : memref<786432x16xf32, #tpu.memory_space<hbm>>) target(%dma_start3A_2648 : memref<128x16xf32, #tpu.memory_space<vmem>>) offsets(%dma_start3A_2651 : memref<128xi32, #tpu.memory_space<vmem>>) semaphore(%arg14 : memref<!tpu.dma_semaphore, #tpu.memory_space<semaphore_mem>>)
      %dma_start3A_2655 = arith.constant 8 : i32
      %dma_start3A_2656 = arith.constant 1024 : i32
      %dma_start3A_2657 = arith.constant 0 : i32
      %dma_start3A_2658 = tpu.memref_slice %arg10[%dma_start3A_2656, %dma_start3A_2657] : memref<1536x16xf32, #tpu.memory_space<vmem>> -> memref<128x16xf32, #tpu.memory_space<vmem>>
      %dma_start3A_2659 = arith.constant 0 : i32
      %dma_start3A_2660 = tpu.memref_slice %arg8[%dma_start3A_2655, %dma_start3A_2659] : memref<12x128xi32, #tpu.memory_space<vmem>> -> memref<1x128xi32, #tpu.memory_space<vmem>>
      %dma_start3A_2661 = tpu.memref_squeeze %dma_start3A_2660 : memref<1x128xi32, #tpu.memory_space<vmem>> -> memref<128xi32, #tpu.memory_space<vmem>>
      %dma_start3A_2662 = arith.constant 0 : i32
      %dma_start3A_2663 = arith.constant 0 : i32
      %dma_start3A_2664 = tpu.memref_slice %arg2[%dma_start3A_2662, %dma_start3A_2663] : memref<786432x16xf32, #tpu.memory_space<hbm>> -> memref<786432x16xf32, #tpu.memory_space<hbm>>
      tpu.enqueue_indirect_dma source(%dma_start3A_2664 : memref<786432x16xf32, #tpu.memory_space<hbm>>) target(%dma_start3A_2658 : memref<128x16xf32, #tpu.memory_space<vmem>>) offsets(%dma_start3A_2661 : memref<128xi32, #tpu.memory_space<vmem>>) semaphore(%arg14 : memref<!tpu.dma_semaphore, #tpu.memory_space<semaphore_mem>>)
      %dma_start3A_2665 = arith.constant 9 : i32
      %dma_start3A_2666 = arith.constant 1152 : i32
      %dma_start3A_2667 = arith.constant 0 : i32
      %dma_start3A_2668 = tpu.memref_slice %arg10[%dma_start3A_2666, %dma_start3A_2667] : memref<1536x16xf32, #tpu.memory_space<vmem>> -> memref<128x16xf32, #tpu.memory_space<vmem>>
      %dma_start3A_2669 = arith.constant 0 : i32
      %dma_start3A_2670 = tpu.memref_slice %arg8[%dma_start3A_2665, %dma_start3A_2669] : memref<12x128xi32, #tpu.memory_space<vmem>> -> memref<1x128xi32, #tpu.memory_space<vmem>>
      %dma_start3A_2671 = tpu.memref_squeeze %dma_start3A_2670 : memref<1x128xi32, #tpu.memory_space<vmem>> -> memref<128xi32, #tpu.memory_space<vmem>>
      %dma_start3A_2672 = arith.constant 0 : i32
      %dma_start3A_2673 = arith.constant 0 : i32
      %dma_start3A_2674 = tpu.memref_slice %arg2[%dma_start3A_2672, %dma_start3A_2673] : memref<786432x16xf32, #tpu.memory_space<hbm>> -> memref<786432x16xf32, #tpu.memory_space<hbm>>
      tpu.enqueue_indirect_dma source(%dma_start3A_2674 : memref<786432x16xf32, #tpu.memory_space<hbm>>) target(%dma_start3A_2668 : memref<128x16xf32, #tpu.memory_space<vmem>>) offsets(%dma_start3A_2671 : memref<128xi32, #tpu.memory_space<vmem>>) semaphore(%arg14 : memref<!tpu.dma_semaphore, #tpu.memory_space<semaphore_mem>>)
      %dma_start3A_2675 = arith.constant 10 : i32
      %dma_start3A_2676 = arith.constant 1280 : i32
      %dma_start3A_2677 = arith.constant 0 : i32
      %dma_start3A_2678 = tpu.memref_slice %arg10[%dma_start3A_2676, %dma_start3A_2677] : memref<1536x16xf32, #tpu.memory_space<vmem>> -> memref<128x16xf32, #tpu.memory_space<vmem>>
      %dma_start3A_2679 = arith.constant 0 : i32
      %dma_start3A_2680 = tpu.memref_slice %arg8[%dma_start3A_2675, %dma_start3A_2679] : memref<12x128xi32, #tpu.memory_space<vmem>> -> memref<1x128xi32, #tpu.memory_space<vmem>>
      %dma_start3A_2681 = tpu.memref_squeeze %dma_start3A_2680 : memref<1x128xi32, #tpu.memory_space<vmem>> -> memref<128xi32, #tpu.memory_space<vmem>>
      %dma_start3A_2682 = arith.constant 0 : i32
      %dma_start3A_2683 = arith.constant 0 : i32
      %dma_start3A_2684 = tpu.memref_slice %arg2[%dma_start3A_2682, %dma_start3A_2683] : memref<786432x16xf32, #tpu.memory_space<hbm>> -> memref<786432x16xf32, #tpu.memory_space<hbm>>
      tpu.enqueue_indirect_dma source(%dma_start3A_2684 : memref<786432x16xf32, #tpu.memory_space<hbm>>) target(%dma_start3A_2678 : memref<128x16xf32, #tpu.memory_space<vmem>>) offsets(%dma_start3A_2681 : memref<128xi32, #tpu.memory_space<vmem>>) semaphore(%arg14 : memref<!tpu.dma_semaphore, #tpu.memory_space<semaphore_mem>>)
      %dma_start3A_2685 = arith.constant 11 : i32
      %dma_start3A_2686 = arith.constant 1408 : i32
      %dma_start3A_2687 = arith.constant 0 : i32
      %dma_start3A_2688 = tpu.memref_slice %arg10[%dma_start3A_2686, %dma_start3A_2687] : memref<1536x16xf32, #tpu.memory_space<vmem>> -> memref<128x16xf32, #tpu.memory_space<vmem>>
      %dma_start3A_2689 = arith.constant 0 : i32
      %dma_start3A_2690 = tpu.memref_slice %arg8[%dma_start3A_2685, %dma_start3A_2689] : memref<12x128xi32, #tpu.memory_space<vmem>> -> memref<1x128xi32, #tpu.memory_space<vmem>>
      %dma_start3A_2691 = tpu.memref_squeeze %dma_start3A_2690 : memref<1x128xi32, #tpu.memory_space<vmem>> -> memref<128xi32, #tpu.memory_space<vmem>>
      %dma_start3A_2692 = arith.constant 0 : i32
      %dma_start3A_2693 = arith.constant 0 : i32
      %dma_start3A_2694 = tpu.memref_slice %arg2[%dma_start3A_2692, %dma_start3A_2693] : memref<786432x16xf32, #tpu.memory_space<hbm>> -> memref<786432x16xf32, #tpu.memory_space<hbm>>
      tpu.enqueue_indirect_dma source(%dma_start3A_2694 : memref<786432x16xf32, #tpu.memory_space<hbm>>) target(%dma_start3A_2688 : memref<128x16xf32, #tpu.memory_space<vmem>>) offsets(%dma_start3A_2691 : memref<128xi32, #tpu.memory_space<vmem>>) semaphore(%arg14 : memref<!tpu.dma_semaphore, #tpu.memory_space<semaphore_mem>>)
      %add3A_2695 = arith.constant 1 : i32
      %add3A_2696 = arith.addi %mul3A_883, %add3A_2695 : i32
      %dma_wait3A_2697 = arith.constant 0 : i32
      %dma_wait3A_2698 = arith.constant 0 : i32
      %dma_wait3A_2699 = arith.constant 0 : i32
      %dma_wait3A_2700 = tpu.memref_slice %arg11[%dma_wait3A_2698, %dma_wait3A_2699] : memref<1536x16xf32, #tpu.memory_space<vmem>> -> memref<128x16xf32, #tpu.memory_space<vmem>>
      %dma_wait3A_2701 = arith.constant 0 : i32
      %dma_wait3A_2702 = tpu.memref_slice %arg9[%dma_wait3A_2697, %dma_wait3A_2701] : memref<12x128xi32, #tpu.memory_space<vmem>> -> memref<1x128xi32, #tpu.memory_space<vmem>>
      %dma_wait3A_2703 = tpu.memref_squeeze %dma_wait3A_2702 : memref<1x128xi32, #tpu.memory_space<vmem>> -> memref<128xi32, #tpu.memory_space<vmem>>
      %dma_wait3A_2704 = arith.constant 0 : i32
      %dma_wait3A_2705 = arith.constant 0 : i32
      %dma_wait3A_2706 = tpu.memref_slice %arg2[%dma_wait3A_2704, %dma_wait3A_2705] : memref<786432x16xf32, #tpu.memory_space<hbm>> -> memref<786432x16xf32, #tpu.memory_space<hbm>>
      tpu.wait_indirect_dma semaphore(%arg15 : memref<!tpu.dma_semaphore, #tpu.memory_space<semaphore_mem>>) src(%dma_wait3A_2706 : memref<786432x16xf32, #tpu.memory_space<hbm>>) dst(%dma_wait3A_2700 : memref<128x16xf32, #tpu.memory_space<vmem>>)
      %dma_wait3A_2707 = arith.constant 1 : i32
      %dma_wait3A_2708 = arith.constant 128 : i32
      %dma_wait3A_2709 = arith.constant 0 : i32
      %dma_wait3A_2710 = tpu.memref_slice %arg11[%dma_wait3A_2708, %dma_wait3A_2709] : memref<1536x16xf32, #tpu.memory_space<vmem>> -> memref<128x16xf32, #tpu.memory_space<vmem>>
      %dma_wait3A_2711 = arith.constant 0 : i32
      %dma_wait3A_2712 = tpu.memref_slice %arg9[%dma_wait3A_2707, %dma_wait3A_2711] : memref<12x128xi32, #tpu.memory_space<vmem>> -> memref<1x128xi32, #tpu.memory_space<vmem>>
      %dma_wait3A_2713 = tpu.memref_squeeze %dma_wait3A_2712 : memref<1x128xi32, #tpu.memory_space<vmem>> -> memref<128xi32, #tpu.memory_space<vmem>>
      %dma_wait3A_2714 = arith.constant 0 : i32
      %dma_wait3A_2715 = arith.constant 0 : i32
      %dma_wait3A_2716 = tpu.memref_slice %arg2[%dma_wait3A_2714, %dma_wait3A_2715] : memref<786432x16xf32, #tpu.memory_space<hbm>> -> memref<786432x16xf32, #tpu.memory_space<hbm>>
      tpu.wait_indirect_dma semaphore(%arg15 : memref<!tpu.dma_semaphore, #tpu.memory_space<semaphore_mem>>) src(%dma_wait3A_2716 : memref<786432x16xf32, #tpu.memory_space<hbm>>) dst(%dma_wait3A_2710 : memref<128x16xf32, #tpu.memory_space<vmem>>)
      %dma_wait3A_2717 = arith.constant 2 : i32
      %dma_wait3A_2718 = arith.constant 256 : i32
      %dma_wait3A_2719 = arith.constant 0 : i32
      %dma_wait3A_2720 = tpu.memref_slice %arg11[%dma_wait3A_2718, %dma_wait3A_2719] : memref<1536x16xf32, #tpu.memory_space<vmem>> -> memref<128x16xf32, #tpu.memory_space<vmem>>
      %dma_wait3A_2721 = arith.constant 0 : i32
      %dma_wait3A_2722 = tpu.memref_slice %arg9[%dma_wait3A_2717, %dma_wait3A_2721] : memref<12x128xi32, #tpu.memory_space<vmem>> -> memref<1x128xi32, #tpu.memory_space<vmem>>
      %dma_wait3A_2723 = tpu.memref_squeeze %dma_wait3A_2722 : memref<1x128xi32, #tpu.memory_space<vmem>> -> memref<128xi32, #tpu.memory_space<vmem>>
      %dma_wait3A_2724 = arith.constant 0 : i32
      %dma_wait3A_2725 = arith.constant 0 : i32
      %dma_wait3A_2726 = tpu.memref_slice %arg2[%dma_wait3A_2724, %dma_wait3A_2725] : memref<786432x16xf32, #tpu.memory_space<hbm>> -> memref<786432x16xf32, #tpu.memory_space<hbm>>
      tpu.wait_indirect_dma semaphore(%arg15 : memref<!tpu.dma_semaphore, #tpu.memory_space<semaphore_mem>>) src(%dma_wait3A_2726 : memref<786432x16xf32, #tpu.memory_space<hbm>>) dst(%dma_wait3A_2720 : memref<128x16xf32, #tpu.memory_space<vmem>>)
      %dma_wait3A_2727 = arith.constant 3 : i32
      %dma_wait3A_2728 = arith.constant 384 : i32
      %dma_wait3A_2729 = arith.constant 0 : i32
      %dma_wait3A_2730 = tpu.memref_slice %arg11[%dma_wait3A_2728, %dma_wait3A_2729] : memref<1536x16xf32, #tpu.memory_space<vmem>> -> memref<128x16xf32, #tpu.memory_space<vmem>>
      %dma_wait3A_2731 = arith.constant 0 : i32
      %dma_wait3A_2732 = tpu.memref_slice %arg9[%dma_wait3A_2727, %dma_wait3A_2731] : memref<12x128xi32, #tpu.memory_space<vmem>> -> memref<1x128xi32, #tpu.memory_space<vmem>>
      %dma_wait3A_2733 = tpu.memref_squeeze %dma_wait3A_2732 : memref<1x128xi32, #tpu.memory_space<vmem>> -> memref<128xi32, #tpu.memory_space<vmem>>
      %dma_wait3A_2734 = arith.constant 0 : i32
      %dma_wait3A_2735 = arith.constant 0 : i32
      %dma_wait3A_2736 = tpu.memref_slice %arg2[%dma_wait3A_2734, %dma_wait3A_2735] : memref<786432x16xf32, #tpu.memory_space<hbm>> -> memref<786432x16xf32, #tpu.memory_space<hbm>>
      tpu.wait_indirect_dma semaphore(%arg15 : memref<!tpu.dma_semaphore, #tpu.memory_space<semaphore_mem>>) src(%dma_wait3A_2736 : memref<786432x16xf32, #tpu.memory_space<hbm>>) dst(%dma_wait3A_2730 : memref<128x16xf32, #tpu.memory_space<vmem>>)
      %dma_wait3A_2737 = arith.constant 4 : i32
      %dma_wait3A_2738 = arith.constant 512 : i32
      %dma_wait3A_2739 = arith.constant 0 : i32
      %dma_wait3A_2740 = tpu.memref_slice %arg11[%dma_wait3A_2738, %dma_wait3A_2739] : memref<1536x16xf32, #tpu.memory_space<vmem>> -> memref<128x16xf32, #tpu.memory_space<vmem>>
      %dma_wait3A_2741 = arith.constant 0 : i32
      %dma_wait3A_2742 = tpu.memref_slice %arg9[%dma_wait3A_2737, %dma_wait3A_2741] : memref<12x128xi32, #tpu.memory_space<vmem>> -> memref<1x128xi32, #tpu.memory_space<vmem>>
      %dma_wait3A_2743 = tpu.memref_squeeze %dma_wait3A_2742 : memref<1x128xi32, #tpu.memory_space<vmem>> -> memref<128xi32, #tpu.memory_space<vmem>>
      %dma_wait3A_2744 = arith.constant 0 : i32
      %dma_wait3A_2745 = arith.constant 0 : i32
      %dma_wait3A_2746 = tpu.memref_slice %arg2[%dma_wait3A_2744, %dma_wait3A_2745] : memref<786432x16xf32, #tpu.memory_space<hbm>> -> memref<786432x16xf32, #tpu.memory_space<hbm>>
      tpu.wait_indirect_dma semaphore(%arg15 : memref<!tpu.dma_semaphore, #tpu.memory_space<semaphore_mem>>) src(%dma_wait3A_2746 : memref<786432x16xf32, #tpu.memory_space<hbm>>) dst(%dma_wait3A_2740 : memref<128x16xf32, #tpu.memory_space<vmem>>)
      %dma_wait3A_2747 = arith.constant 5 : i32
      %dma_wait3A_2748 = arith.constant 640 : i32
      %dma_wait3A_2749 = arith.constant 0 : i32
      %dma_wait3A_2750 = tpu.memref_slice %arg11[%dma_wait3A_2748, %dma_wait3A_2749] : memref<1536x16xf32, #tpu.memory_space<vmem>> -> memref<128x16xf32, #tpu.memory_space<vmem>>
      %dma_wait3A_2751 = arith.constant 0 : i32
      %dma_wait3A_2752 = tpu.memref_slice %arg9[%dma_wait3A_2747, %dma_wait3A_2751] : memref<12x128xi32, #tpu.memory_space<vmem>> -> memref<1x128xi32, #tpu.memory_space<vmem>>
      %dma_wait3A_2753 = tpu.memref_squeeze %dma_wait3A_2752 : memref<1x128xi32, #tpu.memory_space<vmem>> -> memref<128xi32, #tpu.memory_space<vmem>>
      %dma_wait3A_2754 = arith.constant 0 : i32
      %dma_wait3A_2755 = arith.constant 0 : i32
      %dma_wait3A_2756 = tpu.memref_slice %arg2[%dma_wait3A_2754, %dma_wait3A_2755] : memref<786432x16xf32, #tpu.memory_space<hbm>> -> memref<786432x16xf32, #tpu.memory_space<hbm>>
      tpu.wait_indirect_dma semaphore(%arg15 : memref<!tpu.dma_semaphore, #tpu.memory_space<semaphore_mem>>) src(%dma_wait3A_2756 : memref<786432x16xf32, #tpu.memory_space<hbm>>) dst(%dma_wait3A_2750 : memref<128x16xf32, #tpu.memory_space<vmem>>)
      %dma_wait3A_2757 = arith.constant 6 : i32
      %dma_wait3A_2758 = arith.constant 768 : i32
      %dma_wait3A_2759 = arith.constant 0 : i32
      %dma_wait3A_2760 = tpu.memref_slice %arg11[%dma_wait3A_2758, %dma_wait3A_2759] : memref<1536x16xf32, #tpu.memory_space<vmem>> -> memref<128x16xf32, #tpu.memory_space<vmem>>
      %dma_wait3A_2761 = arith.constant 0 : i32
      %dma_wait3A_2762 = tpu.memref_slice %arg9[%dma_wait3A_2757, %dma_wait3A_2761] : memref<12x128xi32, #tpu.memory_space<vmem>> -> memref<1x128xi32, #tpu.memory_space<vmem>>
      %dma_wait3A_2763 = tpu.memref_squeeze %dma_wait3A_2762 : memref<1x128xi32, #tpu.memory_space<vmem>> -> memref<128xi32, #tpu.memory_space<vmem>>
      %dma_wait3A_2764 = arith.constant 0 : i32
      %dma_wait3A_2765 = arith.constant 0 : i32
      %dma_wait3A_2766 = tpu.memref_slice %arg2[%dma_wait3A_2764, %dma_wait3A_2765] : memref<786432x16xf32, #tpu.memory_space<hbm>> -> memref<786432x16xf32, #tpu.memory_space<hbm>>
      tpu.wait_indirect_dma semaphore(%arg15 : memref<!tpu.dma_semaphore, #tpu.memory_space<semaphore_mem>>) src(%dma_wait3A_2766 : memref<786432x16xf32, #tpu.memory_space<hbm>>) dst(%dma_wait3A_2760 : memref<128x16xf32, #tpu.memory_space<vmem>>)
      %dma_wait3A_2767 = arith.constant 7 : i32
      %dma_wait3A_2768 = arith.constant 896 : i32
      %dma_wait3A_2769 = arith.constant 0 : i32
      %dma_wait3A_2770 = tpu.memref_slice %arg11[%dma_wait3A_2768, %dma_wait3A_2769] : memref<1536x16xf32, #tpu.memory_space<vmem>> -> memref<128x16xf32, #tpu.memory_space<vmem>>
      %dma_wait3A_2771 = arith.constant 0 : i32
      %dma_wait3A_2772 = tpu.memref_slice %arg9[%dma_wait3A_2767, %dma_wait3A_2771] : memref<12x128xi32, #tpu.memory_space<vmem>> -> memref<1x128xi32, #tpu.memory_space<vmem>>
      %dma_wait3A_2773 = tpu.memref_squeeze %dma_wait3A_2772 : memref<1x128xi32, #tpu.memory_space<vmem>> -> memref<128xi32, #tpu.memory_space<vmem>>
      %dma_wait3A_2774 = arith.constant 0 : i32
      %dma_wait3A_2775 = arith.constant 0 : i32
      %dma_wait3A_2776 = tpu.memref_slice %arg2[%dma_wait3A_2774, %dma_wait3A_2775] : memref<786432x16xf32, #tpu.memory_space<hbm>> -> memref<786432x16xf32, #tpu.memory_space<hbm>>
      tpu.wait_indirect_dma semaphore(%arg15 : memref<!tpu.dma_semaphore, #tpu.memory_space<semaphore_mem>>) src(%dma_wait3A_2776 : memref<786432x16xf32, #tpu.memory_space<hbm>>) dst(%dma_wait3A_2770 : memref<128x16xf32, #tpu.memory_space<vmem>>)
      %dma_wait3A_2777 = arith.constant 8 : i32
      %dma_wait3A_2778 = arith.constant 1024 : i32
      %dma_wait3A_2779 = arith.constant 0 : i32
      %dma_wait3A_2780 = tpu.memref_slice %arg11[%dma_wait3A_2778, %dma_wait3A_2779] : memref<1536x16xf32, #tpu.memory_space<vmem>> -> memref<128x16xf32, #tpu.memory_space<vmem>>
      %dma_wait3A_2781 = arith.constant 0 : i32
      %dma_wait3A_2782 = tpu.memref_slice %arg9[%dma_wait3A_2777, %dma_wait3A_2781] : memref<12x128xi32, #tpu.memory_space<vmem>> -> memref<1x128xi32, #tpu.memory_space<vmem>>
      %dma_wait3A_2783 = tpu.memref_squeeze %dma_wait3A_2782 : memref<1x128xi32, #tpu.memory_space<vmem>> -> memref<128xi32, #tpu.memory_space<vmem>>
      %dma_wait3A_2784 = arith.constant 0 : i32
      %dma_wait3A_2785 = arith.constant 0 : i32
      %dma_wait3A_2786 = tpu.memref_slice %arg2[%dma_wait3A_2784, %dma_wait3A_2785] : memref<786432x16xf32, #tpu.memory_space<hbm>> -> memref<786432x16xf32, #tpu.memory_space<hbm>>
      tpu.wait_indirect_dma semaphore(%arg15 : memref<!tpu.dma_semaphore, #tpu.memory_space<semaphore_mem>>) src(%dma_wait3A_2786 : memref<786432x16xf32, #tpu.memory_space<hbm>>) dst(%dma_wait3A_2780 : memref<128x16xf32, #tpu.memory_space<vmem>>)
      %dma_wait3A_2787 = arith.constant 9 : i32
      %dma_wait3A_2788 = arith.constant 1152 : i32
      %dma_wait3A_2789 = arith.constant 0 : i32
      %dma_wait3A_2790 = tpu.memref_slice %arg11[%dma_wait3A_2788, %dma_wait3A_2789] : memref<1536x16xf32, #tpu.memory_space<vmem>> -> memref<128x16xf32, #tpu.memory_space<vmem>>
      %dma_wait3A_2791 = arith.constant 0 : i32
      %dma_wait3A_2792 = tpu.memref_slice %arg9[%dma_wait3A_2787, %dma_wait3A_2791] : memref<12x128xi32, #tpu.memory_space<vmem>> -> memref<1x128xi32, #tpu.memory_space<vmem>>
      %dma_wait3A_2793 = tpu.memref_squeeze %dma_wait3A_2792 : memref<1x128xi32, #tpu.memory_space<vmem>> -> memref<128xi32, #tpu.memory_space<vmem>>
      %dma_wait3A_2794 = arith.constant 0 : i32
      %dma_wait3A_2795 = arith.constant 0 : i32
      %dma_wait3A_2796 = tpu.memref_slice %arg2[%dma_wait3A_2794, %dma_wait3A_2795] : memref<786432x16xf32, #tpu.memory_space<hbm>> -> memref<786432x16xf32, #tpu.memory_space<hbm>>
      tpu.wait_indirect_dma semaphore(%arg15 : memref<!tpu.dma_semaphore, #tpu.memory_space<semaphore_mem>>) src(%dma_wait3A_2796 : memref<786432x16xf32, #tpu.memory_space<hbm>>) dst(%dma_wait3A_2790 : memref<128x16xf32, #tpu.memory_space<vmem>>)
      %dma_wait3A_2797 = arith.constant 10 : i32
      %dma_wait3A_2798 = arith.constant 1280 : i32
      %dma_wait3A_2799 = arith.constant 0 : i32
      %dma_wait3A_2800 = tpu.memref_slice %arg11[%dma_wait3A_2798, %dma_wait3A_2799] : memref<1536x16xf32, #tpu.memory_space<vmem>> -> memref<128x16xf32, #tpu.memory_space<vmem>>
      %dma_wait3A_2801 = arith.constant 0 : i32
      %dma_wait3A_2802 = tpu.memref_slice %arg9[%dma_wait3A_2797, %dma_wait3A_2801] : memref<12x128xi32, #tpu.memory_space<vmem>> -> memref<1x128xi32, #tpu.memory_space<vmem>>
      %dma_wait3A_2803 = tpu.memref_squeeze %dma_wait3A_2802 : memref<1x128xi32, #tpu.memory_space<vmem>> -> memref<128xi32, #tpu.memory_space<vmem>>
      %dma_wait3A_2804 = arith.constant 0 : i32
      %dma_wait3A_2805 = arith.constant 0 : i32
      %dma_wait3A_2806 = tpu.memref_slice %arg2[%dma_wait3A_2804, %dma_wait3A_2805] : memref<786432x16xf32, #tpu.memory_space<hbm>> -> memref<786432x16xf32, #tpu.memory_space<hbm>>
      tpu.wait_indirect_dma semaphore(%arg15 : memref<!tpu.dma_semaphore, #tpu.memory_space<semaphore_mem>>) src(%dma_wait3A_2806 : memref<786432x16xf32, #tpu.memory_space<hbm>>) dst(%dma_wait3A_2800 : memref<128x16xf32, #tpu.memory_space<vmem>>)
      %dma_wait3A_2807 = arith.constant 11 : i32
      %dma_wait3A_2808 = arith.constant 1408 : i32
      %dma_wait3A_2809 = arith.constant 0 : i32
      %dma_wait3A_2810 = tpu.memref_slice %arg11[%dma_wait3A_2808, %dma_wait3A_2809] : memref<1536x16xf32, #tpu.memory_space<vmem>> -> memref<128x16xf32, #tpu.memory_space<vmem>>
      %dma_wait3A_2811 = arith.constant 0 : i32
      %dma_wait3A_2812 = tpu.memref_slice %arg9[%dma_wait3A_2807, %dma_wait3A_2811] : memref<12x128xi32, #tpu.memory_space<vmem>> -> memref<1x128xi32, #tpu.memory_space<vmem>>
      %dma_wait3A_2813 = tpu.memref_squeeze %dma_wait3A_2812 : memref<1x128xi32, #tpu.memory_space<vmem>> -> memref<128xi32, #tpu.memory_space<vmem>>
      %dma_wait3A_2814 = arith.constant 0 : i32
      %dma_wait3A_2815 = arith.constant 0 : i32
      %dma_wait3A_2816 = tpu.memref_slice %arg2[%dma_wait3A_2814, %dma_wait3A_2815] : memref<786432x16xf32, #tpu.memory_space<hbm>> -> memref<786432x16xf32, #tpu.memory_space<hbm>>
      tpu.wait_indirect_dma semaphore(%arg15 : memref<!tpu.dma_semaphore, #tpu.memory_space<semaphore_mem>>) src(%dma_wait3A_2816 : memref<786432x16xf32, #tpu.memory_space<hbm>>) dst(%dma_wait3A_2810 : memref<128x16xf32, #tpu.memory_space<vmem>>)
      %mul3A_2817 = arith.constant 32 : i32
      %mul3A_2818 = arith.muli %add3A, %mul3A_2817 : i32
      %add3A_2819 = arith.addi %mul3A_2818, %add3A_2696 : i32
      %mul3A_2820 = arith.constant 768 : i32
      %mul3A_2821 = arith.muli %add3A_2819, %mul3A_2820 : i32
      %dma_wait3A_2822 = arith.constant 0 : i32
      %dma_wait3A_2823 = tpu.memref_slice %arg5[%mul3A_2821, %dma_wait3A_2822] : memref<786432x128xf32, #tpu.memory_space<hbm>> -> memref<768x16xf32, #tpu.memory_space<hbm>>
      %dma_wait3A_2824 = arith.constant 0 : i32
      %dma_wait3A_2825 = tpu.memref_slice %arg5[%mul3A_2821, %dma_wait3A_2824] : memref<786432x128xf32, #tpu.memory_space<hbm>> -> memref<768x16xf32, #tpu.memory_space<hbm>>
      tpu.wait_dma2 semaphore(%arg17 : memref<!tpu.dma_semaphore, #tpu.memory_space<semaphore_mem>>) src(%arg13 : memref<768x16xf32, #tpu.memory_space<vmem>>) dst(%dma_wait3A_2825 : memref<768x16xf32, #tpu.memory_space<hbm>>)
      %jit3A_2826 = arith.constant 8 : i32
      %div3A_2827 = arith.divsi %add3A_2696, %jit3A_2826 : i32
      %sign3A_2828 = arith.constant 0 : i32
      %sign3A_2829 = arith.cmpi sgt, %add3A_2696, %sign3A_2828 : i32
      %sign3A_2830 = arith.extui %sign3A_2829 : i1 to i32
      %sign3A_2831 = arith.constant 0 : i32
      %sign3A_2832 = arith.cmpi slt, %add3A_2696, %sign3A_2831 : i32
      %sign3A_2833 = arith.extui %sign3A_2832 : i1 to i32
      %sign3A_2834 = arith.subi %sign3A_2830, %sign3A_2833 : i32
      %sign3A_2835 = arith.constant 0 : i32
      %sign3A_2836 = arith.cmpi sgt, %jit3A_2826, %sign3A_2835 : i32
      %sign3A_2837 = arith.extui %sign3A_2836 : i1 to i32
      %sign3A_2838 = arith.constant 0 : i32
      %sign3A_2839 = arith.cmpi slt, %jit3A_2826, %sign3A_2838 : i32
      %sign3A_2840 = arith.extui %sign3A_2839 : i1 to i32
      %sign3A_2841 = arith.subi %sign3A_2837, %sign3A_2840 : i32
      %ne3A_2842 = arith.cmpi ne, %sign3A_2834, %sign3A_2841 : i32
      %rem3A_2843 = arith.remsi %add3A_2696, %jit3A_2826 : i32
      %ne3A_2844 = arith.constant 0 : i32
      %ne3A_2845 = arith.cmpi ne, %rem3A_2843, %ne3A_2844 : i32
      %and3A_2846 = arith.andi %ne3A_2842, %ne3A_2845 : i1
      %sub3A_2847 = arith.constant 1 : i32
      %sub3A_2848 = arith.subi %div3A_2827, %sub3A_2847 : i32
      %select_n3A_2849 = arith.select %and3A_2846, %sub3A_2848, %div3A_2827 : i32
      %jit3A_2850 = arith.constant 8 : i32
      %eq3A_2851 = arith.constant 0 : i32
      %eq3A_2852 = arith.cmpi eq, %jit3A_2850, %eq3A_2851 : i32
      %jit3A_2853 = arith.constant 1 : i32
      %select_n3A_2854 = arith.select %eq3A_2852, %jit3A_2853, %jit3A_2850 : i32
      %rem3A_2855 = arith.remsi %add3A_2696, %select_n3A_2854 : i32
      %ne3A_2856 = arith.constant 0 : i32
      %ne3A_2857 = arith.cmpi ne, %rem3A_2855, %ne3A_2856 : i32
      %lt3A_2858 = arith.constant 0 : i32
      %lt3A_2859 = arith.cmpi slt, %rem3A_2855, %lt3A_2858 : i32
      %lt3A_2860 = arith.constant 0 : i32
      %lt3A_2861 = arith.cmpi slt, %select_n3A_2854, %lt3A_2860 : i32
      %ne3A_2862 = arith.xori %lt3A_2859, %lt3A_2861 : i1
      %and3A_2863 = arith.andi %ne3A_2862, %ne3A_2857 : i1
      %add3A_2864 = arith.addi %rem3A_2855, %select_n3A_2854 : i32
      %select_n3A_2865 = arith.select %and3A_2863, %add3A_2864, %rem3A_2855 : i32
      %mul3A_2866 = arith.constant 16 : i32
      %mul3A_2867 = arith.muli %select_n3A_2865, %mul3A_2866 : i32
      %get3A_2868 = arith.index_cast %select_n3A_2849 : i32 to index
      %get3A_2869 = arith.index_cast %mul3A_2867 : i32 to index
      %get3A_2870 = tpu.vector_load %arg7[%get3A_2868, %get3A_2869] {strides = array<i32>} : memref<4x128xi32, #tpu.memory_space<vmem>>, vector<16xi32>,
      %and3A_2871 = arith.constant 15 : i32
      %and3A_2872 = vector.broadcast %and3A_2871 : i32 to vector<16xi32>
      %and3A_2873 = arith.andi %get3A_2870, %and3A_2872 : vector<16xi32>
      %add3A_2874 = arith.addi %and3A_2873, %iota3A : vector<16xi32>
      %shift_right_arithmetic3A_2875 = arith.constant 4 : i32
      %shift_right_arithmetic3A_2876 = vector.broadcast %shift_right_arithmetic3A_2875 : i32 to vector<16xi32>
      %shift_right_arithmetic3A_2877 = arith.shrsi %add3A_2874, %shift_right_arithmetic3A_2876 : vector<16xi32>
      %mul3A_2878 = arith.constant 768 : i32
      %mul3A_2879 = vector.broadcast %mul3A_2878 : i32 to vector<16xi32>
      %mul3A_2880 = arith.muli %shift_right_arithmetic3A_2877, %mul3A_2879 : vector<16xi32>
      %and3A_2881 = arith.constant 15 : i32
      %and3A_2882 = vector.broadcast %and3A_2881 : i32 to vector<16xi32>
      %and3A_2883 = arith.andi %add3A_2874, %and3A_2882 : vector<16xi32>
      %scan3A_2884 = arith.constant 0 : i32
      %scan3A_2885 = arith.constant 0 : i32
      %scan3A_2886 = arith.constant 768 : i32
      %scan3A_2887 = arith.addi %scan3A_2885, %scan3A_2886 : i32
      %scan3A_2888 = arith.constant 8 : i32
      scf.for %scan3A_2899 = %scan3A_2885 to %scan3A_2887 step %scan3A_2888  : i32 {
        %add3A_2900 = vector.broadcast %scan3A_2899 : i32 to vector<16xi32>
        %add3A_2901 = arith.addi %add3A_2900, %mul3A_2880 : vector<16xi32>
        %gather3A = tpu.vector_load_idx %arg11[%add3A_2901, %and3A_2883] : memref<1536x16xf32, #tpu.memory_space<vmem>>[vector<16xi32>, vector<16xi32>], vector<16xf32>,
        %swap3A_2902 = arith.index_cast %scan3A_2899 : i32 to index
        %swap3A_2903 = arith.constant 0 : index
        %swap3A_2904 = tpu.vector_load %arg13[%swap3A_2902, %swap3A_2903] {strides = array<i32>} : memref<768x16xf32, #tpu.memory_space<vmem>>, vector<16xf32>,
        tpu.vector_store %arg13[%swap3A_2902, %swap3A_2903], %gather3A {strides = array<i32>} : memref<768x16xf32, #tpu.memory_space<vmem>>, vector<16xf32>,
        %scan3A_2905 = arith.constant 1 : i32
        %scan3A_2906 = arith.addi %scan3A_2899, %scan3A_2905 : i32
        %add3A_2907 = vector.broadcast %scan3A_2906 : i32 to vector<16xi32>
        %add3A_2908 = arith.addi %add3A_2907, %mul3A_2880 : vector<16xi32>
        %gather3A_2909 = tpu.vector_load_idx %arg11[%add3A_2908, %and3A_2883] : memref<1536x16xf32, #tpu.memory_space<vmem>>[vector<16xi32>, vector<16xi32>], vector<16xf32>,
        %swap3A_2910 = arith.index_cast %scan3A_2906 : i32 to index
        %swap3A_2911 = arith.constant 0 : index
        %swap3A_2912 = tpu.vector_load %arg13[%swap3A_2910, %swap3A_2911] {strides = array<i32>} : memref<768x16xf32, #tpu.memory_space<vmem>>, vector<16xf32>,
        tpu.vector_store %arg13[%swap3A_2910, %swap3A_2911], %gather3A_2909 {strides = array<i32>} : memref<768x16xf32, #tpu.memory_space<vmem>>, vector<16xf32>,
        %scan3A_2913 = arith.constant 2 : i32
        %scan3A_2914 = arith.addi %scan3A_2899, %scan3A_2913 : i32
        %add3A_2915 = vector.broadcast %scan3A_2914 : i32 to vector<16xi32>
        %add3A_2916 = arith.addi %add3A_2915, %mul3A_2880 : vector<16xi32>
        %gather3A_2917 = tpu.vector_load_idx %arg11[%add3A_2916, %and3A_2883] : memref<1536x16xf32, #tpu.memory_space<vmem>>[vector<16xi32>, vector<16xi32>], vector<16xf32>,
        %swap3A_2918 = arith.index_cast %scan3A_2914 : i32 to index
        %swap3A_2919 = arith.constant 0 : index
        %swap3A_2920 = tpu.vector_load %arg13[%swap3A_2918, %swap3A_2919] {strides = array<i32>} : memref<768x16xf32, #tpu.memory_space<vmem>>, vector<16xf32>,
        tpu.vector_store %arg13[%swap3A_2918, %swap3A_2919], %gather3A_2917 {strides = array<i32>} : memref<768x16xf32, #tpu.memory_space<vmem>>, vector<16xf32>,
        %scan3A_2921 = arith.constant 3 : i32
        %scan3A_2922 = arith.addi %scan3A_2899, %scan3A_2921 : i32
        %add3A_2923 = vector.broadcast %scan3A_2922 : i32 to vector<16xi32>
        %add3A_2924 = arith.addi %add3A_2923, %mul3A_2880 : vector<16xi32>
        %gather3A_2925 = tpu.vector_load_idx %arg11[%add3A_2924, %and3A_2883] : memref<1536x16xf32, #tpu.memory_space<vmem>>[vector<16xi32>, vector<16xi32>], vector<16xf32>,
        %swap3A_2926 = arith.index_cast %scan3A_2922 : i32 to index
        %swap3A_2927 = arith.constant 0 : index
        %swap3A_2928 = tpu.vector_load %arg13[%swap3A_2926, %swap3A_2927] {strides = array<i32>} : memref<768x16xf32, #tpu.memory_space<vmem>>, vector<16xf32>,
        tpu.vector_store %arg13[%swap3A_2926, %swap3A_2927], %gather3A_2925 {strides = array<i32>} : memref<768x16xf32, #tpu.memory_space<vmem>>, vector<16xf32>,
        %scan3A_2929 = arith.constant 4 : i32
        %scan3A_2930 = arith.addi %scan3A_2899, %scan3A_2929 : i32
        %add3A_2931 = vector.broadcast %scan3A_2930 : i32 to vector<16xi32>
        %add3A_2932 = arith.addi %add3A_2931, %mul3A_2880 : vector<16xi32>
        %gather3A_2933 = tpu.vector_load_idx %arg11[%add3A_2932, %and3A_2883] : memref<1536x16xf32, #tpu.memory_space<vmem>>[vector<16xi32>, vector<16xi32>], vector<16xf32>,
        %swap3A_2934 = arith.index_cast %scan3A_2930 : i32 to index
        %swap3A_2935 = arith.constant 0 : index
        %swap3A_2936 = tpu.vector_load %arg13[%swap3A_2934, %swap3A_2935] {strides = array<i32>} : memref<768x16xf32, #tpu.memory_space<vmem>>, vector<16xf32>,
        tpu.vector_store %arg13[%swap3A_2934, %swap3A_2935], %gather3A_2933 {strides = array<i32>} : memref<768x16xf32, #tpu.memory_space<vmem>>, vector<16xf32>,
        %scan3A_2937 = arith.constant 5 : i32
        %scan3A_2938 = arith.addi %scan3A_2899, %scan3A_2937 : i32
        %add3A_2939 = vector.broadcast %scan3A_2938 : i32 to vector<16xi32>
        %add3A_2940 = arith.addi %add3A_2939, %mul3A_2880 : vector<16xi32>
        %gather3A_2941 = tpu.vector_load_idx %arg11[%add3A_2940, %and3A_2883] : memref<1536x16xf32, #tpu.memory_space<vmem>>[vector<16xi32>, vector<16xi32>], vector<16xf32>,
        %swap3A_2942 = arith.index_cast %scan3A_2938 : i32 to index
        %swap3A_2943 = arith.constant 0 : index
        %swap3A_2944 = tpu.vector_load %arg13[%swap3A_2942, %swap3A_2943] {strides = array<i32>} : memref<768x16xf32, #tpu.memory_space<vmem>>, vector<16xf32>,
        tpu.vector_store %arg13[%swap3A_2942, %swap3A_2943], %gather3A_2941 {strides = array<i32>} : memref<768x16xf32, #tpu.memory_space<vmem>>, vector<16xf32>,
        %scan3A_2945 = arith.constant 6 : i32
        %scan3A_2946 = arith.addi %scan3A_2899, %scan3A_2945 : i32
        %add3A_2947 = vector.broadcast %scan3A_2946 : i32 to vector<16xi32>
        %add3A_2948 = arith.addi %add3A_2947, %mul3A_2880 : vector<16xi32>
        %gather3A_2949 = tpu.vector_load_idx %arg11[%add3A_2948, %and3A_2883] : memref<1536x16xf32, #tpu.memory_space<vmem>>[vector<16xi32>, vector<16xi32>], vector<16xf32>,
        %swap3A_2950 = arith.index_cast %scan3A_2946 : i32 to index
        %swap3A_2951 = arith.constant 0 : index
        %swap3A_2952 = tpu.vector_load %arg13[%swap3A_2950, %swap3A_2951] {strides = array<i32>} : memref<768x16xf32, #tpu.memory_space<vmem>>, vector<16xf32>,
        tpu.vector_store %arg13[%swap3A_2950, %swap3A_2951], %gather3A_2949 {strides = array<i32>} : memref<768x16xf32, #tpu.memory_space<vmem>>, vector<16xf32>,
        %scan3A_2953 = arith.constant 7 : i32
        %scan3A_2954 = arith.addi %scan3A_2899, %scan3A_2953 : i32
        %add3A_2955 = vector.broadcast %scan3A_2954 : i32 to vector<16xi32>
        %add3A_2956 = arith.addi %add3A_2955, %mul3A_2880 : vector<16xi32>
        %gather3A_2957 = tpu.vector_load_idx %arg11[%add3A_2956, %and3A_2883] : memref<1536x16xf32, #tpu.memory_space<vmem>>[vector<16xi32>, vector<16xi32>], vector<16xf32>,
        %swap3A_2958 = arith.index_cast %scan3A_2954 : i32 to index
        %swap3A_2959 = arith.constant 0 : index
        %swap3A_2960 = tpu.vector_load %arg13[%swap3A_2958, %swap3A_2959] {strides = array<i32>} : memref<768x16xf32, #tpu.memory_space<vmem>>, vector<16xf32>,
        tpu.vector_store %arg13[%swap3A_2958, %swap3A_2959], %gather3A_2957 {strides = array<i32>} : memref<768x16xf32, #tpu.memory_space<vmem>>, vector<16xf32>,
      }
      %scan3A_2889 = arith.constant 768 : i32
      %mul3A_2890 = arith.constant 32 : i32
      %mul3A_2891 = arith.muli %add3A, %mul3A_2890 : i32
      %add3A_2892 = arith.addi %mul3A_2891, %add3A_2696 : i32
      %mul3A_2893 = arith.constant 768 : i32
      %mul3A_2894 = arith.muli %add3A_2892, %mul3A_2893 : i32
      %dma_start3A_2895 = arith.constant 0 : i32
      %dma_start3A_2896 = tpu.memref_slice %arg5[%mul3A_2894, %dma_start3A_2895] : memref<786432x128xf32, #tpu.memory_space<hbm>> -> memref<768x16xf32, #tpu.memory_space<hbm>>
      %dma_start3A_2897 = arith.constant 0 : i32
      %dma_start3A_2898 = tpu.memref_slice %arg5[%mul3A_2894, %dma_start3A_2897] : memref<786432x128xf32, #tpu.memory_space<hbm>> -> memref<768x16xf32, #tpu.memory_space<hbm>>
      tpu.enqueue_dma source(%arg13 : memref<768x16xf32, #tpu.memory_space<vmem>>) target(%dma_start3A_2898 : memref<768x16xf32, #tpu.memory_space<hbm>>) target_semaphore(%arg17 : memref<!tpu.dma_semaphore, #tpu.memory_space<semaphore_mem>>)
    }
    %scan3A_741 = arith.constant 16 : i32
    %dma_wait3A = arith.constant 0 : i32
    %dma_wait3A_742 = arith.constant 0 : i32
    %dma_wait3A_743 = arith.constant 0 : i32
    %dma_wait3A_744 = tpu.memref_slice %arg10[%dma_wait3A_742, %dma_wait3A_743] : memref<1536x16xf32, #tpu.memory_space<vmem>> -> memref<128x16xf32, #tpu.memory_space<vmem>>
    %dma_wait3A_745 = arith.constant 0 : i32
    %dma_wait3A_746 = tpu.memref_slice %arg8[%dma_wait3A, %dma_wait3A_745] : memref<12x128xi32, #tpu.memory_space<vmem>> -> memref<1x128xi32, #tpu.memory_space<vmem>>
    %dma_wait3A_747 = tpu.memref_squeeze %dma_wait3A_746 : memref<1x128xi32, #tpu.memory_space<vmem>> -> memref<128xi32, #tpu.memory_space<vmem>>
    %dma_wait3A_748 = arith.constant 0 : i32
    %dma_wait3A_749 = arith.constant 0 : i32
    %dma_wait3A_750 = tpu.memref_slice %arg2[%dma_wait3A_748, %dma_wait3A_749] : memref<786432x16xf32, #tpu.memory_space<hbm>> -> memref<786432x16xf32, #tpu.memory_space<hbm>>
    tpu.wait_indirect_dma semaphore(%arg14 : memref<!tpu.dma_semaphore, #tpu.memory_space<semaphore_mem>>) src(%dma_wait3A_750 : memref<786432x16xf32, #tpu.memory_space<hbm>>) dst(%dma_wait3A_744 : memref<128x16xf32, #tpu.memory_space<vmem>>)
    %dma_wait3A_751 = arith.constant 1 : i32
    %dma_wait3A_752 = arith.constant 128 : i32
    %dma_wait3A_753 = arith.constant 0 : i32
    %dma_wait3A_754 = tpu.memref_slice %arg10[%dma_wait3A_752, %dma_wait3A_753] : memref<1536x16xf32, #tpu.memory_space<vmem>> -> memref<128x16xf32, #tpu.memory_space<vmem>>
    %dma_wait3A_755 = arith.constant 0 : i32
    %dma_wait3A_756 = tpu.memref_slice %arg8[%dma_wait3A_751, %dma_wait3A_755] : memref<12x128xi32, #tpu.memory_space<vmem>> -> memref<1x128xi32, #tpu.memory_space<vmem>>
    %dma_wait3A_757 = tpu.memref_squeeze %dma_wait3A_756 : memref<1x128xi32, #tpu.memory_space<vmem>> -> memref<128xi32, #tpu.memory_space<vmem>>
    %dma_wait3A_758 = arith.constant 0 : i32
    %dma_wait3A_759 = arith.constant 0 : i32
    %dma_wait3A_760 = tpu.memref_slice %arg2[%dma_wait3A_758, %dma_wait3A_759] : memref<786432x16xf32, #tpu.memory_space<hbm>> -> memref<786432x16xf32, #tpu.memory_space<hbm>>
    tpu.wait_indirect_dma semaphore(%arg14 : memref<!tpu.dma_semaphore, #tpu.memory_space<semaphore_mem>>) src(%dma_wait3A_760 : memref<786432x16xf32, #tpu.memory_space<hbm>>) dst(%dma_wait3A_754 : memref<128x16xf32, #tpu.memory_space<vmem>>)
    %dma_wait3A_761 = arith.constant 2 : i32
    %dma_wait3A_762 = arith.constant 256 : i32
    %dma_wait3A_763 = arith.constant 0 : i32
    %dma_wait3A_764 = tpu.memref_slice %arg10[%dma_wait3A_762, %dma_wait3A_763] : memref<1536x16xf32, #tpu.memory_space<vmem>> -> memref<128x16xf32, #tpu.memory_space<vmem>>
    %dma_wait3A_765 = arith.constant 0 : i32
    %dma_wait3A_766 = tpu.memref_slice %arg8[%dma_wait3A_761, %dma_wait3A_765] : memref<12x128xi32, #tpu.memory_space<vmem>> -> memref<1x128xi32, #tpu.memory_space<vmem>>
    %dma_wait3A_767 = tpu.memref_squeeze %dma_wait3A_766 : memref<1x128xi32, #tpu.memory_space<vmem>> -> memref<128xi32, #tpu.memory_space<vmem>>
    %dma_wait3A_768 = arith.constant 0 : i32
    %dma_wait3A_769 = arith.constant 0 : i32
    %dma_wait3A_770 = tpu.memref_slice %arg2[%dma_wait3A_768, %dma_wait3A_769] : memref<786432x16xf32, #tpu.memory_space<hbm>> -> memref<786432x16xf32, #tpu.memory_space<hbm>>
    tpu.wait_indirect_dma semaphore(%arg14 : memref<!tpu.dma_semaphore, #tpu.memory_space<semaphore_mem>>) src(%dma_wait3A_770 : memref<786432x16xf32, #tpu.memory_space<hbm>>) dst(%dma_wait3A_764 : memref<128x16xf32, #tpu.memory_space<vmem>>)
    %dma_wait3A_771 = arith.constant 3 : i32
    %dma_wait3A_772 = arith.constant 384 : i32
    %dma_wait3A_773 = arith.constant 0 : i32
    %dma_wait3A_774 = tpu.memref_slice %arg10[%dma_wait3A_772, %dma_wait3A_773] : memref<1536x16xf32, #tpu.memory_space<vmem>> -> memref<128x16xf32, #tpu.memory_space<vmem>>
    %dma_wait3A_775 = arith.constant 0 : i32
    %dma_wait3A_776 = tpu.memref_slice %arg8[%dma_wait3A_771, %dma_wait3A_775] : memref<12x128xi32, #tpu.memory_space<vmem>> -> memref<1x128xi32, #tpu.memory_space<vmem>>
    %dma_wait3A_777 = tpu.memref_squeeze %dma_wait3A_776 : memref<1x128xi32, #tpu.memory_space<vmem>> -> memref<128xi32, #tpu.memory_space<vmem>>
    %dma_wait3A_778 = arith.constant 0 : i32
    %dma_wait3A_779 = arith.constant 0 : i32
    %dma_wait3A_780 = tpu.memref_slice %arg2[%dma_wait3A_778, %dma_wait3A_779] : memref<786432x16xf32, #tpu.memory_space<hbm>> -> memref<786432x16xf32, #tpu.memory_space<hbm>>
    tpu.wait_indirect_dma semaphore(%arg14 : memref<!tpu.dma_semaphore, #tpu.memory_space<semaphore_mem>>) src(%dma_wait3A_780 : memref<786432x16xf32, #tpu.memory_space<hbm>>) dst(%dma_wait3A_774 : memref<128x16xf32, #tpu.memory_space<vmem>>)
    %dma_wait3A_781 = arith.constant 4 : i32
    %dma_wait3A_782 = arith.constant 512 : i32
    %dma_wait3A_783 = arith.constant 0 : i32
    %dma_wait3A_784 = tpu.memref_slice %arg10[%dma_wait3A_782, %dma_wait3A_783] : memref<1536x16xf32, #tpu.memory_space<vmem>> -> memref<128x16xf32, #tpu.memory_space<vmem>>
    %dma_wait3A_785 = arith.constant 0 : i32
    %dma_wait3A_786 = tpu.memref_slice %arg8[%dma_wait3A_781, %dma_wait3A_785] : memref<12x128xi32, #tpu.memory_space<vmem>> -> memref<1x128xi32, #tpu.memory_space<vmem>>
    %dma_wait3A_787 = tpu.memref_squeeze %dma_wait3A_786 : memref<1x128xi32, #tpu.memory_space<vmem>> -> memref<128xi32, #tpu.memory_space<vmem>>
    %dma_wait3A_788 = arith.constant 0 : i32
    %dma_wait3A_789 = arith.constant 0 : i32
    %dma_wait3A_790 = tpu.memref_slice %arg2[%dma_wait3A_788, %dma_wait3A_789] : memref<786432x16xf32, #tpu.memory_space<hbm>> -> memref<786432x16xf32, #tpu.memory_space<hbm>>
    tpu.wait_indirect_dma semaphore(%arg14 : memref<!tpu.dma_semaphore, #tpu.memory_space<semaphore_mem>>) src(%dma_wait3A_790 : memref<786432x16xf32, #tpu.memory_space<hbm>>) dst(%dma_wait3A_784 : memref<128x16xf32, #tpu.memory_space<vmem>>)
    %dma_wait3A_791 = arith.constant 5 : i32
    %dma_wait3A_792 = arith.constant 640 : i32
    %dma_wait3A_793 = arith.constant 0 : i32
    %dma_wait3A_794 = tpu.memref_slice %arg10[%dma_wait3A_792, %dma_wait3A_793] : memref<1536x16xf32, #tpu.memory_space<vmem>> -> memref<128x16xf32, #tpu.memory_space<vmem>>
    %dma_wait3A_795 = arith.constant 0 : i32
    %dma_wait3A_796 = tpu.memref_slice %arg8[%dma_wait3A_791, %dma_wait3A_795] : memref<12x128xi32, #tpu.memory_space<vmem>> -> memref<1x128xi32, #tpu.memory_space<vmem>>
    %dma_wait3A_797 = tpu.memref_squeeze %dma_wait3A_796 : memref<1x128xi32, #tpu.memory_space<vmem>> -> memref<128xi32, #tpu.memory_space<vmem>>
    %dma_wait3A_798 = arith.constant 0 : i32
    %dma_wait3A_799 = arith.constant 0 : i32
    %dma_wait3A_800 = tpu.memref_slice %arg2[%dma_wait3A_798, %dma_wait3A_799] : memref<786432x16xf32, #tpu.memory_space<hbm>> -> memref<786432x16xf32, #tpu.memory_space<hbm>>
    tpu.wait_indirect_dma semaphore(%arg14 : memref<!tpu.dma_semaphore, #tpu.memory_space<semaphore_mem>>) src(%dma_wait3A_800 : memref<786432x16xf32, #tpu.memory_space<hbm>>) dst(%dma_wait3A_794 : memref<128x16xf32, #tpu.memory_space<vmem>>)
    %dma_wait3A_801 = arith.constant 6 : i32
    %dma_wait3A_802 = arith.constant 768 : i32
    %dma_wait3A_803 = arith.constant 0 : i32
    %dma_wait3A_804 = tpu.memref_slice %arg10[%dma_wait3A_802, %dma_wait3A_803] : memref<1536x16xf32, #tpu.memory_space<vmem>> -> memref<128x16xf32, #tpu.memory_space<vmem>>
    %dma_wait3A_805 = arith.constant 0 : i32
    %dma_wait3A_806 = tpu.memref_slice %arg8[%dma_wait3A_801, %dma_wait3A_805] : memref<12x128xi32, #tpu.memory_space<vmem>> -> memref<1x128xi32, #tpu.memory_space<vmem>>
    %dma_wait3A_807 = tpu.memref_squeeze %dma_wait3A_806 : memref<1x128xi32, #tpu.memory_space<vmem>> -> memref<128xi32, #tpu.memory_space<vmem>>
    %dma_wait3A_808 = arith.constant 0 : i32
    %dma_wait3A_809 = arith.constant 0 : i32
    %dma_wait3A_810 = tpu.memref_slice %arg2[%dma_wait3A_808, %dma_wait3A_809] : memref<786432x16xf32, #tpu.memory_space<hbm>> -> memref<786432x16xf32, #tpu.memory_space<hbm>>
    tpu.wait_indirect_dma semaphore(%arg14 : memref<!tpu.dma_semaphore, #tpu.memory_space<semaphore_mem>>) src(%dma_wait3A_810 : memref<786432x16xf32, #tpu.memory_space<hbm>>) dst(%dma_wait3A_804 : memref<128x16xf32, #tpu.memory_space<vmem>>)
    %dma_wait3A_811 = arith.constant 7 : i32
    %dma_wait3A_812 = arith.constant 896 : i32
    %dma_wait3A_813 = arith.constant 0 : i32
    %dma_wait3A_814 = tpu.memref_slice %arg10[%dma_wait3A_812, %dma_wait3A_813] : memref<1536x16xf32, #tpu.memory_space<vmem>> -> memref<128x16xf32, #tpu.memory_space<vmem>>
    %dma_wait3A_815 = arith.constant 0 : i32
    %dma_wait3A_816 = tpu.memref_slice %arg8[%dma_wait3A_811, %dma_wait3A_815] : memref<12x128xi32, #tpu.memory_space<vmem>> -> memref<1x128xi32, #tpu.memory_space<vmem>>
    %dma_wait3A_817 = tpu.memref_squeeze %dma_wait3A_816 : memref<1x128xi32, #tpu.memory_space<vmem>> -> memref<128xi32, #tpu.memory_space<vmem>>
    %dma_wait3A_818 = arith.constant 0 : i32
    %dma_wait3A_819 = arith.constant 0 : i32
    %dma_wait3A_820 = tpu.memref_slice %arg2[%dma_wait3A_818, %dma_wait3A_819] : memref<786432x16xf32, #tpu.memory_space<hbm>> -> memref<786432x16xf32, #tpu.memory_space<hbm>>
    tpu.wait_indirect_dma semaphore(%arg14 : memref<!tpu.dma_semaphore, #tpu.memory_space<semaphore_mem>>) src(%dma_wait3A_820 : memref<786432x16xf32, #tpu.memory_space<hbm>>) dst(%dma_wait3A_814 : memref<128x16xf32, #tpu.memory_space<vmem>>)
    %dma_wait3A_821 = arith.constant 8 : i32
    %dma_wait3A_822 = arith.constant 1024 : i32
    %dma_wait3A_823 = arith.constant 0 : i32
    %dma_wait3A_824 = tpu.memref_slice %arg10[%dma_wait3A_822, %dma_wait3A_823] : memref<1536x16xf32, #tpu.memory_space<vmem>> -> memref<128x16xf32, #tpu.memory_space<vmem>>
    %dma_wait3A_825 = arith.constant 0 : i32
    %dma_wait3A_826 = tpu.memref_slice %arg8[%dma_wait3A_821, %dma_wait3A_825] : memref<12x128xi32, #tpu.memory_space<vmem>> -> memref<1x128xi32, #tpu.memory_space<vmem>>
    %dma_wait3A_827 = tpu.memref_squeeze %dma_wait3A_826 : memref<1x128xi32, #tpu.memory_space<vmem>> -> memref<128xi32, #tpu.memory_space<vmem>>
    %dma_wait3A_828 = arith.constant 0 : i32
    %dma_wait3A_829 = arith.constant 0 : i32
    %dma_wait3A_830 = tpu.memref_slice %arg2[%dma_wait3A_828, %dma_wait3A_829] : memref<786432x16xf32, #tpu.memory_space<hbm>> -> memref<786432x16xf32, #tpu.memory_space<hbm>>
    tpu.wait_indirect_dma semaphore(%arg14 : memref<!tpu.dma_semaphore, #tpu.memory_space<semaphore_mem>>) src(%dma_wait3A_830 : memref<786432x16xf32, #tpu.memory_space<hbm>>) dst(%dma_wait3A_824 : memref<128x16xf32, #tpu.memory_space<vmem>>)
    %dma_wait3A_831 = arith.constant 9 : i32
    %dma_wait3A_832 = arith.constant 1152 : i32
    %dma_wait3A_833 = arith.constant 0 : i32
    %dma_wait3A_834 = tpu.memref_slice %arg10[%dma_wait3A_832, %dma_wait3A_833] : memref<1536x16xf32, #tpu.memory_space<vmem>> -> memref<128x16xf32, #tpu.memory_space<vmem>>
    %dma_wait3A_835 = arith.constant 0 : i32
    %dma_wait3A_836 = tpu.memref_slice %arg8[%dma_wait3A_831, %dma_wait3A_835] : memref<12x128xi32, #tpu.memory_space<vmem>> -> memref<1x128xi32, #tpu.memory_space<vmem>>
    %dma_wait3A_837 = tpu.memref_squeeze %dma_wait3A_836 : memref<1x128xi32, #tpu.memory_space<vmem>> -> memref<128xi32, #tpu.memory_space<vmem>>
    %dma_wait3A_838 = arith.constant 0 : i32
    %dma_wait3A_839 = arith.constant 0 : i32
    %dma_wait3A_840 = tpu.memref_slice %arg2[%dma_wait3A_838, %dma_wait3A_839] : memref<786432x16xf32, #tpu.memory_space<hbm>> -> memref<786432x16xf32, #tpu.memory_space<hbm>>
    tpu.wait_indirect_dma semaphore(%arg14 : memref<!tpu.dma_semaphore, #tpu.memory_space<semaphore_mem>>) src(%dma_wait3A_840 : memref<786432x16xf32, #tpu.memory_space<hbm>>) dst(%dma_wait3A_834 : memref<128x16xf32, #tpu.memory_space<vmem>>)
    %dma_wait3A_841 = arith.constant 10 : i32
    %dma_wait3A_842 = arith.constant 1280 : i32
    %dma_wait3A_843 = arith.constant 0 : i32
    %dma_wait3A_844 = tpu.memref_slice %arg10[%dma_wait3A_842, %dma_wait3A_843] : memref<1536x16xf32, #tpu.memory_space<vmem>> -> memref<128x16xf32, #tpu.memory_space<vmem>>
    %dma_wait3A_845 = arith.constant 0 : i32
    %dma_wait3A_846 = tpu.memref_slice %arg8[%dma_wait3A_841, %dma_wait3A_845] : memref<12x128xi32, #tpu.memory_space<vmem>> -> memref<1x128xi32, #tpu.memory_space<vmem>>
    %dma_wait3A_847 = tpu.memref_squeeze %dma_wait3A_846 : memref<1x128xi32, #tpu.memory_space<vmem>> -> memref<128xi32, #tpu.memory_space<vmem>>
    %dma_wait3A_848 = arith.constant 0 : i32
    %dma_wait3A_849 = arith.constant 0 : i32
    %dma_wait3A_850 = tpu.memref_slice %arg2[%dma_wait3A_848, %dma_wait3A_849] : memref<786432x16xf32, #tpu.memory_space<hbm>> -> memref<786432x16xf32, #tpu.memory_space<hbm>>
    tpu.wait_indirect_dma semaphore(%arg14 : memref<!tpu.dma_semaphore, #tpu.memory_space<semaphore_mem>>) src(%dma_wait3A_850 : memref<786432x16xf32, #tpu.memory_space<hbm>>) dst(%dma_wait3A_844 : memref<128x16xf32, #tpu.memory_space<vmem>>)
    %dma_wait3A_851 = arith.constant 11 : i32
    %dma_wait3A_852 = arith.constant 1408 : i32
    %dma_wait3A_853 = arith.constant 0 : i32
    %dma_wait3A_854 = tpu.memref_slice %arg10[%dma_wait3A_852, %dma_wait3A_853] : memref<1536x16xf32, #tpu.memory_space<vmem>> -> memref<128x16xf32, #tpu.memory_space<vmem>>
    %dma_wait3A_855 = arith.constant 0 : i32
    %dma_wait3A_856 = tpu.memref_slice %arg8[%dma_wait3A_851, %dma_wait3A_855] : memref<12x128xi32, #tpu.memory_space<vmem>> -> memref<1x128xi32, #tpu.memory_space<vmem>>
    %dma_wait3A_857 = tpu.memref_squeeze %dma_wait3A_856 : memref<1x128xi32, #tpu.memory_space<vmem>> -> memref<128xi32, #tpu.memory_space<vmem>>
    %dma_wait3A_858 = arith.constant 0 : i32
    %dma_wait3A_859 = arith.constant 0 : i32
    %dma_wait3A_860 = tpu.memref_slice %arg2[%dma_wait3A_858, %dma_wait3A_859] : memref<786432x16xf32, #tpu.memory_space<hbm>> -> memref<786432x16xf32, #tpu.memory_space<hbm>>
    tpu.wait_indirect_dma semaphore(%arg14 : memref<!tpu.dma_semaphore, #tpu.memory_space<semaphore_mem>>) src(%dma_wait3A_860 : memref<786432x16xf32, #tpu.memory_space<hbm>>) dst(%dma_wait3A_854 : memref<128x16xf32, #tpu.memory_space<vmem>>)
    %mul3A_861 = arith.constant 32 : i32
    %mul3A_862 = arith.muli %add3A, %mul3A_861 : i32
    %add3A_863 = arith.constant 0 : i32
    %add3A_864 = arith.addi %mul3A_862, %add3A_863 : i32
    %mul3A_865 = arith.constant 768 : i32
    %mul3A_866 = arith.muli %add3A_864, %mul3A_865 : i32
    %dma_wait3A_867 = arith.constant 0 : i32
    %dma_wait3A_868 = tpu.memref_slice %arg5[%mul3A_866, %dma_wait3A_867] : memref<786432x128xf32, #tpu.memory_space<hbm>> -> memref<768x16xf32, #tpu.memory_space<hbm>>
    %dma_wait3A_869 = arith.constant 0 : i32
    %dma_wait3A_870 = tpu.memref_slice %arg5[%mul3A_866, %dma_wait3A_869] : memref<786432x128xf32, #tpu.memory_space<hbm>> -> memref<768x16xf32, #tpu.memory_space<hbm>>
    tpu.wait_dma2 semaphore(%arg16 : memref<!tpu.dma_semaphore, #tpu.memory_space<semaphore_mem>>) src(%arg12 : memref<768x16xf32, #tpu.memory_space<vmem>>) dst(%dma_wait3A_870 : memref<768x16xf32, #tpu.memory_space<hbm>>)
    %mul3A_871 = arith.constant 32 : i32
    %mul3A_872 = arith.muli %add3A, %mul3A_871 : i32
    %add3A_873 = arith.constant 0 : i32
    %add3A_874 = arith.addi %mul3A_872, %add3A_873 : i32
    %mul3A_875 = arith.constant 768 : i32
    %mul3A_876 = arith.muli %add3A_874, %mul3A_875 : i32
    %dma_wait3A_877 = arith.constant 0 : i32
    %dma_wait3A_878 = tpu.memref_slice %arg5[%mul3A_876, %dma_wait3A_877] : memref<786432x128xf32, #tpu.memory_space<hbm>> -> memref<768x16xf32, #tpu.memory_space<hbm>>
    %dma_wait3A_879 = arith.constant 0 : i32
    %dma_wait3A_880 = tpu.memref_slice %arg5[%mul3A_876, %dma_wait3A_879] : memref<786432x128xf32, #tpu.memory_space<hbm>> -> memref<768x16xf32, #tpu.memory_space<hbm>>
    tpu.wait_dma2 semaphore(%arg17 : memref<!tpu.dma_semaphore, #tpu.memory_space<semaphore_mem>>) src(%arg13 : memref<768x16xf32, #tpu.memory_space<vmem>>) dst(%dma_wait3A_880 : memref<768x16xf32, #tpu.memory_space<hbm>>)
    return
  }
}

module attributes {stable_mosaic.version = 14 : i64} {
  func.func @_inds_body(%arg0: i32, %arg1: memref<1024xi32, #tpu.memory_space<smem>>, %arg2: memref<1024xi32, #tpu.memory_space<smem>>, %arg3: memref<16x16x3x16x16xi32, #tpu.memory_space<vmem>>) attributes {dimension_semantics = [#tpu.dimension_semantics<arbitrary>], iteration_bounds = array<i64: 64>, scalar_prefetch = 2 : i64, scratch_operands = 0 : i64, tpu.core_type = #tpu.core_type<tc>, window_params = [{transform_indices = @transform_0, window_bounds = array<i64: 16, 16, 3, 16, 16>}]} {
    %iota3A = tpu.iota {dimensions = array<i32: 1>} : vector<1x16x3x16x16xi32>
    %iota3A_0 = tpu.iota {dimensions = array<i32: 2>} : vector<1x16x3x16x16xi32>
    %iota3A_1 = tpu.iota {dimensions = array<i32: 3>} : vector<1x16x3x16x16xi32>
    %iota3A_2 = tpu.iota {dimensions = array<i32: 4>} : vector<1x16x3x16x16xi32>
    %mul3A = arith.constant 262144 : i32
    %mul3A_3 = vector.broadcast %mul3A : i32 to vector<1x16x3x16x16xi32>
    %mul3A_4 = arith.muli %mul3A_3, %iota3A_0 : vector<1x16x3x16x16xi32>
    %mul3A_5 = arith.constant 786432 : i32
    %mul3A_6 = vector.broadcast %mul3A_5 : i32 to vector<1x16x3x16x16xi32>
    %mul3A_7 = arith.muli %mul3A_6, %iota3A : vector<1x16x3x16x16xi32>
    %add3A = arith.addi %mul3A_4, %mul3A_7 : vector<1x16x3x16x16xi32>
    %mul3A_8 = arith.constant 16 : i32
    %mul3A_9 = arith.muli %arg0, %mul3A_8 : i32
    %add3A_10 = arith.constant 0 : i32
    %add3A_11 = arith.addi %mul3A_9, %add3A_10 : i32
    %get3A = arith.index_cast %add3A_11 : i32 to index
    %get3A_12 = memref.load %arg1[%get3A] : memref<1024xi32, #tpu.memory_space<smem>>
    %mul3A_13 = arith.constant 16 : i32
    %mul3A_14 = arith.muli %arg0, %mul3A_13 : i32
    %add3A_15 = arith.constant 0 : i32
    %add3A_16 = arith.addi %mul3A_14, %add3A_15 : i32
    %get3A_17 = arith.index_cast %add3A_16 : i32 to index
    %get3A_18 = memref.load %arg2[%get3A_17] : memref<1024xi32, #tpu.memory_space<smem>>
    %add3A_19 = vector.broadcast %get3A_18 : i32 to vector<1x16x3x16x16xi32>
    %add3A_20 = arith.addi %add3A_19, %iota3A_2 : vector<1x16x3x16x16xi32>
    %and3A = arith.constant 511 : i32
    %and3A_21 = vector.broadcast %and3A : i32 to vector<1x16x3x16x16xi32>
    %and3A_22 = arith.andi %add3A_20, %and3A_21 : vector<1x16x3x16x16xi32>
    %add3A_23 = vector.broadcast %get3A_12 : i32 to vector<1x16x3x16x16xi32>
    %add3A_24 = arith.addi %add3A_23, %iota3A_1 : vector<1x16x3x16x16xi32>
    %and3A_25 = arith.constant 511 : i32
    %and3A_26 = vector.broadcast %and3A_25 : i32 to vector<1x16x3x16x16xi32>
    %and3A_27 = arith.andi %add3A_24, %and3A_26 : vector<1x16x3x16x16xi32>
    %mul3A_28 = arith.constant 512 : i32
    %mul3A_29 = vector.broadcast %mul3A_28 : i32 to vector<1x16x3x16x16xi32>
    %mul3A_30 = arith.muli %mul3A_29, %and3A_27 : vector<1x16x3x16x16xi32>
    %add3A_31 = arith.addi %and3A_22, %mul3A_30 : vector<1x16x3x16x16xi32>
    %add3A_32 = arith.addi %add3A_31, %add3A : vector<1x16x3x16x16xi32>
    %swap3A = arith.constant 0 : index
    %swap3A_33 = arith.constant 0 : index
    %swap3A_34 = arith.constant 0 : index
    %swap3A_35 = arith.constant 0 : index
    %swap3A_36 = arith.constant 0 : index
    %swap3A_37 = vector.load %arg3[%swap3A, %swap3A_33, %swap3A_34, %swap3A_35, %swap3A_36] : memref<16x16x3x16x16xi32, #tpu.memory_space<vmem>>, vector<1x16x3x16x16xi32>
    tpu.vector_store %arg3[%swap3A, %swap3A_33, %swap3A_34, %swap3A_35, %swap3A_36], %add3A_32 {strides = array<i32>} : memref<16x16x3x16x16xi32, #tpu.memory_space<vmem>>, vector<1x16x3x16x16xi32>,
    %mul3A_38 = arith.constant 16 : i32
    %mul3A_39 = arith.muli %arg0, %mul3A_38 : i32
    %add3A_40 = arith.constant 1 : i32
    %add3A_41 = arith.addi %mul3A_39, %add3A_40 : i32
    %get3A_42 = arith.index_cast %add3A_41 : i32 to index
    %get3A_43 = memref.load %arg1[%get3A_42] : memref<1024xi32, #tpu.memory_space<smem>>
    %mul3A_44 = arith.constant 16 : i32
    %mul3A_45 = arith.muli %arg0, %mul3A_44 : i32
    %add3A_46 = arith.constant 1 : i32
    %add3A_47 = arith.addi %mul3A_45, %add3A_46 : i32
    %get3A_48 = arith.index_cast %add3A_47 : i32 to index
    %get3A_49 = memref.load %arg2[%get3A_48] : memref<1024xi32, #tpu.memory_space<smem>>
    %add3A_50 = vector.broadcast %get3A_49 : i32 to vector<1x16x3x16x16xi32>
    %add3A_51 = arith.addi %add3A_50, %iota3A_2 : vector<1x16x3x16x16xi32>
    %and3A_52 = arith.constant 511 : i32
    %and3A_53 = vector.broadcast %and3A_52 : i32 to vector<1x16x3x16x16xi32>
    %and3A_54 = arith.andi %add3A_51, %and3A_53 : vector<1x16x3x16x16xi32>
    %add3A_55 = vector.broadcast %get3A_43 : i32 to vector<1x16x3x16x16xi32>
    %add3A_56 = arith.addi %add3A_55, %iota3A_1 : vector<1x16x3x16x16xi32>
    %and3A_57 = arith.constant 511 : i32
    %and3A_58 = vector.broadcast %and3A_57 : i32 to vector<1x16x3x16x16xi32>
    %and3A_59 = arith.andi %add3A_56, %and3A_58 : vector<1x16x3x16x16xi32>
    %mul3A_60 = arith.constant 512 : i32
    %mul3A_61 = vector.broadcast %mul3A_60 : i32 to vector<1x16x3x16x16xi32>
    %mul3A_62 = arith.muli %mul3A_61, %and3A_59 : vector<1x16x3x16x16xi32>
    %add3A_63 = arith.addi %and3A_54, %mul3A_62 : vector<1x16x3x16x16xi32>
    %add3A_64 = arith.addi %add3A_63, %add3A : vector<1x16x3x16x16xi32>
    %swap3A_65 = arith.constant 1 : index
    %swap3A_66 = arith.constant 0 : index
    %swap3A_67 = arith.constant 0 : index
    %swap3A_68 = arith.constant 0 : index
    %swap3A_69 = arith.constant 0 : index
    %swap3A_70 = vector.load %arg3[%swap3A_65, %swap3A_66, %swap3A_67, %swap3A_68, %swap3A_69] : memref<16x16x3x16x16xi32, #tpu.memory_space<vmem>>, vector<1x16x3x16x16xi32>
    tpu.vector_store %arg3[%swap3A_65, %swap3A_66, %swap3A_67, %swap3A_68, %swap3A_69], %add3A_64 {strides = array<i32>} : memref<16x16x3x16x16xi32, #tpu.memory_space<vmem>>, vector<1x16x3x16x16xi32>,
    %mul3A_71 = arith.constant 16 : i32
    %mul3A_72 = arith.muli %arg0, %mul3A_71 : i32
    %add3A_73 = arith.constant 2 : i32
    %add3A_74 = arith.addi %mul3A_72, %add3A_73 : i32
    %get3A_75 = arith.index_cast %add3A_74 : i32 to index
    %get3A_76 = memref.load %arg1[%get3A_75] : memref<1024xi32, #tpu.memory_space<smem>>
    %mul3A_77 = arith.constant 16 : i32
    %mul3A_78 = arith.muli %arg0, %mul3A_77 : i32
    %add3A_79 = arith.constant 2 : i32
    %add3A_80 = arith.addi %mul3A_78, %add3A_79 : i32
    %get3A_81 = arith.index_cast %add3A_80 : i32 to index
    %get3A_82 = memref.load %arg2[%get3A_81] : memref<1024xi32, #tpu.memory_space<smem>>
    %add3A_83 = vector.broadcast %get3A_82 : i32 to vector<1x16x3x16x16xi32>
    %add3A_84 = arith.addi %add3A_83, %iota3A_2 : vector<1x16x3x16x16xi32>
    %and3A_85 = arith.constant 511 : i32
    %and3A_86 = vector.broadcast %and3A_85 : i32 to vector<1x16x3x16x16xi32>
    %and3A_87 = arith.andi %add3A_84, %and3A_86 : vector<1x16x3x16x16xi32>
    %add3A_88 = vector.broadcast %get3A_76 : i32 to vector<1x16x3x16x16xi32>
    %add3A_89 = arith.addi %add3A_88, %iota3A_1 : vector<1x16x3x16x16xi32>
    %and3A_90 = arith.constant 511 : i32
    %and3A_91 = vector.broadcast %and3A_90 : i32 to vector<1x16x3x16x16xi32>
    %and3A_92 = arith.andi %add3A_89, %and3A_91 : vector<1x16x3x16x16xi32>
    %mul3A_93 = arith.constant 512 : i32
    %mul3A_94 = vector.broadcast %mul3A_93 : i32 to vector<1x16x3x16x16xi32>
    %mul3A_95 = arith.muli %mul3A_94, %and3A_92 : vector<1x16x3x16x16xi32>
    %add3A_96 = arith.addi %and3A_87, %mul3A_95 : vector<1x16x3x16x16xi32>
    %add3A_97 = arith.addi %add3A_96, %add3A : vector<1x16x3x16x16xi32>
    %swap3A_98 = arith.constant 2 : index
    %swap3A_99 = arith.constant 0 : index
    %swap3A_100 = arith.constant 0 : index
    %swap3A_101 = arith.constant 0 : index
    %swap3A_102 = arith.constant 0 : index
    %swap3A_103 = vector.load %arg3[%swap3A_98, %swap3A_99, %swap3A_100, %swap3A_101, %swap3A_102] : memref<16x16x3x16x16xi32, #tpu.memory_space<vmem>>, vector<1x16x3x16x16xi32>
    tpu.vector_store %arg3[%swap3A_98, %swap3A_99, %swap3A_100, %swap3A_101, %swap3A_102], %add3A_97 {strides = array<i32>} : memref<16x16x3x16x16xi32, #tpu.memory_space<vmem>>, vector<1x16x3x16x16xi32>,
    %mul3A_104 = arith.constant 16 : i32
    %mul3A_105 = arith.muli %arg0, %mul3A_104 : i32
    %add3A_106 = arith.constant 3 : i32
    %add3A_107 = arith.addi %mul3A_105, %add3A_106 : i32
    %get3A_108 = arith.index_cast %add3A_107 : i32 to index
    %get3A_109 = memref.load %arg1[%get3A_108] : memref<1024xi32, #tpu.memory_space<smem>>
    %mul3A_110 = arith.constant 16 : i32
    %mul3A_111 = arith.muli %arg0, %mul3A_110 : i32
    %add3A_112 = arith.constant 3 : i32
    %add3A_113 = arith.addi %mul3A_111, %add3A_112 : i32
    %get3A_114 = arith.index_cast %add3A_113 : i32 to index
    %get3A_115 = memref.load %arg2[%get3A_114] : memref<1024xi32, #tpu.memory_space<smem>>
    %add3A_116 = vector.broadcast %get3A_115 : i32 to vector<1x16x3x16x16xi32>
    %add3A_117 = arith.addi %add3A_116, %iota3A_2 : vector<1x16x3x16x16xi32>
    %and3A_118 = arith.constant 511 : i32
    %and3A_119 = vector.broadcast %and3A_118 : i32 to vector<1x16x3x16x16xi32>
    %and3A_120 = arith.andi %add3A_117, %and3A_119 : vector<1x16x3x16x16xi32>
    %add3A_121 = vector.broadcast %get3A_109 : i32 to vector<1x16x3x16x16xi32>
    %add3A_122 = arith.addi %add3A_121, %iota3A_1 : vector<1x16x3x16x16xi32>
    %and3A_123 = arith.constant 511 : i32
    %and3A_124 = vector.broadcast %and3A_123 : i32 to vector<1x16x3x16x16xi32>
    %and3A_125 = arith.andi %add3A_122, %and3A_124 : vector<1x16x3x16x16xi32>
    %mul3A_126 = arith.constant 512 : i32
    %mul3A_127 = vector.broadcast %mul3A_126 : i32 to vector<1x16x3x16x16xi32>
    %mul3A_128 = arith.muli %mul3A_127, %and3A_125 : vector<1x16x3x16x16xi32>
    %add3A_129 = arith.addi %and3A_120, %mul3A_128 : vector<1x16x3x16x16xi32>
    %add3A_130 = arith.addi %add3A_129, %add3A : vector<1x16x3x16x16xi32>
    %swap3A_131 = arith.constant 3 : index
    %swap3A_132 = arith.constant 0 : index
    %swap3A_133 = arith.constant 0 : index
    %swap3A_134 = arith.constant 0 : index
    %swap3A_135 = arith.constant 0 : index
    %swap3A_136 = vector.load %arg3[%swap3A_131, %swap3A_132, %swap3A_133, %swap3A_134, %swap3A_135] : memref<16x16x3x16x16xi32, #tpu.memory_space<vmem>>, vector<1x16x3x16x16xi32>
    tpu.vector_store %arg3[%swap3A_131, %swap3A_132, %swap3A_133, %swap3A_134, %swap3A_135], %add3A_130 {strides = array<i32>} : memref<16x16x3x16x16xi32, #tpu.memory_space<vmem>>, vector<1x16x3x16x16xi32>,
    %mul3A_137 = arith.constant 16 : i32
    %mul3A_138 = arith.muli %arg0, %mul3A_137 : i32
    %add3A_139 = arith.constant 4 : i32
    %add3A_140 = arith.addi %mul3A_138, %add3A_139 : i32
    %get3A_141 = arith.index_cast %add3A_140 : i32 to index
    %get3A_142 = memref.load %arg1[%get3A_141] : memref<1024xi32, #tpu.memory_space<smem>>
    %mul3A_143 = arith.constant 16 : i32
    %mul3A_144 = arith.muli %arg0, %mul3A_143 : i32
    %add3A_145 = arith.constant 4 : i32
    %add3A_146 = arith.addi %mul3A_144, %add3A_145 : i32
    %get3A_147 = arith.index_cast %add3A_146 : i32 to index
    %get3A_148 = memref.load %arg2[%get3A_147] : memref<1024xi32, #tpu.memory_space<smem>>
    %add3A_149 = vector.broadcast %get3A_148 : i32 to vector<1x16x3x16x16xi32>
    %add3A_150 = arith.addi %add3A_149, %iota3A_2 : vector<1x16x3x16x16xi32>
    %and3A_151 = arith.constant 511 : i32
    %and3A_152 = vector.broadcast %and3A_151 : i32 to vector<1x16x3x16x16xi32>
    %and3A_153 = arith.andi %add3A_150, %and3A_152 : vector<1x16x3x16x16xi32>
    %add3A_154 = vector.broadcast %get3A_142 : i32 to vector<1x16x3x16x16xi32>
    %add3A_155 = arith.addi %add3A_154, %iota3A_1 : vector<1x16x3x16x16xi32>
    %and3A_156 = arith.constant 511 : i32
    %and3A_157 = vector.broadcast %and3A_156 : i32 to vector<1x16x3x16x16xi32>
    %and3A_158 = arith.andi %add3A_155, %and3A_157 : vector<1x16x3x16x16xi32>
    %mul3A_159 = arith.constant 512 : i32
    %mul3A_160 = vector.broadcast %mul3A_159 : i32 to vector<1x16x3x16x16xi32>
    %mul3A_161 = arith.muli %mul3A_160, %and3A_158 : vector<1x16x3x16x16xi32>
    %add3A_162 = arith.addi %and3A_153, %mul3A_161 : vector<1x16x3x16x16xi32>
    %add3A_163 = arith.addi %add3A_162, %add3A : vector<1x16x3x16x16xi32>
    %swap3A_164 = arith.constant 4 : index
    %swap3A_165 = arith.constant 0 : index
    %swap3A_166 = arith.constant 0 : index
    %swap3A_167 = arith.constant 0 : index
    %swap3A_168 = arith.constant 0 : index
    %swap3A_169 = vector.load %arg3[%swap3A_164, %swap3A_165, %swap3A_166, %swap3A_167, %swap3A_168] : memref<16x16x3x16x16xi32, #tpu.memory_space<vmem>>, vector<1x16x3x16x16xi32>
    tpu.vector_store %arg3[%swap3A_164, %swap3A_165, %swap3A_166, %swap3A_167, %swap3A_168], %add3A_163 {strides = array<i32>} : memref<16x16x3x16x16xi32, #tpu.memory_space<vmem>>, vector<1x16x3x16x16xi32>,
    %mul3A_170 = arith.constant 16 : i32
    %mul3A_171 = arith.muli %arg0, %mul3A_170 : i32
    %add3A_172 = arith.constant 5 : i32
    %add3A_173 = arith.addi %mul3A_171, %add3A_172 : i32
    %get3A_174 = arith.index_cast %add3A_173 : i32 to index
    %get3A_175 = memref.load %arg1[%get3A_174] : memref<1024xi32, #tpu.memory_space<smem>>
    %mul3A_176 = arith.constant 16 : i32
    %mul3A_177 = arith.muli %arg0, %mul3A_176 : i32
    %add3A_178 = arith.constant 5 : i32
    %add3A_179 = arith.addi %mul3A_177, %add3A_178 : i32
    %get3A_180 = arith.index_cast %add3A_179 : i32 to index
    %get3A_181 = memref.load %arg2[%get3A_180] : memref<1024xi32, #tpu.memory_space<smem>>
    %add3A_182 = vector.broadcast %get3A_181 : i32 to vector<1x16x3x16x16xi32>
    %add3A_183 = arith.addi %add3A_182, %iota3A_2 : vector<1x16x3x16x16xi32>
    %and3A_184 = arith.constant 511 : i32
    %and3A_185 = vector.broadcast %and3A_184 : i32 to vector<1x16x3x16x16xi32>
    %and3A_186 = arith.andi %add3A_183, %and3A_185 : vector<1x16x3x16x16xi32>
    %add3A_187 = vector.broadcast %get3A_175 : i32 to vector<1x16x3x16x16xi32>
    %add3A_188 = arith.addi %add3A_187, %iota3A_1 : vector<1x16x3x16x16xi32>
    %and3A_189 = arith.constant 511 : i32
    %and3A_190 = vector.broadcast %and3A_189 : i32 to vector<1x16x3x16x16xi32>
    %and3A_191 = arith.andi %add3A_188, %and3A_190 : vector<1x16x3x16x16xi32>
    %mul3A_192 = arith.constant 512 : i32
    %mul3A_193 = vector.broadcast %mul3A_192 : i32 to vector<1x16x3x16x16xi32>
    %mul3A_194 = arith.muli %mul3A_193, %and3A_191 : vector<1x16x3x16x16xi32>
    %add3A_195 = arith.addi %and3A_186, %mul3A_194 : vector<1x16x3x16x16xi32>
    %add3A_196 = arith.addi %add3A_195, %add3A : vector<1x16x3x16x16xi32>
    %swap3A_197 = arith.constant 5 : index
    %swap3A_198 = arith.constant 0 : index
    %swap3A_199 = arith.constant 0 : index
    %swap3A_200 = arith.constant 0 : index
    %swap3A_201 = arith.constant 0 : index
    %swap3A_202 = vector.load %arg3[%swap3A_197, %swap3A_198, %swap3A_199, %swap3A_200, %swap3A_201] : memref<16x16x3x16x16xi32, #tpu.memory_space<vmem>>, vector<1x16x3x16x16xi32>
    tpu.vector_store %arg3[%swap3A_197, %swap3A_198, %swap3A_199, %swap3A_200, %swap3A_201], %add3A_196 {strides = array<i32>} : memref<16x16x3x16x16xi32, #tpu.memory_space<vmem>>, vector<1x16x3x16x16xi32>,
    %mul3A_203 = arith.constant 16 : i32
    %mul3A_204 = arith.muli %arg0, %mul3A_203 : i32
    %add3A_205 = arith.constant 6 : i32
    %add3A_206 = arith.addi %mul3A_204, %add3A_205 : i32
    %get3A_207 = arith.index_cast %add3A_206 : i32 to index
    %get3A_208 = memref.load %arg1[%get3A_207] : memref<1024xi32, #tpu.memory_space<smem>>
    %mul3A_209 = arith.constant 16 : i32
    %mul3A_210 = arith.muli %arg0, %mul3A_209 : i32
    %add3A_211 = arith.constant 6 : i32
    %add3A_212 = arith.addi %mul3A_210, %add3A_211 : i32
    %get3A_213 = arith.index_cast %add3A_212 : i32 to index
    %get3A_214 = memref.load %arg2[%get3A_213] : memref<1024xi32, #tpu.memory_space<smem>>
    %add3A_215 = vector.broadcast %get3A_214 : i32 to vector<1x16x3x16x16xi32>
    %add3A_216 = arith.addi %add3A_215, %iota3A_2 : vector<1x16x3x16x16xi32>
    %and3A_217 = arith.constant 511 : i32
    %and3A_218 = vector.broadcast %and3A_217 : i32 to vector<1x16x3x16x16xi32>
    %and3A_219 = arith.andi %add3A_216, %and3A_218 : vector<1x16x3x16x16xi32>
    %add3A_220 = vector.broadcast %get3A_208 : i32 to vector<1x16x3x16x16xi32>
    %add3A_221 = arith.addi %add3A_220, %iota3A_1 : vector<1x16x3x16x16xi32>
    %and3A_222 = arith.constant 511 : i32
    %and3A_223 = vector.broadcast %and3A_222 : i32 to vector<1x16x3x16x16xi32>
    %and3A_224 = arith.andi %add3A_221, %and3A_223 : vector<1x16x3x16x16xi32>
    %mul3A_225 = arith.constant 512 : i32
    %mul3A_226 = vector.broadcast %mul3A_225 : i32 to vector<1x16x3x16x16xi32>
    %mul3A_227 = arith.muli %mul3A_226, %and3A_224 : vector<1x16x3x16x16xi32>
    %add3A_228 = arith.addi %and3A_219, %mul3A_227 : vector<1x16x3x16x16xi32>
    %add3A_229 = arith.addi %add3A_228, %add3A : vector<1x16x3x16x16xi32>
    %swap3A_230 = arith.constant 6 : index
    %swap3A_231 = arith.constant 0 : index
    %swap3A_232 = arith.constant 0 : index
    %swap3A_233 = arith.constant 0 : index
    %swap3A_234 = arith.constant 0 : index
    %swap3A_235 = vector.load %arg3[%swap3A_230, %swap3A_231, %swap3A_232, %swap3A_233, %swap3A_234] : memref<16x16x3x16x16xi32, #tpu.memory_space<vmem>>, vector<1x16x3x16x16xi32>
    tpu.vector_store %arg3[%swap3A_230, %swap3A_231, %swap3A_232, %swap3A_233, %swap3A_234], %add3A_229 {strides = array<i32>} : memref<16x16x3x16x16xi32, #tpu.memory_space<vmem>>, vector<1x16x3x16x16xi32>,
    %mul3A_236 = arith.constant 16 : i32
    %mul3A_237 = arith.muli %arg0, %mul3A_236 : i32
    %add3A_238 = arith.constant 7 : i32
    %add3A_239 = arith.addi %mul3A_237, %add3A_238 : i32
    %get3A_240 = arith.index_cast %add3A_239 : i32 to index
    %get3A_241 = memref.load %arg1[%get3A_240] : memref<1024xi32, #tpu.memory_space<smem>>
    %mul3A_242 = arith.constant 16 : i32
    %mul3A_243 = arith.muli %arg0, %mul3A_242 : i32
    %add3A_244 = arith.constant 7 : i32
    %add3A_245 = arith.addi %mul3A_243, %add3A_244 : i32
    %get3A_246 = arith.index_cast %add3A_245 : i32 to index
    %get3A_247 = memref.load %arg2[%get3A_246] : memref<1024xi32, #tpu.memory_space<smem>>
    %add3A_248 = vector.broadcast %get3A_247 : i32 to vector<1x16x3x16x16xi32>
    %add3A_249 = arith.addi %add3A_248, %iota3A_2 : vector<1x16x3x16x16xi32>
    %and3A_250 = arith.constant 511 : i32
    %and3A_251 = vector.broadcast %and3A_250 : i32 to vector<1x16x3x16x16xi32>
    %and3A_252 = arith.andi %add3A_249, %and3A_251 : vector<1x16x3x16x16xi32>
    %add3A_253 = vector.broadcast %get3A_241 : i32 to vector<1x16x3x16x16xi32>
    %add3A_254 = arith.addi %add3A_253, %iota3A_1 : vector<1x16x3x16x16xi32>
    %and3A_255 = arith.constant 511 : i32
    %and3A_256 = vector.broadcast %and3A_255 : i32 to vector<1x16x3x16x16xi32>
    %and3A_257 = arith.andi %add3A_254, %and3A_256 : vector<1x16x3x16x16xi32>
    %mul3A_258 = arith.constant 512 : i32
    %mul3A_259 = vector.broadcast %mul3A_258 : i32 to vector<1x16x3x16x16xi32>
    %mul3A_260 = arith.muli %mul3A_259, %and3A_257 : vector<1x16x3x16x16xi32>
    %add3A_261 = arith.addi %and3A_252, %mul3A_260 : vector<1x16x3x16x16xi32>
    %add3A_262 = arith.addi %add3A_261, %add3A : vector<1x16x3x16x16xi32>
    %swap3A_263 = arith.constant 7 : index
    %swap3A_264 = arith.constant 0 : index
    %swap3A_265 = arith.constant 0 : index
    %swap3A_266 = arith.constant 0 : index
    %swap3A_267 = arith.constant 0 : index
    %swap3A_268 = vector.load %arg3[%swap3A_263, %swap3A_264, %swap3A_265, %swap3A_266, %swap3A_267] : memref<16x16x3x16x16xi32, #tpu.memory_space<vmem>>, vector<1x16x3x16x16xi32>
    tpu.vector_store %arg3[%swap3A_263, %swap3A_264, %swap3A_265, %swap3A_266, %swap3A_267], %add3A_262 {strides = array<i32>} : memref<16x16x3x16x16xi32, #tpu.memory_space<vmem>>, vector<1x16x3x16x16xi32>,
    %mul3A_269 = arith.constant 16 : i32
    %mul3A_270 = arith.muli %arg0, %mul3A_269 : i32
    %add3A_271 = arith.constant 8 : i32
    %add3A_272 = arith.addi %mul3A_270, %add3A_271 : i32
    %get3A_273 = arith.index_cast %add3A_272 : i32 to index
    %get3A_274 = memref.load %arg1[%get3A_273] : memref<1024xi32, #tpu.memory_space<smem>>
    %mul3A_275 = arith.constant 16 : i32
    %mul3A_276 = arith.muli %arg0, %mul3A_275 : i32
    %add3A_277 = arith.constant 8 : i32
    %add3A_278 = arith.addi %mul3A_276, %add3A_277 : i32
    %get3A_279 = arith.index_cast %add3A_278 : i32 to index
    %get3A_280 = memref.load %arg2[%get3A_279] : memref<1024xi32, #tpu.memory_space<smem>>
    %add3A_281 = vector.broadcast %get3A_280 : i32 to vector<1x16x3x16x16xi32>
    %add3A_282 = arith.addi %add3A_281, %iota3A_2 : vector<1x16x3x16x16xi32>
    %and3A_283 = arith.constant 511 : i32
    %and3A_284 = vector.broadcast %and3A_283 : i32 to vector<1x16x3x16x16xi32>
    %and3A_285 = arith.andi %add3A_282, %and3A_284 : vector<1x16x3x16x16xi32>
    %add3A_286 = vector.broadcast %get3A_274 : i32 to vector<1x16x3x16x16xi32>
    %add3A_287 = arith.addi %add3A_286, %iota3A_1 : vector<1x16x3x16x16xi32>
    %and3A_288 = arith.constant 511 : i32
    %and3A_289 = vector.broadcast %and3A_288 : i32 to vector<1x16x3x16x16xi32>
    %and3A_290 = arith.andi %add3A_287, %and3A_289 : vector<1x16x3x16x16xi32>
    %mul3A_291 = arith.constant 512 : i32
    %mul3A_292 = vector.broadcast %mul3A_291 : i32 to vector<1x16x3x16x16xi32>
    %mul3A_293 = arith.muli %mul3A_292, %and3A_290 : vector<1x16x3x16x16xi32>
    %add3A_294 = arith.addi %and3A_285, %mul3A_293 : vector<1x16x3x16x16xi32>
    %add3A_295 = arith.addi %add3A_294, %add3A : vector<1x16x3x16x16xi32>
    %swap3A_296 = arith.constant 8 : index
    %swap3A_297 = arith.constant 0 : index
    %swap3A_298 = arith.constant 0 : index
    %swap3A_299 = arith.constant 0 : index
    %swap3A_300 = arith.constant 0 : index
    %swap3A_301 = vector.load %arg3[%swap3A_296, %swap3A_297, %swap3A_298, %swap3A_299, %swap3A_300] : memref<16x16x3x16x16xi32, #tpu.memory_space<vmem>>, vector<1x16x3x16x16xi32>
    tpu.vector_store %arg3[%swap3A_296, %swap3A_297, %swap3A_298, %swap3A_299, %swap3A_300], %add3A_295 {strides = array<i32>} : memref<16x16x3x16x16xi32, #tpu.memory_space<vmem>>, vector<1x16x3x16x16xi32>,
    %mul3A_302 = arith.constant 16 : i32
    %mul3A_303 = arith.muli %arg0, %mul3A_302 : i32
    %add3A_304 = arith.constant 9 : i32
    %add3A_305 = arith.addi %mul3A_303, %add3A_304 : i32
    %get3A_306 = arith.index_cast %add3A_305 : i32 to index
    %get3A_307 = memref.load %arg1[%get3A_306] : memref<1024xi32, #tpu.memory_space<smem>>
    %mul3A_308 = arith.constant 16 : i32
    %mul3A_309 = arith.muli %arg0, %mul3A_308 : i32
    %add3A_310 = arith.constant 9 : i32
    %add3A_311 = arith.addi %mul3A_309, %add3A_310 : i32
    %get3A_312 = arith.index_cast %add3A_311 : i32 to index
    %get3A_313 = memref.load %arg2[%get3A_312] : memref<1024xi32, #tpu.memory_space<smem>>
    %add3A_314 = vector.broadcast %get3A_313 : i32 to vector<1x16x3x16x16xi32>
    %add3A_315 = arith.addi %add3A_314, %iota3A_2 : vector<1x16x3x16x16xi32>
    %and3A_316 = arith.constant 511 : i32
    %and3A_317 = vector.broadcast %and3A_316 : i32 to vector<1x16x3x16x16xi32>
    %and3A_318 = arith.andi %add3A_315, %and3A_317 : vector<1x16x3x16x16xi32>
    %add3A_319 = vector.broadcast %get3A_307 : i32 to vector<1x16x3x16x16xi32>
    %add3A_320 = arith.addi %add3A_319, %iota3A_1 : vector<1x16x3x16x16xi32>
    %and3A_321 = arith.constant 511 : i32
    %and3A_322 = vector.broadcast %and3A_321 : i32 to vector<1x16x3x16x16xi32>
    %and3A_323 = arith.andi %add3A_320, %and3A_322 : vector<1x16x3x16x16xi32>
    %mul3A_324 = arith.constant 512 : i32
    %mul3A_325 = vector.broadcast %mul3A_324 : i32 to vector<1x16x3x16x16xi32>
    %mul3A_326 = arith.muli %mul3A_325, %and3A_323 : vector<1x16x3x16x16xi32>
    %add3A_327 = arith.addi %and3A_318, %mul3A_326 : vector<1x16x3x16x16xi32>
    %add3A_328 = arith.addi %add3A_327, %add3A : vector<1x16x3x16x16xi32>
    %swap3A_329 = arith.constant 9 : index
    %swap3A_330 = arith.constant 0 : index
    %swap3A_331 = arith.constant 0 : index
    %swap3A_332 = arith.constant 0 : index
    %swap3A_333 = arith.constant 0 : index
    %swap3A_334 = vector.load %arg3[%swap3A_329, %swap3A_330, %swap3A_331, %swap3A_332, %swap3A_333] : memref<16x16x3x16x16xi32, #tpu.memory_space<vmem>>, vector<1x16x3x16x16xi32>
    tpu.vector_store %arg3[%swap3A_329, %swap3A_330, %swap3A_331, %swap3A_332, %swap3A_333], %add3A_328 {strides = array<i32>} : memref<16x16x3x16x16xi32, #tpu.memory_space<vmem>>, vector<1x16x3x16x16xi32>,
    %mul3A_335 = arith.constant 16 : i32
    %mul3A_336 = arith.muli %arg0, %mul3A_335 : i32
    %add3A_337 = arith.constant 10 : i32
    %add3A_338 = arith.addi %mul3A_336, %add3A_337 : i32
    %get3A_339 = arith.index_cast %add3A_338 : i32 to index
    %get3A_340 = memref.load %arg1[%get3A_339] : memref<1024xi32, #tpu.memory_space<smem>>
    %mul3A_341 = arith.constant 16 : i32
    %mul3A_342 = arith.muli %arg0, %mul3A_341 : i32
    %add3A_343 = arith.constant 10 : i32
    %add3A_344 = arith.addi %mul3A_342, %add3A_343 : i32
    %get3A_345 = arith.index_cast %add3A_344 : i32 to index
    %get3A_346 = memref.load %arg2[%get3A_345] : memref<1024xi32, #tpu.memory_space<smem>>
    %add3A_347 = vector.broadcast %get3A_346 : i32 to vector<1x16x3x16x16xi32>
    %add3A_348 = arith.addi %add3A_347, %iota3A_2 : vector<1x16x3x16x16xi32>
    %and3A_349 = arith.constant 511 : i32
    %and3A_350 = vector.broadcast %and3A_349 : i32 to vector<1x16x3x16x16xi32>
    %and3A_351 = arith.andi %add3A_348, %and3A_350 : vector<1x16x3x16x16xi32>
    %add3A_352 = vector.broadcast %get3A_340 : i32 to vector<1x16x3x16x16xi32>
    %add3A_353 = arith.addi %add3A_352, %iota3A_1 : vector<1x16x3x16x16xi32>
    %and3A_354 = arith.constant 511 : i32
    %and3A_355 = vector.broadcast %and3A_354 : i32 to vector<1x16x3x16x16xi32>
    %and3A_356 = arith.andi %add3A_353, %and3A_355 : vector<1x16x3x16x16xi32>
    %mul3A_357 = arith.constant 512 : i32
    %mul3A_358 = vector.broadcast %mul3A_357 : i32 to vector<1x16x3x16x16xi32>
    %mul3A_359 = arith.muli %mul3A_358, %and3A_356 : vector<1x16x3x16x16xi32>
    %add3A_360 = arith.addi %and3A_351, %mul3A_359 : vector<1x16x3x16x16xi32>
    %add3A_361 = arith.addi %add3A_360, %add3A : vector<1x16x3x16x16xi32>
    %swap3A_362 = arith.constant 10 : index
    %swap3A_363 = arith.constant 0 : index
    %swap3A_364 = arith.constant 0 : index
    %swap3A_365 = arith.constant 0 : index
    %swap3A_366 = arith.constant 0 : index
    %swap3A_367 = vector.load %arg3[%swap3A_362, %swap3A_363, %swap3A_364, %swap3A_365, %swap3A_366] : memref<16x16x3x16x16xi32, #tpu.memory_space<vmem>>, vector<1x16x3x16x16xi32>
    tpu.vector_store %arg3[%swap3A_362, %swap3A_363, %swap3A_364, %swap3A_365, %swap3A_366], %add3A_361 {strides = array<i32>} : memref<16x16x3x16x16xi32, #tpu.memory_space<vmem>>, vector<1x16x3x16x16xi32>,
    %mul3A_368 = arith.constant 16 : i32
    %mul3A_369 = arith.muli %arg0, %mul3A_368 : i32
    %add3A_370 = arith.constant 11 : i32
    %add3A_371 = arith.addi %mul3A_369, %add3A_370 : i32
    %get3A_372 = arith.index_cast %add3A_371 : i32 to index
    %get3A_373 = memref.load %arg1[%get3A_372] : memref<1024xi32, #tpu.memory_space<smem>>
    %mul3A_374 = arith.constant 16 : i32
    %mul3A_375 = arith.muli %arg0, %mul3A_374 : i32
    %add3A_376 = arith.constant 11 : i32
    %add3A_377 = arith.addi %mul3A_375, %add3A_376 : i32
    %get3A_378 = arith.index_cast %add3A_377 : i32 to index
    %get3A_379 = memref.load %arg2[%get3A_378] : memref<1024xi32, #tpu.memory_space<smem>>
    %add3A_380 = vector.broadcast %get3A_379 : i32 to vector<1x16x3x16x16xi32>
    %add3A_381 = arith.addi %add3A_380, %iota3A_2 : vector<1x16x3x16x16xi32>
    %and3A_382 = arith.constant 511 : i32
    %and3A_383 = vector.broadcast %and3A_382 : i32 to vector<1x16x3x16x16xi32>
    %and3A_384 = arith.andi %add3A_381, %and3A_383 : vector<1x16x3x16x16xi32>
    %add3A_385 = vector.broadcast %get3A_373 : i32 to vector<1x16x3x16x16xi32>
    %add3A_386 = arith.addi %add3A_385, %iota3A_1 : vector<1x16x3x16x16xi32>
    %and3A_387 = arith.constant 511 : i32
    %and3A_388 = vector.broadcast %and3A_387 : i32 to vector<1x16x3x16x16xi32>
    %and3A_389 = arith.andi %add3A_386, %and3A_388 : vector<1x16x3x16x16xi32>
    %mul3A_390 = arith.constant 512 : i32
    %mul3A_391 = vector.broadcast %mul3A_390 : i32 to vector<1x16x3x16x16xi32>
    %mul3A_392 = arith.muli %mul3A_391, %and3A_389 : vector<1x16x3x16x16xi32>
    %add3A_393 = arith.addi %and3A_384, %mul3A_392 : vector<1x16x3x16x16xi32>
    %add3A_394 = arith.addi %add3A_393, %add3A : vector<1x16x3x16x16xi32>
    %swap3A_395 = arith.constant 11 : index
    %swap3A_396 = arith.constant 0 : index
    %swap3A_397 = arith.constant 0 : index
    %swap3A_398 = arith.constant 0 : index
    %swap3A_399 = arith.constant 0 : index
    %swap3A_400 = vector.load %arg3[%swap3A_395, %swap3A_396, %swap3A_397, %swap3A_398, %swap3A_399] : memref<16x16x3x16x16xi32, #tpu.memory_space<vmem>>, vector<1x16x3x16x16xi32>
    tpu.vector_store %arg3[%swap3A_395, %swap3A_396, %swap3A_397, %swap3A_398, %swap3A_399], %add3A_394 {strides = array<i32>} : memref<16x16x3x16x16xi32, #tpu.memory_space<vmem>>, vector<1x16x3x16x16xi32>,
    %mul3A_401 = arith.constant 16 : i32
    %mul3A_402 = arith.muli %arg0, %mul3A_401 : i32
    %add3A_403 = arith.constant 12 : i32
    %add3A_404 = arith.addi %mul3A_402, %add3A_403 : i32
    %get3A_405 = arith.index_cast %add3A_404 : i32 to index
    %get3A_406 = memref.load %arg1[%get3A_405] : memref<1024xi32, #tpu.memory_space<smem>>
    %mul3A_407 = arith.constant 16 : i32
    %mul3A_408 = arith.muli %arg0, %mul3A_407 : i32
    %add3A_409 = arith.constant 12 : i32
    %add3A_410 = arith.addi %mul3A_408, %add3A_409 : i32
    %get3A_411 = arith.index_cast %add3A_410 : i32 to index
    %get3A_412 = memref.load %arg2[%get3A_411] : memref<1024xi32, #tpu.memory_space<smem>>
    %add3A_413 = vector.broadcast %get3A_412 : i32 to vector<1x16x3x16x16xi32>
    %add3A_414 = arith.addi %add3A_413, %iota3A_2 : vector<1x16x3x16x16xi32>
    %and3A_415 = arith.constant 511 : i32
    %and3A_416 = vector.broadcast %and3A_415 : i32 to vector<1x16x3x16x16xi32>
    %and3A_417 = arith.andi %add3A_414, %and3A_416 : vector<1x16x3x16x16xi32>
    %add3A_418 = vector.broadcast %get3A_406 : i32 to vector<1x16x3x16x16xi32>
    %add3A_419 = arith.addi %add3A_418, %iota3A_1 : vector<1x16x3x16x16xi32>
    %and3A_420 = arith.constant 511 : i32
    %and3A_421 = vector.broadcast %and3A_420 : i32 to vector<1x16x3x16x16xi32>
    %and3A_422 = arith.andi %add3A_419, %and3A_421 : vector<1x16x3x16x16xi32>
    %mul3A_423 = arith.constant 512 : i32
    %mul3A_424 = vector.broadcast %mul3A_423 : i32 to vector<1x16x3x16x16xi32>
    %mul3A_425 = arith.muli %mul3A_424, %and3A_422 : vector<1x16x3x16x16xi32>
    %add3A_426 = arith.addi %and3A_417, %mul3A_425 : vector<1x16x3x16x16xi32>
    %add3A_427 = arith.addi %add3A_426, %add3A : vector<1x16x3x16x16xi32>
    %swap3A_428 = arith.constant 12 : index
    %swap3A_429 = arith.constant 0 : index
    %swap3A_430 = arith.constant 0 : index
    %swap3A_431 = arith.constant 0 : index
    %swap3A_432 = arith.constant 0 : index
    %swap3A_433 = vector.load %arg3[%swap3A_428, %swap3A_429, %swap3A_430, %swap3A_431, %swap3A_432] : memref<16x16x3x16x16xi32, #tpu.memory_space<vmem>>, vector<1x16x3x16x16xi32>
    tpu.vector_store %arg3[%swap3A_428, %swap3A_429, %swap3A_430, %swap3A_431, %swap3A_432], %add3A_427 {strides = array<i32>} : memref<16x16x3x16x16xi32, #tpu.memory_space<vmem>>, vector<1x16x3x16x16xi32>,
    %mul3A_434 = arith.constant 16 : i32
    %mul3A_435 = arith.muli %arg0, %mul3A_434 : i32
    %add3A_436 = arith.constant 13 : i32
    %add3A_437 = arith.addi %mul3A_435, %add3A_436 : i32
    %get3A_438 = arith.index_cast %add3A_437 : i32 to index
    %get3A_439 = memref.load %arg1[%get3A_438] : memref<1024xi32, #tpu.memory_space<smem>>
    %mul3A_440 = arith.constant 16 : i32
    %mul3A_441 = arith.muli %arg0, %mul3A_440 : i32
    %add3A_442 = arith.constant 13 : i32
    %add3A_443 = arith.addi %mul3A_441, %add3A_442 : i32
    %get3A_444 = arith.index_cast %add3A_443 : i32 to index
    %get3A_445 = memref.load %arg2[%get3A_444] : memref<1024xi32, #tpu.memory_space<smem>>
    %add3A_446 = vector.broadcast %get3A_445 : i32 to vector<1x16x3x16x16xi32>
    %add3A_447 = arith.addi %add3A_446, %iota3A_2 : vector<1x16x3x16x16xi32>
    %and3A_448 = arith.constant 511 : i32
    %and3A_449 = vector.broadcast %and3A_448 : i32 to vector<1x16x3x16x16xi32>
    %and3A_450 = arith.andi %add3A_447, %and3A_449 : vector<1x16x3x16x16xi32>
    %add3A_451 = vector.broadcast %get3A_439 : i32 to vector<1x16x3x16x16xi32>
    %add3A_452 = arith.addi %add3A_451, %iota3A_1 : vector<1x16x3x16x16xi32>
    %and3A_453 = arith.constant 511 : i32
    %and3A_454 = vector.broadcast %and3A_453 : i32 to vector<1x16x3x16x16xi32>
    %and3A_455 = arith.andi %add3A_452, %and3A_454 : vector<1x16x3x16x16xi32>
    %mul3A_456 = arith.constant 512 : i32
    %mul3A_457 = vector.broadcast %mul3A_456 : i32 to vector<1x16x3x16x16xi32>
    %mul3A_458 = arith.muli %mul3A_457, %and3A_455 : vector<1x16x3x16x16xi32>
    %add3A_459 = arith.addi %and3A_450, %mul3A_458 : vector<1x16x3x16x16xi32>
    %add3A_460 = arith.addi %add3A_459, %add3A : vector<1x16x3x16x16xi32>
    %swap3A_461 = arith.constant 13 : index
    %swap3A_462 = arith.constant 0 : index
    %swap3A_463 = arith.constant 0 : index
    %swap3A_464 = arith.constant 0 : index
    %swap3A_465 = arith.constant 0 : index
    %swap3A_466 = vector.load %arg3[%swap3A_461, %swap3A_462, %swap3A_463, %swap3A_464, %swap3A_465] : memref<16x16x3x16x16xi32, #tpu.memory_space<vmem>>, vector<1x16x3x16x16xi32>
    tpu.vector_store %arg3[%swap3A_461, %swap3A_462, %swap3A_463, %swap3A_464, %swap3A_465], %add3A_460 {strides = array<i32>} : memref<16x16x3x16x16xi32, #tpu.memory_space<vmem>>, vector<1x16x3x16x16xi32>,
    %mul3A_467 = arith.constant 16 : i32
    %mul3A_468 = arith.muli %arg0, %mul3A_467 : i32
    %add3A_469 = arith.constant 14 : i32
    %add3A_470 = arith.addi %mul3A_468, %add3A_469 : i32
    %get3A_471 = arith.index_cast %add3A_470 : i32 to index
    %get3A_472 = memref.load %arg1[%get3A_471] : memref<1024xi32, #tpu.memory_space<smem>>
    %mul3A_473 = arith.constant 16 : i32
    %mul3A_474 = arith.muli %arg0, %mul3A_473 : i32
    %add3A_475 = arith.constant 14 : i32
    %add3A_476 = arith.addi %mul3A_474, %add3A_475 : i32
    %get3A_477 = arith.index_cast %add3A_476 : i32 to index
    %get3A_478 = memref.load %arg2[%get3A_477] : memref<1024xi32, #tpu.memory_space<smem>>
    %add3A_479 = vector.broadcast %get3A_478 : i32 to vector<1x16x3x16x16xi32>
    %add3A_480 = arith.addi %add3A_479, %iota3A_2 : vector<1x16x3x16x16xi32>
    %and3A_481 = arith.constant 511 : i32
    %and3A_482 = vector.broadcast %and3A_481 : i32 to vector<1x16x3x16x16xi32>
    %and3A_483 = arith.andi %add3A_480, %and3A_482 : vector<1x16x3x16x16xi32>
    %add3A_484 = vector.broadcast %get3A_472 : i32 to vector<1x16x3x16x16xi32>
    %add3A_485 = arith.addi %add3A_484, %iota3A_1 : vector<1x16x3x16x16xi32>
    %and3A_486 = arith.constant 511 : i32
    %and3A_487 = vector.broadcast %and3A_486 : i32 to vector<1x16x3x16x16xi32>
    %and3A_488 = arith.andi %add3A_485, %and3A_487 : vector<1x16x3x16x16xi32>
    %mul3A_489 = arith.constant 512 : i32
    %mul3A_490 = vector.broadcast %mul3A_489 : i32 to vector<1x16x3x16x16xi32>
    %mul3A_491 = arith.muli %mul3A_490, %and3A_488 : vector<1x16x3x16x16xi32>
    %add3A_492 = arith.addi %and3A_483, %mul3A_491 : vector<1x16x3x16x16xi32>
    %add3A_493 = arith.addi %add3A_492, %add3A : vector<1x16x3x16x16xi32>
    %swap3A_494 = arith.constant 14 : index
    %swap3A_495 = arith.constant 0 : index
    %swap3A_496 = arith.constant 0 : index
    %swap3A_497 = arith.constant 0 : index
    %swap3A_498 = arith.constant 0 : index
    %swap3A_499 = vector.load %arg3[%swap3A_494, %swap3A_495, %swap3A_496, %swap3A_497, %swap3A_498] : memref<16x16x3x16x16xi32, #tpu.memory_space<vmem>>, vector<1x16x3x16x16xi32>
    tpu.vector_store %arg3[%swap3A_494, %swap3A_495, %swap3A_496, %swap3A_497, %swap3A_498], %add3A_493 {strides = array<i32>} : memref<16x16x3x16x16xi32, #tpu.memory_space<vmem>>, vector<1x16x3x16x16xi32>,
    %mul3A_500 = arith.constant 16 : i32
    %mul3A_501 = arith.muli %arg0, %mul3A_500 : i32
    %add3A_502 = arith.constant 15 : i32
    %add3A_503 = arith.addi %mul3A_501, %add3A_502 : i32
    %get3A_504 = arith.index_cast %add3A_503 : i32 to index
    %get3A_505 = memref.load %arg1[%get3A_504] : memref<1024xi32, #tpu.memory_space<smem>>
    %mul3A_506 = arith.constant 16 : i32
    %mul3A_507 = arith.muli %arg0, %mul3A_506 : i32
    %add3A_508 = arith.constant 15 : i32
    %add3A_509 = arith.addi %mul3A_507, %add3A_508 : i32
    %get3A_510 = arith.index_cast %add3A_509 : i32 to index
    %get3A_511 = memref.load %arg2[%get3A_510] : memref<1024xi32, #tpu.memory_space<smem>>
    %add3A_512 = vector.broadcast %get3A_511 : i32 to vector<1x16x3x16x16xi32>
    %add3A_513 = arith.addi %add3A_512, %iota3A_2 : vector<1x16x3x16x16xi32>
    %and3A_514 = arith.constant 511 : i32
    %and3A_515 = vector.broadcast %and3A_514 : i32 to vector<1x16x3x16x16xi32>
    %and3A_516 = arith.andi %add3A_513, %and3A_515 : vector<1x16x3x16x16xi32>
    %add3A_517 = vector.broadcast %get3A_505 : i32 to vector<1x16x3x16x16xi32>
    %add3A_518 = arith.addi %add3A_517, %iota3A_1 : vector<1x16x3x16x16xi32>
    %and3A_519 = arith.constant 511 : i32
    %and3A_520 = vector.broadcast %and3A_519 : i32 to vector<1x16x3x16x16xi32>
    %and3A_521 = arith.andi %add3A_518, %and3A_520 : vector<1x16x3x16x16xi32>
    %mul3A_522 = arith.constant 512 : i32
    %mul3A_523 = vector.broadcast %mul3A_522 : i32 to vector<1x16x3x16x16xi32>
    %mul3A_524 = arith.muli %mul3A_523, %and3A_521 : vector<1x16x3x16x16xi32>
    %add3A_525 = arith.addi %and3A_516, %mul3A_524 : vector<1x16x3x16x16xi32>
    %add3A_526 = arith.addi %add3A_525, %add3A : vector<1x16x3x16x16xi32>
    %swap3A_527 = arith.constant 15 : index
    %swap3A_528 = arith.constant 0 : index
    %swap3A_529 = arith.constant 0 : index
    %swap3A_530 = arith.constant 0 : index
    %swap3A_531 = arith.constant 0 : index
    %swap3A_532 = vector.load %arg3[%swap3A_527, %swap3A_528, %swap3A_529, %swap3A_530, %swap3A_531] : memref<16x16x3x16x16xi32, #tpu.memory_space<vmem>>, vector<1x16x3x16x16xi32>
    tpu.vector_store %arg3[%swap3A_527, %swap3A_528, %swap3A_529, %swap3A_530, %swap3A_531], %add3A_526 {strides = array<i32>} : memref<16x16x3x16x16xi32, #tpu.memory_space<vmem>>, vector<1x16x3x16x16xi32>,
    return
  }
  func.func @transform_0(%arg0: i32, %arg1: memref<1024xi32, #tpu.memory_space<smem>>, %arg2: memref<1024xi32, #tpu.memory_space<smem>>) -> (i32, i32, i32, i32, i32) {
    %c0_i32 = arith.constant 0 : i32
    %c0_i32_0 = arith.constant 0 : i32
    %c0_i32_1 = arith.constant 0 : i32
    %c0_i32_2 = arith.constant 0 : i32
    %c0_i32_3 = arith.constant 0 : i32
    return %arg0, %c0_i32, %c0_i32_0, %c0_i32_1, %c0_i32_2 : i32, i32, i32, i32, i32
  }
}

</mosaic_0001>

<sc_bundles>
// kernel: kernel.4.cloned.1.call-start
scs
__scs_entry_jumppad:
0x0: {  	(pc) =	sbr.rel $0x88, $3  }
0x1: {  	(tag) =	ssettag $0x0;
	lr =	simm.s32 $0x1  }
0x2: {  	[smem:$0x3F9E] =	sst lr;
	_ =	strace $0xD0000000  }
0x3: {  	_ = 	snop  }
0x4: {  	_ = 	snop  }
0x5: {  	_ = 	snop  }
0x6: {  	_ = 	snop  }
0x7: {  	_ = 	snop  }
__scs_overlays_trampoline_lowered:
0x8: {  	[smem:$0x3FAD] =	sst s0  }
0x9: {  	[smem:$0x3FAE] =	sst s1  }
0xa: {  	[smem:$0x3FAF] =	sst s2  }
0xb: {  	[smem:$0x3FB0] =	sst s3  }
0xc: {  	[smem:$0x3FB1] =	sst s4  }
0xd: {  	[smem:$0x3FB2] =	sst s5  }
0xe: {  	[smem:$0x3FB3] =	sst s6  }
0xf: {  	[smem:$0x3FB4] =	sst s7  }
0x10: {  	[smem:$0x3FB5] =	sst s8  }
0x11: {  	[smem:$0x3FB6] =	sst s9;
	s0 =	simm.s32 @!p0 $0x0  }
0x12: {  	s1 =	sld [smem:$0x3F9C];
	s0 =	simm.s32 @p0 $0x1  }
0x13: {  	[smem:$0x3FB7] =	sst s0;
	s0 =	simm.s32 @!p1 $0x0  }
0x14: {  	s2 =	sld [smem:$0x3F9B];
	s0 =	simm.s32 @p1 $0x1  }
0x15: {  	[smem:$0x3FB8] =	sst s0;
	s0 =	simm.s32 @!p2 $0x0  }
0x16: {  	s3 =	sld [smem:$0x3FDB];
	s0 =	simm.s32 @p2 $0x1  }
0x17: {  	s4 =	simm.s32 $0x1BF5;
	[smem:$0x3FBA] =	sst s0  }
0x18: {  	s0 =	sld [smem:$0x3F9D];
	_ =	swait.ge [sflag:s4], $0x0  }
0x19: {  	s7 =	sld [smem:$0x3F9E]  }
0x1a: {  	s8 =	sadd.s32 $0xFFFFE003, lr  }
0x1b: {  	s9 =	sadd.s32 $0xFFFFFEF7, lr;
	s5 =	simm.s32 $0xFFFFFFFF;
	p2 =	slt.u32 s8, $0xFFFFF086  }
0x1c: {  	p1 =	slt.u32 s9, $0xF7A;
	s5 =	simm.s32 @!p2 $0x0  }
0x1d: {  	s5 =	simm.s32 @p1 $0x1;
	p0 =	seq.s32 s7, s2  }
0x1e: {  	s7 =	smul.u32 @!p0 $0xF7A, s2;
	p2 =	seq.s32 @!p0 s5, $0x0  }
0x1f: {  	s9 =	smul.u32 $0xF7A, s1;
	s8 =	simm.s32 @!p0 $0x1BF5;
	p2 =	por !p2, p0  }
0x20: {  	[sflag:s8] =	ssyncset.s32 @!p0 $0xFFFFF086;
	s6 =	sadd.s32 @!p0 s3, s7;
	s7 =	simm.s32 @!p0 $0x108  }
0x21: {  	s3 =	sadd.s32 s3, s9;
	s6 =	sadd.s32 @!p0 $0x88, s6;
	s7 =	simm.s32 @p2 $0x1082  }
0x22: {  	[simem:s7], [sflag:s8] =	dma.local @!p0 [hbm:s6], $0xF7A  }
0x23: {  	s9 =	sor.u32 $0xD0000000, s2;
	s6 =	simm.s32 $0x108;
	_ =	swait.ge @!p0 [sflag:s8], $0x0  }
0x24: {  	s3 =	sadd.s32 $0x88, s3;
	s6 =	simm.s32 @!p1 $0x1082;
	[sflag:s4] =	ssyncset.s32 $0xFFFFF086  }
0x25: {  	[simem:s6], [sflag:s4] =	dma.local [hbm:s3], $0xF7A  }
0x26: {  	[smem:$0x3F9E] =	sst s1;
	(tag) =	ssettag s2;
	_ =	strace s9  }
0x27: {  	s1 =	sld [smem:$0x3FAE]  }
0x28: {  	s2 =	sld [smem:$0x3FAF]  }
0x29: {  	s4 =	sld [smem:$0x3FB1]  }
0x2a: {  	p0 =	seq.s32 s5, $0x0;
	s5 =	sld [smem:$0x3FB2]  }
0x2b: {  	s6 =	sld [smem:$0x3FB3]  }
0x2c: {  	s7 =	sld [smem:$0x3FB4]  }
0x2d: {  	s3 =	simm.s32 $0x108;
	s8 =	sld [smem:$0x3FB5]  }
0x2e: {  	s3 =	simm.s32 @!p0 $0x1082;
	s9 =	sld [smem:$0x3FB6]  }
0x2f: {  	lr =	sadd.s32 s0, s3;
	s0 =	sld [smem:$0x3FAD]  }
0x30: {  	s3 =	sld [smem:$0x3FB0]  }
0x31: {  	[smem:$0x3FB9] =	sst s10  }
0x32: {  	s10 =	sld [smem:$0x3FB7];
	_ =	sdelay $0x3  }
0x33: {  	p0 =	seq.s32 s10, $0x1;
	s10 =	sld [smem:$0x3FB9];
	_ =	sdelay $0x3  }
0x34: {  	[smem:$0x3FB9] =	sst s10  }
0x35: {  	s10 =	sld [smem:$0x3FB8];
	_ =	sdelay $0x3  }
0x36: {  	p1 =	seq.s32 s10, $0x1;
	s10 =	sld [smem:$0x3FB9];
	_ =	sdelay $0x3  }
0x37: {  	[smem:$0x3FB9] =	sst s10  }
0x38: {  	s10 =	sld [smem:$0x3FBA]  }
0x39: {  	_ = 	snop;
	(pc) =	sbr.ind lr, $3  }
0x3a: {  	_ = 	snop  }
0x3b: {  	_ = 	snop  }
0x3c: {  	p2 =	seq.s32 s10, $0x1;
	s10 =	sld [smem:$0x3FB9]  }
0x3d: {  	_ =	shalt  }
0x3e: {  	_ =	shalt  }
0x3f: {  	_ =	shalt  }
0x40: {  	_ =	shalt  }
0x41: {  	_ =	shalt  }
0x42: {  	_ =	shalt  }
0x43: {  	_ =	shalt  }
0x44: {  	_ =	shalt  }
0x45: {  	_ =	shalt  }
0x46: {  	_ =	shalt  }
0x47: {  	_ =	shalt  }
0x48: {  	_ =	shalt  }
0x49: {  	_ =	shalt  }
0x4a: {  	_ =	shalt  }
0x4b: {  	_ =	shalt  }
0x4c: {  	_ =	shalt  }
0x4d: {  	_ =	shalt  }
0x4e: {  	_ =	shalt  }
0x4f: {  	_ =	shalt  }
0x50: {  	_ =	shalt  }
0x51: {  	_ =	shalt  }
0x52: {  	_ =	shalt  }
0x53: {  	_ =	shalt  }
0x54: {  	_ =	shalt  }
0x55: {  	_ =	shalt  }
0x56: {  	_ =	shalt  }
0x57: {  	_ =	shalt  }
0x58: {  	_ =	shalt  }
0x59: {  	_ =	shalt  }
0x5a: {  	_ =	shalt  }
0x5b: {  	_ =	shalt  }
0x5c: {  	_ =	shalt  }
0x5d: {  	_ =	shalt  }
0x5e: {  	_ =	shalt  }
0x5f: {  	_ =	shalt  }
0x60: {  	_ =	shalt  }
0x61: {  	_ =	shalt  }
0x62: {  	_ =	shalt  }
0x63: {  	_ =	shalt  }
0x64: {  	_ =	shalt  }
0x65: {  	_ =	shalt  }
0x66: {  	_ =	shalt  }
0x67: {  	_ =	shalt  }
0x68: {  	_ =	shalt  }
0x69: {  	_ =	shalt  }
0x6a: {  	_ =	shalt  }
0x6b: {  	_ =	shalt  }
0x6c: {  	_ =	shalt  }
0x6d: {  	_ =	shalt  }
0x6e: {  	_ =	shalt  }
0x6f: {  	_ =	shalt  }
0x70: {  	_ =	shalt  }
0x71: {  	_ =	shalt  }
0x72: {  	_ =	shalt  }
0x73: {  	_ =	shalt  }
0x74: {  	_ =	shalt  }
0x75: {  	_ =	shalt  }
0x76: {  	_ =	shalt  }
0x77: {  	_ =	shalt  }
0x78: {  	_ =	shalt  }
0x79: {  	_ =	shalt  }
0x7a: {  	_ =	shalt  }
0x7b: {  	_ =	shalt  }
0x7c: {  	_ =	shalt  }
0x7d: {  	_ =	shalt  }
0x7e: {  	_ =	shalt  }
0x7f: {  	_ =	shalt  }
0x80: {  	_ =	shalt  }
0x81: {  	_ =	shalt  }
0x82: {  	_ =	shalt  }
0x83: {  	_ =	shalt  }
0x84: {  	_ =	shalt  }
0x85: {  	_ =	shalt  }
0x86: {  	_ =	shalt  }
0x87: {  	_ =	shalt  }
.Lfunc_end0:
.L_simem_size_0:
called_computation.2_lowered:
.L_overlay_start_0:
0x88: {  	s2 =	sld [smem:$0x3FD9]  }
0x89: {  	s3 =	sld [smem:$0x3FFE];
	_ =	sdelay $0x1  }
0x8a: {  	s1 =	srdreg.scid  }
0x8b: {  	s0 =	sand.u32 $0x1, s1  }
0x8c: {  	s14 =	sshll.u32 s0, $0xA;
	s2 =	sadd.s32 s3, s2  }
0x8d: {  	s2 =	sadd.s32 s2, s14  }
0x8e: {  	[smem:$0x3FC5] =	sst s2  }
0x8f: {  	_ = 	snop  }
0x90: {  	s2 =	sld [smem:$0x3FD0];
	_ =	sdelay $0x2  }
0x91: {  	s15 =	simm.s32 $0xA;
	s4 =	simm.s32 $0x10  }
0x92: {  	[smem:s4], [sflag:s15] =	dma.local [hbm:s2], $0x1  }
0x93: {  	_ =	swait.eq [sflag:s15], $0x1  }
0x94: {  	[sflag:s15] =	ssyncset.done $0x0  }
0x95: {  	s16 =	sld [smem:$0x10];
	[sflag:s15] =	ssyncadd.s32 $0xFFFFFFFF  }
0x96: {  	s17 =	sld [smem:$0x11];
	(tm) =	ssettm $0x1  }
0x97: {  	s18 =	sld [smem:$0x3FFB];
	_ =	sdelay $0x3  }
0x98: {  	_ =	strace s18  }
0x99: {  	s4 =	sld [smem:$0x3FFC];
	_ =	sdelay $0x3  }
0x9a: {  	_ =	strace s4  }
0x9b: {  	s4 =	sld [smem:$0x3FFD];
	_ =	sdelay $0x3  }
0x9c: {  	_ =	strace s4  }
0x9d: {  	_ =	strace $0x8FFFFFFF  }
0x9e: {  	s19 =	sld [smem:$0x3FDB];
	_ =	sdelay $0x1  }
0x9f: {  	s5 =	simm.s32 $_scs_section_size  }
0xa0: {  	s6 =	simm.s32 $_size__tile_overlayer_lowered;
	s7 =	simm.s32 $_tile_overlayer_lowered  }
0xa1: {  	s22 =	simm.s32 $0x1BFF;
	s21 =	sshll.u32 s7, $0x1;
	s4 =	sadd.s32 s5, s19  }
0xa2: {  	s8 =	simm.s32 $0x0;
	s20 =	sshll.u32 s6, $0x1;
	s6 =	sadd.s32 s21, s4  }
0xa3: {  	[timem:s8], [sflag:s22] =	dma.local [hbm:s6], s20  }
0xa4: {  	_ =	swait.ge [sflag:s22], s20  }
0xa5: {  	s5 =	ssub.s32 $0x0, s20;
	[sflag:s22] =	ssyncset.done $0x0  }
0xa6: {  	[sflag:s22] =	ssyncadd.s32 s5;
	_ =	sdelay $0x1  }
0xa7: {  	s23 =	simm.s32 $0x1B8B  }
0xa8: {  	_ =	swait.ge [sflag:s23], $0x1  }
0xa9: {  	[sflag:s23] =	ssyncset.done $0x0  }
0xaa: {  	s25 =	simm.s32 $0x1B8E;
	s24 =	sld [smem:$0x3FFE];
	[sflag:s23] =	ssyncadd.s32 $0xFFFFFFFF  }
0xab: {  	s26 =	simm.s32 $execute0_lowered;
	[smem:$0x3FD2] =	sst s25  }
0xac: {  	s6 =	sshll.u32 s26, $0x1;
	_ =	strace $0x80000049;
	[dreg:$0x1] =	wrdreg $0xFFFFFFFF  }
0xad: {  	s28 =	simm.s32 $_size_execute0_lowered;
	s4 =	sadd.s32 s4, s6;
	[dreg:$0x0] =	wrdreg $0x0  }
0xae: {  	s6 =	sshll.u32 s28, $0x1;
	[dreg:$0x2] =	wrdreg s4  }
0xaf: {  	[dreg:$0x3] =	wrdreg s6  }
0xb0: {  	[dreg:$0x4] =	wrdreg $0xC0  }
0xb1: {  	_ =	task [dreg:s8], $0x5FFFF  }
0xb2: {  	[dreg:$0x1] =	wrdreg $0xFFFFFFFF  }
0xb3: {  	[dreg:$0x0] =	wrdreg $0x60  }
0xb4: {  	[dreg:$0x2] =	wrdreg s16  }
0xb5: {  	[dreg:$0x3] =	wrdreg s17  }
0xb6: {  	[dreg:$0x4] =	wrdreg s24  }
0xb7: {  	[dreg:$0x5] =	wrdreg $0x9  }
0xb8: {  	_ =	task.clear_ibuf [dreg:s8], $0x6FFFF;
	_ =	strace $0x90000049  }
0xb9: {  	s29 =	simm.s32 $0x9;
	_ =	strace $0x8000004B  }
0xba: {  	_ =	swait.ge [sflag:s29], $0x1  }
0xbb: {  	[sflag:s29] =	ssyncadd.s32 $0xFFFFFFFF  }
0xbc: {  	_ =	strace $0x9000004B  }
0xbd: {  	_ =	sfence  }
0xbe: {  	s30 =	sld [smem:$0x0];
	_ =	sdelay $0x2  }
0xbf: {  	s31 =	sshll.u32 s1, $0xD;
	s1 =	sshrl.u32 s1, $0x2  }
0xc0: {  	s3 =	sand.u32 $0x4000, s31;
	s1 =	sadd.s32 s1, s30  }
0xc1: {  	s0 =	sor.u32 s3, s0;
	s1 =	sshll.u32 s1, $0x11  }
0xc2: {  	s0 =	sor.u32 s1, s0  }
0xc3: {  	s0 =	sadd.s32 $0x8F2B, s0  }
0xc4: {  	[sflag:s0] =	ssyncadd.remote.s32 $0x1  }
0xc5: {  	_ =	sfence.sel $0xFFFF  }
0xc6: {  	[dreg:$0x0] =	wrdreg $0xFFFFFFFF;
	(pc) =	sbr.abs _section_cstart, $3  }
0xc7: {  	[dreg:$0x1] =	wrdreg $0xFFFFFFFF  }
0xc8: {  	_ =	task.clear_ibuf [dreg:s8], $0x2FFFF;
	_ =	strace $0x9FFFFFFF  }
0xc9: {  	(tm) =	ssettm $0x7FFFFFFF  }
tec
execute0_lowered:
.L_overlay_start_1:
0x0: {  	(tag) =	ssettag $0x1  }
0x1: {  	s1 =	rddreg [dreg:$0x0]  }
0x2: {  	s0 =	rddreg [dreg:$0x1]  }
0x3: {  	s2 =	rddreg [dreg:$0x2];
	s5 =	simm.s32 $0x0  }
0x4: {  	s3 =	srdreg.scid;
	s4 =	stileid.u32;
	s13 =	simm.s32 $0x10  }
0x5: {  	s14 =	simm.s32 $0x80;
	s18 =	simm.s32 $0x1000;
	s31 =	simm.s32 $0x4000  }
0x6: {  	s12 =	simm.s32 $0x800;
	s9 =	simm.s32 $0x900;
	s10 =	simm.s32 $0x6000  }
0x7: {  	s11 =	simm.s32 $0x6800;
	s15 =	simm.s32 $0x7000;
	s21 =	simm.s32 $0x1  }
0x8: {  	s19 =	simm.s32 $0x3;
	s22 =	simm.s32 $0x2;
	s16 =	simm.s32 $0x4  }
0x9: {  	s20 =	simm.s32 $0x0;
	[smem:$0x7FF] =	sst s5;
	s3 =	sand.u32 $0x1, s3  }
0xa: {  	s4 =	sshll.u32 s4, $0x1;
	s5 =	simm.s32 $0x880;
	_ =	strace $0x8000004A  }
0xb: {  	s25 =	sor.u32 s3, s4;
	s3 =	ssub.s32 $0x2, s3;
	s4 =	sadd.s32 $0x1C00, s2  }
0xc: {  	s6 =	sshll.u32 s25, $0x6;
	s7 =	smul.u32 $0x60000, s25;
	s26 =	sshrl.u32 s3, $0x1  }
0xd: {  	s8 =	sadd.s32 s6, s2;
	s2 =	ssub.s32 s3, s26;
	s0 =	sadd.s32 s0, s6  }
0xe: {  	s3 =	simm.s32 $0x5000;
	[dreg:$0x4] =	wrdreg s0;
	s29 =	sadd.s32 $0x1400, s8  }
0xf: {  	s6 =	simm.s32 $0x980;
	s28 =	sadd.s32 s4, s7;
	[dreg:$0x6] =	wrdreg s29  }
0x10: {  	s8 =	sshll.u32 s25, $0x5;
	s30 =	smax.u32 s2, $0x1;
	[dreg:$0x5] =	wrdreg s28  }
0x11: {  	v0 =	vlaneseq.u32;
	s2 =	simm.s32 $0x4800;
	s0 =	sadd.s32 $0x3000, s28;
	[dreg:$0x8] =	wrdreg s30  }
0x12: {  	v2 =	vimm.s32 $0x1;
	v1 =	vmul.u32 $0x20, v0;
	s7 =	simm.s32 $0x5800;
	[dreg:$0x7] =	wrdreg s0;
	s0 =	simm.s32 $0x780  }
.LBB2_1:
0x13: {  	[dreg:$0x9] =	wrdreg s20  }
0x14: {  	s17 =	simm.s32 $0x0;
	s26 =	rddreg [dreg:$0x4];
	s23 =	simm.s32 $0x5  }
0x15: {  	[tilespmem:s17], [sflag:$0x5] =	stream.linear.gather [hbm4b:s26+s17], $0x200, $0x38;
	[tilespmem:$0x13000] =	vst v63  }
0x16: {  	_ =	swait.ge [sflag:s23], $0x200  }
0x17: {  	[sflag:s23] =	ssyncset.done $0x0  }
0x18: {  	s24 =	simm.s32 $0x200;
	s28 =	rddreg [dreg:$0x6];
	[sflag:s23] =	ssyncadd.s32 $0xFFFFFE00  }
0x19: {  	[tilespmem:s24], [sflag:$0x5] =	stream.linear.gather [hbm4b:s28+s17], $0x200, $0x38;
	[tilespmem:$0x13000] =	vst v63  }
0x1a: {  	_ =	swait.ge [sflag:s23], $0x200  }
0x1b: {  	[sflag:s23] =	ssyncset.done $0x0  }
0x1c: {  	s30 =	simm.s32 $0xD000;
	s29 =	rddreg [dreg:$0x5];
	[sflag:s23] =	ssyncadd.s32 $0xFFFFFE00  }
0x1d: {  	[hbm4b:s29+s13] =	stream.strided.scatter [tilespmem:s30], [sflag:$0x3], $0x3000, s14, s13, $0x38;
	[tilespmem:$0x13000] =	vst v63  }
0x1e: {  	s24 =	simm.s32 $0x10000;
	s23 =	rddreg [dreg:$0x7]  }
0x1f: {  	[hbm4b:s23+s13] =	stream.strided.scatter [tilespmem:s24], [sflag:$0x4], $0x3000, s14, s13, $0x38;
	[tilespmem:$0x13000] =	vst v63  }
0x20: {  	v3 =	vld [tilespmem:$0x0]  }
0x21: {  	v4 =	vld [tilespmem:$0x200];
	_ =	sdelay $0x3  }
0x22: {  	v3 =	vshll.u32 v3, $0x5  }
0x23: {  	v4 =	vshra.s32 v4, $0x4;
	v3 =	vadd.s32 v1, v3  }
0x24: {  	vm0 =	veq.s32 v4, $0x1F;
	v3 =	vand.u32 $0x3FE0, v3  }
0x25: {  	v4 =	vadd.s32 v4, v3;
	v3 =	vsel vm0, $0xFFFFFFE1, v2  }
0x26: {  	[tilespmem:$0x400] =	vst v4;
	v5 =	vadd.s32 v3, v4  }
0x27: {  	v18 =	vadd.s32 $0x4000, v4;
	[tilespmem:$0x700] =	vst v5  }
0x28: {  	v19 =	vadd.s32 $0x8000, v4;
	[tilespmem:$0x410] =	vst v18  }
0x29: {  	v20 =	vadd.s32 $0xC000, v4;
	[tilespmem:$0x420] =	vst v19  }
0x2a: {  	v21 =	vadd.s32 $0x10000, v4;
	[tilespmem:$0x430] =	vst v20  }
0x2b: {  	v22 =	vadd.s32 $0x14000, v4;
	[tilespmem:$0x440] =	vst v21  }
0x2c: {  	v23 =	vadd.s32 $0x18000, v4;
	[tilespmem:$0x450] =	vst v22  }
0x2d: {  	v24 =	vadd.s32 $0x1C000, v4;
	[tilespmem:$0x460] =	vst v23  }
0x2e: {  	v25 =	vadd.s32 $0x20000, v4;
	[tilespmem:$0x470] =	vst v24  }
0x2f: {  	v26 =	vadd.s32 $0x24000, v4;
	[tilespmem:$0x480] =	vst v25  }
0x30: {  	v27 =	vadd.s32 $0x28000, v4;
	[tilespmem:$0x490] =	vst v26  }
0x31: {  	v28 =	vadd.s32 $0x2C000, v4;
	[tilespmem:$0x4A0] =	vst v27  }
0x32: {  	v29 =	vadd.s32 $0x30000, v4;
	[tilespmem:$0x4B0] =	vst v28  }
0x33: {  	v30 =	vadd.s32 $0x34000, v4;
	[tilespmem:$0x4C0] =	vst v29  }
0x34: {  	v31 =	vadd.s32 $0x38000, v4;
	[tilespmem:$0x4D0] =	vst v30  }
0x35: {  	v32 =	vadd.s32 $0x3C000, v4;
	[tilespmem:$0x4E0] =	vst v31  }
0x36: {  	v33 =	vadd.s32 $0x40000, v4;
	[tilespmem:$0x4F0] =	vst v32  }
0x37: {  	v34 =	vadd.s32 $0x44000, v4;
	[tilespmem:$0x500] =	vst v33  }
0x38: {  	v35 =	vadd.s32 $0x48000, v4;
	[tilespmem:$0x510] =	vst v34  }
0x39: {  	v36 =	vadd.s32 $0x4C000, v4;
	[tilespmem:$0x520] =	vst v35  }
0x3a: {  	v37 =	vadd.s32 $0x50000, v4;
	[tilespmem:$0x530] =	vst v36  }
0x3b: {  	v38 =	vadd.s32 $0x54000, v4;
	[tilespmem:$0x540] =	vst v37  }
0x3c: {  	v39 =	vadd.s32 $0x58000, v4;
	[tilespmem:$0x550] =	vst v38  }
0x3d: {  	v40 =	vadd.s32 $0x5C000, v4;
	[tilespmem:$0x560] =	vst v39  }
0x3e: {  	v41 =	vadd.s32 $0x60000, v4;
	[tilespmem:$0x570] =	vst v40  }
0x3f: {  	v42 =	vadd.s32 $0x64000, v4;
	[tilespmem:$0x580] =	vst v41  }
0x40: {  	v43 =	vadd.s32 $0x68000, v4;
	[tilespmem:$0x590] =	vst v42  }
0x41: {  	v44 =	vadd.s32 $0x6C000, v4;
	[tilespmem:$0x5A0] =	vst v43  }
0x42: {  	v45 =	vadd.s32 $0x70000, v4;
	[tilespmem:$0x5B0] =	vst v44  }
0x43: {  	v46 =	vadd.s32 $0x74000, v4;
	[tilespmem:$0x5C0] =	vst v45  }
0x44: {  	v47 =	vadd.s32 $0x78000, v4;
	[tilespmem:$0x5D0] =	vst v46  }
0x45: {  	v48 =	vadd.s32 $0x7C000, v4;
	[tilespmem:$0x5E0] =	vst v47  }
0x46: {  	v49 =	vadd.s32 $0x80000, v4;
	[tilespmem:$0x5F0] =	vst v48  }
0x47: {  	v50 =	vadd.s32 $0x84000, v4;
	[tilespmem:$0x600] =	vst v49  }
0x48: {  	v51 =	vadd.s32 $0x88000, v4;
	[tilespmem:$0x610] =	vst v50  }
0x49: {  	v52 =	vadd.s32 $0x8C000, v4;
	[tilespmem:$0x620] =	vst v51  }
0x4a: {  	v53 =	vadd.s32 $0x90000, v4;
	[tilespmem:$0x630] =	vst v52  }
0x4b: {  	v54 =	vadd.s32 $0x94000, v4;
	[tilespmem:$0x640] =	vst v53  }
0x4c: {  	v55 =	vadd.s32 $0x98000, v4;
	[tilespmem:$0x650] =	vst v54  }
0x4d: {  	v56 =	vadd.s32 $0x9C000, v4;
	[tilespmem:$0x660] =	vst v55  }
0x4e: {  	v57 =	vadd.s32 $0xA0000, v4;
	[tilespmem:$0x670] =	vst v56  }
0x4f: {  	v58 =	vadd.s32 $0xA4000, v4;
	[tilespmem:$0x680] =	vst v57  }
0x50: {  	v59 =	vadd.s32 $0xA8000, v4;
	[tilespmem:$0x690] =	vst v58  }
0x51: {  	v60 =	vadd.s32 $0xAC000, v4;
	[tilespmem:$0x6A0] =	vst v59  }
0x52: {  	v61 =	vadd.s32 $0xB0000, v4;
	[tilespmem:$0x6B0] =	vst v60  }
0x53: {  	v62 =	vadd.s32 $0xB4000, v4;
	[tilespmem:$0x6C0] =	vst v61  }
0x54: {  	v63 =	vadd.s32 $0xB8000, v4;
	[tilespmem:$0x6D0] =	vst v62  }
0x55: {  	v4 =	vadd.s32 $0xBC000, v4;
	[tilespmem:$0x6E0] =	vst v63  }
0x56: {  	v5 =	vadd.s32 v3, v18;
	[tilespmem:$0x6F0] =	vst v4  }
0x57: {  	[tilespmem:$0x710] =	vst v5;
	v5 =	vadd.s32 v3, v19  }
0x58: {  	[tilespmem:$0x720] =	vst v5;
	v5 =	vadd.s32 v3, v20  }
0x59: {  	[tilespmem:$0x730] =	vst v5;
	v5 =	vadd.s32 v3, v21  }
0x5a: {  	[tilespmem:$0x740] =	vst v5;
	v5 =	vadd.s32 v3, v22  }
0x5b: {  	[tilespmem:$0x750] =	vst v5;
	v5 =	vadd.s32 v3, v23  }
0x5c: {  	[tilespmem:$0x760] =	vst v5;
	v5 =	vadd.s32 v3, v24  }
0x5d: {  	[tilespmem:$0x770] =	vst v5;
	v5 =	vadd.s32 v3, v25  }
0x5e: {  	[tilespmem:$0x780] =	vst v5;
	v5 =	vadd.s32 v3, v26  }
0x5f: {  	[tilespmem:$0x790] =	vst v5;
	v5 =	vadd.s32 v3, v27  }
0x60: {  	[tilespmem:$0x7A0] =	vst v5;
	v5 =	vadd.s32 v3, v28  }
0x61: {  	[tilespmem:$0x7B0] =	vst v5;
	v5 =	vadd.s32 v3, v29  }
0x62: {  	[tilespmem:$0x7C0] =	vst v5;
	v5 =	vadd.s32 v3, v30  }
0x63: {  	[tilespmem:$0x7D0] =	vst v5;
	v5 =	vadd.s32 v3, v31  }
0x64: {  	[tilespmem:$0x7E0] =	vst v5;
	v5 =	vadd.s32 v3, v32  }
0x65: {  	[tilespmem:$0x7F0] =	vst v5;
	v5 =	vadd.s32 v3, v33  }
0x66: {  	[tilespmem:$0x800] =	vst v5;
	v5 =	vadd.s32 v3, v34  }
0x67: {  	[tilespmem:$0x810] =	vst v5;
	v5 =	vadd.s32 v3, v35  }
0x68: {  	[tilespmem:$0x820] =	vst v5;
	v5 =	vadd.s32 v3, v36  }
0x69: {  	[tilespmem:$0x830] =	vst v5;
	v5 =	vadd.s32 v3, v37  }
0x6a: {  	[tilespmem:$0x840] =	vst v5;
	v5 =	vadd.s32 v3, v38  }
0x6b: {  	[tilespmem:$0x850] =	vst v5;
	v5 =	vadd.s32 v3, v39  }
0x6c: {  	[tilespmem:$0x860] =	vst v5;
	v5 =	vadd.s32 v3, v40  }
0x6d: {  	[tilespmem:$0x870] =	vst v5;
	v5 =	vadd.s32 v3, v41  }
0x6e: {  	[tilespmem:$0x880] =	vst v5;
	v5 =	vadd.s32 v3, v42  }
0x6f: {  	[tilespmem:$0x890] =	vst v5;
	v5 =	vadd.s32 v3, v43  }
0x70: {  	[tilespmem:$0x8A0] =	vst v5;
	v5 =	vadd.s32 v3, v44  }
0x71: {  	[tilespmem:$0x8B0] =	vst v5;
	v5 =	vadd.s32 v3, v45  }
0x72: {  	[tilespmem:$0x8C0] =	vst v5;
	v5 =	vadd.s32 v3, v46  }
0x73: {  	[tilespmem:$0x8D0] =	vst v5;
	v5 =	vadd.s32 v3, v47  }
0x74: {  	[tilespmem:$0x8E0] =	vst v5;
	v5 =	vadd.s32 v3, v48  }
0x75: {  	[tilespmem:$0x8F0] =	vst v5;
	v5 =	vadd.s32 v3, v49  }
0x76: {  	[tilespmem:$0x900] =	vst v5;
	v5 =	vadd.s32 v3, v50  }
0x77: {  	[tilespmem:$0x910] =	vst v5;
	v5 =	vadd.s32 v3, v51  }
0x78: {  	[tilespmem:$0x920] =	vst v5;
	v5 =	vadd.s32 v3, v52  }
0x79: {  	[tilespmem:$0x930] =	vst v5;
	v5 =	vadd.s32 v3, v53  }
0x7a: {  	[tilespmem:$0x940] =	vst v5;
	v5 =	vadd.s32 v3, v54  }
0x7b: {  	[tilespmem:$0x950] =	vst v5;
	v5 =	vadd.s32 v3, v55  }
0x7c: {  	[tilespmem:$0x960] =	vst v5;
	v5 =	vadd.s32 v3, v56  }
0x7d: {  	[tilespmem:$0x970] =	vst v5;
	v5 =	vadd.s32 v3, v57  }
0x7e: {  	[tilespmem:$0x980] =	vst v5;
	v5 =	vadd.s32 v3, v58  }
0x7f: {  	[tilespmem:$0x990] =	vst v5;
	v5 =	vadd.s32 v3, v59  }
0x80: {  	[tilespmem:$0x9A0] =	vst v5;
	v5 =	vadd.s32 v3, v60  }
0x81: {  	[tilespmem:$0x9B0] =	vst v5;
	v5 =	vadd.s32 v3, v61  }
0x82: {  	[tilespmem:$0x9C0] =	vst v5;
	v5 =	vadd.s32 v3, v62  }
0x83: {  	[tilespmem:$0x9D0] =	vst v5;
	v5 =	vadd.s32 v3, v63  }
0x84: {  	v3 =	vadd.s32 v3, v4;
	[tilespmem:$0x9E0] =	vst v5  }
0x85: {  	s25 =	simm.s32 $0x400;
	[tilespmem:$0x9F0] =	vst v3  }
0x86: {  	[tilespmem:s18], [sflag:$0x1] =	stream.indirect.gather [hbm4b:s1+s14], $0x10, s25, s14, $0xb8;
	[tilespmem:$0x13000] =	vst v63  }
0x87: {  	s26 =	simm.s32 $0x480;
	s28 =	simm.s32 $0x1800  }
0x88: {  	[tilespmem:s28], [sflag:$0x1] =	stream.indirect.gather [hbm4b:s1+s14], $0x10, s26, s14, $0xb8;
	[tilespmem:$0x13000] =	vst v63  }
0x89: {  	s29 =	simm.s32 $0x500;
	s30 =	simm.s32 $0x2000  }
0x8a: {  	[tilespmem:s30], [sflag:$0x1] =	stream.indirect.gather [hbm4b:s1+s14], $0x10, s29, s14, $0xb8;
	[tilespmem:$0x13000] =	vst v63  }
0x8b: {  	s23 =	simm.s32 $0x580;
	s24 =	simm.s32 $0x2800  }
0x8c: {  	[tilespmem:s24], [sflag:$0x1] =	stream.indirect.gather [hbm4b:s1+s14], $0x10, s23, s14, $0xb8;
	[tilespmem:$0x13000] =	vst v63  }
0x8d: {  	s25 =	simm.s32 $0x600;
	s26 =	simm.s32 $0x3000  }
0x8e: {  	[tilespmem:s26], [sflag:$0x1] =	stream.indirect.gather [hbm4b:s1+s14], $0x10, s25, s14, $0xb8;
	[tilespmem:$0x13000] =	vst v63  }
0x8f: {  	s28 =	simm.s32 $0x680;
	s29 =	simm.s32 $0x3800  }
0x90: {  	[tilespmem:s29], [sflag:$0x1] =	stream.indirect.gather [hbm4b:s1+s14], $0x10, s28, s14, $0xb8;
	[tilespmem:$0x13000] =	vst v63  }
0x91: {  	s30 =	simm.s32 $0x700  }
0x92: {  	[tilespmem:s31], [sflag:$0x1] =	stream.indirect.gather [hbm4b:s1+s14], $0x10, s30, s14, $0xb8;
	[tilespmem:$0x13000] =	vst v63  }
0x93: {  	_ = 	snop  }
0x94: {  	[tilespmem:s2], [sflag:$0x1] =	stream.indirect.gather [hbm4b:s1+s14], $0x10, s0, s14, $0xb8;
	[tilespmem:$0x13000] =	vst v63  }
0x95: {  	_ = 	snop  }
0x96: {  	[tilespmem:s3], [sflag:$0x1] =	stream.indirect.gather [hbm4b:s1+s14], $0x10, s12, s14, $0xb8;
	[tilespmem:$0x13000] =	vst v63  }
0x97: {  	_ = 	snop  }
0x98: {  	[tilespmem:s7], [sflag:$0x1] =	stream.indirect.gather [hbm4b:s1+s14], $0x10, s5, s14, $0xb8;
	[tilespmem:$0x13000] =	vst v63  }
0x99: {  	_ = 	snop  }
0x9a: {  	[tilespmem:s10], [sflag:$0x1] =	stream.indirect.gather [hbm4b:s1+s14], $0x10, s9, s14, $0xb8;
	[tilespmem:$0x13000] =	vst v63  }
0x9b: {  	s23 =	simm.s32 $0x0  }
0x9c: {  	[tilespmem:s11], [sflag:$0x1] =	stream.indirect.gather [hbm4b:s1+s14], $0x10, s6, s14, $0xb8;
	[tilespmem:$0x13000] =	vst v63  }
.LBB2_2:
0x9d: {  	s20 =	sshllo.u32 s23, $0x1  }
0x9e: {  	s25 =	sshll.u32 s23, $0x5;
	s17 =	sshll.u32 s20, $0x4  }
0x9f: {  	s24 =	sand.u32 $0x180, s25;
	s17 =	sand.u32 $0x70, s17  }
0xa0: {  	s24 =	sor.u32 s24, s17  }
0xa1: {  	v3 =	vld [tilespmem:s24+$0x0]  }
0xa2: {  	v4 =	vld [tilespmem:s24+$0x200];
	_ =	sdelay $0x3  }
0xa3: {  	v3 =	vshll.u32 v3, $0x5  }
0xa4: {  	v4 =	vshra.s32 v4, $0x4;
	v3 =	vadd.s32 v1, v3  }
0xa5: {  	vm0 =	veq.s32 v4, $0x1F;
	v3 =	vand.u32 $0x3FE0, v3  }
0xa6: {  	v4 =	vadd.s32 v4, v3;
	v3 =	vsel vm0, $0xFFFFFFE1, v2  }
0xa7: {  	[tilespmem:$0xA00] =	vst v4;
	v5 =	vadd.s32 v3, v4  }
0xa8: {  	[tilespmem:$0xD00] =	vst v5;
	v5 =	vadd.s32 $0x4000, v4  }
0xa9: {  	[tilespmem:$0xA10] =	vst v5;
	v5 =	vadd.s32 v3, v5  }
0xaa: {  	[tilespmem:$0xD10] =	vst v5;
	v5 =	vadd.s32 $0x8000, v4  }
0xab: {  	[tilespmem:$0xA20] =	vst v5;
	v5 =	vadd.s32 v3, v5  }
0xac: {  	[tilespmem:$0xD20] =	vst v5;
	v5 =	vadd.s32 $0xC000, v4  }
0xad: {  	[tilespmem:$0xA30] =	vst v5;
	v5 =	vadd.s32 v3, v5  }
0xae: {  	[tilespmem:$0xD30] =	vst v5;
	v5 =	vadd.s32 $0x10000, v4  }
0xaf: {  	[tilespmem:$0xA40] =	vst v5;
	v5 =	vadd.s32 v3, v5  }
0xb0: {  	[tilespmem:$0xD40] =	vst v5;
	v5 =	vadd.s32 $0x14000, v4  }
0xb1: {  	[tilespmem:$0xA50] =	vst v5;
	v5 =	vadd.s32 v3, v5  }
0xb2: {  	[tilespmem:$0xD50] =	vst v5;
	v5 =	vadd.s32 $0x18000, v4  }
0xb3: {  	[tilespmem:$0xA60] =	vst v5;
	v5 =	vadd.s32 v3, v5  }
0xb4: {  	[tilespmem:$0xD60] =	vst v5;
	v5 =	vadd.s32 $0x1C000, v4  }
0xb5: {  	[tilespmem:$0xA70] =	vst v5;
	v5 =	vadd.s32 v3, v5  }
0xb6: {  	[tilespmem:$0xD70] =	vst v5;
	v5 =	vadd.s32 $0x20000, v4  }
0xb7: {  	[tilespmem:$0xA80] =	vst v5;
	v5 =	vadd.s32 v3, v5  }
0xb8: {  	[tilespmem:$0xD80] =	vst v5;
	v5 =	vadd.s32 $0x24000, v4  }
0xb9: {  	[tilespmem:$0xA90] =	vst v5;
	v5 =	vadd.s32 v3, v5  }
0xba: {  	[tilespmem:$0xD90] =	vst v5;
	v5 =	vadd.s32 $0x28000, v4  }
0xbb: {  	[tilespmem:$0xAA0] =	vst v5;
	v5 =	vadd.s32 v3, v5  }
0xbc: {  	[tilespmem:$0xDA0] =	vst v5;
	v5 =	vadd.s32 $0x2C000, v4  }
0xbd: {  	[tilespmem:$0xAB0] =	vst v5;
	v5 =	vadd.s32 v3, v5  }
0xbe: {  	[tilespmem:$0xDB0] =	vst v5;
	v5 =	vadd.s32 $0x30000, v4  }
0xbf: {  	[tilespmem:$0xAC0] =	vst v5;
	v5 =	vadd.s32 v3, v5  }
0xc0: {  	[tilespmem:$0xDC0] =	vst v5;
	v5 =	vadd.s32 $0x34000, v4  }
0xc1: {  	[tilespmem:$0xAD0] =	vst v5;
	v5 =	vadd.s32 v3, v5  }
0xc2: {  	[tilespmem:$0xDD0] =	vst v5;
	v5 =	vadd.s32 $0x38000, v4  }
0xc3: {  	[tilespmem:$0xAE0] =	vst v5;
	v5 =	vadd.s32 v3, v5  }
0xc4: {  	[tilespmem:$0xDE0] =	vst v5;
	v5 =	vadd.s32 $0x3C000, v4  }
0xc5: {  	[tilespmem:$0xAF0] =	vst v5;
	v5 =	vadd.s32 v3, v5  }
0xc6: {  	[tilespmem:$0xDF0] =	vst v5;
	v5 =	vadd.s32 $0x40000, v4  }
0xc7: {  	[tilespmem:$0xB00] =	vst v5;
	v5 =	vadd.s32 v3, v5  }
0xc8: {  	[tilespmem:$0xE00] =	vst v5;
	v5 =	vadd.s32 $0x44000, v4  }
0xc9: {  	[tilespmem:$0xB10] =	vst v5;
	v5 =	vadd.s32 v3, v5  }
0xca: {  	[tilespmem:$0xE10] =	vst v5;
	v5 =	vadd.s32 $0x48000, v4  }
0xcb: {  	[tilespmem:$0xB20] =	vst v5;
	v5 =	vadd.s32 v3, v5  }
0xcc: {  	[tilespmem:$0xE20] =	vst v5;
	v5 =	vadd.s32 $0x4C000, v4  }
0xcd: {  	[tilespmem:$0xB30] =	vst v5;
	v5 =	vadd.s32 v3, v5  }
0xce: {  	[tilespmem:$0xE30] =	vst v5;
	v5 =	vadd.s32 $0x50000, v4  }
0xcf: {  	[tilespmem:$0xB40] =	vst v5;
	v5 =	vadd.s32 v3, v5  }
0xd0: {  	[tilespmem:$0xE40] =	vst v5;
	v5 =	vadd.s32 $0x54000, v4  }
0xd1: {  	[tilespmem:$0xB50] =	vst v5;
	v5 =	vadd.s32 v3, v5  }
0xd2: {  	[tilespmem:$0xE50] =	vst v5;
	v5 =	vadd.s32 $0x58000, v4  }
0xd3: {  	[tilespmem:$0xB60] =	vst v5;
	v5 =	vadd.s32 v3, v5  }
0xd4: {  	[tilespmem:$0xE60] =	vst v5;
	v5 =	vadd.s32 $0x5C000, v4  }
0xd5: {  	[tilespmem:$0xB70] =	vst v5;
	v5 =	vadd.s32 v3, v5  }
0xd6: {  	[tilespmem:$0xE70] =	vst v5;
	v5 =	vadd.s32 $0x60000, v4  }
0xd7: {  	[tilespmem:$0xB80] =	vst v5;
	v5 =	vadd.s32 v3, v5  }
0xd8: {  	[tilespmem:$0xE80] =	vst v5;
	v5 =	vadd.s32 $0x64000, v4  }
0xd9: {  	[tilespmem:$0xB90] =	vst v5;
	v5 =	vadd.s32 v3, v5  }
0xda: {  	[tilespmem:$0xE90] =	vst v5;
	v5 =	vadd.s32 $0x68000, v4  }
0xdb: {  	[tilespmem:$0xBA0] =	vst v5;
	v5 =	vadd.s32 v3, v5  }
0xdc: {  	[tilespmem:$0xEA0] =	vst v5;
	v5 =	vadd.s32 $0x6C000, v4  }
0xdd: {  	[tilespmem:$0xBB0] =	vst v5;
	v5 =	vadd.s32 v3, v5  }
0xde: {  	[tilespmem:$0xEB0] =	vst v5;
	v5 =	vadd.s32 $0x70000, v4  }
0xdf: {  	[tilespmem:$0xBC0] =	vst v5;
	v5 =	vadd.s32 v3, v5  }
0xe0: {  	[tilespmem:$0xEC0] =	vst v5;
	v5 =	vadd.s32 $0x74000, v4  }
0xe1: {  	[tilespmem:$0xBD0] =	vst v5;
	v5 =	vadd.s32 v3, v5  }
0xe2: {  	[tilespmem:$0xED0] =	vst v5;
	v5 =	vadd.s32 $0x78000, v4  }
0xe3: {  	[tilespmem:$0xBE0] =	vst v5;
	v5 =	vadd.s32 v3, v5  }
0xe4: {  	[tilespmem:$0xEE0] =	vst v5;
	v5 =	vadd.s32 $0x7C000, v4  }
0xe5: {  	[tilespmem:$0xBF0] =	vst v5;
	v5 =	vadd.s32 v3, v5  }
0xe6: {  	[tilespmem:$0xEF0] =	vst v5;
	v5 =	vadd.s32 $0x80000, v4  }
0xe7: {  	[tilespmem:$0xC00] =	vst v5;
	v5 =	vadd.s32 v3, v5  }
0xe8: {  	[tilespmem:$0xF00] =	vst v5;
	v5 =	vadd.s32 $0x84000, v4  }
0xe9: {  	[tilespmem:$0xC10] =	vst v5;
	v5 =	vadd.s32 v3, v5  }
0xea: {  	[tilespmem:$0xF10] =	vst v5;
	v5 =	vadd.s32 $0x88000, v4  }
0xeb: {  	[tilespmem:$0xC20] =	vst v5;
	v5 =	vadd.s32 v3, v5  }
0xec: {  	[tilespmem:$0xF20] =	vst v5;
	v5 =	vadd.s32 $0x8C000, v4  }
0xed: {  	[tilespmem:$0xC30] =	vst v5;
	v5 =	vadd.s32 v3, v5  }
0xee: {  	[tilespmem:$0xF30] =	vst v5;
	v5 =	vadd.s32 $0x90000, v4  }
0xef: {  	[tilespmem:$0xC40] =	vst v5;
	v5 =	vadd.s32 v3, v5  }
0xf0: {  	[tilespmem:$0xF40] =	vst v5;
	v5 =	vadd.s32 $0x94000, v4  }
0xf1: {  	[tilespmem:$0xC50] =	vst v5;
	v5 =	vadd.s32 v3, v5  }
0xf2: {  	[tilespmem:$0xF50] =	vst v5;
	v5 =	vadd.s32 $0x98000, v4  }
0xf3: {  	[tilespmem:$0xC60] =	vst v5;
	v5 =	vadd.s32 v3, v5  }
0xf4: {  	[tilespmem:$0xF60] =	vst v5;
	v5 =	vadd.s32 $0x9C000, v4  }
0xf5: {  	[tilespmem:$0xC70] =	vst v5;
	v5 =	vadd.s32 v3, v5  }
0xf6: {  	[tilespmem:$0xF70] =	vst v5;
	v5 =	vadd.s32 $0xA0000, v4  }
0xf7: {  	[tilespmem:$0xC80] =	vst v5;
	v5 =	vadd.s32 v3, v5  }
0xf8: {  	[tilespmem:$0xF80] =	vst v5;
	v5 =	vadd.s32 $0xA4000, v4  }
0xf9: {  	[tilespmem:$0xC90] =	vst v5;
	v5 =	vadd.s32 v3, v5  }
0xfa: {  	[tilespmem:$0xF90] =	vst v5;
	v5 =	vadd.s32 $0xA8000, v4  }
0xfb: {  	[tilespmem:$0xCA0] =	vst v5;
	v5 =	vadd.s32 v3, v5  }
0xfc: {  	[tilespmem:$0xFA0] =	vst v5;
	v5 =	vadd.s32 $0xAC000, v4  }
0xfd: {  	[tilespmem:$0xCB0] =	vst v5;
	v5 =	vadd.s32 v3, v5  }
0xfe: {  	[tilespmem:$0xFB0] =	vst v5;
	v5 =	vadd.s32 $0xB0000, v4  }
0xff: {  	[tilespmem:$0xCC0] =	vst v5;
	v5 =	vadd.s32 v3, v5  }
0x100: {  	[tilespmem:$0xFC0] =	vst v5;
	v5 =	vadd.s32 $0xB4000, v4  }
0x101: {  	[tilespmem:$0xCD0] =	vst v5;
	v5 =	vadd.s32 v3, v5  }
0x102: {  	[tilespmem:$0xFD0] =	vst v5;
	v5 =	vadd.s32 $0xB8000, v4  }
0x103: {  	v4 =	vadd.s32 $0xBC000, v4;
	[tilespmem:$0xCE0] =	vst v5  }
0x104: {  	v5 =	vadd.s32 v3, v5;
	[tilespmem:$0xCF0] =	vst v4  }
0x105: {  	v3 =	vadd.s32 v3, v4;
	[tilespmem:$0xFE0] =	vst v5  }
0x106: {  	s26 =	simm.s32 $0xA00;
	[tilespmem:$0xFF0] =	vst v3  }
0x107: {  	[tilespmem:s15], [sflag:$0x2] =	stream.indirect.gather [hbm4b:s1+s14], $0x10, s26, s14, $0xb8;
	[tilespmem:$0x13000] =	vst v63  }
0x108: {  	s30 =	simm.s32 $0xA80;
	s26 =	simm.s32 $0x7800  }
0x109: {  	[tilespmem:s26], [sflag:$0x2] =	stream.indirect.gather [hbm4b:s1+s14], $0x10, s30, s14, $0xb8;
	[tilespmem:$0x13000] =	vst v63  }
0x10a: {  	s26 =	simm.s32 $0xB00;
	s30 =	simm.s32 $0x8000  }
0x10b: {  	[tilespmem:s30], [sflag:$0x2] =	stream.indirect.gather [hbm4b:s1+s14], $0x10, s26, s14, $0xb8;
	[tilespmem:$0x13000] =	vst v63  }
0x10c: {  	s26 =	simm.s32 $0xB80;
	s30 =	simm.s32 $0x8800  }
0x10d: {  	[tilespmem:s30], [sflag:$0x2] =	stream.indirect.gather [hbm4b:s1+s14], $0x10, s26, s14, $0xb8;
	[tilespmem:$0x13000] =	vst v63  }
0x10e: {  	s26 =	simm.s32 $0xC00;
	s30 =	simm.s32 $0x9000  }
0x10f: {  	[tilespmem:s30], [sflag:$0x2] =	stream.indirect.gather [hbm4b:s1+s14], $0x10, s26, s14, $0xb8;
	[tilespmem:$0x13000] =	vst v63  }
0x110: {  	s26 =	simm.s32 $0xC80;
	s30 =	simm.s32 $0x9800  }
0x111: {  	[tilespmem:s30], [sflag:$0x2] =	stream.indirect.gather [hbm4b:s1+s14], $0x10, s26, s14, $0xb8;
	[tilespmem:$0x13000] =	vst v63  }
0x112: {  	s26 =	simm.s32 $0xD00;
	s30 =	simm.s32 $0xA000  }
0x113: {  	[tilespmem:s30], [sflag:$0x2] =	stream.indirect.gather [hbm4b:s1+s14], $0x10, s26, s14, $0xb8;
	[tilespmem:$0x13000] =	vst v63  }
0x114: {  	s26 =	simm.s32 $0xD80;
	s30 =	simm.s32 $0xA800  }
0x115: {  	[tilespmem:s30], [sflag:$0x2] =	stream.indirect.gather [hbm4b:s1+s14], $0x10, s26, s14, $0xb8;
	[tilespmem:$0x13000] =	vst v63  }
0x116: {  	s26 =	simm.s32 $0xE00;
	s30 =	simm.s32 $0xB000  }
0x117: {  	[tilespmem:s30], [sflag:$0x2] =	stream.indirect.gather [hbm4b:s1+s14], $0x10, s26, s14, $0xb8;
	[tilespmem:$0x13000] =	vst v63  }
0x118: {  	s26 =	simm.s32 $0xE80;
	s30 =	simm.s32 $0xB800  }
0x119: {  	[tilespmem:s30], [sflag:$0x2] =	stream.indirect.gather [hbm4b:s1+s14], $0x10, s26, s14, $0xb8;
	[tilespmem:$0x13000] =	vst v63  }
0x11a: {  	s26 =	simm.s32 $0xF00;
	s30 =	simm.s32 $0xC000  }
0x11b: {  	[tilespmem:s30], [sflag:$0x2] =	stream.indirect.gather [hbm4b:s1+s14], $0x10, s26, s14, $0xb8;
	[tilespmem:$0x13000] =	vst v63  }
0x11c: {  	s26 =	simm.s32 $0xF80;
	s30 =	simm.s32 $0xC800  }
0x11d: {  	[tilespmem:s30], [sflag:$0x2] =	stream.indirect.gather [hbm4b:s1+s14], $0x10, s26, s14, $0xb8;
	[tilespmem:$0x13000] =	vst v63  }
0x11e: {  	_ =	swait.ge [sflag:s21], $0x800  }
0x11f: {  	[sflag:s21] =	ssyncset.done $0x0  }
0x120: {  	[sflag:s21] =	ssyncadd.s32 $0xFFFFF800  }
0x121: {  	_ =	swait.ge [sflag:s21], $0x800  }
0x122: {  	[sflag:s21] =	ssyncset.done $0x0  }
0x123: {  	[sflag:s21] =	ssyncadd.s32 $0xFFFFF800  }
0x124: {  	_ =	swait.ge [sflag:s21], $0x800  }
0x125: {  	[sflag:s21] =	ssyncset.done $0x0  }
0x126: {  	[sflag:s21] =	ssyncadd.s32 $0xFFFFF800  }
0x127: {  	_ =	swait.ge [sflag:s21], $0x800  }
0x128: {  	[sflag:s21] =	ssyncset.done $0x0  }
0x129: {  	[sflag:s21] =	ssyncadd.s32 $0xFFFFF800  }
0x12a: {  	_ =	swait.ge [sflag:s21], $0x800  }
0x12b: {  	[sflag:s21] =	ssyncset.done $0x0  }
0x12c: {  	[sflag:s21] =	ssyncadd.s32 $0xFFFFF800  }
0x12d: {  	_ =	swait.ge [sflag:s21], $0x800  }
0x12e: {  	[sflag:s21] =	ssyncset.done $0x0  }
0x12f: {  	[sflag:s21] =	ssyncadd.s32 $0xFFFFF800  }
0x130: {  	_ =	swait.ge [sflag:s21], $0x800  }
0x131: {  	[sflag:s21] =	ssyncset.done $0x0  }
0x132: {  	[sflag:s21] =	ssyncadd.s32 $0xFFFFF800  }
0x133: {  	_ =	swait.ge [sflag:s21], $0x800  }
0x134: {  	[sflag:s21] =	ssyncset.done $0x0  }
0x135: {  	[sflag:s21] =	ssyncadd.s32 $0xFFFFF800  }
0x136: {  	_ =	swait.ge [sflag:s21], $0x800  }
0x137: {  	[sflag:s21] =	ssyncset.done $0x0  }
0x138: {  	[sflag:s21] =	ssyncadd.s32 $0xFFFFF800  }
0x139: {  	_ =	swait.ge [sflag:s21], $0x800  }
0x13a: {  	[sflag:s21] =	ssyncset.done $0x0  }
0x13b: {  	[sflag:s21] =	ssyncadd.s32 $0xFFFFF800  }
0x13c: {  	_ =	swait.ge [sflag:s21], $0x800  }
0x13d: {  	[sflag:s21] =	ssyncset.done $0x0  }
0x13e: {  	[sflag:s21] =	ssyncadd.s32 $0xFFFFF800  }
0x13f: {  	_ =	swait.ge [sflag:s21], $0x800  }
0x140: {  	[sflag:s21] =	ssyncset.done $0x0  }
0x141: {  	[sflag:s21] =	ssyncadd.s32 $0xFFFFF800  }
0x142: {  	_ =	swait.ge [sflag:s19], $0x3000  }
0x143: {  	[sflag:s19] =	ssyncset.done $0x0  }
0x144: {  	s30 =	sand.u32 $0x1E0, s25;
	[sflag:s19] =	ssyncadd.s32 $0xFFFFD000  }
0x145: {  	v3 =	vld [tilespmem:s30+$0x200];
	_ =	sdelay $0x4  }
0x146: {  	v3 =	vand.u32 $0xF, v3  }
0x147: {  	v3 =	vadd.s32 v0, v3  }
0x148: {  	v4 =	vshrl.u32 v3, $0x4  }
0x149: {  	v4 =	vmul.u32 $0x300, v4  }
0x14a: {  	s25 =	simm.s32 $0x0  }
0x14b: {  	v5 =	vadd.s32 s25, v4  }
0x14c: {  	v3 =	vand.u32 $0xF, v3;
	v5 =	vshll.u32 v5, $0x4  }
0x14d: {  	v5 =	vor.u32 v3, v5;
	_ =	sdelay $0x2  }
0x14e: {  	s26 =	simm.s32 $0x1  }
0x14f: {  	v6 =	vadd.s32 s26, v4  }
0x150: {  	v6 =	vshll.u32 v6, $0x4;
	v5 =	vld.idx.msk [tilespmem:v5+s18+$0x0], $0xffff  }
0x151: {  	v6 =	vor.u32 v3, v6;
	_ =	sdelay $0x2  }
0x152: {  	s17 =	simm.s32 $0xD040;
	s30 =	simm.s32 $0x2  }
0x153: {  	[tilespmem:s17+$0xFFFFFFC0] =	vst v5;
	v5 =	vadd.s32 s30, v4  }
0x154: {  	v6 =	vld.idx.msk [tilespmem:v6+s18+$0x0], $0xffff;
	v5 =	vshll.u32 v5, $0x4  }
0x155: {  	v5 =	vor.u32 v3, v5;
	_ =	sdelay $0x2  }
0x156: {  	s26 =	simm.s32 $0x3  }
0x157: {  	[tilespmem:s17+$0xFFFFFFD0] =	vst v6;
	v6 =	vadd.s32 s26, v4  }
0x158: {  	v5 =	vld.idx.msk [tilespmem:v5+s18+$0x0], $0xffff;
	v6 =	vshll.u32 v6, $0x4  }
0x159: {  	v6 =	vor.u32 v3, v6;
	_ =	sdelay $0x2  }
0x15a: {  	s30 =	simm.s32 $0x4  }
0x15b: {  	[tilespmem:s17+$0xFFFFFFE0] =	vst v5;
	v5 =	vadd.s32 s30, v4  }
0x15c: {  	v6 =	vld.idx.msk [tilespmem:v6+s18+$0x0], $0xffff;
	v5 =	vshll.u32 v5, $0x4  }
0x15d: {  	v5 =	vor.u32 v3, v5;
	_ =	sdelay $0x2  }
0x15e: {  	s26 =	simm.s32 $0x5  }
0x15f: {  	[tilespmem:s17+$0xFFFFFFF0] =	vst v6;
	v6 =	vadd.s32 s26, v4  }
0x160: {  	v5 =	vld.idx.msk [tilespmem:v5+s18+$0x0], $0xffff;
	v6 =	vshll.u32 v6, $0x4  }
0x161: {  	v6 =	vor.u32 v3, v6;
	_ =	sdelay $0x2  }
0x162: {  	s30 =	simm.s32 $0x6  }
0x163: {  	[tilespmem:s17+$0x0] =	vst v5;
	v5 =	vadd.s32 s30, v4  }
0x164: {  	v6 =	vld.idx.msk [tilespmem:v6+s18+$0x0], $0xffff;
	v5 =	vshll.u32 v5, $0x4  }
0x165: {  	v5 =	vor.u32 v3, v5;
	_ =	sdelay $0x2  }
0x166: {  	s26 =	simm.s32 $0x7  }
0x167: {  	[tilespmem:s17+$0x10] =	vst v6;
	v6 =	vadd.s32 s26, v4  }
0x168: {  	v5 =	vld.idx.msk [tilespmem:v5+s18+$0x0], $0xffff;
	v6 =	vshll.u32 v6, $0x4  }
0x169: {  	v7 =	vor.u32 v3, v6  }
0x16a: {  	s25 =	sshll.u32 s23, $0x1  }
0x16b: {  	s30 =	sadd.s32 s8, s25  }
0x16c: {  	s26 =	smul.u32 $0x3000, s30  }
0x16d: {  	s28 =	simm.s32 $0x8;
	[tilespmem:s17+$0x20] =	vst v5  }
0x16e: {  	s29 =	simm.s32 $0x10;
	s26 =	sadd.s32 s4, s26;
	v6 =	vadd.s32 s28, v4;
	v5 =	vld.idx.msk [tilespmem:v7+s18+$0x0], $0xffff  }
.LBB2_3:
0x16f: {  	p0 =	slt.u32 s29, $0x2F8;
	v6 =	vshll.u32 v6, $0x4  }
0x170: {  	v6 =	vor.u32 v3, v6;
	_ =	sdelay $0x3  }
0x171: {  	s30 =	sadd.s32 $0x1, s28;
	[tilespmem:s17+$0x30] =	vst v5  }
0x172: {  	v5 =	vld.idx.msk [tilespmem:v6+s18+$0x0], $0xffff;
	v6 =	vadd.s32 s30, v4  }
0x173: {  	v6 =	vshll.u32 v6, $0x4  }
0x174: {  	v6 =	vor.u32 v3, v6;
	_ =	sdelay $0x2  }
0x175: {  	s17 =	sadd.s32 $0x80, s17  }
0x176: {  	s30 =	sadd.s32 $0x2, s28;
	[tilespmem:s17+$0xFFFFFFC0] =	vst v5  }
0x177: {  	v5 =	vld.idx.msk [tilespmem:v6+s18+$0x0], $0xffff;
	v6 =	vadd.s32 s30, v4  }
0x178: {  	v6 =	vshll.u32 v6, $0x4  }
0x179: {  	v6 =	vor.u32 v3, v6;
	_ =	sdelay $0x3  }
0x17a: {  	s30 =	sadd.s32 $0x3, s28;
	[tilespmem:s17+$0xFFFFFFD0] =	vst v5  }
0x17b: {  	v5 =	vld.idx.msk [tilespmem:v6+s18+$0x0], $0xffff;
	v6 =	vadd.s32 s30, v4  }
0x17c: {  	v6 =	vshll.u32 v6, $0x4  }
0x17d: {  	v6 =	vor.u32 v3, v6;
	_ =	sdelay $0x3  }
0x17e: {  	s30 =	sadd.s32 $0x4, s28;
	[tilespmem:s17+$0xFFFFFFE0] =	vst v5  }
0x17f: {  	v5 =	vld.idx.msk [tilespmem:v6+s18+$0x0], $0xffff;
	v6 =	vadd.s32 s30, v4  }
0x180: {  	v6 =	vshll.u32 v6, $0x4  }
0x181: {  	v6 =	vor.u32 v3, v6;
	_ =	sdelay $0x3  }
0x182: {  	s30 =	sadd.s32 $0x5, s28;
	[tilespmem:s17+$0xFFFFFFF0] =	vst v5  }
0x183: {  	v5 =	vld.idx.msk [tilespmem:v6+s18+$0x0], $0xffff;
	v6 =	vadd.s32 s30, v4  }
0x184: {  	v6 =	vshll.u32 v6, $0x4  }
0x185: {  	v6 =	vor.u32 v3, v6;
	_ =	sdelay $0x3  }
0x186: {  	s30 =	sadd.s32 $0x6, s28;
	[tilespmem:s17+$0x0] =	vst v5  }
0x187: {  	v5 =	vld.idx.msk [tilespmem:v6+s18+$0x0], $0xffff;
	v6 =	vadd.s32 s30, v4  }
0x188: {  	v6 =	vshll.u32 v6, $0x4  }
0x189: {  	v6 =	vor.u32 v3, v6;
	_ =	sdelay $0x3  }
0x18a: {  	s30 =	sadd.s32 $0x7, s28;
	s28 =	smov.u32 s29;
	[tilespmem:s17+$0x10] =	vst v5  }
0x18b: {  	v5 =	vld.idx.msk [tilespmem:v6+s18+$0x0], $0xffff;
	v6 =	vadd.s32 s30, v4  }
0x18c: {  	v6 =	vshll.u32 v6, $0x4  }
0x18d: {  	v7 =	vor.u32 v3, v6  }
.Ltmp0:
0x18e: {  	(pc) =	sbr.rel @p0 .LBB2_3-.Ltmp0, $3  }
0x18f: {  	_ =	sdelay $0x1  }
0x190: {  	[tilespmem:s17+$0x20] =	vst v5  }
0x191: {  	s29 =	sadd.s32 $0x8, s29;
	v6 =	vadd.s32 s28, v4;
	v5 =	vld.idx.msk [tilespmem:v7+s18+$0x0], $0xffff  }
0x192: {  	v6 =	vshll.u32 v6, $0x4  }
0x193: {  	v6 =	vor.u32 v3, v6;
	_ =	sdelay $0x2  }
0x194: {  	s29 =	sadd.s32 $0x1, s28  }
0x195: {  	[tilespmem:s17+$0x30] =	vst v5;
	v5 =	vadd.s32 s29, v4  }
0x196: {  	v5 =	vshll.u32 v5, $0x4;
	v6 =	vld.idx.msk [tilespmem:v6+s18+$0x0], $0xffff  }
0x197: {  	v5 =	vor.u32 v3, v5;
	_ =	sdelay $0x2  }
0x198: {  	s30 =	sadd.s32 $0x2, s28;
	s17 =	sadd.s32 $0x80, s17  }
0x199: {  	[tilespmem:s17+$0xFFFFFFC0] =	vst v6;
	v6 =	vadd.s32 s30, v4  }
0x19a: {  	v5 =	vld.idx.msk [tilespmem:v5+s18+$0x0], $0xffff;
	v6 =	vshll.u32 v6, $0x4  }
0x19b: {  	v6 =	vor.u32 v3, v6;
	_ =	sdelay $0x2  }
0x19c: {  	s30 =	sadd.s32 $0x3, s28  }
0x19d: {  	[tilespmem:s17+$0xFFFFFFD0] =	vst v5;
	v5 =	vadd.s32 s30, v4  }
0x19e: {  	v6 =	vld.idx.msk [tilespmem:v6+s18+$0x0], $0xffff;
	v5 =	vshll.u32 v5, $0x4  }
0x19f: {  	v5 =	vor.u32 v3, v5;
	_ =	sdelay $0x2  }
0x1a0: {  	s30 =	sadd.s32 $0x4, s28  }
0x1a1: {  	[tilespmem:s17+$0xFFFFFFE0] =	vst v6;
	v6 =	vadd.s32 s30, v4  }
0x1a2: {  	v5 =	vld.idx.msk [tilespmem:v5+s18+$0x0], $0xffff;
	v6 =	vshll.u32 v6, $0x4  }
0x1a3: {  	v6 =	vor.u32 v3, v6;
	_ =	sdelay $0x2  }
0x1a4: {  	s30 =	sadd.s32 $0x5, s28  }
0x1a5: {  	[tilespmem:s17+$0xFFFFFFF0] =	vst v5;
	v5 =	vadd.s32 s30, v4  }
0x1a6: {  	v6 =	vld.idx.msk [tilespmem:v6+s18+$0x0], $0xffff;
	v5 =	vshll.u32 v5, $0x4  }
0x1a7: {  	v5 =	vor.u32 v3, v5;
	_ =	sdelay $0x2  }
0x1a8: {  	s30 =	sadd.s32 $0x6, s28  }
0x1a9: {  	v7 =	vadd.s32 s30, v4;
	[tilespmem:s17+$0x0] =	vst v6  }
0x1aa: {  	v6 =	vshll.u32 v7, $0x4;
	v5 =	vld.idx.msk [tilespmem:v5+s18+$0x0], $0xffff  }
0x1ab: {  	v6 =	vor.u32 v3, v6;
	_ =	sdelay $0x2  }
0x1ac: {  	s29 =	sadd.s32 $0x7, s28  }
0x1ad: {  	v4 =	vadd.s32 s29, v4;
	[tilespmem:s17+$0x10] =	vst v5  }
0x1ae: {  	v4 =	vshll.u32 v4, $0x4;
	v5 =	vld.idx.msk [tilespmem:v6+s18+$0x0], $0xffff  }
0x1af: {  	v3 =	vor.u32 v3, v4;
	_ =	sdelay $0x3  }
0x1b0: {  	[tilespmem:s17+$0x20] =	vst v5  }
0x1b1: {  	v3 =	vld.idx.msk [tilespmem:v3+s18+$0x0], $0xffff;
	_ =	sdelay $0x4  }
0x1b2: {  	s30 =	simm.s32 $0xD000;
	[tilespmem:s17+$0x30] =	vst v3  }
0x1b3: {  	[hbm4b:s26+s13] =	stream.strided.scatter [tilespmem:s30], [sflag:$0x3], $0x3000, s14, s13, $0x38;
	[tilespmem:$0x13000] =	vst v63  }
0x1b4: {  	s26 =	smin.u32 s25, $0x1D  }
0x1b5: {  	s17 =	sshll.u32 s26, $0x4  }
0x1b6: {  	v3 =	vld [tilespmem:s17+$0x20]  }
0x1b7: {  	v4 =	vld [tilespmem:s17+$0x220];
	_ =	sdelay $0x3  }
0x1b8: {  	v3 =	vshll.u32 v3, $0x5  }
0x1b9: {  	v4 =	vshra.s32 v4, $0x4;
	v3 =	vadd.s32 v1, v3  }
0x1ba: {  	vm0 =	veq.s32 v4, $0x1F;
	v3 =	vand.u32 $0x3FE0, v3  }
0x1bb: {  	v4 =	vadd.s32 v4, v3;
	v3 =	vsel vm0, $0xFFFFFFE1, v2  }
0x1bc: {  	[tilespmem:$0x400] =	vst v4;
	v5 =	vadd.s32 v3, v4  }
0x1bd: {  	[tilespmem:$0x700] =	vst v5;
	v5 =	vadd.s32 $0x4000, v4  }
0x1be: {  	[tilespmem:$0x410] =	vst v5;
	v5 =	vadd.s32 v3, v5  }
0x1bf: {  	[tilespmem:$0x710] =	vst v5;
	v5 =	vadd.s32 $0x8000, v4  }
0x1c0: {  	[tilespmem:$0x420] =	vst v5;
	v5 =	vadd.s32 v3, v5  }
0x1c1: {  	[tilespmem:$0x720] =	vst v5;
	v5 =	vadd.s32 $0xC000, v4  }
0x1c2: {  	[tilespmem:$0x430] =	vst v5;
	v5 =	vadd.s32 v3, v5  }
0x1c3: {  	[tilespmem:$0x730] =	vst v5;
	v5 =	vadd.s32 $0x10000, v4  }
0x1c4: {  	[tilespmem:$0x440] =	vst v5;
	v5 =	vadd.s32 v3, v5  }
0x1c5: {  	[tilespmem:$0x740] =	vst v5;
	v5 =	vadd.s32 $0x14000, v4  }
0x1c6: {  	[tilespmem:$0x450] =	vst v5;
	v5 =	vadd.s32 v3, v5  }
0x1c7: {  	[tilespmem:$0x750] =	vst v5;
	v5 =	vadd.s32 $0x18000, v4  }
0x1c8: {  	[tilespmem:$0x460] =	vst v5;
	v5 =	vadd.s32 v3, v5  }
0x1c9: {  	[tilespmem:$0x760] =	vst v5;
	v5 =	vadd.s32 $0x1C000, v4  }
0x1ca: {  	[tilespmem:$0x470] =	vst v5;
	v5 =	vadd.s32 v3, v5  }
0x1cb: {  	[tilespmem:$0x770] =	vst v5;
	v5 =	vadd.s32 $0x20000, v4  }
0x1cc: {  	[tilespmem:$0x480] =	vst v5;
	v5 =	vadd.s32 v3, v5  }
0x1cd: {  	[tilespmem:$0x780] =	vst v5;
	v5 =	vadd.s32 $0x24000, v4  }
0x1ce: {  	[tilespmem:$0x490] =	vst v5;
	v5 =	vadd.s32 v3, v5  }
0x1cf: {  	[tilespmem:$0x790] =	vst v5;
	v5 =	vadd.s32 $0x28000, v4  }
0x1d0: {  	[tilespmem:$0x4A0] =	vst v5;
	v5 =	vadd.s32 v3, v5  }
0x1d1: {  	[tilespmem:$0x7A0] =	vst v5;
	v5 =	vadd.s32 $0x2C000, v4  }
0x1d2: {  	[tilespmem:$0x4B0] =	vst v5;
	v5 =	vadd.s32 v3, v5  }
0x1d3: {  	[tilespmem:$0x7B0] =	vst v5;
	v5 =	vadd.s32 $0x30000, v4  }
0x1d4: {  	[tilespmem:$0x4C0] =	vst v5;
	v5 =	vadd.s32 v3, v5  }
0x1d5: {  	[tilespmem:$0x7C0] =	vst v5;
	v5 =	vadd.s32 $0x34000, v4  }
0x1d6: {  	[tilespmem:$0x4D0] =	vst v5;
	v5 =	vadd.s32 v3, v5  }
0x1d7: {  	[tilespmem:$0x7D0] =	vst v5;
	v5 =	vadd.s32 $0x38000, v4  }
0x1d8: {  	[tilespmem:$0x4E0] =	vst v5;
	v5 =	vadd.s32 v3, v5  }
0x1d9: {  	[tilespmem:$0x7E0] =	vst v5;
	v5 =	vadd.s32 $0x3C000, v4  }
0x1da: {  	[tilespmem:$0x4F0] =	vst v5;
	v5 =	vadd.s32 v3, v5  }
0x1db: {  	[tilespmem:$0x7F0] =	vst v5;
	v5 =	vadd.s32 $0x40000, v4  }
0x1dc: {  	[tilespmem:$0x500] =	vst v5;
	v5 =	vadd.s32 v3, v5  }
0x1dd: {  	[tilespmem:$0x800] =	vst v5;
	v5 =	vadd.s32 $0x44000, v4  }
0x1de: {  	[tilespmem:$0x510] =	vst v5;
	v5 =	vadd.s32 v3, v5  }
0x1df: {  	[tilespmem:$0x810] =	vst v5;
	v5 =	vadd.s32 $0x48000, v4  }
0x1e0: {  	[tilespmem:$0x520] =	vst v5;
	v5 =	vadd.s32 v3, v5  }
0x1e1: {  	[tilespmem:$0x820] =	vst v5;
	v5 =	vadd.s32 $0x4C000, v4  }
0x1e2: {  	[tilespmem:$0x530] =	vst v5;
	v5 =	vadd.s32 v3, v5  }
0x1e3: {  	[tilespmem:$0x830] =	vst v5;
	v5 =	vadd.s32 $0x50000, v4  }
0x1e4: {  	[tilespmem:$0x540] =	vst v5;
	v5 =	vadd.s32 v3, v5  }
0x1e5: {  	[tilespmem:$0x840] =	vst v5;
	v5 =	vadd.s32 $0x54000, v4  }
0x1e6: {  	[tilespmem:$0x550] =	vst v5;
	v5 =	vadd.s32 v3, v5  }
0x1e7: {  	[tilespmem:$0x850] =	vst v5;
	v5 =	vadd.s32 $0x58000, v4  }
0x1e8: {  	[tilespmem:$0x560] =	vst v5;
	v5 =	vadd.s32 v3, v5  }
0x1e9: {  	[tilespmem:$0x860] =	vst v5;
	v5 =	vadd.s32 $0x5C000, v4  }
0x1ea: {  	[tilespmem:$0x570] =	vst v5;
	v5 =	vadd.s32 v3, v5  }
0x1eb: {  	[tilespmem:$0x870] =	vst v5;
	v5 =	vadd.s32 $0x60000, v4  }
0x1ec: {  	[tilespmem:$0x580] =	vst v5;
	v5 =	vadd.s32 v3, v5  }
0x1ed: {  	[tilespmem:$0x880] =	vst v5;
	v5 =	vadd.s32 $0x64000, v4  }
0x1ee: {  	[tilespmem:$0x590] =	vst v5;
	v5 =	vadd.s32 v3, v5  }
0x1ef: {  	[tilespmem:$0x890] =	vst v5;
	v5 =	vadd.s32 $0x68000, v4  }
0x1f0: {  	[tilespmem:$0x5A0] =	vst v5;
	v5 =	vadd.s32 v3, v5  }
0x1f1: {  	[tilespmem:$0x8A0] =	vst v5;
	v5 =	vadd.s32 $0x6C000, v4  }
0x1f2: {  	[tilespmem:$0x5B0] =	vst v5;
	v5 =	vadd.s32 v3, v5  }
0x1f3: {  	[tilespmem:$0x8B0] =	vst v5;
	v5 =	vadd.s32 $0x70000, v4  }
0x1f4: {  	[tilespmem:$0x5C0] =	vst v5;
	v5 =	vadd.s32 v3, v5  }
0x1f5: {  	[tilespmem:$0x8C0] =	vst v5;
	v5 =	vadd.s32 $0x74000, v4  }
0x1f6: {  	[tilespmem:$0x5D0] =	vst v5;
	v5 =	vadd.s32 v3, v5  }
0x1f7: {  	[tilespmem:$0x8D0] =	vst v5;
	v5 =	vadd.s32 $0x78000, v4  }
0x1f8: {  	[tilespmem:$0x5E0] =	vst v5;
	v5 =	vadd.s32 v3, v5  }
0x1f9: {  	[tilespmem:$0x8E0] =	vst v5;
	v5 =	vadd.s32 $0x7C000, v4  }
0x1fa: {  	[tilespmem:$0x5F0] =	vst v5;
	v5 =	vadd.s32 v3, v5  }
0x1fb: {  	[tilespmem:$0x8F0] =	vst v5;
	v5 =	vadd.s32 $0x80000, v4  }
0x1fc: {  	[tilespmem:$0x600] =	vst v5;
	v5 =	vadd.s32 v3, v5  }
0x1fd: {  	[tilespmem:$0x900] =	vst v5;
	v5 =	vadd.s32 $0x84000, v4  }
0x1fe: {  	[tilespmem:$0x610] =	vst v5;
	v5 =	vadd.s32 v3, v5  }
0x1ff: {  	[tilespmem:$0x910] =	vst v5;
	v5 =	vadd.s32 $0x88000, v4  }
0x200: {  	[tilespmem:$0x620] =	vst v5;
	v5 =	vadd.s32 v3, v5  }
0x201: {  	[tilespmem:$0x920] =	vst v5;
	v5 =	vadd.s32 $0x8C000, v4  }
0x202: {  	[tilespmem:$0x630] =	vst v5;
	v5 =	vadd.s32 v3, v5  }
0x203: {  	[tilespmem:$0x930] =	vst v5;
	v5 =	vadd.s32 $0x90000, v4  }
0x204: {  	[tilespmem:$0x640] =	vst v5;
	v5 =	vadd.s32 v3, v5  }
0x205: {  	[tilespmem:$0x940] =	vst v5;
	v5 =	vadd.s32 $0x94000, v4  }
0x206: {  	[tilespmem:$0x650] =	vst v5;
	v5 =	vadd.s32 v3, v5  }
0x207: {  	[tilespmem:$0x950] =	vst v5;
	v5 =	vadd.s32 $0x98000, v4  }
0x208: {  	[tilespmem:$0x660] =	vst v5;
	v5 =	vadd.s32 v3, v5  }
0x209: {  	[tilespmem:$0x960] =	vst v5;
	v5 =	vadd.s32 $0x9C000, v4  }
0x20a: {  	[tilespmem:$0x670] =	vst v5;
	v5 =	vadd.s32 v3, v5  }
0x20b: {  	[tilespmem:$0x970] =	vst v5;
	v5 =	vadd.s32 $0xA0000, v4  }
0x20c: {  	[tilespmem:$0x680] =	vst v5;
	v5 =	vadd.s32 v3, v5  }
0x20d: {  	[tilespmem:$0x980] =	vst v5;
	v5 =	vadd.s32 $0xA4000, v4  }
0x20e: {  	[tilespmem:$0x690] =	vst v5;
	v5 =	vadd.s32 v3, v5  }
0x20f: {  	[tilespmem:$0x990] =	vst v5;
	v5 =	vadd.s32 $0xA8000, v4  }
0x210: {  	[tilespmem:$0x6A0] =	vst v5;
	v5 =	vadd.s32 v3, v5  }
0x211: {  	[tilespmem:$0x9A0] =	vst v5;
	v5 =	vadd.s32 $0xAC000, v4  }
0x212: {  	[tilespmem:$0x6B0] =	vst v5;
	v5 =	vadd.s32 v3, v5  }
0x213: {  	[tilespmem:$0x9B0] =	vst v5;
	v5 =	vadd.s32 $0xB0000, v4  }
0x214: {  	[tilespmem:$0x6C0] =	vst v5;
	v5 =	vadd.s32 v3, v5  }
0x215: {  	[tilespmem:$0x9C0] =	vst v5;
	v5 =	vadd.s32 $0xB4000, v4  }
0x216: {  	[tilespmem:$0x6D0] =	vst v5;
	v5 =	vadd.s32 v3, v5  }
0x217: {  	[tilespmem:$0x9D0] =	vst v5;
	v5 =	vadd.s32 $0xB8000, v4  }
0x218: {  	v4 =	vadd.s32 $0xBC000, v4;
	[tilespmem:$0x6E0] =	vst v5  }
0x219: {  	v5 =	vadd.s32 v3, v5;
	[tilespmem:$0x6F0] =	vst v4  }
0x21a: {  	v3 =	vadd.s32 v3, v4;
	[tilespmem:$0x9E0] =	vst v5  }
0x21b: {  	s28 =	simm.s32 $0x400;
	[tilespmem:$0x9F0] =	vst v3  }
0x21c: {  	[tilespmem:s18], [sflag:$0x1] =	stream.indirect.gather [hbm4b:s1+s14], $0x10, s28, s14, $0xb8;
	[tilespmem:$0x13000] =	vst v63  }
0x21d: {  	s29 =	simm.s32 $0x480;
	s30 =	simm.s32 $0x1800  }
0x21e: {  	[tilespmem:s30], [sflag:$0x1] =	stream.indirect.gather [hbm4b:s1+s14], $0x10, s29, s14, $0xb8;
	[tilespmem:$0x13000] =	vst v63  }
0x21f: {  	s26 =	simm.s32 $0x500;
	s28 =	simm.s32 $0x2000  }
0x220: {  	[tilespmem:s28], [sflag:$0x1] =	stream.indirect.gather [hbm4b:s1+s14], $0x10, s26, s14, $0xb8;
	[tilespmem:$0x13000] =	vst v63  }
0x221: {  	s29 =	simm.s32 $0x580;
	s30 =	simm.s32 $0x2800  }
0x222: {  	[tilespmem:s30], [sflag:$0x1] =	stream.indirect.gather [hbm4b:s1+s14], $0x10, s29, s14, $0xb8;
	[tilespmem:$0x13000] =	vst v63  }
0x223: {  	s26 =	simm.s32 $0x600;
	s28 =	simm.s32 $0x3000  }
0x224: {  	[tilespmem:s28], [sflag:$0x1] =	stream.indirect.gather [hbm4b:s1+s14], $0x10, s26, s14, $0xb8;
	[tilespmem:$0x13000] =	vst v63  }
0x225: {  	s29 =	simm.s32 $0x680;
	s30 =	simm.s32 $0x3800  }
0x226: {  	[tilespmem:s30], [sflag:$0x1] =	stream.indirect.gather [hbm4b:s1+s14], $0x10, s29, s14, $0xb8;
	[tilespmem:$0x13000] =	vst v63  }
0x227: {  	s26 =	simm.s32 $0x700  }
0x228: {  	[tilespmem:s31], [sflag:$0x1] =	stream.indirect.gather [hbm4b:s1+s14], $0x10, s26, s14, $0xb8;
	[tilespmem:$0x13000] =	vst v63  }
0x229: {  	_ = 	snop  }
0x22a: {  	[tilespmem:s2], [sflag:$0x1] =	stream.indirect.gather [hbm4b:s1+s14], $0x10, s0, s14, $0xb8;
	[tilespmem:$0x13000] =	vst v63  }
0x22b: {  	_ = 	snop  }
0x22c: {  	[tilespmem:s3], [sflag:$0x1] =	stream.indirect.gather [hbm4b:s1+s14], $0x10, s12, s14, $0xb8;
	[tilespmem:$0x13000] =	vst v63  }
0x22d: {  	_ = 	snop  }
0x22e: {  	[tilespmem:s7], [sflag:$0x1] =	stream.indirect.gather [hbm4b:s1+s14], $0x10, s5, s14, $0xb8;
	[tilespmem:$0x13000] =	vst v63  }
0x22f: {  	_ = 	snop  }
0x230: {  	[tilespmem:s10], [sflag:$0x1] =	stream.indirect.gather [hbm4b:s1+s14], $0x10, s9, s14, $0xb8;
	[tilespmem:$0x13000] =	vst v63  }
0x231: {  	_ = 	snop  }
0x232: {  	[tilespmem:s11], [sflag:$0x1] =	stream.indirect.gather [hbm4b:s1+s14], $0x10, s6, s14, $0xb8;
	[tilespmem:$0x13000] =	vst v63  }
0x233: {  	_ =	swait.ge [sflag:s22], $0x800  }
0x234: {  	[sflag:s22] =	ssyncset.done $0x0  }
0x235: {  	[sflag:s22] =	ssyncadd.s32 $0xFFFFF800  }
0x236: {  	_ =	swait.ge [sflag:s22], $0x800  }
0x237: {  	[sflag:s22] =	ssyncset.done $0x0  }
0x238: {  	[sflag:s22] =	ssyncadd.s32 $0xFFFFF800  }
0x239: {  	_ =	swait.ge [sflag:s22], $0x800  }
0x23a: {  	[sflag:s22] =	ssyncset.done $0x0  }
0x23b: {  	[sflag:s22] =	ssyncadd.s32 $0xFFFFF800  }
0x23c: {  	_ =	swait.ge [sflag:s22], $0x800  }
0x23d: {  	[sflag:s22] =	ssyncset.done $0x0  }
0x23e: {  	[sflag:s22] =	ssyncadd.s32 $0xFFFFF800  }
0x23f: {  	_ =	swait.ge [sflag:s22], $0x800  }
0x240: {  	[sflag:s22] =	ssyncset.done $0x0  }
0x241: {  	[sflag:s22] =	ssyncadd.s32 $0xFFFFF800  }
0x242: {  	_ =	swait.ge [sflag:s22], $0x800  }
0x243: {  	[sflag:s22] =	ssyncset.done $0x0  }
0x244: {  	[sflag:s22] =	ssyncadd.s32 $0xFFFFF800  }
0x245: {  	_ =	swait.ge [sflag:s22], $0x800  }
0x246: {  	[sflag:s22] =	ssyncset.done $0x0  }
0x247: {  	[sflag:s22] =	ssyncadd.s32 $0xFFFFF800  }
0x248: {  	_ =	swait.ge [sflag:s22], $0x800  }
0x249: {  	[sflag:s22] =	ssyncset.done $0x0  }
0x24a: {  	[sflag:s22] =	ssyncadd.s32 $0xFFFFF800  }
0x24b: {  	_ =	swait.ge [sflag:s22], $0x800  }
0x24c: {  	[sflag:s22] =	ssyncset.done $0x0  }
0x24d: {  	[sflag:s22] =	ssyncadd.s32 $0xFFFFF800  }
0x24e: {  	_ =	swait.ge [sflag:s22], $0x800  }
0x24f: {  	[sflag:s22] =	ssyncset.done $0x0  }
0x250: {  	[sflag:s22] =	ssyncadd.s32 $0xFFFFF800  }
0x251: {  	_ =	swait.ge [sflag:s22], $0x800  }
0x252: {  	[sflag:s22] =	ssyncset.done $0x0  }
0x253: {  	[sflag:s22] =	ssyncadd.s32 $0xFFFFF800  }
0x254: {  	_ =	swait.ge [sflag:s22], $0x800  }
0x255: {  	[sflag:s22] =	ssyncset.done $0x0  }
0x256: {  	[sflag:s22] =	ssyncadd.s32 $0xFFFFF800  }
0x257: {  	_ =	swait.ge [sflag:s16], $0x3000  }
0x258: {  	[sflag:s16] =	ssyncset.done $0x0  }
0x259: {  	[sflag:s16] =	ssyncadd.s32 $0xFFFFD000  }
0x25a: {  	v3 =	vld [tilespmem:s24+$0x200];
	_ =	sdelay $0x4  }
0x25b: {  	v3 =	vand.u32 $0xF, v3  }
0x25c: {  	v4 =	vadd.s32 v0, v3  }
0x25d: {  	v3 =	vshrl.u32 v4, $0x4  }
0x25e: {  	v3 =	vmul.u32 $0x300, v3  }
0x25f: {  	s28 =	simm.s32 $0x0  }
0x260: {  	v5 =	vadd.s32 s28, v3  }
0x261: {  	v4 =	vand.u32 $0xF, v4;
	v5 =	vshll.u32 v5, $0x4  }
0x262: {  	v5 =	vor.u32 v4, v5;
	_ =	sdelay $0x2  }
0x263: {  	s29 =	simm.s32 $0x1  }
0x264: {  	v6 =	vadd.s32 s29, v3  }
0x265: {  	v6 =	vshll.u32 v6, $0x4;
	v5 =	vld.idx.msk [tilespmem:v5+s15+$0x0], $0xffff  }
0x266: {  	v6 =	vor.u32 v4, v6;
	_ =	sdelay $0x2  }
0x267: {  	s17 =	simm.s32 $0x10040;
	s30 =	simm.s32 $0x2  }
0x268: {  	[tilespmem:s17+$0xFFFFFFC0] =	vst v5;
	v5 =	vadd.s32 s30, v3  }
0x269: {  	v6 =	vld.idx.msk [tilespmem:v6+s15+$0x0], $0xffff;
	v5 =	vshll.u32 v5, $0x4  }
0x26a: {  	v5 =	vor.u32 v4, v5;
	_ =	sdelay $0x2  }
0x26b: {  	s25 =	simm.s32 $0x3  }
0x26c: {  	[tilespmem:s17+$0xFFFFFFD0] =	vst v6;
	v6 =	vadd.s32 s25, v3  }
0x26d: {  	v5 =	vld.idx.msk [tilespmem:v5+s15+$0x0], $0xffff;
	v6 =	vshll.u32 v6, $0x4  }
0x26e: {  	v6 =	vor.u32 v4, v6;
	_ =	sdelay $0x2  }
0x26f: {  	s26 =	simm.s32 $0x4  }
0x270: {  	[tilespmem:s17+$0xFFFFFFE0] =	vst v5;
	v5 =	vadd.s32 s26, v3  }
0x271: {  	v6 =	vld.idx.msk [tilespmem:v6+s15+$0x0], $0xffff;
	v5 =	vshll.u32 v5, $0x4  }
0x272: {  	v5 =	vor.u32 v4, v5;
	_ =	sdelay $0x2  }
0x273: {  	s28 =	simm.s32 $0x5  }
0x274: {  	[tilespmem:s17+$0xFFFFFFF0] =	vst v6;
	v6 =	vadd.s32 s28, v3  }
0x275: {  	v5 =	vld.idx.msk [tilespmem:v5+s15+$0x0], $0xffff;
	v6 =	vshll.u32 v6, $0x4  }
0x276: {  	v6 =	vor.u32 v4, v6;
	_ =	sdelay $0x2  }
0x277: {  	s29 =	simm.s32 $0x6  }
0x278: {  	[tilespmem:s17+$0x0] =	vst v5;
	v5 =	vadd.s32 s29, v3  }
0x279: {  	v6 =	vld.idx.msk [tilespmem:v6+s15+$0x0], $0xffff;
	v5 =	vshll.u32 v5, $0x4  }
0x27a: {  	v5 =	vor.u32 v4, v5;
	_ =	sdelay $0x2  }
0x27b: {  	s30 =	simm.s32 $0x7  }
0x27c: {  	[tilespmem:s17+$0x10] =	vst v6;
	v6 =	vadd.s32 s30, v3  }
0x27d: {  	v5 =	vld.idx.msk [tilespmem:v5+s15+$0x0], $0xffff;
	v6 =	vshll.u32 v6, $0x4  }
0x27e: {  	v7 =	vor.u32 v4, v6;
	_ =	sdelay $0x1  }
0x27f: {  	s20 =	sadd.s32 s8, s20  }
0x280: {  	s20 =	smul.u32 $0x3000, s20  }
0x281: {  	s24 =	simm.s32 $0x8;
	[tilespmem:s17+$0x20] =	vst v5  }
0x282: {  	s20 =	sadd.s32 s4, s20;
	s25 =	simm.s32 $0x10;
	v6 =	vadd.s32 s24, v3;
	v5 =	vld.idx.msk [tilespmem:v7+s15+$0x0], $0xffff  }
.LBB2_5:
0x283: {  	p0 =	slt.u32 s25, $0x2F8;
	v6 =	vshll.u32 v6, $0x4  }
0x284: {  	v6 =	vor.u32 v4, v6;
	_ =	sdelay $0x3  }
0x285: {  	s26 =	sadd.s32 $0x1, s24;
	[tilespmem:s17+$0x30] =	vst v5  }
0x286: {  	v5 =	vld.idx.msk [tilespmem:v6+s15+$0x0], $0xffff;
	v6 =	vadd.s32 s26, v3  }
0x287: {  	v6 =	vshll.u32 v6, $0x4  }
0x288: {  	v6 =	vor.u32 v4, v6;
	_ =	sdelay $0x2  }
0x289: {  	s17 =	sadd.s32 $0x80, s17  }
0x28a: {  	s26 =	sadd.s32 $0x2, s24;
	[tilespmem:s17+$0xFFFFFFC0] =	vst v5  }
0x28b: {  	v5 =	vld.idx.msk [tilespmem:v6+s15+$0x0], $0xffff;
	v6 =	vadd.s32 s26, v3  }
0x28c: {  	v6 =	vshll.u32 v6, $0x4  }
0x28d: {  	v6 =	vor.u32 v4, v6;
	_ =	sdelay $0x3  }
0x28e: {  	s26 =	sadd.s32 $0x3, s24;
	[tilespmem:s17+$0xFFFFFFD0] =	vst v5  }
0x28f: {  	v5 =	vld.idx.msk [tilespmem:v6+s15+$0x0], $0xffff;
	v6 =	vadd.s32 s26, v3  }
0x290: {  	v6 =	vshll.u32 v6, $0x4  }
0x291: {  	v6 =	vor.u32 v4, v6;
	_ =	sdelay $0x3  }
0x292: {  	s26 =	sadd.s32 $0x4, s24;
	[tilespmem:s17+$0xFFFFFFE0] =	vst v5  }
0x293: {  	v5 =	vld.idx.msk [tilespmem:v6+s15+$0x0], $0xffff;
	v6 =	vadd.s32 s26, v3  }
0x294: {  	v6 =	vshll.u32 v6, $0x4  }
0x295: {  	v6 =	vor.u32 v4, v6;
	_ =	sdelay $0x3  }
0x296: {  	s26 =	sadd.s32 $0x5, s24;
	[tilespmem:s17+$0xFFFFFFF0] =	vst v5  }
0x297: {  	v5 =	vld.idx.msk [tilespmem:v6+s15+$0x0], $0xffff;
	v6 =	vadd.s32 s26, v3  }
0x298: {  	v6 =	vshll.u32 v6, $0x4  }
0x299: {  	v6 =	vor.u32 v4, v6;
	_ =	sdelay $0x3  }
0x29a: {  	s26 =	sadd.s32 $0x6, s24;
	[tilespmem:s17+$0x0] =	vst v5  }
0x29b: {  	v5 =	vld.idx.msk [tilespmem:v6+s15+$0x0], $0xffff;
	v6 =	vadd.s32 s26, v3  }
0x29c: {  	v6 =	vshll.u32 v6, $0x4  }
0x29d: {  	v6 =	vor.u32 v4, v6;
	_ =	sdelay $0x3  }
0x29e: {  	s26 =	sadd.s32 $0x7, s24;
	s24 =	smov.u32 s25;
	[tilespmem:s17+$0x10] =	vst v5  }
0x29f: {  	v5 =	vld.idx.msk [tilespmem:v6+s15+$0x0], $0xffff;
	v6 =	vadd.s32 s26, v3  }
0x2a0: {  	v6 =	vshll.u32 v6, $0x4  }
0x2a1: {  	v7 =	vor.u32 v4, v6  }
.Ltmp1:
0x2a2: {  	(pc) =	sbr.rel @p0 .LBB2_5-.Ltmp1, $3  }
0x2a3: {  	_ =	sdelay $0x1  }
0x2a4: {  	[tilespmem:s17+$0x20] =	vst v5  }
0x2a5: {  	s25 =	sadd.s32 $0x8, s25;
	v6 =	vadd.s32 s24, v3;
	v5 =	vld.idx.msk [tilespmem:v7+s15+$0x0], $0xffff  }
0x2a6: {  	v6 =	vshll.u32 v6, $0x4  }
0x2a7: {  	v6 =	vor.u32 v4, v6;
	_ =	sdelay $0x2  }
0x2a8: {  	s25 =	sadd.s32 $0x1, s24  }
0x2a9: {  	v58 =	vadd.s32 s25, v3;
	[tilespmem:s17+$0x30] =	vst v5  }
0x2aa: {  	v5 =	vshll.u32 v58, $0x4;
	v6 =	vld.idx.msk [tilespmem:v6+s15+$0x0], $0xffff  }
0x2ab: {  	v5 =	vor.u32 v4, v5;
	_ =	sdelay $0x2  }
0x2ac: {  	s28 =	sadd.s32 $0x2, s24;
	s17 =	sadd.s32 $0x80, s17  }
0x2ad: {  	v59 =	vadd.s32 s28, v3;
	[tilespmem:s17+$0xFFFFFFC0] =	vst v6  }
0x2ae: {  	v6 =	vshll.u32 v59, $0x4;
	v5 =	vld.idx.msk [tilespmem:v5+s15+$0x0], $0xffff  }
0x2af: {  	v6 =	vor.u32 v4, v6;
	_ =	sdelay $0x2  }
0x2b0: {  	s29 =	sadd.s32 $0x3, s24  }
0x2b1: {  	v60 =	vadd.s32 s29, v3;
	[tilespmem:s17+$0xFFFFFFD0] =	vst v5  }
0x2b2: {  	v5 =	vshll.u32 v60, $0x4;
	v6 =	vld.idx.msk [tilespmem:v6+s15+$0x0], $0xffff  }
0x2b3: {  	v5 =	vor.u32 v4, v5;
	_ =	sdelay $0x2  }
0x2b4: {  	s30 =	sadd.s32 $0x4, s24  }
0x2b5: {  	v61 =	vadd.s32 s30, v3;
	[tilespmem:s17+$0xFFFFFFE0] =	vst v6  }
0x2b6: {  	v6 =	vshll.u32 v61, $0x4;
	v5 =	vld.idx.msk [tilespmem:v5+s15+$0x0], $0xffff  }
0x2b7: {  	v6 =	vor.u32 v4, v6;
	_ =	sdelay $0x2  }
0x2b8: {  	s26 =	sadd.s32 $0x5, s24  }
0x2b9: {  	v62 =	vadd.s32 s26, v3;
	[tilespmem:s17+$0xFFFFFFF0] =	vst v5  }
0x2ba: {  	v5 =	vshll.u32 v62, $0x4;
	v6 =	vld.idx.msk [tilespmem:v6+s15+$0x0], $0xffff  }
0x2bb: {  	v5 =	vor.u32 v4, v5;
	_ =	sdelay $0x2  }
0x2bc: {  	s28 =	sadd.s32 $0x6, s24  }
0x2bd: {  	v63 =	vadd.s32 s28, v3;
	[tilespmem:s17+$0x0] =	vst v6  }
0x2be: {  	v6 =	vshll.u32 v63, $0x4;
	v5 =	vld.idx.msk [tilespmem:v5+s15+$0x0], $0xffff  }
0x2bf: {  	v6 =	vor.u32 v4, v6;
	_ =	sdelay $0x2  }
0x2c0: {  	s29 =	sadd.s32 $0x7, s24  }
0x2c1: {  	v3 =	vadd.s32 s29, v3;
	[tilespmem:s17+$0x10] =	vst v5  }
0x2c2: {  	v3 =	vshll.u32 v3, $0x4;
	v5 =	vld.idx.msk [tilespmem:v6+s15+$0x0], $0xffff  }
0x2c3: {  	v3 =	vor.u32 v4, v3;
	_ =	sdelay $0x3  }
0x2c4: {  	[tilespmem:s17+$0x20] =	vst v5  }
0x2c5: {  	s23 =	sadd.s32 $0x1, s23;
	v3 =	vld.idx.msk [tilespmem:v3+s15+$0x0], $0xffff  }
0x2c6: {  	p0 =	sne.s32 s23, $0x10  }
.Ltmp2:
0x2c7: {  	_ = 	snop;
	(pc) =	sbr.rel @p0 .LBB2_2-.Ltmp2, $3  }
0x2c8: {  	_ =	sdelay $0x1  }
0x2c9: {  	s30 =	simm.s32 $0x10000;
	[tilespmem:s17+$0x30] =	vst v3  }
0x2ca: {  	[hbm4b:s20+s13] =	stream.strided.scatter [tilespmem:s30], [sflag:$0x4], $0x3000, s14, s13, $0x38;
	[tilespmem:$0x13000] =	vst v63  }
0x2cb: {  	_ =	swait.ge [sflag:s21], $0x800  }
0x2cc: {  	[sflag:s21] =	ssyncset.done $0x0  }
0x2cd: {  	[sflag:s21] =	ssyncadd.s32 $0xFFFFF800  }
0x2ce: {  	_ =	swait.ge [sflag:s21], $0x800  }
0x2cf: {  	[sflag:s21] =	ssyncset.done $0x0  }
0x2d0: {  	[sflag:s21] =	ssyncadd.s32 $0xFFFFF800  }
0x2d1: {  	_ =	swait.ge [sflag:s21], $0x800  }
0x2d2: {  	[sflag:s21] =	ssyncset.done $0x0  }
0x2d3: {  	[sflag:s21] =	ssyncadd.s32 $0xFFFFF800  }
0x2d4: {  	_ =	swait.ge [sflag:s21], $0x800  }
0x2d5: {  	[sflag:s21] =	ssyncset.done $0x0  }
0x2d6: {  	[sflag:s21] =	ssyncadd.s32 $0xFFFFF800  }
0x2d7: {  	_ =	swait.ge [sflag:s21], $0x800  }
0x2d8: {  	[sflag:s21] =	ssyncset.done $0x0  }
0x2d9: {  	[sflag:s21] =	ssyncadd.s32 $0xFFFFF800  }
0x2da: {  	_ =	swait.ge [sflag:s21], $0x800  }
0x2db: {  	[sflag:s21] =	ssyncset.done $0x0  }
0x2dc: {  	[sflag:s21] =	ssyncadd.s32 $0xFFFFF800  }
0x2dd: {  	_ =	swait.ge [sflag:s21], $0x800  }
0x2de: {  	[sflag:s21] =	ssyncset.done $0x0  }
0x2df: {  	[sflag:s21] =	ssyncadd.s32 $0xFFFFF800  }
0x2e0: {  	_ =	swait.ge [sflag:s21], $0x800  }
0x2e1: {  	[sflag:s21] =	ssyncset.done $0x0  }
0x2e2: {  	[sflag:s21] =	ssyncadd.s32 $0xFFFFF800  }
0x2e3: {  	_ =	swait.ge [sflag:s21], $0x800  }
0x2e4: {  	[sflag:s21] =	ssyncset.done $0x0  }
0x2e5: {  	[sflag:s21] =	ssyncadd.s32 $0xFFFFF800  }
0x2e6: {  	_ =	swait.ge [sflag:s21], $0x800  }
0x2e7: {  	[sflag:s21] =	ssyncset.done $0x0  }
0x2e8: {  	[sflag:s21] =	ssyncadd.s32 $0xFFFFF800  }
0x2e9: {  	_ =	swait.ge [sflag:s21], $0x800  }
0x2ea: {  	[sflag:s21] =	ssyncset.done $0x0  }
0x2eb: {  	[sflag:s21] =	ssyncadd.s32 $0xFFFFF800  }
0x2ec: {  	_ =	swait.ge [sflag:s21], $0x800  }
0x2ed: {  	[sflag:s21] =	ssyncset.done $0x0  }
0x2ee: {  	[sflag:s21] =	ssyncadd.s32 $0xFFFFF800  }
0x2ef: {  	_ =	swait.ge [sflag:s19], $0x3000  }
0x2f0: {  	[sflag:s19] =	ssyncset.done $0x0  }
0x2f1: {  	[sflag:s19] =	ssyncadd.s32 $0xFFFFD000  }
0x2f2: {  	_ =	swait.ge [sflag:s16], $0x3000  }
0x2f3: {  	s20 =	rddreg [dreg:$0x9]  }
0x2f4: {  	s17 =	rddreg [dreg:$0x8];
	s20 =	sadd.s32 $0x1, s20  }
0x2f5: {  	p0 =	sne.s32 s20, s17  }
.Ltmp3:
0x2f6: {  	_ = 	snop;
	(pc) =	sbr.rel @p0 .LBB2_1-.Ltmp3, $3  }
0x2f7: {  	_ =	sdelay $0x1  }
0x2f8: {  	[sflag:s16] =	ssyncset.done $0x0  }
0x2f9: {  	[sflag:s16] =	ssyncadd.s32 $0xFFFFD000  }
0x2fa: {  	_ =	sfence.sel $0x180000  }
0x2fb: {  	[bflag:$0x0] =	sbarrier.arrive $0xFFFF  }
0x2fc: {  	_ =	strace $0x9000004A  }
0x2fd: {  	s0 =	stileid.u32;
	[bflag:$0x2] =	sbarrier.arrive $0xFFFF  }
0x2fe: {  	p0 =	sne.s32 s0, $0x0;
	s0 =	rddreg [dreg:$0x3]  }
0x2ff: {  	s0 =	sadd.s32 @!p0 $0x100000, s0  }
0x300: {  	[sflag:s0] =	ssyncadd.tile.s32 @!p0 $0x1;
	_ =	shalt  }
.Lfunc_end2:
_tile_overlayer_lowered:
.L_overlay_start_2:
0x301: {  	(tag) =	ssettag $0x2  }
0x302: {  	s0 =	rddreg [dreg:$0x0];
	s2 =	stileid.u32  }
0x303: {  	s1 =	rddreg [dreg:$0x1];
	p0 =	sne.s32 s2, $0x0  }
0x304: {  	s3 =	rddreg [dreg:$0x2];
	[bflag:$0x3] =	sbarrier.arrive $0xFFFF;
	s2 =	simm.s32 @!p0 $0x1C05  }
0x305: {  	[timem:s3], [sflag:s2] =	dma.local @!p0 [hbm:s0], s1  }
0x306: {  	s0 =	simm.s32 @!p0 $0x5  }
0x307: {  	_ =	swait.ge @!p0 [sflag:s0], s1  }
0x308: {  	s1 =	ssub.s32 @!p0 $0x0, s1;
	[sflag:s0] =	ssyncset.done @!p0 $0x0  }
0x309: {  	[sflag:s0] =	ssyncadd.s32 @!p0 s1  }
0x30a: {  	[bflag:$0x3] =	sbarrier.arrive $0xFFFF  }
0x30b: {  	_ =	shalt  }

// kernel: sparse-core-data-format-call.1.cloned.1.call-start
scs
called_computation.1_lowered:
.L_overlay_start_0:
0x0: {  	s2 =	sld [smem:$0x3FD9]  }
0x1: {  	s3 =	sld [smem:$0x3FFE];
	_ =	sdelay $0x1  }
0x2: {  	s1 =	srdreg.scid  }
0x3: {  	s0 =	sand.u32 $0x1, s1  }
0x4: {  	s16 =	sshll.u32 s0, $0xA;
	s2 =	sadd.s32 s3, s2  }
0x5: {  	s2 =	sadd.s32 s2, s16  }
0x6: {  	[smem:$0x3FC5] =	sst s2  }
0x7: {  	_ = 	snop  }
0x8: {  	s2 =	sld [smem:$0x3FD0];
	_ =	sdelay $0x2  }
0x9: {  	s4 =	simm.s32 $0xA;
	s5 =	simm.s32 $0x10;
	s17 =	sld [smem:$0x3FC9]  }
0xa: {  	[smem:s5], [sflag:s4] =	dma.local [hbm:s2], $0x1  }
0xb: {  	_ =	swait.eq [sflag:s4], $0x1  }
0xc: {  	[sflag:s4] =	ssyncset.done $0x0  }
0xd: {  	[sflag:s4] =	ssyncadd.s32 $0xFFFFFFFF  }
0xe: {  	s18 =	sld [smem:$0x10];
	(tm) =	ssettm $0x1  }
0xf: {  	s19 =	sld [smem:$0x3FFB];
	_ =	sdelay $0x3  }
0x10: {  	_ =	strace s19  }
0x11: {  	s4 =	sld [smem:$0x3FFC];
	_ =	sdelay $0x3  }
0x12: {  	_ =	strace s4  }
0x13: {  	s4 =	sld [smem:$0x3FFD];
	_ =	sdelay $0x3  }
0x14: {  	_ =	strace s4  }
0x15: {  	_ =	strace $0x8FFFFFFF  }
0x16: {  	s20 =	sld [smem:$0x3FDB];
	_ =	sdelay $0x1  }
0x17: {  	s21 =	simm.s32 $_scs_section_size  }
0x18: {  	s6 =	simm.s32 $_size__tile_overlayer_lowered;
	s7 =	simm.s32 $_tile_overlayer_lowered  }
0x19: {  	s24 =	simm.s32 $0x1BFF;
	s23 =	sshll.u32 s7, $0x1;
	s4 =	sadd.s32 s21, s20  }
0x1a: {  	s8 =	simm.s32 $0x0;
	s22 =	sshll.u32 s6, $0x1;
	s6 =	sadd.s32 s23, s4  }
0x1b: {  	[timem:s8], [sflag:s24] =	dma.local [hbm:s6], s22  }
0x1c: {  	_ =	swait.ge [sflag:s24], s22  }
0x1d: {  	s5 =	ssub.s32 $0x0, s22;
	[sflag:s24] =	ssyncset.done $0x0  }
0x1e: {  	[sflag:s24] =	ssyncadd.s32 s5;
	_ =	sdelay $0x1  }
0x1f: {  	s25 =	simm.s32 $0x1B8B  }
0x20: {  	_ =	swait.ge [sflag:s25], $0x1  }
0x21: {  	[sflag:s25] =	ssyncset.done $0x0  }
0x22: {  	s26 =	simm.s32 $0x1B8E;
	[sflag:s25] =	ssyncadd.s32 $0xFFFFFFFF  }
0x23: {  	s27 =	simm.s32 $execute0_lowered;
	[smem:$0x3FD2] =	sst s26  }
0x24: {  	s5 =	sshll.u32 s27, $0x1;
	_ =	strace $0x80000046;
	[dreg:$0x1] =	wrdreg $0xFFFFFFFF  }
0x25: {  	s28 =	simm.s32 $_size_execute0_lowered;
	s4 =	sadd.s32 s4, s5;
	[dreg:$0x0] =	wrdreg $0x0  }
0x26: {  	s5 =	sshll.u32 s28, $0x1;
	[dreg:$0x2] =	wrdreg s4  }
0x27: {  	[dreg:$0x3] =	wrdreg s5  }
0x28: {  	[dreg:$0x4] =	wrdreg $0xC0  }
0x29: {  	_ =	task [dreg:s8], $0x5FFFF  }
0x2a: {  	[dreg:$0x1] =	wrdreg $0xFFFFFFFF  }
0x2b: {  	[dreg:$0x0] =	wrdreg $0x60  }
0x2c: {  	[dreg:$0x2] =	wrdreg s17  }
0x2d: {  	[dreg:$0x3] =	wrdreg s18  }
0x2e: {  	[dreg:$0x4] =	wrdreg $0x9  }
0x2f: {  	_ =	task.clear_ibuf [dreg:s8], $0x5FFFF;
	_ =	strace $0x90000046  }
0x30: {  	s29 =	simm.s32 $0x9;
	_ =	strace $0x80000048  }
0x31: {  	_ =	swait.ge [sflag:s29], $0x1  }
0x32: {  	[sflag:s29] =	ssyncadd.s32 $0xFFFFFFFF  }
0x33: {  	_ =	strace $0x90000048  }
0x34: {  	_ =	sfence  }
0x35: {  	s30 =	sld [smem:$0x0];
	_ =	sdelay $0x2  }
0x36: {  	s31 =	sshll.u32 s1, $0xD;
	s1 =	sshrl.u32 s1, $0x2  }
0x37: {  	s3 =	sand.u32 $0x4000, s31;
	s1 =	sadd.s32 s1, s30  }
0x38: {  	s0 =	sor.u32 s3, s0;
	s1 =	sshll.u32 s1, $0x11  }
0x39: {  	s0 =	sor.u32 s1, s0  }
0x3a: {  	s0 =	sadd.s32 $0x8F2B, s0  }
0x3b: {  	[sflag:s0] =	ssyncadd.remote.s32 $0x1  }
0x3c: {  	_ =	sfence.sel $0xFFFF  }
0x3d: {  	[dreg:$0x0] =	wrdreg $0xFFFFFFFF;
	(pc) =	sbr.abs _section_cstart, $3  }
0x3e: {  	[dreg:$0x1] =	wrdreg $0xFFFFFFFF  }
0x3f: {  	_ =	task.clear_ibuf [dreg:s8], $0x2FFFF;
	_ =	strace $0x9FFFFFFF  }
0x40: {  	(tm) =	ssettm $0x7FFFFFFF  }
0x41: {  	_ =	shalt  }
tec
execute0_lowered:
.L_overlay_start_1:
0x0: {  	(tag) =	ssettag $0x1  }
0x1: {  	s0 =	srdreg.scid  }
0x2: {  	s1 =	sshll.u32 s0, $0x4  }
0x3: {  	s2 =	rddreg [dreg:$0x0];
	s0 =	stileid.u32;
	s1 =	sand.u32 $0x10, s1  }
0x4: {  	s4 =	rddreg [dreg:$0x1];
	s1 =	sor.u32 s0, s1  }
0x5: {  	s7 =	simm.s32 $0x1;
	s8 =	simm.s32 $0x2;
	s3 =	sshll.u32 s1, $0x2  }
0x6: {  	s9 =	simm.s32 $0x0;
	s12 =	simm.s32 $0x0;
	s6 =	ssub.s32 $0xC00, s3  }
.Ltmp0:
0x7: {  	s11 =	simm.s32 $0x0;
	s5 =	sand.u32 $0x7C, s6;
	(pc) =	sbr.rel .LBB1_1-.Ltmp0, $4  }
0x8: {  	s1 =	rddreg [dreg:$0x2];
	_ =	strace $0x80000047;
	p0 =	sne.s32 s5, $0x0  }
0x9: {  	s6 =	sshrl.u32 s6, $0x7;
	s5 =	simm.s32 $0x1;
	s7 =	simm.s32 @!p0 $0x0  }
0xa: {  	s10 =	smov.u32 s3;
	[sflag:s5] =	ssyncpa.u1 $0x0;
	s6 =	sadd.s32 s7, s6  }
0xb: {  	[sflag:s8] =	ssyncpa.u1 $0x0;
	s8 =	simm.s32 $0x0;
	s7 =	sadd.s32 $0x1, s6  }
.LBB1_9:
0xc: {  	s14 =	sadd.s32 $0x80, s10  }
0xd: {  	p1 =	sgt.s32 s14, $0xBFF  }
0xe: {  	s14 =	smov.u32 @p1 s3;
	p1 =	sne.s32 s11, s7  }
.Ltmp1:
0xf: {  	p0 =	slt.u32 s11, $0x2;
	(pc) =	sbr.rel @!p1 .LBB1_10-.Ltmp1, $4  }
0x10: {  	s13 =	simm.s32 @!p0 $0x2  }
0x11: {  	s15 =	sadd.s32 $0x1, s11;
	_ =	swait.ge @!p0 [sflag:s13], $0x4000  }
0x12: {  	s12 =	smov.u32 s10;
	s9 =	sadd.s32 $0x4000, s9;
	[sflag:s13] =	ssyncset.done @!p0 $0x0  }
0x13: {  	s11 =	smov.u32 s15;
	s10 =	smov.u32 s14;
	[sflag:s13] =	ssyncadd.s32 @!p0 $0xFFFFC000  }
.LBB1_1:
0x14: {  	p0 =	sge.u32 s11, s6  }
0x15: {  	s13 =	sxor.u32 @!p0 $0xFFFFFFFF, s11  }
0x16: {  	s31 =	sadd.s32 $0xFFFFFFFF, s11;
	s14 =	sshll.u32 @!p0 s10, $0x9;
	s13 =	sshll.u32 @!p0 s13, $0xE  }
0x17: {  	s15 =	simm.s32 @!p0 $0x0;
	s14 =	sadd.s32 @!p0 s2, s14;
	s13 =	sand.u32 @!p0 $0x4000, s13  }
0x18: {  	[tilespmem:s13], [sflag:$0x1] =	stream.linear.gather @!p0 [hbm4b:s14+s15], $0x4000, $0x38;
	[tilespmem:$0x10000] =	vst v63  }
0x19: {  	p0 =	sge.u32 s31, s6  }
.Ltmp2:
0x1a: {  	_ = 	snop;
	(pc) =	sbr.rel @p0 .LBB1_9-.Ltmp2, $1  }
0x1b: {  	_ =	sdelay $0x3  }
0x1c: {  	s14 =	sand.u32 $0x4000, s9  }
0x1d: {  	_ =	swait.ge [sflag:s5], $0x4000;
	s15 =	sshll.u32 s11, $0xE;
	s16 =	simm.s32 $0x0  }
0x1e: {  	s13 =	sor.u32 $0x40, s14;
	[sflag:s5] =	ssyncset.done $0x0;
	s15 =	sand.u32 $0x4000, s15  }
0x1f: {  	s14 =	sor.u32 $0x8040, s14;
	[sflag:s5] =	ssyncadd.s32 $0xFFFFC000;
	s15 =	sor.u32 $0x8000, s15  }
.LBB1_3:
0x20: {  	s17 =	smov.u32 s14;
	s18 =	smov.u32 s13;
	s19 =	simm.s32 $0x0  }
.LBB1_4:
0x21: {  	v0 =	vmov s17;
	v2 =	vld [tilespmem:s18+$0x30]  }
0x22: {  	v4 =	vld [tilespmem:s18+$0xFFFFFFD0]  }
0x23: {  	v6 =	vld [tilespmem:s18+$0xFFFFFFE0]  }
0x24: {  	v7 =	vld [tilespmem:s18+$0xFFFFFFF0]  }
0x25: {  	s20 =	simm.s32 $0x0;
	v1 =	vld [tilespmem:s18+$0x0]  }
0x26: {  	v3 =	vld [tilespmem:s18+$0x10];
	[tilespmem:v0+s20+$0x30 ss:$0x1] =	vst.idx.msk $0xffff, v2  }
0x27: {  	v5 =	vld [tilespmem:s18+$0x20];
	[tilespmem:v0+s20+$0xFFFFFFD0 ss:$0x1] =	vst.idx.msk $0xffff, v4  }
0x28: {  	s21 =	sadd.s32 $0x80, s18;
	v2 =	vld [tilespmem:s18+$0xFFFFFFC0];
	[tilespmem:v0+s20+$0xFFFFFFE0 ss:$0x1] =	vst.idx.msk $0xffff, v6  }
0x29: {  	s22 =	simm.s32 $0x800;
	s23 =	simm.s32 $0x1000;
	v4 =	vld [tilespmem:s21+$0x30];
	[tilespmem:v0+s20+$0xFFFFFFF0 ss:$0x1] =	vst.idx.msk $0xffff, v7  }
.LBB1_5:
0x2a: {  	p0 =	sne.s32 s23, $0x3800;
	v6 =	vld [tilespmem:s21+$0xFFFFFFD0];
	[tilespmem:v0+s20+$0x0 ss:$0x1] =	vst.idx.msk $0xffff, v1  }
0x2b: {  	v7 =	vld [tilespmem:s21+$0xFFFFFFE0];
	[tilespmem:v0+s20+$0x10 ss:$0x1] =	vst.idx.msk $0xffff, v3  }
0x2c: {  	v8 =	vld [tilespmem:s21+$0xFFFFFFF0];
	[tilespmem:v0+s20+$0x20 ss:$0x1] =	vst.idx.msk $0xffff, v5  }
.Ltmp3:
0x2d: {  	v1 =	vld [tilespmem:s21+$0x0];
	[tilespmem:v0+s20+$0xFFFFFFC0 ss:$0x1] =	vst.idx.msk $0xffff, v2;
	s20 =	sshra.s32 s22, $0x2;
	s22 =	smov.u32 s23;
	(pc) =	sbr.rel @p0 .LBB1_5-.Ltmp3, $4  }
0x2e: {  	v3 =	vld [tilespmem:s21+$0x10];
	[tilespmem:v0+s20+$0x30 ss:$0x1] =	vst.idx.msk $0xffff, v4  }
0x2f: {  	[tilespmem:v0+s20+$0xFFFFFFD0 ss:$0x1] =	vst.idx.msk $0xffff, v6;
	v5 =	vld [tilespmem:s21+$0x20]  }
0x30: {  	v2 =	vld [tilespmem:s21+$0xFFFFFFC0];
	[tilespmem:v0+s20+$0xFFFFFFE0 ss:$0x1] =	vst.idx.msk $0xffff, v7;
	s21 =	sadd.s32 $0x80, s21  }
0x31: {  	s23 =	sadd.s32 $0x800, s23;
	v4 =	vld [tilespmem:s21+$0x30];
	[tilespmem:v0+s20+$0xFFFFFFF0 ss:$0x1] =	vst.idx.msk $0xffff, v8  }
0x32: {  	_ =	sdelay $0x3  }
0x33: {  	v6 =	vld [tilespmem:s21+$0xFFFFFFD0];
	[tilespmem:v0+s20+$0x0 ss:$0x1] =	vst.idx.msk $0xffff, v1  }
0x34: {  	v58 =	vld [tilespmem:s21+$0xFFFFFFE0];
	[tilespmem:v0+s20+$0x10 ss:$0x1] =	vst.idx.msk $0xffff, v3  }
0x35: {  	v59 =	vld [tilespmem:s21+$0xFFFFFFF0];
	[tilespmem:v0+s20+$0x20 ss:$0x1] =	vst.idx.msk $0xffff, v5  }
0x36: {  	s22 =	sshra.s32 s22, $0x2;
	v60 =	vld [tilespmem:s21+$0x0];
	[tilespmem:v0+s20+$0xFFFFFFC0 ss:$0x1] =	vst.idx.msk $0xffff, v2  }
0x37: {  	v61 =	vld [tilespmem:s21+$0x10];
	[tilespmem:v0+s22+$0x30 ss:$0x1] =	vst.idx.msk $0xffff, v4  }
0x38: {  	v62 =	vld [tilespmem:s21+$0x20];
	s19 =	sadd.s32 $0x1, s19;
	[tilespmem:v0+s22+$0xFFFFFFD0 ss:$0x1] =	vst.idx.msk $0xffff, v6  }
0x39: {  	v63 =	vld [tilespmem:s21+$0xFFFFFFC0];
	p0 =	sne.s32 s19, $0x4;
	[tilespmem:v0+s22+$0xFFFFFFE0 ss:$0x1] =	vst.idx.msk $0xffff, v58  }
.Ltmp4:
0x3a: {  	[tilespmem:v0+s22+$0xFFFFFFF0 ss:$0x1] =	vst.idx.msk $0xffff, v59;
	(pc) =	sbr.rel @p0 .LBB1_4-.Ltmp4, $4  }
0x3b: {  	[tilespmem:v0+s22+$0x0 ss:$0x1] =	vst.idx.msk $0xffff, v60  }
0x3c: {  	[tilespmem:v0+s22+$0x10 ss:$0x1] =	vst.idx.msk $0xffff, v61  }
0x3d: {  	[tilespmem:v0+s22+$0x20 ss:$0x1] =	vst.idx.msk $0xffff, v62  }
0x3e: {  	s18 =	sadd.s32 $0x400, s18;
	s17 =	sadd.s32 $0x80, s17;
	[tilespmem:v0+s22+$0xFFFFFFC0 ss:$0x1] =	vst.idx.msk $0xffff, v63  }
0x3f: {  	s16 =	sadd.s32 $0x1, s16  }
0x40: {  	p0 =	sne.s32 s16, $0x4  }
.Ltmp5:
0x41: {  	_ = 	snop;
	(pc) =	sbr.rel @p0 .LBB1_3-.Ltmp5, $2  }
0x42: {  	_ =	sdelay $0x2  }
0x43: {  	s13 =	sadd.s32 $0x1000, s13;
	s14 =	sadd.s32 $0x1000, s14  }
.Ltmp6:
0x44: {  	(pc) =	sbr.rel .LBB1_9-.Ltmp6, $4  }
0x45: {  	_ = 	snop  }
0x46: {  	s12 =	sshll.u32 s12, $0x9  }
0x47: {  	s12 =	sadd.s32 s4, s12  }
0x48: {  	[hbm4b:s12+s8] =	stream.linear.scatter [tilespmem:s15], [sflag:$0x2], $0x4000, $0x38;
	[tilespmem:$0x10000] =	vst v63  }
.LBB1_10:
0x49: {  	_ =	sfence.sel $0x180000  }
0x4a: {  	s2 =	simm.s32 $0x1;
	[bflag:$0x0] =	sbarrier.arrive $0xFFFF  }
0x4b: {  	s31 =	simm.s32 $0x2;
	[sflag:s2] =	ssyncpa.u1 $0x1  }
0x4c: {  	[sflag:s31] =	ssyncpa.u1 $0x1  }
0x4d: {  	p0 =	sne.s32 s0, $0x0;
	_ =	strace $0x90000047  }
0x4e: {  	s0 =	sadd.s32 @!p0 $0x100000, s1;
	[bflag:$0x2] =	sbarrier.arrive $0xFFFF  }
0x4f: {  	[sflag:s0] =	ssyncadd.tile.s32 @!p0 $0x1;
	_ =	shalt  }
.Lfunc_end1:
_tile_overlayer_lowered:
.L_overlay_start_2:
0x50: {  	(tag) =	ssettag $0x2  }
0x51: {  	s0 =	rddreg [dreg:$0x0];
	s2 =	stileid.u32  }
0x52: {  	s1 =	rddreg [dreg:$0x1];
	p0 =	sne.s32 s2, $0x0  }
0x53: {  	s3 =	rddreg [dreg:$0x2];
	[bflag:$0x3] =	sbarrier.arrive $0xFFFF;
	s2 =	simm.s32 @!p0 $0x1C01  }
0x54: {  	[timem:s3], [sflag:s2] =	dma.local @!p0 [hbm:s0], s1  }
0x55: {  	s0 =	simm.s32 @!p0 $0x1  }
0x56: {  	_ =	swait.ge @!p0 [sflag:s0], s1  }
0x57: {  	s1 =	ssub.s32 @!p0 $0x0, s1;
	[sflag:s0] =	ssyncset.done @!p0 $0x0  }
0x58: {  	[sflag:s0] =	ssyncadd.s32 @!p0 s1  }
0x59: {  	[bflag:$0x3] =	sbarrier.arrive $0xFFFF  }
0x5a: {  	_ =	shalt  }

// kernel: sparse-core-data-format-call.cloned.1.call-start
scs
called_computation_lowered:
.L_overlay_start_0:
0x0: {  	s2 =	sld [smem:$0x3FD9]  }
0x1: {  	s3 =	sld [smem:$0x3FFE];
	_ =	sdelay $0x1  }
0x2: {  	s1 =	srdreg.scid  }
0x3: {  	s0 =	sand.u32 $0x1, s1  }
0x4: {  	s15 =	sshll.u32 s0, $0xA;
	s2 =	sadd.s32 s3, s2  }
0x5: {  	s2 =	sadd.s32 s2, s15  }
0x6: {  	[smem:$0x3FC5] =	sst s2  }
0x7: {  	_ = 	snop  }
0x8: {  	s2 =	sld [smem:$0x3FD0];
	_ =	sdelay $0x2  }
0x9: {  	s16 =	simm.s32 $0xA;
	s4 =	simm.s32 $0x10  }
0xa: {  	[smem:s4], [sflag:s16] =	dma.local [hbm:s2], $0x1  }
0xb: {  	_ =	swait.eq [sflag:s16], $0x1  }
0xc: {  	[sflag:s16] =	ssyncset.done $0x0  }
0xd: {  	[sflag:s16] =	ssyncadd.s32 $0xFFFFFFFF  }
0xe: {  	s17 =	sld [smem:$0x10];
	(tm) =	ssettm $0x1  }
0xf: {  	s18 =	sld [smem:$0x3FFB];
	_ =	sdelay $0x3  }
0x10: {  	_ =	strace s18  }
0x11: {  	s3 =	sld [smem:$0x3FFC];
	_ =	sdelay $0x3  }
0x12: {  	_ =	strace s3  }
0x13: {  	s3 =	sld [smem:$0x3FFD];
	_ =	sdelay $0x3  }
0x14: {  	_ =	strace s3  }
0x15: {  	_ =	strace $0x8FFFFFFF  }
0x16: {  	s19 =	sld [smem:$0x3FDB];
	_ =	sdelay $0x1  }
0x17: {  	s20 =	simm.s32 $_scs_section_size  }
0x18: {  	s5 =	simm.s32 $_size__tile_overlayer_lowered;
	s6 =	simm.s32 $_tile_overlayer_lowered  }
0x19: {  	s23 =	simm.s32 $0x1BFF;
	s22 =	sshll.u32 s6, $0x1;
	s3 =	sadd.s32 s20, s19  }
0x1a: {  	s7 =	simm.s32 $0x0;
	s21 =	sshll.u32 s5, $0x1;
	s5 =	sadd.s32 s22, s3  }
0x1b: {  	[timem:s7], [sflag:s23] =	dma.local [hbm:s5], s21  }
0x1c: {  	_ =	swait.ge [sflag:s23], s21  }
0x1d: {  	s4 =	ssub.s32 $0x0, s21;
	[sflag:s23] =	ssyncset.done $0x0  }
0x1e: {  	[sflag:s23] =	ssyncadd.s32 s4;
	_ =	sdelay $0x1  }
0x1f: {  	s24 =	simm.s32 $0x1B8B  }
0x20: {  	_ =	swait.ge [sflag:s24], $0x1  }
0x21: {  	[sflag:s24] =	ssyncset.done $0x0  }
0x22: {  	s26 =	simm.s32 $0x1B8E;
	s25 =	sld [smem:$0x3FFE];
	[sflag:s24] =	ssyncadd.s32 $0xFFFFFFFF  }
0x23: {  	s27 =	simm.s32 $execute0_lowered;
	[smem:$0x3FD2] =	sst s26  }
0x24: {  	s5 =	sshll.u32 s27, $0x1;
	_ =	strace $0x8000004C;
	[dreg:$0x1] =	wrdreg $0xFFFFFFFF  }
0x25: {  	s28 =	simm.s32 $_size_execute0_lowered;
	s3 =	sadd.s32 s3, s5;
	[dreg:$0x0] =	wrdreg $0x0  }
0x26: {  	s5 =	sshll.u32 s28, $0x1;
	[dreg:$0x2] =	wrdreg s3  }
0x27: {  	[dreg:$0x3] =	wrdreg s5  }
0x28: {  	[dreg:$0x4] =	wrdreg $0xC0  }
0x29: {  	_ =	task [dreg:s7], $0x5FFFF  }
0x2a: {  	[dreg:$0x1] =	wrdreg $0xFFFFFFFF  }
0x2b: {  	[dreg:$0x0] =	wrdreg $0x60  }
0x2c: {  	[dreg:$0x2] =	wrdreg s25  }
0x2d: {  	[dreg:$0x3] =	wrdreg s17  }
0x2e: {  	[dreg:$0x4] =	wrdreg $0x9  }
0x2f: {  	_ =	task.clear_ibuf [dreg:s7], $0x5FFFF;
	_ =	strace $0x9000004C  }
0x30: {  	s29 =	simm.s32 $0x9;
	_ =	strace $0x8000004E  }
0x31: {  	_ =	swait.ge [sflag:s29], $0x1  }
0x32: {  	[sflag:s29] =	ssyncadd.s32 $0xFFFFFFFF  }
0x33: {  	_ =	strace $0x9000004E  }
0x34: {  	_ =	sfence  }
0x35: {  	s30 =	sld [smem:$0x0];
	_ =	sdelay $0x2  }
0x36: {  	s31 =	sshll.u32 s1, $0xD;
	s1 =	sshrl.u32 s1, $0x2  }
0x37: {  	s3 =	sand.u32 $0x4000, s31;
	s1 =	sadd.s32 s1, s30  }
0x38: {  	s0 =	sor.u32 s3, s0;
	s1 =	sshll.u32 s1, $0x11  }
0x39: {  	s0 =	sor.u32 s1, s0  }
0x3a: {  	s0 =	sadd.s32 $0x8F2B, s0  }
0x3b: {  	[sflag:s0] =	ssyncadd.remote.s32 $0x1  }
0x3c: {  	_ =	sfence.sel $0xFFFF  }
0x3d: {  	[dreg:$0x0] =	wrdreg $0xFFFFFFFF;
	(pc) =	sbr.abs _section_cstart, $3  }
0x3e: {  	[dreg:$0x1] =	wrdreg $0xFFFFFFFF  }
0x3f: {  	_ =	task.clear_ibuf [dreg:s7], $0x2FFFF;
	_ =	strace $0x9FFFFFFF  }
0x40: {  	(tm) =	ssettm $0x7FFFFFFF  }
0x41: {  	_ =	shalt  }
tec
execute0_lowered:
.L_overlay_start_1:
0x0: {  	(tag) =	ssettag $0x1  }
0x1: {  	s0 =	stileid.u32;
	s6 =	rddreg [dreg:$0x0]  }
0x2: {  	s2 =	rddreg [dreg:$0x1];
	s5 =	srdreg.scid  }
0x3: {  	s31 =	simm.s32 $0x2;
	s18 =	simm.s32 $0x0;
	s16 =	simm.s32 $0x0  }
0x4: {  	s19 =	simm.s32 $0x0;
	s20 =	simm.s32 $0x0;
	s17 =	simm.s32 $0x0  }
0x5: {  	s10 =	simm.s32 $0x0;
	s12 =	simm.s32 $0x0;
	s1 =	sshll.u32 s0, $0x7  }
0x6: {  	s13 =	simm.s32 $0x0;
	s15 =	simm.s32 $0x0;
	s3 =	sand.u32 $0x380, s1  }
0x7: {  	s5 =	sshll.u32 s5, $0x4;
	s6 =	sadd.s32 $0x1C00, s6;
	s4 =	ssub.s32 $0x400, s3  }
0x8: {  	s1 =	rddreg [dreg:$0x2];
	_ =	strace $0x8000004D;
	s7 =	sand.u32 $0x380, s4  }
0x9: {  	s5 =	sand.u32 $0x10, s5;
	p0 =	sne.s32 s7, $0x0;
	s7 =	simm.s32 $0x1  }
.Ltmp0:
0xa: {  	s8 =	sshrl.u32 s4, $0xA;
	s7 =	simm.s32 @!p0 $0x0;
	(pc) =	sbr.rel .LBB1_1-.Ltmp0, $4  }
0xb: {  	s9 =	sor.u32 s0, s5;
	s4 =	simm.s32 $0x1;
	s30 =	sadd.s32 s7, s8  }
0xc: {  	s14 =	smov.u32 s3;
	[sflag:s4] =	ssyncpa.u1 $0x0;
	s5 =	smul.u32 $0x18, s30  }
0xd: {  	[sflag:s31] =	ssyncpa.u1 $0x0;
	p0 =	por $0x0, $0x0;
	s7 =	sshrl.u32 s9, $0x3  }
0xe: {  	s9 =	simm.s32 $0xC0000;
	s11 =	smov.u32 s7;
	s8 =	sor.u32 $0x1, s5  }
.LBB1_7:
0xf: {  	s21 =	sadd.s32 $0x8, s10  }
0x10: {  	s16 =	sadd.s32 $0x4, s11;
	s22 =	smov.u32 s11;
	p2 =	sgt.s32 s21, $0xF  }
0x11: {  	s22 =	smov.u32 @p2 s16  }
0x12: {  	s16 =	simm.s32 $0x1;
	p3 =	sgt.s32 s22, $0xF  }
0x13: {  	s16 =	simm.s32 @!p3 $0x0  }
0x14: {  	s23 =	sadd.s32 s16, s12  }
0x15: {  	s24 =	smov.u32 s13;
	s16 =	sadd.s32 $0x10, s13;
	p4 =	sgt.s32 s23, $0x2  }
0x16: {  	p1 =	slt.u32 s15, $0x2;
	s25 =	smov.u32 s14;
	s24 =	smov.u32 @p4 s16  }
0x17: {  	s18 =	smov.u32 s10;
	s16 =	sadd.s32 $0x400, s14;
	p5 =	sgt.s32 s24, $0xF  }
0x18: {  	s19 =	smov.u32 s12;
	s20 =	smov.u32 s13;
	s25 =	smov.u32 @p5 s16  }
0x19: {  	s17 =	smov.u32 s14;
	s21 =	simm.s32 @p2 $0x0;
	p2 =	sgt.s32 s25, $0x3FF  }
0x1a: {  	s26 =	simm.s32 @!p1 $0x2;
	s25 =	smov.u32 @p2 s3;
	p2 =	sne.s32 s15, s8  }
.Ltmp1:
0x1b: {  	p0 =	por !p0, !p0;
	_ =	swait.ge @!p1 [sflag:s26], $0x4000;
	(pc) =	sbr.rel @!p2 .LBB1_8-.Ltmp1, $4  }
0x1c: {  	[sflag:s26] =	ssyncset.done @!p1 $0x0;
	s10 =	smov.u32 s21;
	s23 =	simm.s32 @p4 $0x0  }
0x1d: {  	s22 =	smov.u32 @p3 s7;
	[sflag:s26] =	ssyncadd.s32 @!p1 $0xFFFFC000;
	s12 =	smov.u32 s23  }
0x1e: {  	s24 =	simm.s32 @p5 $0x0;
	s16 =	smov.u32 s11;
	s11 =	smov.u32 s22  }
0x1f: {  	s13 =	smov.u32 s24;
	s15 =	sadd.s32 $0x1, s15;
	s14 =	smov.u32 s25  }
.LBB1_1:
0x20: {  	p1 =	sge.u32 s15, s5  }
0x21: {  	s31 =	sadd.s32 $0xFFFFFFFF, s15;
	s21 =	sshll.u32 @!p1 s11, $0x7;
	s22 =	sshll.u32 @!p1 s10, $0x3  }
0x22: {  	s23 =	sxor.u32 @!p1 $0xFFFFFFFF, s15;
	s24 =	sand.u32 @!p1 $0x400, s21;
	s22 =	sand.u32 @!p1 $0x400, s22  }
0x23: {  	s21 =	sand.u32 @!p1 $0x380, s21;
	s22 =	sadd.s32 @!p1 s24, s22;
	s24 =	smul.u32 @!p1 $0x3000, s14  }
0x24: {  	s25 =	sshll.u32 @!p1 s12, $0x8;
	s21 =	sor.u32 @!p1 s21, s22;
	s22 =	smul.u32 @!p1 $0x300, s13  }
0x25: {  	s26 =	sshrl.u32 @!p1 s10, $0x3;
	s23 =	sshll.u32 @!p1 s23, $0xE;
	s24 =	sadd.s32 @!p1 s6, s24  }
0x26: {  	s23 =	sand.u32 @!p1 $0x4000, s23;
	s21 =	sshrl.u32 @!p1 s21, $0x3;
	s22 =	sadd.s32 @!p1 s22, s24  }
0x27: {  	s24 =	sand.u32 @!p1 $0xF, s26;
	s22 =	sadd.s32 @!p1 s25, s22;
	s25 =	sand.u32 @!p1 $0x7, s10  }
0x28: {  	s21 =	sand.u32 @!p1 $0xF0, s21;
	s22 =	sadd.s32 @!p1 s24, s22;
	s24 =	sshll.u32 @!p1 s25, $0x12  }
0x29: {  	s21 =	sadd.s32 @!p1 s21, s22;
	s22 =	sor.u32 @!p1 $0x8, s24;
	s24 =	simm.s32 @!p1 $0x1800  }
0x2a: {  	[tilespmem:s23], [sflag:$0x1] =	stream.strided.gather @!p1 [hbm4b:s21+s22], $0x4000, s24, s22, $0x38;
	[tilespmem:$0x10100] =	vst v63  }
0x2b: {  	p1 =	sge.u32 s31, s5  }
.Ltmp2:
0x2c: {  	_ = 	snop;
	(pc) =	sbr.rel @p1 .LBB1_7-.Ltmp2, $1  }
0x2d: {  	_ =	sdelay $0x3  }
0x2e: {  	s21 =	simm.s32 $0x1;
	s23 =	sand.u32 $0x1, s15  }
0x2f: {  	s21 =	simm.s32 @!p0 $0x0;
	s24 =	smul.u32 $0x10200, s23  }
0x30: {  	_ =	swait.ge [sflag:s4], $0x4000;
	s22 =	smul.u32 $0x10200, s21  }
0x31: {  	[sflag:s4] =	ssyncset.done $0x0;
	s23 =	sshll.u32 s21, $0xE  }
0x32: {  	[sflag:s4] =	ssyncadd.s32 $0xFFFFC000;
	s31 =	sshrl.u32 s24, $0x2;
	s22 =	sshrl.u32 s22, $0x2  }
0x33: {  	s24 =	simm.s32 $0x0;
	s21 =	sor.u32 $0x8000, s31;
	s22 =	sor.u32 $0x8000, s22  }
.LBB1_3:
0x34: {  	v0 =	vmov s23;
	_ =	sdelay $0x3  }
0x35: {  	s25 =	simm.s32 $0x0  }
0x36: {  	v1 =	vld.idx.msk [tilespmem:v0+s25+$0x0 ss:$0x1], $0xff;
	_ =	sdelay $0x2  }
0x37: {  	s26 =	simm.s32 $0x20;
	s25 =	smov.u32 s22  }
.LBB1_4:
0x38: {  	s27 =	sshra.s32 s26, $0x2;
	p1 =	sne.s32 s26, $0x1E0;
	s26 =	sadd.s32 $0x20, s26  }
.Ltmp3:
0x39: {  	[tilespmem:s25+$0x0 ss:$0x81] =	vst.msk $0xff, v1;
	v1 =	vld.idx.msk [tilespmem:v0+s27+$0x0 ss:$0x1], $0xff;
	(pc) =	sbr.rel @p1 .LBB1_4-.Ltmp3, $2  }
0x3a: {  	_ =	sdelay $0x2  }
0x3b: {  	s25 =	sadd.s32 $0x408, s25  }
0x3c: {  	s24 =	sadd.s32 $0x1, s24  }
0x3d: {  	p1 =	sne.s32 s24, $0x80  }
.Ltmp4:
0x3e: {  	_ = 	snop;
	(pc) =	sbr.rel @p1 .LBB1_3-.Ltmp4, $2  }
0x3f: {  	_ =	sdelay $0x2  }
0x40: {  	[tilespmem:s25+$0x0 ss:$0x81] =	vst.msk $0xff, v1;
	s22 =	sadd.s32 $0x1, s22;
	s23 =	sadd.s32 $0x80, s23  }
0x41: {  	s22 =	sshll.u32 s18, $0xA  }
0x42: {  	s23 =	sshll.u32 s17, $0x3;
	s29 =	sshll.u32 s18, $0x7;
	s20 =	smul.u32 $0x18000, s20  }
0x43: {  	s24 =	sand.u32 $0x78, s17;
	s19 =	sshll.u32 s19, $0xF;
	s16 =	sshll.u32 s16, $0xB  }
0x44: {  	s30 =	sand.u32 $0x7, s17;
	s22 =	sand.u32 $0x2000, s22;
	s23 =	sand.u32 $0x3C00, s23  }
0x45: {  	s18 =	sand.u32 $0x380, s29;
	s22 =	sadd.s32 s23, s22;
	s20 =	sadd.s32 s2, s20  }
.Ltmp5:
0x46: {  	s18 =	sor.u32 s24, s18;
	s19 =	sadd.s32 s19, s20;
	(pc) =	sbr.rel .LBB1_7-.Ltmp5, $4  }
0x47: {  	s22 =	sshrl.u32 s22, $0x3;
	s18 =	sshrl.u32 s18, $0x3;
	s16 =	sadd.s32 s16, s19  }
0x48: {  	s17 =	sshll.u32 s30, $0x12;
	s31 =	sand.u32 $0x780, s22;
	s16 =	sadd.s32 s18, s16  }
0x49: {  	s17 =	sor.u32 $0x400, s17;
	s16 =	sadd.s32 s31, s16  }
0x4a: {  	[hbm4b:s16+s17] =	stream.strided.scatter [tilespmem:s21], [sflag:$0x2], $0x4000, s9, s17, $0x20;
	[tilespmem:$0x10100] =	vst v63  }
.LBB1_8:
0x4b: {  	_ =	sfence.sel $0x180000  }
0x4c: {  	s2 =	simm.s32 $0x1;
	[bflag:$0x0] =	sbarrier.arrive $0xFFFF  }
0x4d: {  	s31 =	simm.s32 $0x2;
	[sflag:s2] =	ssyncpa.u1 $0x1  }
0x4e: {  	[sflag:s31] =	ssyncpa.u1 $0x1  }
0x4f: {  	p0 =	sne.s32 s0, $0x0;
	_ =	strace $0x9000004D  }
0x50: {  	s0 =	sadd.s32 @!p0 $0x100000, s1;
	[bflag:$0x2] =	sbarrier.arrive $0xFFFF  }
0x51: {  	[sflag:s0] =	ssyncadd.tile.s32 @!p0 $0x1;
	_ =	shalt  }
.Lfunc_end1:
_tile_overlayer_lowered:
.L_overlay_start_2:
0x52: {  	(tag) =	ssettag $0x2  }
0x53: {  	s0 =	rddreg [dreg:$0x0];
	s2 =	stileid.u32  }
0x54: {  	s1 =	rddreg [dreg:$0x1];
	p0 =	sne.s32 s2, $0x0  }
0x55: {  	s3 =	rddreg [dreg:$0x2];
	[bflag:$0x3] =	sbarrier.arrive $0xFFFF;
	s2 =	simm.s32 @!p0 $0x1C01  }
0x56: {  	[timem:s3], [sflag:s2] =	dma.local @!p0 [hbm:s0], s1  }
0x57: {  	s0 =	simm.s32 @!p0 $0x1  }
0x58: {  	_ =	swait.ge @!p0 [sflag:s0], s1  }
0x59: {  	s1 =	ssub.s32 @!p0 $0x0, s1;
	[sflag:s0] =	ssyncset.done @!p0 $0x0  }
0x5a: {  	[sflag:s0] =	ssyncadd.s32 @!p0 s1  }
0x5b: {  	[bflag:$0x3] =	sbarrier.arrive $0xFFFF  }
0x5c: {  	_ =	shalt  }

</sc_bundles>
